<compile_context>
chip_gen: v7x
topology: tpu7x:2x2x1
jax: 0.10.2.dev20260603
libtpu: 0.0.44.dev20260713+nightly
codegen_flags: <defaults>
</compile_context>

<pallas_src>
import functools

import jax
import jax.numpy as jnp
from jax import lax
from jax.experimental import pallas as pl
from jax.experimental.pallas import tpu as pltpu
from jax.experimental.pallas import tpu_sc as plsc

N_NODES = 10000
D_FEAT = 128
N_EDGES = 320000

NC = 2
NS = 16
NW = NC * NS
E_PER_W = N_EDGES // NW
CHUNK = 80
N_CHUNKS = E_PER_W // CHUNK
GROUPS = CHUNK // 16


_mesh = plsc.VectorSubcoreMesh(core_axis_name="c", subcore_axis_name="s")


@functools.partial(
    pl.kernel,
    mesh=_mesh,
    out_type=jax.ShapeDtypeStruct((N_EDGES,), jnp.float32),
    scratch_types=[
        pltpu.VMEM((E_PER_W,), jnp.int32),
        pltpu.VMEM((E_PER_W,), jnp.int32),
        pltpu.VMEM((CHUNK, D_FEAT), jnp.float32),
        pltpu.VMEM((CHUNK, D_FEAT), jnp.float32),
        pltpu.VMEM((CHUNK, D_FEAT), jnp.float32),
        pltpu.VMEM((CHUNK, D_FEAT), jnp.float32),
        pltpu.VMEM((E_PER_W,), jnp.float32),
        pltpu.SemaphoreType.DMA,
        pltpu.SemaphoreType.DMA,
        pltpu.SemaphoreType.DMA,
        pltpu.SemaphoreType.DMA,
    ],
    compiler_params=pltpu.CompilerParams(needs_layout_passes=False),
)
def _gae_decode(z_hbm, src_hbm, dst_hbm, out_hbm,
                sidx, didx, s0, s1, d0, d1, obuf,
                sem_s0, sem_s1, sem_d0, sem_d1):
    wid = lax.axis_index("s") * NC + lax.axis_index("c")
    base_w = wid * E_PER_W

    pltpu.sync_copy(src_hbm.at[pl.ds(base_w, E_PER_W)], sidx)
    pltpu.sync_copy(dst_hbm.at[pl.ds(base_w, E_PER_W)], didx)

    sbufs = (s0, s1)
    dbufs = (d0, d1)
    ssems = (sem_s0, sem_s1)
    dsems = (sem_d0, sem_d1)

    def start(c, b):
        pltpu.async_copy(z_hbm.at[sidx.at[pl.ds(c * CHUNK, CHUNK)]],
                         sbufs[b], ssems[b])
        pltpu.async_copy(z_hbm.at[didx.at[pl.ds(c * CHUNK, CHUNK)]],
                         dbufs[b], dsems[b])

    def drain(b):
        pltpu.make_async_copy(z_hbm.at[sidx.at[pl.ds(0, CHUNK)]],
                              sbufs[b], ssems[b]).wait()
        pltpu.make_async_copy(z_hbm.at[didx.at[pl.ds(0, CHUNK)]],
                              dbufs[b], dsems[b]).wait()

    def compute(c, b):
        sb, db = sbufs[b], dbufs[b]

        def g_body(g, carry):
            row16 = lax.iota(jnp.int32, 16) + g * 16
            acc = jnp.zeros((16,), jnp.float32)
            for dd in range(D_FEAT):
                col = jnp.full((16,), dd, jnp.int32)
                vs = plsc.load_gather(sb, [row16, col])
                vd = plsc.load_gather(db, [row16, col])
                acc = acc + vs * vd
            obuf[pl.ds(c * CHUNK + g * 16, 16)] = acc
            return carry

        lax.fori_loop(0, GROUPS, g_body, 0)

    start(0, 0)
    start(1, 1)

    def pair_body(p, carry):
        for b in range(2):
            c = p * 2 + b

            def live():
                drain(b)
                compute(c, b)
                pl.when(c + 2 < N_CHUNKS)(lambda: start(c + 2, b))

            pl.when(c < N_CHUNKS)(live)
        return carry

    lax.fori_loop(0, (N_CHUNKS + 1) // 2, pair_body, 0)

    pltpu.sync_copy(obuf, out_hbm.at[pl.ds(base_w, E_PER_W)])


def kernel(z, edge_index):
    src = edge_index[0].astype(jnp.int32)
    dst = edge_index[1].astype(jnp.int32)
    return _gae_decode(z, src, dst)

# --- scband reference (transcript-rebuilt; emitter-appended) ---
"""Pipeline reference for scband-gae-58514634441440 (READ-ONLY COPY).

The authoritative reference and input builder live on the scoring server;
editing this copy changes nothing except your own understanding.
"""

import jax, jax.numpy as jnp
import numpy as np

N_NODES = 10000
D_FEAT = 128
N_EDGES = 320000


def setup_inputs(seed: int = 0) -> dict:
    key = jax.random.key(seed)
    k1, k2 = jax.random.split(key)
    z = jax.random.normal(k1, (N_NODES, D_FEAT), dtype=jnp.float32)
    edge_index = jax.random.randint(k2, (2, N_EDGES), 0, N_NODES, dtype=jnp.int64 if jax.config.jax_enable_x64 else jnp.int32)
    return {"z": z, "edge_index": edge_index}


def reference(z, edge_index):
    # GAE with default InnerProductDecoder, decoder_type=None (no sigmoid):
    # value = (z[edge_index[0]] * z[edge_index[1]]).sum(dim=1)
    src = jnp.take(z, edge_index[0], axis=0)
    dst = jnp.take(z, edge_index[1], axis=0)
    value = jnp.sum(src * dst, axis=1)
    return value

if __name__ == "__main__":
    import jax
    _d = setup_inputs()
    print(jax.jit(kernel)(*tuple(_d.values())))

</pallas_src>

<mosaic_0001>
#map = affine_map<(d0, d1) -> (0, 0)>
#map1 = affine_map<(d0, d1) -> (0)>
module attributes {stable_mosaic.version = 14 : i64} {
  func.func @_gae_decode(%arg0: i32, %arg1: i32, %arg2: memref<10000x128xf32, #tpu.memory_space<hbm>>, %arg3: memref<320000xi32, #tpu.memory_space<hbm>>, %arg4: memref<320000xi32, #tpu.memory_space<hbm>>, %arg5: memref<320000xf32, #tpu.memory_space<hbm>>, %arg6: memref<10000xi32, #tpu.memory_space<vmem>>, %arg7: memref<10000xi32, #tpu.memory_space<vmem>>, %arg8: memref<80x128xf32, #tpu.memory_space<vmem>>, %arg9: memref<80x128xf32, #tpu.memory_space<vmem>>, %arg10: memref<80x128xf32, #tpu.memory_space<vmem>>, %arg11: memref<80x128xf32, #tpu.memory_space<vmem>>, %arg12: memref<10000xf32, #tpu.memory_space<vmem>>, %arg13: memref<!tpu.dma_semaphore, #tpu.memory_space<semaphore_mem>>, %arg14: memref<!tpu.dma_semaphore, #tpu.memory_space<semaphore_mem>>, %arg15: memref<!tpu.dma_semaphore, #tpu.memory_space<semaphore_mem>>, %arg16: memref<!tpu.dma_semaphore, #tpu.memory_space<semaphore_mem>>) attributes {dimension_semantics = [#tpu.dimension_semantics<core_parallel>, #tpu.dimension_semantics<subcore_parallel>], iteration_bounds = array<i64: 2, 16>, scalar_prefetch = 0 : i64, scratch_operands = 11 : i64, tpu.core_type = #tpu.core_type<sc_vector_subcore>, window_params = [{transform_indices = #map}, {transform_indices = #map1}, {transform_indices = #map1}, {transform_indices = #map1}]} {
    %mul3A = arith.constant 2 : i32
    %mul3A_0 = arith.muli %arg1, %mul3A : i32
    %add3A = arith.addi %mul3A_0, %arg0 : i32
    %mul3A_1 = arith.constant 10000 : i32
    %mul3A_2 = arith.muli %add3A, %mul3A_1 : i32
    "tpu.region"() ({
      %run_scoped3A = tpu.sem_alloc : memref<!tpu.dma_semaphore, #tpu.memory_space<semaphore_mem>>
      %dma_start3A_27 = tpu.memref_slice %arg3[%mul3A_2] : memref<320000xi32, #tpu.memory_space<hbm>> -> memref<10000xi32, #tpu.memory_space<hbm>>
      %dma_start3A_28 = tpu.memref_slice %arg3[%mul3A_2] : memref<320000xi32, #tpu.memory_space<hbm>> -> memref<10000xi32, #tpu.memory_space<hbm>>
      tpu.enqueue_dma source(%dma_start3A_28 : memref<10000xi32, #tpu.memory_space<hbm>>) target(%arg6 : memref<10000xi32, #tpu.memory_space<vmem>>) target_semaphore(%run_scoped3A : memref<!tpu.dma_semaphore, #tpu.memory_space<semaphore_mem>>)
      %dma_wait3A = tpu.memref_slice %arg3[%mul3A_2] : memref<320000xi32, #tpu.memory_space<hbm>> -> memref<10000xi32, #tpu.memory_space<hbm>>
      %dma_wait3A_29 = tpu.memref_slice %arg3[%mul3A_2] : memref<320000xi32, #tpu.memory_space<hbm>> -> memref<10000xi32, #tpu.memory_space<hbm>>
      tpu.wait_dma2 semaphore(%run_scoped3A : memref<!tpu.dma_semaphore, #tpu.memory_space<semaphore_mem>>) src(%dma_wait3A_29 : memref<10000xi32, #tpu.memory_space<hbm>>) dst(%arg6 : memref<10000xi32, #tpu.memory_space<vmem>>)
      tpu.yield
    }) : () -> ()
    "tpu.region"() ({
      %run_scoped3A = tpu.sem_alloc : memref<!tpu.dma_semaphore, #tpu.memory_space<semaphore_mem>>
      %dma_start3A_27 = tpu.memref_slice %arg4[%mul3A_2] : memref<320000xi32, #tpu.memory_space<hbm>> -> memref<10000xi32, #tpu.memory_space<hbm>>
      %dma_start3A_28 = tpu.memref_slice %arg4[%mul3A_2] : memref<320000xi32, #tpu.memory_space<hbm>> -> memref<10000xi32, #tpu.memory_space<hbm>>
      tpu.enqueue_dma source(%dma_start3A_28 : memref<10000xi32, #tpu.memory_space<hbm>>) target(%arg7 : memref<10000xi32, #tpu.memory_space<vmem>>) target_semaphore(%run_scoped3A : memref<!tpu.dma_semaphore, #tpu.memory_space<semaphore_mem>>)
      %dma_wait3A = tpu.memref_slice %arg4[%mul3A_2] : memref<320000xi32, #tpu.memory_space<hbm>> -> memref<10000xi32, #tpu.memory_space<hbm>>
      %dma_wait3A_29 = tpu.memref_slice %arg4[%mul3A_2] : memref<320000xi32, #tpu.memory_space<hbm>> -> memref<10000xi32, #tpu.memory_space<hbm>>
      tpu.wait_dma2 semaphore(%run_scoped3A : memref<!tpu.dma_semaphore, #tpu.memory_space<semaphore_mem>>) src(%dma_wait3A_29 : memref<10000xi32, #tpu.memory_space<hbm>>) dst(%arg7 : memref<10000xi32, #tpu.memory_space<vmem>>)
      tpu.yield
    }) : () -> ()
    %dma_start3A = arith.constant 0 : i32
    %dma_start3A_3 = tpu.memref_slice %arg6[%dma_start3A] : memref<10000xi32, #tpu.memory_space<vmem>> -> memref<80xi32, #tpu.memory_space<vmem>>
    %dma_start3A_4 = arith.constant 0 : i32
    %dma_start3A_5 = arith.constant 0 : i32
    %dma_start3A_6 = tpu.memref_slice %arg2[%dma_start3A_4, %dma_start3A_5] : memref<10000x128xf32, #tpu.memory_space<hbm>> -> memref<10000x128xf32, #tpu.memory_space<hbm>>
    tpu.enqueue_indirect_dma source(%dma_start3A_6 : memref<10000x128xf32, #tpu.memory_space<hbm>>) target(%arg8 : memref<80x128xf32, #tpu.memory_space<vmem>>) offsets(%dma_start3A_3 : memref<80xi32, #tpu.memory_space<vmem>>) semaphore(%arg13 : memref<!tpu.dma_semaphore, #tpu.memory_space<semaphore_mem>>)
    %dma_start3A_7 = arith.constant 0 : i32
    %dma_start3A_8 = tpu.memref_slice %arg7[%dma_start3A_7] : memref<10000xi32, #tpu.memory_space<vmem>> -> memref<80xi32, #tpu.memory_space<vmem>>
    %dma_start3A_9 = arith.constant 0 : i32
    %dma_start3A_10 = arith.constant 0 : i32
    %dma_start3A_11 = tpu.memref_slice %arg2[%dma_start3A_9, %dma_start3A_10] : memref<10000x128xf32, #tpu.memory_space<hbm>> -> memref<10000x128xf32, #tpu.memory_space<hbm>>
    tpu.enqueue_indirect_dma source(%dma_start3A_11 : memref<10000x128xf32, #tpu.memory_space<hbm>>) target(%arg10 : memref<80x128xf32, #tpu.memory_space<vmem>>) offsets(%dma_start3A_8 : memref<80xi32, #tpu.memory_space<vmem>>) semaphore(%arg15 : memref<!tpu.dma_semaphore, #tpu.memory_space<semaphore_mem>>)
    %dma_start3A_12 = arith.constant 80 : i32
    %dma_start3A_13 = tpu.memref_slice %arg6[%dma_start3A_12] : memref<10000xi32, #tpu.memory_space<vmem>> -> memref<80xi32, #tpu.memory_space<vmem>>
    %dma_start3A_14 = arith.constant 0 : i32
    %dma_start3A_15 = arith.constant 0 : i32
    %dma_start3A_16 = tpu.memref_slice %arg2[%dma_start3A_14, %dma_start3A_15] : memref<10000x128xf32, #tpu.memory_space<hbm>> -> memref<10000x128xf32, #tpu.memory_space<hbm>>
    tpu.enqueue_indirect_dma source(%dma_start3A_16 : memref<10000x128xf32, #tpu.memory_space<hbm>>) target(%arg9 : memref<80x128xf32, #tpu.memory_space<vmem>>) offsets(%dma_start3A_13 : memref<80xi32, #tpu.memory_space<vmem>>) semaphore(%arg14 : memref<!tpu.dma_semaphore, #tpu.memory_space<semaphore_mem>>)
    %dma_start3A_17 = arith.constant 80 : i32
    %dma_start3A_18 = tpu.memref_slice %arg7[%dma_start3A_17] : memref<10000xi32, #tpu.memory_space<vmem>> -> memref<80xi32, #tpu.memory_space<vmem>>
    %dma_start3A_19 = arith.constant 0 : i32
    %dma_start3A_20 = arith.constant 0 : i32
    %dma_start3A_21 = tpu.memref_slice %arg2[%dma_start3A_19, %dma_start3A_20] : memref<10000x128xf32, #tpu.memory_space<hbm>> -> memref<10000x128xf32, #tpu.memory_space<hbm>>
    tpu.enqueue_indirect_dma source(%dma_start3A_21 : memref<10000x128xf32, #tpu.memory_space<hbm>>) target(%arg11 : memref<80x128xf32, #tpu.memory_space<vmem>>) offsets(%dma_start3A_18 : memref<80xi32, #tpu.memory_space<vmem>>) semaphore(%arg16 : memref<!tpu.dma_semaphore, #tpu.memory_space<semaphore_mem>>)
    %scan3A = arith.constant 0 : i32
    %scan3A_22 = arith.constant 0 : i32
    %scan3A_23 = arith.constant 63 : i32
    %scan3A_24 = arith.addi %scan3A_22, %scan3A_23 : i32
    %scan3A_25 = arith.constant 1 : i32
    scf.for %scan3A_27 = %scan3A_22 to %scan3A_24 step %scan3A_25  : i32 {
      %mul3A_28 = arith.constant 2 : i32
      %mul3A_29 = arith.muli %scan3A_27, %mul3A_28 : i32
      %add3A_30 = arith.constant 0 : i32
      %add3A_31 = arith.addi %mul3A_29, %add3A_30 : i32
      %lt3A = arith.constant 125 : i32
      %lt3A_32 = arith.cmpi slt, %add3A_31, %lt3A : i32
      %convert_element_type3A = arith.extui %lt3A_32 : i1 to i32
      %cond3A = arith.constant 0 : i32
      %cond3A_33 = arith.cmpi ne, %convert_element_type3A, %cond3A : i32
      scf.if %cond3A_33 {
        %dma_wait3A = arith.constant 0 : i32
        %dma_wait3A_43 = tpu.memref_slice %arg6[%dma_wait3A] : memref<10000xi32, #tpu.memory_space<vmem>> -> memref<80xi32, #tpu.memory_space<vmem>>
        %dma_wait3A_44 = arith.constant 0 : i32
        %dma_wait3A_45 = arith.constant 0 : i32
        %dma_wait3A_46 = tpu.memref_slice %arg2[%dma_wait3A_44, %dma_wait3A_45] : memref<10000x128xf32, #tpu.memory_space<hbm>> -> memref<10000x128xf32, #tpu.memory_space<hbm>>
        tpu.wait_indirect_dma semaphore(%arg13 : memref<!tpu.dma_semaphore, #tpu.memory_space<semaphore_mem>>) src(%dma_wait3A_46 : memref<10000x128xf32, #tpu.memory_space<hbm>>) dst(%arg8 : memref<80x128xf32, #tpu.memory_space<vmem>>)
        %dma_wait3A_47 = arith.constant 0 : i32
        %dma_wait3A_48 = tpu.memref_slice %arg7[%dma_wait3A_47] : memref<10000xi32, #tpu.memory_space<vmem>> -> memref<80xi32, #tpu.memory_space<vmem>>
        %dma_wait3A_49 = arith.constant 0 : i32
        %dma_wait3A_50 = arith.constant 0 : i32
        %dma_wait3A_51 = tpu.memref_slice %arg2[%dma_wait3A_49, %dma_wait3A_50] : memref<10000x128xf32, #tpu.memory_space<hbm>> -> memref<10000x128xf32, #tpu.memory_space<hbm>>
        tpu.wait_indirect_dma semaphore(%arg15 : memref<!tpu.dma_semaphore, #tpu.memory_space<semaphore_mem>>) src(%dma_wait3A_51 : memref<10000x128xf32, #tpu.memory_space<hbm>>) dst(%arg10 : memref<80x128xf32, #tpu.memory_space<vmem>>)
        %scan3A_52 = arith.constant 0 : i32
        %scan3A_53 = arith.constant 0 : i32
        %scan3A_54 = arith.constant 5 : i32
        %scan3A_55 = arith.addi %scan3A_53, %scan3A_54 : i32
        %scan3A_56 = arith.constant 1 : i32
        scf.for %scan3A_65 = %scan3A_53 to %scan3A_55 step %scan3A_56  : i32 {
          %iota3A = tpu.iota {dimensions = array<i32: 0>} : vector<16xi32>
          %mul3A_66 = arith.constant 16 : i32
          %mul3A_67 = arith.muli %scan3A_65, %mul3A_66 : i32
          %add3A_68 = vector.broadcast %mul3A_67 : i32 to vector<16xi32>
          %add3A_69 = arith.addi %iota3A, %add3A_68 : vector<16xi32>
          %broadcast_in_dim3A = arith.constant 0.000000e+00 : f32
          %broadcast_in_dim3A_70 = vector.broadcast %broadcast_in_dim3A : f32 to vector<16xf32>
          %broadcast_in_dim3A_71 = arith.constant 0 : i32
          %broadcast_in_dim3A_72 = vector.broadcast %broadcast_in_dim3A_71 : i32 to vector<16xi32>
          %gather3A = tpu.vector_load_idx %arg8[%add3A_69, %broadcast_in_dim3A_72] : memref<80x128xf32, #tpu.memory_space<vmem>>[vector<16xi32>, vector<16xi32>], vector<16xf32>,
          %gather3A_73 = tpu.vector_load_idx %arg10[%add3A_69, %broadcast_in_dim3A_72] : memref<80x128xf32, #tpu.memory_space<vmem>>[vector<16xi32>, vector<16xi32>], vector<16xf32>,
          %mul3A_74 = arith.mulf %gather3A, %gather3A_73 : vector<16xf32>
          %add3A_75 = arith.addf %broadcast_in_dim3A_70, %mul3A_74 : vector<16xf32>
          %broadcast_in_dim3A_76 = arith.constant 1 : i32
          %broadcast_in_dim3A_77 = vector.broadcast %broadcast_in_dim3A_76 : i32 to vector<16xi32>
          %gather3A_78 = tpu.vector_load_idx %arg8[%add3A_69, %broadcast_in_dim3A_77] : memref<80x128xf32, #tpu.memory_space<vmem>>[vector<16xi32>, vector<16xi32>], vector<16xf32>,
          %gather3A_79 = tpu.vector_load_idx %arg10[%add3A_69, %broadcast_in_dim3A_77] : memref<80x128xf32, #tpu.memory_space<vmem>>[vector<16xi32>, vector<16xi32>], vector<16xf32>,
          %mul3A_80 = arith.mulf %gather3A_78, %gather3A_79 : vector<16xf32>
          %add3A_81 = arith.addf %add3A_75, %mul3A_80 : vector<16xf32>
          %broadcast_in_dim3A_82 = arith.constant 2 : i32
          %broadcast_in_dim3A_83 = vector.broadcast %broadcast_in_dim3A_82 : i32 to vector<16xi32>
          %gather3A_84 = tpu.vector_load_idx %arg8[%add3A_69, %broadcast_in_dim3A_83] : memref<80x128xf32, #tpu.memory_space<vmem>>[vector<16xi32>, vector<16xi32>], vector<16xf32>,
          %gather3A_85 = tpu.vector_load_idx %arg10[%add3A_69, %broadcast_in_dim3A_83] : memref<80x128xf32, #tpu.memory_space<vmem>>[vector<16xi32>, vector<16xi32>], vector<16xf32>,
          %mul3A_86 = arith.mulf %gather3A_84, %gather3A_85 : vector<16xf32>
          %add3A_87 = arith.addf %add3A_81, %mul3A_86 : vector<16xf32>
          %broadcast_in_dim3A_88 = arith.constant 3 : i32
          %broadcast_in_dim3A_89 = vector.broadcast %broadcast_in_dim3A_88 : i32 to vector<16xi32>
          %gather3A_90 = tpu.vector_load_idx %arg8[%add3A_69, %broadcast_in_dim3A_89] : memref<80x128xf32, #tpu.memory_space<vmem>>[vector<16xi32>, vector<16xi32>], vector<16xf32>,
          %gather3A_91 = tpu.vector_load_idx %arg10[%add3A_69, %broadcast_in_dim3A_89] : memref<80x128xf32, #tpu.memory_space<vmem>>[vector<16xi32>, vector<16xi32>], vector<16xf32>,
          %mul3A_92 = arith.mulf %gather3A_90, %gather3A_91 : vector<16xf32>
          %add3A_93 = arith.addf %add3A_87, %mul3A_92 : vector<16xf32>
          %broadcast_in_dim3A_94 = arith.constant 4 : i32
          %broadcast_in_dim3A_95 = vector.broadcast %broadcast_in_dim3A_94 : i32 to vector<16xi32>
          %gather3A_96 = tpu.vector_load_idx %arg8[%add3A_69, %broadcast_in_dim3A_95] : memref<80x128xf32, #tpu.memory_space<vmem>>[vector<16xi32>, vector<16xi32>], vector<16xf32>,
          %gather3A_97 = tpu.vector_load_idx %arg10[%add3A_69, %broadcast_in_dim3A_95] : memref<80x128xf32, #tpu.memory_space<vmem>>[vector<16xi32>, vector<16xi32>], vector<16xf32>,
          %mul3A_98 = arith.mulf %gather3A_96, %gather3A_97 : vector<16xf32>
          %add3A_99 = arith.addf %add3A_93, %mul3A_98 : vector<16xf32>
          %broadcast_in_dim3A_100 = arith.constant 5 : i32
          %broadcast_in_dim3A_101 = vector.broadcast %broadcast_in_dim3A_100 : i32 to vector<16xi32>
          %gather3A_102 = tpu.vector_load_idx %arg8[%add3A_69, %broadcast_in_dim3A_101] : memref<80x128xf32, #tpu.memory_space<vmem>>[vector<16xi32>, vector<16xi32>], vector<16xf32>,
          %gather3A_103 = tpu.vector_load_idx %arg10[%add3A_69, %broadcast_in_dim3A_101] : memref<80x128xf32, #tpu.memory_space<vmem>>[vector<16xi32>, vector<16xi32>], vector<16xf32>,
          %mul3A_104 = arith.mulf %gather3A_102, %gather3A_103 : vector<16xf32>
          %add3A_105 = arith.addf %add3A_99, %mul3A_104 : vector<16xf32>
          %broadcast_in_dim3A_106 = arith.constant 6 : i32
          %broadcast_in_dim3A_107 = vector.broadcast %broadcast_in_dim3A_106 : i32 to vector<16xi32>
          %gather3A_108 = tpu.vector_load_idx %arg8[%add3A_69, %broadcast_in_dim3A_107] : memref<80x128xf32, #tpu.memory_space<vmem>>[vector<16xi32>, vector<16xi32>], vector<16xf32>,
          %gather3A_109 = tpu.vector_load_idx %arg10[%add3A_69, %broadcast_in_dim3A_107] : memref<80x128xf32, #tpu.memory_space<vmem>>[vector<16xi32>, vector<16xi32>], vector<16xf32>,
          %mul3A_110 = arith.mulf %gather3A_108, %gather3A_109 : vector<16xf32>
          %add3A_111 = arith.addf %add3A_105, %mul3A_110 : vector<16xf32>
          %broadcast_in_dim3A_112 = arith.constant 7 : i32
          %broadcast_in_dim3A_113 = vector.broadcast %broadcast_in_dim3A_112 : i32 to vector<16xi32>
          %gather3A_114 = tpu.vector_load_idx %arg8[%add3A_69, %broadcast_in_dim3A_113] : memref<80x128xf32, #tpu.memory_space<vmem>>[vector<16xi32>, vector<16xi32>], vector<16xf32>,
          %gather3A_115 = tpu.vector_load_idx %arg10[%add3A_69, %broadcast_in_dim3A_113] : memref<80x128xf32, #tpu.memory_space<vmem>>[vector<16xi32>, vector<16xi32>], vector<16xf32>,
          %mul3A_116 = arith.mulf %gather3A_114, %gather3A_115 : vector<16xf32>
          %add3A_117 = arith.addf %add3A_111, %mul3A_116 : vector<16xf32>
          %broadcast_in_dim3A_118 = arith.constant 8 : i32
          %broadcast_in_dim3A_119 = vector.broadcast %broadcast_in_dim3A_118 : i32 to vector<16xi32>
          %gather3A_120 = tpu.vector_load_idx %arg8[%add3A_69, %broadcast_in_dim3A_119] : memref<80x128xf32, #tpu.memory_space<vmem>>[vector<16xi32>, vector<16xi32>], vector<16xf32>,
          %gather3A_121 = tpu.vector_load_idx %arg10[%add3A_69, %broadcast_in_dim3A_119] : memref<80x128xf32, #tpu.memory_space<vmem>>[vector<16xi32>, vector<16xi32>], vector<16xf32>,
          %mul3A_122 = arith.mulf %gather3A_120, %gather3A_121 : vector<16xf32>
          %add3A_123 = arith.addf %add3A_117, %mul3A_122 : vector<16xf32>
          %broadcast_in_dim3A_124 = arith.constant 9 : i32
          %broadcast_in_dim3A_125 = vector.broadcast %broadcast_in_dim3A_124 : i32 to vector<16xi32>
          %gather3A_126 = tpu.vector_load_idx %arg8[%add3A_69, %broadcast_in_dim3A_125] : memref<80x128xf32, #tpu.memory_space<vmem>>[vector<16xi32>, vector<16xi32>], vector<16xf32>,
          %gather3A_127 = tpu.vector_load_idx %arg10[%add3A_69, %broadcast_in_dim3A_125] : memref<80x128xf32, #tpu.memory_space<vmem>>[vector<16xi32>, vector<16xi32>], vector<16xf32>,
          %mul3A_128 = arith.mulf %gather3A_126, %gather3A_127 : vector<16xf32>
          %add3A_129 = arith.addf %add3A_123, %mul3A_128 : vector<16xf32>
          %broadcast_in_dim3A_130 = arith.constant 10 : i32
          %broadcast_in_dim3A_131 = vector.broadcast %broadcast_in_dim3A_130 : i32 to vector<16xi32>
          %gather3A_132 = tpu.vector_load_idx %arg8[%add3A_69, %broadcast_in_dim3A_131] : memref<80x128xf32, #tpu.memory_space<vmem>>[vector<16xi32>, vector<16xi32>], vector<16xf32>,
          %gather3A_133 = tpu.vector_load_idx %arg10[%add3A_69, %broadcast_in_dim3A_131] : memref<80x128xf32, #tpu.memory_space<vmem>>[vector<16xi32>, vector<16xi32>], vector<16xf32>,
          %mul3A_134 = arith.mulf %gather3A_132, %gather3A_133 : vector<16xf32>
          %add3A_135 = arith.addf %add3A_129, %mul3A_134 : vector<16xf32>
          %broadcast_in_dim3A_136 = arith.constant 11 : i32
          %broadcast_in_dim3A_137 = vector.broadcast %broadcast_in_dim3A_136 : i32 to vector<16xi32>
          %gather3A_138 = tpu.vector_load_idx %arg8[%add3A_69, %broadcast_in_dim3A_137] : memref<80x128xf32, #tpu.memory_space<vmem>>[vector<16xi32>, vector<16xi32>], vector<16xf32>,
          %gather3A_139 = tpu.vector_load_idx %arg10[%add3A_69, %broadcast_in_dim3A_137] : memref<80x128xf32, #tpu.memory_space<vmem>>[vector<16xi32>, vector<16xi32>], vector<16xf32>,
          %mul3A_140 = arith.mulf %gather3A_138, %gather3A_139 : vector<16xf32>
          %add3A_141 = arith.addf %add3A_135, %mul3A_140 : vector<16xf32>
          %broadcast_in_dim3A_142 = arith.constant 12 : i32
          %broadcast_in_dim3A_143 = vector.broadcast %broadcast_in_dim3A_142 : i32 to vector<16xi32>
          %gather3A_144 = tpu.vector_load_idx %arg8[%add3A_69, %broadcast_in_dim3A_143] : memref<80x128xf32, #tpu.memory_space<vmem>>[vector<16xi32>, vector<16xi32>], vector<16xf32>,
          %gather3A_145 = tpu.vector_load_idx %arg10[%add3A_69, %broadcast_in_dim3A_143] : memref<80x128xf32, #tpu.memory_space<vmem>>[vector<16xi32>, vector<16xi32>], vector<16xf32>,
          %mul3A_146 = arith.mulf %gather3A_144, %gather3A_145 : vector<16xf32>
          %add3A_147 = arith.addf %add3A_141, %mul3A_146 : vector<16xf32>
          %broadcast_in_dim3A_148 = arith.constant 13 : i32
          %broadcast_in_dim3A_149 = vector.broadcast %broadcast_in_dim3A_148 : i32 to vector<16xi32>
          %gather3A_150 = tpu.vector_load_idx %arg8[%add3A_69, %broadcast_in_dim3A_149] : memref<80x128xf32, #tpu.memory_space<vmem>>[vector<16xi32>, vector<16xi32>], vector<16xf32>,
          %gather3A_151 = tpu.vector_load_idx %arg10[%add3A_69, %broadcast_in_dim3A_149] : memref<80x128xf32, #tpu.memory_space<vmem>>[vector<16xi32>, vector<16xi32>], vector<16xf32>,
          %mul3A_152 = arith.mulf %gather3A_150, %gather3A_151 : vector<16xf32>
          %add3A_153 = arith.addf %add3A_147, %mul3A_152 : vector<16xf32>
          %broadcast_in_dim3A_154 = arith.constant 14 : i32
          %broadcast_in_dim3A_155 = vector.broadcast %broadcast_in_dim3A_154 : i32 to vector<16xi32>
          %gather3A_156 = tpu.vector_load_idx %arg8[%add3A_69, %broadcast_in_dim3A_155] : memref<80x128xf32, #tpu.memory_space<vmem>>[vector<16xi32>, vector<16xi32>], vector<16xf32>,
          %gather3A_157 = tpu.vector_load_idx %arg10[%add3A_69, %broadcast_in_dim3A_155] : memref<80x128xf32, #tpu.memory_space<vmem>>[vector<16xi32>, vector<16xi32>], vector<16xf32>,
          %mul3A_158 = arith.mulf %gather3A_156, %gather3A_157 : vector<16xf32>
          %add3A_159 = arith.addf %add3A_153, %mul3A_158 : vector<16xf32>
          %broadcast_in_dim3A_160 = arith.constant 15 : i32
          %broadcast_in_dim3A_161 = vector.broadcast %broadcast_in_dim3A_160 : i32 to vector<16xi32>
          %gather3A_162 = tpu.vector_load_idx %arg8[%add3A_69, %broadcast_in_dim3A_161] : memref<80x128xf32, #tpu.memory_space<vmem>>[vector<16xi32>, vector<16xi32>], vector<16xf32>,
          %gather3A_163 = tpu.vector_load_idx %arg10[%add3A_69, %broadcast_in_dim3A_161] : memref<80x128xf32, #tpu.memory_space<vmem>>[vector<16xi32>, vector<16xi32>], vector<16xf32>,
          %mul3A_164 = arith.mulf %gather3A_162, %gather3A_163 : vector<16xf32>
          %add3A_165 = arith.addf %add3A_159, %mul3A_164 : vector<16xf32>
          %broadcast_in_dim3A_166 = arith.constant 16 : i32
          %broadcast_in_dim3A_167 = vector.broadcast %broadcast_in_dim3A_166 : i32 to vector<16xi32>
          %gather3A_168 = tpu.vector_load_idx %arg8[%add3A_69, %broadcast_in_dim3A_167] : memref<80x128xf32, #tpu.memory_space<vmem>>[vector<16xi32>, vector<16xi32>], vector<16xf32>,
          %gather3A_169 = tpu.vector_load_idx %arg10[%add3A_69, %broadcast_in_dim3A_167] : memref<80x128xf32, #tpu.memory_space<vmem>>[vector<16xi32>, vector<16xi32>], vector<16xf32>,
          %mul3A_170 = arith.mulf %gather3A_168, %gather3A_169 : vector<16xf32>
          %add3A_171 = arith.addf %add3A_165, %mul3A_170 : vector<16xf32>
          %broadcast_in_dim3A_172 = arith.constant 17 : i32
          %broadcast_in_dim3A_173 = vector.broadcast %broadcast_in_dim3A_172 : i32 to vector<16xi32>
          %gather3A_174 = tpu.vector_load_idx %arg8[%add3A_69, %broadcast_in_dim3A_173] : memref<80x128xf32, #tpu.memory_space<vmem>>[vector<16xi32>, vector<16xi32>], vector<16xf32>,
          %gather3A_175 = tpu.vector_load_idx %arg10[%add3A_69, %broadcast_in_dim3A_173] : memref<80x128xf32, #tpu.memory_space<vmem>>[vector<16xi32>, vector<16xi32>], vector<16xf32>,
          %mul3A_176 = arith.mulf %gather3A_174, %gather3A_175 : vector<16xf32>
          %add3A_177 = arith.addf %add3A_171, %mul3A_176 : vector<16xf32>
          %broadcast_in_dim3A_178 = arith.constant 18 : i32
          %broadcast_in_dim3A_179 = vector.broadcast %broadcast_in_dim3A_178 : i32 to vector<16xi32>
          %gather3A_180 = tpu.vector_load_idx %arg8[%add3A_69, %broadcast_in_dim3A_179] : memref<80x128xf32, #tpu.memory_space<vmem>>[vector<16xi32>, vector<16xi32>], vector<16xf32>,
          %gather3A_181 = tpu.vector_load_idx %arg10[%add3A_69, %broadcast_in_dim3A_179] : memref<80x128xf32, #tpu.memory_space<vmem>>[vector<16xi32>, vector<16xi32>], vector<16xf32>,
          %mul3A_182 = arith.mulf %gather3A_180, %gather3A_181 : vector<16xf32>
          %add3A_183 = arith.addf %add3A_177, %mul3A_182 : vector<16xf32>
          %broadcast_in_dim3A_184 = arith.constant 19 : i32
          %broadcast_in_dim3A_185 = vector.broadcast %broadcast_in_dim3A_184 : i32 to vector<16xi32>
          %gather3A_186 = tpu.vector_load_idx %arg8[%add3A_69, %broadcast_in_dim3A_185] : memref<80x128xf32, #tpu.memory_space<vmem>>[vector<16xi32>, vector<16xi32>], vector<16xf32>,
          %gather3A_187 = tpu.vector_load_idx %arg10[%add3A_69, %broadcast_in_dim3A_185] : memref<80x128xf32, #tpu.memory_space<vmem>>[vector<16xi32>, vector<16xi32>], vector<16xf32>,
          %mul3A_188 = arith.mulf %gather3A_186, %gather3A_187 : vector<16xf32>
          %add3A_189 = arith.addf %add3A_183, %mul3A_188 : vector<16xf32>
          %broadcast_in_dim3A_190 = arith.constant 20 : i32
          %broadcast_in_dim3A_191 = vector.broadcast %broadcast_in_dim3A_190 : i32 to vector<16xi32>
          %gather3A_192 = tpu.vector_load_idx %arg8[%add3A_69, %broadcast_in_dim3A_191] : memref<80x128xf32, #tpu.memory_space<vmem>>[vector<16xi32>, vector<16xi32>], vector<16xf32>,
          %gather3A_193 = tpu.vector_load_idx %arg10[%add3A_69, %broadcast_in_dim3A_191] : memref<80x128xf32, #tpu.memory_space<vmem>>[vector<16xi32>, vector<16xi32>], vector<16xf32>,
          %mul3A_194 = arith.mulf %gather3A_192, %gather3A_193 : vector<16xf32>
          %add3A_195 = arith.addf %add3A_189, %mul3A_194 : vector<16xf32>
          %broadcast_in_dim3A_196 = arith.constant 21 : i32
          %broadcast_in_dim3A_197 = vector.broadcast %broadcast_in_dim3A_196 : i32 to vector<16xi32>
          %gather3A_198 = tpu.vector_load_idx %arg8[%add3A_69, %broadcast_in_dim3A_197] : memref<80x128xf32, #tpu.memory_space<vmem>>[vector<16xi32>, vector<16xi32>], vector<16xf32>,
          %gather3A_199 = tpu.vector_load_idx %arg10[%add3A_69, %broadcast_in_dim3A_197] : memref<80x128xf32, #tpu.memory_space<vmem>>[vector<16xi32>, vector<16xi32>], vector<16xf32>,
          %mul3A_200 = arith.mulf %gather3A_198, %gather3A_199 : vector<16xf32>
          %add3A_201 = arith.addf %add3A_195, %mul3A_200 : vector<16xf32>
          %broadcast_in_dim3A_202 = arith.constant 22 : i32
          %broadcast_in_dim3A_203 = vector.broadcast %broadcast_in_dim3A_202 : i32 to vector<16xi32>
          %gather3A_204 = tpu.vector_load_idx %arg8[%add3A_69, %broadcast_in_dim3A_203] : memref<80x128xf32, #tpu.memory_space<vmem>>[vector<16xi32>, vector<16xi32>], vector<16xf32>,
          %gather3A_205 = tpu.vector_load_idx %arg10[%add3A_69, %broadcast_in_dim3A_203] : memref<80x128xf32, #tpu.memory_space<vmem>>[vector<16xi32>, vector<16xi32>], vector<16xf32>,
          %mul3A_206 = arith.mulf %gather3A_204, %gather3A_205 : vector<16xf32>
          %add3A_207 = arith.addf %add3A_201, %mul3A_206 : vector<16xf32>
          %broadcast_in_dim3A_208 = arith.constant 23 : i32
          %broadcast_in_dim3A_209 = vector.broadcast %broadcast_in_dim3A_208 : i32 to vector<16xi32>
          %gather3A_210 = tpu.vector_load_idx %arg8[%add3A_69, %broadcast_in_dim3A_209] : memref<80x128xf32, #tpu.memory_space<vmem>>[vector<16xi32>, vector<16xi32>], vector<16xf32>,
          %gather3A_211 = tpu.vector_load_idx %arg10[%add3A_69, %broadcast_in_dim3A_209] : memref<80x128xf32, #tpu.memory_space<vmem>>[vector<16xi32>, vector<16xi32>], vector<16xf32>,
          %mul3A_212 = arith.mulf %gather3A_210, %gather3A_211 : vector<16xf32>
          %add3A_213 = arith.addf %add3A_207, %mul3A_212 : vector<16xf32>
          %broadcast_in_dim3A_214 = arith.constant 24 : i32
          %broadcast_in_dim3A_215 = vector.broadcast %broadcast_in_dim3A_214 : i32 to vector<16xi32>
          %gather3A_216 = tpu.vector_load_idx %arg8[%add3A_69, %broadcast_in_dim3A_215] : memref<80x128xf32, #tpu.memory_space<vmem>>[vector<16xi32>, vector<16xi32>], vector<16xf32>,
          %gather3A_217 = tpu.vector_load_idx %arg10[%add3A_69, %broadcast_in_dim3A_215] : memref<80x128xf32, #tpu.memory_space<vmem>>[vector<16xi32>, vector<16xi32>], vector<16xf32>,
          %mul3A_218 = arith.mulf %gather3A_216, %gather3A_217 : vector<16xf32>
          %add3A_219 = arith.addf %add3A_213, %mul3A_218 : vector<16xf32>
          %broadcast_in_dim3A_220 = arith.constant 25 : i32
          %broadcast_in_dim3A_221 = vector.broadcast %broadcast_in_dim3A_220 : i32 to vector<16xi32>
          %gather3A_222 = tpu.vector_load_idx %arg8[%add3A_69, %broadcast_in_dim3A_221] : memref<80x128xf32, #tpu.memory_space<vmem>>[vector<16xi32>, vector<16xi32>], vector<16xf32>,
          %gather3A_223 = tpu.vector_load_idx %arg10[%add3A_69, %broadcast_in_dim3A_221] : memref<80x128xf32, #tpu.memory_space<vmem>>[vector<16xi32>, vector<16xi32>], vector<16xf32>,
          %mul3A_224 = arith.mulf %gather3A_222, %gather3A_223 : vector<16xf32>
          %add3A_225 = arith.addf %add3A_219, %mul3A_224 : vector<16xf32>
          %broadcast_in_dim3A_226 = arith.constant 26 : i32
          %broadcast_in_dim3A_227 = vector.broadcast %broadcast_in_dim3A_226 : i32 to vector<16xi32>
          %gather3A_228 = tpu.vector_load_idx %arg8[%add3A_69, %broadcast_in_dim3A_227] : memref<80x128xf32, #tpu.memory_space<vmem>>[vector<16xi32>, vector<16xi32>], vector<16xf32>,
          %gather3A_229 = tpu.vector_load_idx %arg10[%add3A_69, %broadcast_in_dim3A_227] : memref<80x128xf32, #tpu.memory_space<vmem>>[vector<16xi32>, vector<16xi32>], vector<16xf32>,
          %mul3A_230 = arith.mulf %gather3A_228, %gather3A_229 : vector<16xf32>
          %add3A_231 = arith.addf %add3A_225, %mul3A_230 : vector<16xf32>
          %broadcast_in_dim3A_232 = arith.constant 27 : i32
          %broadcast_in_dim3A_233 = vector.broadcast %broadcast_in_dim3A_232 : i32 to vector<16xi32>
          %gather3A_234 = tpu.vector_load_idx %arg8[%add3A_69, %broadcast_in_dim3A_233] : memref<80x128xf32, #tpu.memory_space<vmem>>[vector<16xi32>, vector<16xi32>], vector<16xf32>,
          %gather3A_235 = tpu.vector_load_idx %arg10[%add3A_69, %broadcast_in_dim3A_233] : memref<80x128xf32, #tpu.memory_space<vmem>>[vector<16xi32>, vector<16xi32>], vector<16xf32>,
          %mul3A_236 = arith.mulf %gather3A_234, %gather3A_235 : vector<16xf32>
          %add3A_237 = arith.addf %add3A_231, %mul3A_236 : vector<16xf32>
          %broadcast_in_dim3A_238 = arith.constant 28 : i32
          %broadcast_in_dim3A_239 = vector.broadcast %broadcast_in_dim3A_238 : i32 to vector<16xi32>
          %gather3A_240 = tpu.vector_load_idx %arg8[%add3A_69, %broadcast_in_dim3A_239] : memref<80x128xf32, #tpu.memory_space<vmem>>[vector<16xi32>, vector<16xi32>], vector<16xf32>,
          %gather3A_241 = tpu.vector_load_idx %arg10[%add3A_69, %broadcast_in_dim3A_239] : memref<80x128xf32, #tpu.memory_space<vmem>>[vector<16xi32>, vector<16xi32>], vector<16xf32>,
          %mul3A_242 = arith.mulf %gather3A_240, %gather3A_241 : vector<16xf32>
          %add3A_243 = arith.addf %add3A_237, %mul3A_242 : vector<16xf32>
          %broadcast_in_dim3A_244 = arith.constant 29 : i32
          %broadcast_in_dim3A_245 = vector.broadcast %broadcast_in_dim3A_244 : i32 to vector<16xi32>
          %gather3A_246 = tpu.vector_load_idx %arg8[%add3A_69, %broadcast_in_dim3A_245] : memref<80x128xf32, #tpu.memory_space<vmem>>[vector<16xi32>, vector<16xi32>], vector<16xf32>,
          %gather3A_247 = tpu.vector_load_idx %arg10[%add3A_69, %broadcast_in_dim3A_245] : memref<80x128xf32, #tpu.memory_space<vmem>>[vector<16xi32>, vector<16xi32>], vector<16xf32>,
          %mul3A_248 = arith.mulf %gather3A_246, %gather3A_247 : vector<16xf32>
          %add3A_249 = arith.addf %add3A_243, %mul3A_248 : vector<16xf32>
          %broadcast_in_dim3A_250 = arith.constant 30 : i32
          %broadcast_in_dim3A_251 = vector.broadcast %broadcast_in_dim3A_250 : i32 to vector<16xi32>
          %gather3A_252 = tpu.vector_load_idx %arg8[%add3A_69, %broadcast_in_dim3A_251] : memref<80x128xf32, #tpu.memory_space<vmem>>[vector<16xi32>, vector<16xi32>], vector<16xf32>,
          %gather3A_253 = tpu.vector_load_idx %arg10[%add3A_69, %broadcast_in_dim3A_251] : memref<80x128xf32, #tpu.memory_space<vmem>>[vector<16xi32>, vector<16xi32>], vector<16xf32>,
          %mul3A_254 = arith.mulf %gather3A_252, %gather3A_253 : vector<16xf32>
          %add3A_255 = arith.addf %add3A_249, %mul3A_254 : vector<16xf32>
          %broadcast_in_dim3A_256 = arith.constant 31 : i32
          %broadcast_in_dim3A_257 = vector.broadcast %broadcast_in_dim3A_256 : i32 to vector<16xi32>
          %gather3A_258 = tpu.vector_load_idx %arg8[%add3A_69, %broadcast_in_dim3A_257] : memref<80x128xf32, #tpu.memory_space<vmem>>[vector<16xi32>, vector<16xi32>], vector<16xf32>,
          %gather3A_259 = tpu.vector_load_idx %arg10[%add3A_69, %broadcast_in_dim3A_257] : memref<80x128xf32, #tpu.memory_space<vmem>>[vector<16xi32>, vector<16xi32>], vector<16xf32>,
          %mul3A_260 = arith.mulf %gather3A_258, %gather3A_259 : vector<16xf32>
          %add3A_261 = arith.addf %add3A_255, %mul3A_260 : vector<16xf32>
          %broadcast_in_dim3A_262 = arith.constant 32 : i32
          %broadcast_in_dim3A_263 = vector.broadcast %broadcast_in_dim3A_262 : i32 to vector<16xi32>
          %gather3A_264 = tpu.vector_load_idx %arg8[%add3A_69, %broadcast_in_dim3A_263] : memref<80x128xf32, #tpu.memory_space<vmem>>[vector<16xi32>, vector<16xi32>], vector<16xf32>,
          %gather3A_265 = tpu.vector_load_idx %arg10[%add3A_69, %broadcast_in_dim3A_263] : memref<80x128xf32, #tpu.memory_space<vmem>>[vector<16xi32>, vector<16xi32>], vector<16xf32>,
          %mul3A_266 = arith.mulf %gather3A_264, %gather3A_265 : vector<16xf32>
          %add3A_267 = arith.addf %add3A_261, %mul3A_266 : vector<16xf32>
          %broadcast_in_dim3A_268 = arith.constant 33 : i32
          %broadcast_in_dim3A_269 = vector.broadcast %broadcast_in_dim3A_268 : i32 to vector<16xi32>
          %gather3A_270 = tpu.vector_load_idx %arg8[%add3A_69, %broadcast_in_dim3A_269] : memref<80x128xf32, #tpu.memory_space<vmem>>[vector<16xi32>, vector<16xi32>], vector<16xf32>,
          %gather3A_271 = tpu.vector_load_idx %arg10[%add3A_69, %broadcast_in_dim3A_269] : memref<80x128xf32, #tpu.memory_space<vmem>>[vector<16xi32>, vector<16xi32>], vector<16xf32>,
          %mul3A_272 = arith.mulf %gather3A_270, %gather3A_271 : vector<16xf32>
          %add3A_273 = arith.addf %add3A_267, %mul3A_272 : vector<16xf32>
          %broadcast_in_dim3A_274 = arith.constant 34 : i32
          %broadcast_in_dim3A_275 = vector.broadcast %broadcast_in_dim3A_274 : i32 to vector<16xi32>
          %gather3A_276 = tpu.vector_load_idx %arg8[%add3A_69, %broadcast_in_dim3A_275] : memref<80x128xf32, #tpu.memory_space<vmem>>[vector<16xi32>, vector<16xi32>], vector<16xf32>,
          %gather3A_277 = tpu.vector_load_idx %arg10[%add3A_69, %broadcast_in_dim3A_275] : memref<80x128xf32, #tpu.memory_space<vmem>>[vector<16xi32>, vector<16xi32>], vector<16xf32>,
          %mul3A_278 = arith.mulf %gather3A_276, %gather3A_277 : vector<16xf32>
          %add3A_279 = arith.addf %add3A_273, %mul3A_278 : vector<16xf32>
          %broadcast_in_dim3A_280 = arith.constant 35 : i32
          %broadcast_in_dim3A_281 = vector.broadcast %broadcast_in_dim3A_280 : i32 to vector<16xi32>
          %gather3A_282 = tpu.vector_load_idx %arg8[%add3A_69, %broadcast_in_dim3A_281] : memref<80x128xf32, #tpu.memory_space<vmem>>[vector<16xi32>, vector<16xi32>], vector<16xf32>,
          %gather3A_283 = tpu.vector_load_idx %arg10[%add3A_69, %broadcast_in_dim3A_281] : memref<80x128xf32, #tpu.memory_space<vmem>>[vector<16xi32>, vector<16xi32>], vector<16xf32>,
          %mul3A_284 = arith.mulf %gather3A_282, %gather3A_283 : vector<16xf32>
          %add3A_285 = arith.addf %add3A_279, %mul3A_284 : vector<16xf32>
          %broadcast_in_dim3A_286 = arith.constant 36 : i32
          %broadcast_in_dim3A_287 = vector.broadcast %broadcast_in_dim3A_286 : i32 to vector<16xi32>
          %gather3A_288 = tpu.vector_load_idx %arg8[%add3A_69, %broadcast_in_dim3A_287] : memref<80x128xf32, #tpu.memory_space<vmem>>[vector<16xi32>, vector<16xi32>], vector<16xf32>,
          %gather3A_289 = tpu.vector_load_idx %arg10[%add3A_69, %broadcast_in_dim3A_287] : memref<80x128xf32, #tpu.memory_space<vmem>>[vector<16xi32>, vector<16xi32>], vector<16xf32>,
          %mul3A_290 = arith.mulf %gather3A_288, %gather3A_289 : vector<16xf32>
          %add3A_291 = arith.addf %add3A_285, %mul3A_290 : vector<16xf32>
          %broadcast_in_dim3A_292 = arith.constant 37 : i32
          %broadcast_in_dim3A_293 = vector.broadcast %broadcast_in_dim3A_292 : i32 to vector<16xi32>
          %gather3A_294 = tpu.vector_load_idx %arg8[%add3A_69, %broadcast_in_dim3A_293] : memref<80x128xf32, #tpu.memory_space<vmem>>[vector<16xi32>, vector<16xi32>], vector<16xf32>,
          %gather3A_295 = tpu.vector_load_idx %arg10[%add3A_69, %broadcast_in_dim3A_293] : memref<80x128xf32, #tpu.memory_space<vmem>>[vector<16xi32>, vector<16xi32>], vector<16xf32>,
          %mul3A_296 = arith.mulf %gather3A_294, %gather3A_295 : vector<16xf32>
          %add3A_297 = arith.addf %add3A_291, %mul3A_296 : vector<16xf32>
          %broadcast_in_dim3A_298 = arith.constant 38 : i32
          %broadcast_in_dim3A_299 = vector.broadcast %broadcast_in_dim3A_298 : i32 to vector<16xi32>
          %gather3A_300 = tpu.vector_load_idx %arg8[%add3A_69, %broadcast_in_dim3A_299] : memref<80x128xf32, #tpu.memory_space<vmem>>[vector<16xi32>, vector<16xi32>], vector<16xf32>,
          %gather3A_301 = tpu.vector_load_idx %arg10[%add3A_69, %broadcast_in_dim3A_299] : memref<80x128xf32, #tpu.memory_space<vmem>>[vector<16xi32>, vector<16xi32>], vector<16xf32>,
          %mul3A_302 = arith.mulf %gather3A_300, %gather3A_301 : vector<16xf32>
          %add3A_303 = arith.addf %add3A_297, %mul3A_302 : vector<16xf32>
          %broadcast_in_dim3A_304 = arith.constant 39 : i32
          %broadcast_in_dim3A_305 = vector.broadcast %broadcast_in_dim3A_304 : i32 to vector<16xi32>
          %gather3A_306 = tpu.vector_load_idx %arg8[%add3A_69, %broadcast_in_dim3A_305] : memref<80x128xf32, #tpu.memory_space<vmem>>[vector<16xi32>, vector<16xi32>], vector<16xf32>,
          %gather3A_307 = tpu.vector_load_idx %arg10[%add3A_69, %broadcast_in_dim3A_305] : memref<80x128xf32, #tpu.memory_space<vmem>>[vector<16xi32>, vector<16xi32>], vector<16xf32>,
          %mul3A_308 = arith.mulf %gather3A_306, %gather3A_307 : vector<16xf32>
          %add3A_309 = arith.addf %add3A_303, %mul3A_308 : vector<16xf32>
          %broadcast_in_dim3A_310 = arith.constant 40 : i32
          %broadcast_in_dim3A_311 = vector.broadcast %broadcast_in_dim3A_310 : i32 to vector<16xi32>
          %gather3A_312 = tpu.vector_load_idx %arg8[%add3A_69, %broadcast_in_dim3A_311] : memref<80x128xf32, #tpu.memory_space<vmem>>[vector<16xi32>, vector<16xi32>], vector<16xf32>,
          %gather3A_313 = tpu.vector_load_idx %arg10[%add3A_69, %broadcast_in_dim3A_311] : memref<80x128xf32, #tpu.memory_space<vmem>>[vector<16xi32>, vector<16xi32>], vector<16xf32>,
          %mul3A_314 = arith.mulf %gather3A_312, %gather3A_313 : vector<16xf32>
          %add3A_315 = arith.addf %add3A_309, %mul3A_314 : vector<16xf32>
          %broadcast_in_dim3A_316 = arith.constant 41 : i32
          %broadcast_in_dim3A_317 = vector.broadcast %broadcast_in_dim3A_316 : i32 to vector<16xi32>
          %gather3A_318 = tpu.vector_load_idx %arg8[%add3A_69, %broadcast_in_dim3A_317] : memref<80x128xf32, #tpu.memory_space<vmem>>[vector<16xi32>, vector<16xi32>], vector<16xf32>,
          %gather3A_319 = tpu.vector_load_idx %arg10[%add3A_69, %broadcast_in_dim3A_317] : memref<80x128xf32, #tpu.memory_space<vmem>>[vector<16xi32>, vector<16xi32>], vector<16xf32>,
          %mul3A_320 = arith.mulf %gather3A_318, %gather3A_319 : vector<16xf32>
          %add3A_321 = arith.addf %add3A_315, %mul3A_320 : vector<16xf32>
          %broadcast_in_dim3A_322 = arith.constant 42 : i32
          %broadcast_in_dim3A_323 = vector.broadcast %broadcast_in_dim3A_322 : i32 to vector<16xi32>
          %gather3A_324 = tpu.vector_load_idx %arg8[%add3A_69, %broadcast_in_dim3A_323] : memref<80x128xf32, #tpu.memory_space<vmem>>[vector<16xi32>, vector<16xi32>], vector<16xf32>,
          %gather3A_325 = tpu.vector_load_idx %arg10[%add3A_69, %broadcast_in_dim3A_323] : memref<80x128xf32, #tpu.memory_space<vmem>>[vector<16xi32>, vector<16xi32>], vector<16xf32>,
          %mul3A_326 = arith.mulf %gather3A_324, %gather3A_325 : vector<16xf32>
          %add3A_327 = arith.addf %add3A_321, %mul3A_326 : vector<16xf32>
          %broadcast_in_dim3A_328 = arith.constant 43 : i32
          %broadcast_in_dim3A_329 = vector.broadcast %broadcast_in_dim3A_328 : i32 to vector<16xi32>
          %gather3A_330 = tpu.vector_load_idx %arg8[%add3A_69, %broadcast_in_dim3A_329] : memref<80x128xf32, #tpu.memory_space<vmem>>[vector<16xi32>, vector<16xi32>], vector<16xf32>,
          %gather3A_331 = tpu.vector_load_idx %arg10[%add3A_69, %broadcast_in_dim3A_329] : memref<80x128xf32, #tpu.memory_space<vmem>>[vector<16xi32>, vector<16xi32>], vector<16xf32>,
          %mul3A_332 = arith.mulf %gather3A_330, %gather3A_331 : vector<16xf32>
          %add3A_333 = arith.addf %add3A_327, %mul3A_332 : vector<16xf32>
          %broadcast_in_dim3A_334 = arith.constant 44 : i32
          %broadcast_in_dim3A_335 = vector.broadcast %broadcast_in_dim3A_334 : i32 to vector<16xi32>
          %gather3A_336 = tpu.vector_load_idx %arg8[%add3A_69, %broadcast_in_dim3A_335] : memref<80x128xf32, #tpu.memory_space<vmem>>[vector<16xi32>, vector<16xi32>], vector<16xf32>,
          %gather3A_337 = tpu.vector_load_idx %arg10[%add3A_69, %broadcast_in_dim3A_335] : memref<80x128xf32, #tpu.memory_space<vmem>>[vector<16xi32>, vector<16xi32>], vector<16xf32>,
          %mul3A_338 = arith.mulf %gather3A_336, %gather3A_337 : vector<16xf32>
          %add3A_339 = arith.addf %add3A_333, %mul3A_338 : vector<16xf32>
          %broadcast_in_dim3A_340 = arith.constant 45 : i32
          %broadcast_in_dim3A_341 = vector.broadcast %broadcast_in_dim3A_340 : i32 to vector<16xi32>
          %gather3A_342 = tpu.vector_load_idx %arg8[%add3A_69, %broadcast_in_dim3A_341] : memref<80x128xf32, #tpu.memory_space<vmem>>[vector<16xi32>, vector<16xi32>], vector<16xf32>,
          %gather3A_343 = tpu.vector_load_idx %arg10[%add3A_69, %broadcast_in_dim3A_341] : memref<80x128xf32, #tpu.memory_space<vmem>>[vector<16xi32>, vector<16xi32>], vector<16xf32>,
          %mul3A_344 = arith.mulf %gather3A_342, %gather3A_343 : vector<16xf32>
          %add3A_345 = arith.addf %add3A_339, %mul3A_344 : vector<16xf32>
          %broadcast_in_dim3A_346 = arith.constant 46 : i32
          %broadcast_in_dim3A_347 = vector.broadcast %broadcast_in_dim3A_346 : i32 to vector<16xi32>
          %gather3A_348 = tpu.vector_load_idx %arg8[%add3A_69, %broadcast_in_dim3A_347] : memref<80x128xf32, #tpu.memory_space<vmem>>[vector<16xi32>, vector<16xi32>], vector<16xf32>,
          %gather3A_349 = tpu.vector_load_idx %arg10[%add3A_69, %broadcast_in_dim3A_347] : memref<80x128xf32, #tpu.memory_space<vmem>>[vector<16xi32>, vector<16xi32>], vector<16xf32>,
          %mul3A_350 = arith.mulf %gather3A_348, %gather3A_349 : vector<16xf32>
          %add3A_351 = arith.addf %add3A_345, %mul3A_350 : vector<16xf32>
          %broadcast_in_dim3A_352 = arith.constant 47 : i32
          %broadcast_in_dim3A_353 = vector.broadcast %broadcast_in_dim3A_352 : i32 to vector<16xi32>
          %gather3A_354 = tpu.vector_load_idx %arg8[%add3A_69, %broadcast_in_dim3A_353] : memref<80x128xf32, #tpu.memory_space<vmem>>[vector<16xi32>, vector<16xi32>], vector<16xf32>,
          %gather3A_355 = tpu.vector_load_idx %arg10[%add3A_69, %broadcast_in_dim3A_353] : memref<80x128xf32, #tpu.memory_space<vmem>>[vector<16xi32>, vector<16xi32>], vector<16xf32>,
          %mul3A_356 = arith.mulf %gather3A_354, %gather3A_355 : vector<16xf32>
          %add3A_357 = arith.addf %add3A_351, %mul3A_356 : vector<16xf32>
          %broadcast_in_dim3A_358 = arith.constant 48 : i32
          %broadcast_in_dim3A_359 = vector.broadcast %broadcast_in_dim3A_358 : i32 to vector<16xi32>
          %gather3A_360 = tpu.vector_load_idx %arg8[%add3A_69, %broadcast_in_dim3A_359] : memref<80x128xf32, #tpu.memory_space<vmem>>[vector<16xi32>, vector<16xi32>], vector<16xf32>,
          %gather3A_361 = tpu.vector_load_idx %arg10[%add3A_69, %broadcast_in_dim3A_359] : memref<80x128xf32, #tpu.memory_space<vmem>>[vector<16xi32>, vector<16xi32>], vector<16xf32>,
          %mul3A_362 = arith.mulf %gather3A_360, %gather3A_361 : vector<16xf32>
          %add3A_363 = arith.addf %add3A_357, %mul3A_362 : vector<16xf32>
          %broadcast_in_dim3A_364 = arith.constant 49 : i32
          %broadcast_in_dim3A_365 = vector.broadcast %broadcast_in_dim3A_364 : i32 to vector<16xi32>
          %gather3A_366 = tpu.vector_load_idx %arg8[%add3A_69, %broadcast_in_dim3A_365] : memref<80x128xf32, #tpu.memory_space<vmem>>[vector<16xi32>, vector<16xi32>], vector<16xf32>,
          %gather3A_367 = tpu.vector_load_idx %arg10[%add3A_69, %broadcast_in_dim3A_365] : memref<80x128xf32, #tpu.memory_space<vmem>>[vector<16xi32>, vector<16xi32>], vector<16xf32>,
          %mul3A_368 = arith.mulf %gather3A_366, %gather3A_367 : vector<16xf32>
          %add3A_369 = arith.addf %add3A_363, %mul3A_368 : vector<16xf32>
          %broadcast_in_dim3A_370 = arith.constant 50 : i32
          %broadcast_in_dim3A_371 = vector.broadcast %broadcast_in_dim3A_370 : i32 to vector<16xi32>
          %gather3A_372 = tpu.vector_load_idx %arg8[%add3A_69, %broadcast_in_dim3A_371] : memref<80x128xf32, #tpu.memory_space<vmem>>[vector<16xi32>, vector<16xi32>], vector<16xf32>,
          %gather3A_373 = tpu.vector_load_idx %arg10[%add3A_69, %broadcast_in_dim3A_371] : memref<80x128xf32, #tpu.memory_space<vmem>>[vector<16xi32>, vector<16xi32>], vector<16xf32>,
          %mul3A_374 = arith.mulf %gather3A_372, %gather3A_373 : vector<16xf32>
          %add3A_375 = arith.addf %add3A_369, %mul3A_374 : vector<16xf32>
          %broadcast_in_dim3A_376 = arith.constant 51 : i32
          %broadcast_in_dim3A_377 = vector.broadcast %broadcast_in_dim3A_376 : i32 to vector<16xi32>
          %gather3A_378 = tpu.vector_load_idx %arg8[%add3A_69, %broadcast_in_dim3A_377] : memref<80x128xf32, #tpu.memory_space<vmem>>[vector<16xi32>, vector<16xi32>], vector<16xf32>,
          %gather3A_379 = tpu.vector_load_idx %arg10[%add3A_69, %broadcast_in_dim3A_377] : memref<80x128xf32, #tpu.memory_space<vmem>>[vector<16xi32>, vector<16xi32>], vector<16xf32>,
          %mul3A_380 = arith.mulf %gather3A_378, %gather3A_379 : vector<16xf32>
          %add3A_381 = arith.addf %add3A_375, %mul3A_380 : vector<16xf32>
          %broadcast_in_dim3A_382 = arith.constant 52 : i32
          %broadcast_in_dim3A_383 = vector.broadcast %broadcast_in_dim3A_382 : i32 to vector<16xi32>
          %gather3A_384 = tpu.vector_load_idx %arg8[%add3A_69, %broadcast_in_dim3A_383] : memref<80x128xf32, #tpu.memory_space<vmem>>[vector<16xi32>, vector<16xi32>], vector<16xf32>,
          %gather3A_385 = tpu.vector_load_idx %arg10[%add3A_69, %broadcast_in_dim3A_383] : memref<80x128xf32, #tpu.memory_space<vmem>>[vector<16xi32>, vector<16xi32>], vector<16xf32>,
          %mul3A_386 = arith.mulf %gather3A_384, %gather3A_385 : vector<16xf32>
          %add3A_387 = arith.addf %add3A_381, %mul3A_386 : vector<16xf32>
          %broadcast_in_dim3A_388 = arith.constant 53 : i32
          %broadcast_in_dim3A_389 = vector.broadcast %broadcast_in_dim3A_388 : i32 to vector<16xi32>
          %gather3A_390 = tpu.vector_load_idx %arg8[%add3A_69, %broadcast_in_dim3A_389] : memref<80x128xf32, #tpu.memory_space<vmem>>[vector<16xi32>, vector<16xi32>], vector<16xf32>,
          %gather3A_391 = tpu.vector_load_idx %arg10[%add3A_69, %broadcast_in_dim3A_389] : memref<80x128xf32, #tpu.memory_space<vmem>>[vector<16xi32>, vector<16xi32>], vector<16xf32>,
          %mul3A_392 = arith.mulf %gather3A_390, %gather3A_391 : vector<16xf32>
          %add3A_393 = arith.addf %add3A_387, %mul3A_392 : vector<16xf32>
          %broadcast_in_dim3A_394 = arith.constant 54 : i32
          %broadcast_in_dim3A_395 = vector.broadcast %broadcast_in_dim3A_394 : i32 to vector<16xi32>
          %gather3A_396 = tpu.vector_load_idx %arg8[%add3A_69, %broadcast_in_dim3A_395] : memref<80x128xf32, #tpu.memory_space<vmem>>[vector<16xi32>, vector<16xi32>], vector<16xf32>,
          %gather3A_397 = tpu.vector_load_idx %arg10[%add3A_69, %broadcast_in_dim3A_395] : memref<80x128xf32, #tpu.memory_space<vmem>>[vector<16xi32>, vector<16xi32>], vector<16xf32>,
          %mul3A_398 = arith.mulf %gather3A_396, %gather3A_397 : vector<16xf32>
          %add3A_399 = arith.addf %add3A_393, %mul3A_398 : vector<16xf32>
          %broadcast_in_dim3A_400 = arith.constant 55 : i32
          %broadcast_in_dim3A_401 = vector.broadcast %broadcast_in_dim3A_400 : i32 to vector<16xi32>
          %gather3A_402 = tpu.vector_load_idx %arg8[%add3A_69, %broadcast_in_dim3A_401] : memref<80x128xf32, #tpu.memory_space<vmem>>[vector<16xi32>, vector<16xi32>], vector<16xf32>,
          %gather3A_403 = tpu.vector_load_idx %arg10[%add3A_69, %broadcast_in_dim3A_401] : memref<80x128xf32, #tpu.memory_space<vmem>>[vector<16xi32>, vector<16xi32>], vector<16xf32>,
          %mul3A_404 = arith.mulf %gather3A_402, %gather3A_403 : vector<16xf32>
          %add3A_405 = arith.addf %add3A_399, %mul3A_404 : vector<16xf32>
          %broadcast_in_dim3A_406 = arith.constant 56 : i32
          %broadcast_in_dim3A_407 = vector.broadcast %broadcast_in_dim3A_406 : i32 to vector<16xi32>
          %gather3A_408 = tpu.vector_load_idx %arg8[%add3A_69, %broadcast_in_dim3A_407] : memref<80x128xf32, #tpu.memory_space<vmem>>[vector<16xi32>, vector<16xi32>], vector<16xf32>,
          %gather3A_409 = tpu.vector_load_idx %arg10[%add3A_69, %broadcast_in_dim3A_407] : memref<80x128xf32, #tpu.memory_space<vmem>>[vector<16xi32>, vector<16xi32>], vector<16xf32>,
          %mul3A_410 = arith.mulf %gather3A_408, %gather3A_409 : vector<16xf32>
          %add3A_411 = arith.addf %add3A_405, %mul3A_410 : vector<16xf32>
          %broadcast_in_dim3A_412 = arith.constant 57 : i32
          %broadcast_in_dim3A_413 = vector.broadcast %broadcast_in_dim3A_412 : i32 to vector<16xi32>
          %gather3A_414 = tpu.vector_load_idx %arg8[%add3A_69, %broadcast_in_dim3A_413] : memref<80x128xf32, #tpu.memory_space<vmem>>[vector<16xi32>, vector<16xi32>], vector<16xf32>,
          %gather3A_415 = tpu.vector_load_idx %arg10[%add3A_69, %broadcast_in_dim3A_413] : memref<80x128xf32, #tpu.memory_space<vmem>>[vector<16xi32>, vector<16xi32>], vector<16xf32>,
          %mul3A_416 = arith.mulf %gather3A_414, %gather3A_415 : vector<16xf32>
          %add3A_417 = arith.addf %add3A_411, %mul3A_416 : vector<16xf32>
          %broadcast_in_dim3A_418 = arith.constant 58 : i32
          %broadcast_in_dim3A_419 = vector.broadcast %broadcast_in_dim3A_418 : i32 to vector<16xi32>
          %gather3A_420 = tpu.vector_load_idx %arg8[%add3A_69, %broadcast_in_dim3A_419] : memref<80x128xf32, #tpu.memory_space<vmem>>[vector<16xi32>, vector<16xi32>], vector<16xf32>,
          %gather3A_421 = tpu.vector_load_idx %arg10[%add3A_69, %broadcast_in_dim3A_419] : memref<80x128xf32, #tpu.memory_space<vmem>>[vector<16xi32>, vector<16xi32>], vector<16xf32>,
          %mul3A_422 = arith.mulf %gather3A_420, %gather3A_421 : vector<16xf32>
          %add3A_423 = arith.addf %add3A_417, %mul3A_422 : vector<16xf32>
          %broadcast_in_dim3A_424 = arith.constant 59 : i32
          %broadcast_in_dim3A_425 = vector.broadcast %broadcast_in_dim3A_424 : i32 to vector<16xi32>
          %gather3A_426 = tpu.vector_load_idx %arg8[%add3A_69, %broadcast_in_dim3A_425] : memref<80x128xf32, #tpu.memory_space<vmem>>[vector<16xi32>, vector<16xi32>], vector<16xf32>,
          %gather3A_427 = tpu.vector_load_idx %arg10[%add3A_69, %broadcast_in_dim3A_425] : memref<80x128xf32, #tpu.memory_space<vmem>>[vector<16xi32>, vector<16xi32>], vector<16xf32>,
          %mul3A_428 = arith.mulf %gather3A_426, %gather3A_427 : vector<16xf32>
          %add3A_429 = arith.addf %add3A_423, %mul3A_428 : vector<16xf32>
          %broadcast_in_dim3A_430 = arith.constant 60 : i32
          %broadcast_in_dim3A_431 = vector.broadcast %broadcast_in_dim3A_430 : i32 to vector<16xi32>
          %gather3A_432 = tpu.vector_load_idx %arg8[%add3A_69, %broadcast_in_dim3A_431] : memref<80x128xf32, #tpu.memory_space<vmem>>[vector<16xi32>, vector<16xi32>], vector<16xf32>,
          %gather3A_433 = tpu.vector_load_idx %arg10[%add3A_69, %broadcast_in_dim3A_431] : memref<80x128xf32, #tpu.memory_space<vmem>>[vector<16xi32>, vector<16xi32>], vector<16xf32>,
          %mul3A_434 = arith.mulf %gather3A_432, %gather3A_433 : vector<16xf32>
          %add3A_435 = arith.addf %add3A_429, %mul3A_434 : vector<16xf32>
          %broadcast_in_dim3A_436 = arith.constant 61 : i32
          %broadcast_in_dim3A_437 = vector.broadcast %broadcast_in_dim3A_436 : i32 to vector<16xi32>
          %gather3A_438 = tpu.vector_load_idx %arg8[%add3A_69, %broadcast_in_dim3A_437] : memref<80x128xf32, #tpu.memory_space<vmem>>[vector<16xi32>, vector<16xi32>], vector<16xf32>,
          %gather3A_439 = tpu.vector_load_idx %arg10[%add3A_69, %broadcast_in_dim3A_437] : memref<80x128xf32, #tpu.memory_space<vmem>>[vector<16xi32>, vector<16xi32>], vector<16xf32>,
          %mul3A_440 = arith.mulf %gather3A_438, %gather3A_439 : vector<16xf32>
          %add3A_441 = arith.addf %add3A_435, %mul3A_440 : vector<16xf32>
          %broadcast_in_dim3A_442 = arith.constant 62 : i32
          %broadcast_in_dim3A_443 = vector.broadcast %broadcast_in_dim3A_442 : i32 to vector<16xi32>
          %gather3A_444 = tpu.vector_load_idx %arg8[%add3A_69, %broadcast_in_dim3A_443] : memref<80x128xf32, #tpu.memory_space<vmem>>[vector<16xi32>, vector<16xi32>], vector<16xf32>,
          %gather3A_445 = tpu.vector_load_idx %arg10[%add3A_69, %broadcast_in_dim3A_443] : memref<80x128xf32, #tpu.memory_space<vmem>>[vector<16xi32>, vector<16xi32>], vector<16xf32>,
          %mul3A_446 = arith.mulf %gather3A_444, %gather3A_445 : vector<16xf32>
          %add3A_447 = arith.addf %add3A_441, %mul3A_446 : vector<16xf32>
          %broadcast_in_dim3A_448 = arith.constant 63 : i32
          %broadcast_in_dim3A_449 = vector.broadcast %broadcast_in_dim3A_448 : i32 to vector<16xi32>
          %gather3A_450 = tpu.vector_load_idx %arg8[%add3A_69, %broadcast_in_dim3A_449] : memref<80x128xf32, #tpu.memory_space<vmem>>[vector<16xi32>, vector<16xi32>], vector<16xf32>,
          %gather3A_451 = tpu.vector_load_idx %arg10[%add3A_69, %broadcast_in_dim3A_449] : memref<80x128xf32, #tpu.memory_space<vmem>>[vector<16xi32>, vector<16xi32>], vector<16xf32>,
          %mul3A_452 = arith.mulf %gather3A_450, %gather3A_451 : vector<16xf32>
          %add3A_453 = arith.addf %add3A_447, %mul3A_452 : vector<16xf32>
          %broadcast_in_dim3A_454 = arith.constant 64 : i32
          %broadcast_in_dim3A_455 = vector.broadcast %broadcast_in_dim3A_454 : i32 to vector<16xi32>
          %gather3A_456 = tpu.vector_load_idx %arg8[%add3A_69, %broadcast_in_dim3A_455] : memref<80x128xf32, #tpu.memory_space<vmem>>[vector<16xi32>, vector<16xi32>], vector<16xf32>,
          %gather3A_457 = tpu.vector_load_idx %arg10[%add3A_69, %broadcast_in_dim3A_455] : memref<80x128xf32, #tpu.memory_space<vmem>>[vector<16xi32>, vector<16xi32>], vector<16xf32>,
          %mul3A_458 = arith.mulf %gather3A_456, %gather3A_457 : vector<16xf32>
          %add3A_459 = arith.addf %add3A_453, %mul3A_458 : vector<16xf32>
          %broadcast_in_dim3A_460 = arith.constant 65 : i32
          %broadcast_in_dim3A_461 = vector.broadcast %broadcast_in_dim3A_460 : i32 to vector<16xi32>
          %gather3A_462 = tpu.vector_load_idx %arg8[%add3A_69, %broadcast_in_dim3A_461] : memref<80x128xf32, #tpu.memory_space<vmem>>[vector<16xi32>, vector<16xi32>], vector<16xf32>,
          %gather3A_463 = tpu.vector_load_idx %arg10[%add3A_69, %broadcast_in_dim3A_461] : memref<80x128xf32, #tpu.memory_space<vmem>>[vector<16xi32>, vector<16xi32>], vector<16xf32>,
          %mul3A_464 = arith.mulf %gather3A_462, %gather3A_463 : vector<16xf32>
          %add3A_465 = arith.addf %add3A_459, %mul3A_464 : vector<16xf32>
          %broadcast_in_dim3A_466 = arith.constant 66 : i32
          %broadcast_in_dim3A_467 = vector.broadcast %broadcast_in_dim3A_466 : i32 to vector<16xi32>
          %gather3A_468 = tpu.vector_load_idx %arg8[%add3A_69, %broadcast_in_dim3A_467] : memref<80x128xf32, #tpu.memory_space<vmem>>[vector<16xi32>, vector<16xi32>], vector<16xf32>,
          %gather3A_469 = tpu.vector_load_idx %arg10[%add3A_69, %broadcast_in_dim3A_467] : memref<80x128xf32, #tpu.memory_space<vmem>>[vector<16xi32>, vector<16xi32>], vector<16xf32>,
          %mul3A_470 = arith.mulf %gather3A_468, %gather3A_469 : vector<16xf32>
          %add3A_471 = arith.addf %add3A_465, %mul3A_470 : vector<16xf32>
          %broadcast_in_dim3A_472 = arith.constant 67 : i32
          %broadcast_in_dim3A_473 = vector.broadcast %broadcast_in_dim3A_472 : i32 to vector<16xi32>
          %gather3A_474 = tpu.vector_load_idx %arg8[%add3A_69, %broadcast_in_dim3A_473] : memref<80x128xf32, #tpu.memory_space<vmem>>[vector<16xi32>, vector<16xi32>], vector<16xf32>,
          %gather3A_475 = tpu.vector_load_idx %arg10[%add3A_69, %broadcast_in_dim3A_473] : memref<80x128xf32, #tpu.memory_space<vmem>>[vector<16xi32>, vector<16xi32>], vector<16xf32>,
          %mul3A_476 = arith.mulf %gather3A_474, %gather3A_475 : vector<16xf32>
          %add3A_477 = arith.addf %add3A_471, %mul3A_476 : vector<16xf32>
          %broadcast_in_dim3A_478 = arith.constant 68 : i32
          %broadcast_in_dim3A_479 = vector.broadcast %broadcast_in_dim3A_478 : i32 to vector<16xi32>
          %gather3A_480 = tpu.vector_load_idx %arg8[%add3A_69, %broadcast_in_dim3A_479] : memref<80x128xf32, #tpu.memory_space<vmem>>[vector<16xi32>, vector<16xi32>], vector<16xf32>,
          %gather3A_481 = tpu.vector_load_idx %arg10[%add3A_69, %broadcast_in_dim3A_479] : memref<80x128xf32, #tpu.memory_space<vmem>>[vector<16xi32>, vector<16xi32>], vector<16xf32>,
          %mul3A_482 = arith.mulf %gather3A_480, %gather3A_481 : vector<16xf32>
          %add3A_483 = arith.addf %add3A_477, %mul3A_482 : vector<16xf32>
          %broadcast_in_dim3A_484 = arith.constant 69 : i32
          %broadcast_in_dim3A_485 = vector.broadcast %broadcast_in_dim3A_484 : i32 to vector<16xi32>
          %gather3A_486 = tpu.vector_load_idx %arg8[%add3A_69, %broadcast_in_dim3A_485] : memref<80x128xf32, #tpu.memory_space<vmem>>[vector<16xi32>, vector<16xi32>], vector<16xf32>,
          %gather3A_487 = tpu.vector_load_idx %arg10[%add3A_69, %broadcast_in_dim3A_485] : memref<80x128xf32, #tpu.memory_space<vmem>>[vector<16xi32>, vector<16xi32>], vector<16xf32>,
          %mul3A_488 = arith.mulf %gather3A_486, %gather3A_487 : vector<16xf32>
          %add3A_489 = arith.addf %add3A_483, %mul3A_488 : vector<16xf32>
          %broadcast_in_dim3A_490 = arith.constant 70 : i32
          %broadcast_in_dim3A_491 = vector.broadcast %broadcast_in_dim3A_490 : i32 to vector<16xi32>
          %gather3A_492 = tpu.vector_load_idx %arg8[%add3A_69, %broadcast_in_dim3A_491] : memref<80x128xf32, #tpu.memory_space<vmem>>[vector<16xi32>, vector<16xi32>], vector<16xf32>,
          %gather3A_493 = tpu.vector_load_idx %arg10[%add3A_69, %broadcast_in_dim3A_491] : memref<80x128xf32, #tpu.memory_space<vmem>>[vector<16xi32>, vector<16xi32>], vector<16xf32>,
          %mul3A_494 = arith.mulf %gather3A_492, %gather3A_493 : vector<16xf32>
          %add3A_495 = arith.addf %add3A_489, %mul3A_494 : vector<16xf32>
          %broadcast_in_dim3A_496 = arith.constant 71 : i32
          %broadcast_in_dim3A_497 = vector.broadcast %broadcast_in_dim3A_496 : i32 to vector<16xi32>
          %gather3A_498 = tpu.vector_load_idx %arg8[%add3A_69, %broadcast_in_dim3A_497] : memref<80x128xf32, #tpu.memory_space<vmem>>[vector<16xi32>, vector<16xi32>], vector<16xf32>,
          %gather3A_499 = tpu.vector_load_idx %arg10[%add3A_69, %broadcast_in_dim3A_497] : memref<80x128xf32, #tpu.memory_space<vmem>>[vector<16xi32>, vector<16xi32>], vector<16xf32>,
          %mul3A_500 = arith.mulf %gather3A_498, %gather3A_499 : vector<16xf32>
          %add3A_501 = arith.addf %add3A_495, %mul3A_500 : vector<16xf32>
          %broadcast_in_dim3A_502 = arith.constant 72 : i32
          %broadcast_in_dim3A_503 = vector.broadcast %broadcast_in_dim3A_502 : i32 to vector<16xi32>
          %gather3A_504 = tpu.vector_load_idx %arg8[%add3A_69, %broadcast_in_dim3A_503] : memref<80x128xf32, #tpu.memory_space<vmem>>[vector<16xi32>, vector<16xi32>], vector<16xf32>,
          %gather3A_505 = tpu.vector_load_idx %arg10[%add3A_69, %broadcast_in_dim3A_503] : memref<80x128xf32, #tpu.memory_space<vmem>>[vector<16xi32>, vector<16xi32>], vector<16xf32>,
          %mul3A_506 = arith.mulf %gather3A_504, %gather3A_505 : vector<16xf32>
          %add3A_507 = arith.addf %add3A_501, %mul3A_506 : vector<16xf32>
          %broadcast_in_dim3A_508 = arith.constant 73 : i32
          %broadcast_in_dim3A_509 = vector.broadcast %broadcast_in_dim3A_508 : i32 to vector<16xi32>
          %gather3A_510 = tpu.vector_load_idx %arg8[%add3A_69, %broadcast_in_dim3A_509] : memref<80x128xf32, #tpu.memory_space<vmem>>[vector<16xi32>, vector<16xi32>], vector<16xf32>,
          %gather3A_511 = tpu.vector_load_idx %arg10[%add3A_69, %broadcast_in_dim3A_509] : memref<80x128xf32, #tpu.memory_space<vmem>>[vector<16xi32>, vector<16xi32>], vector<16xf32>,
          %mul3A_512 = arith.mulf %gather3A_510, %gather3A_511 : vector<16xf32>
          %add3A_513 = arith.addf %add3A_507, %mul3A_512 : vector<16xf32>
          %broadcast_in_dim3A_514 = arith.constant 74 : i32
          %broadcast_in_dim3A_515 = vector.broadcast %broadcast_in_dim3A_514 : i32 to vector<16xi32>
          %gather3A_516 = tpu.vector_load_idx %arg8[%add3A_69, %broadcast_in_dim3A_515] : memref<80x128xf32, #tpu.memory_space<vmem>>[vector<16xi32>, vector<16xi32>], vector<16xf32>,
          %gather3A_517 = tpu.vector_load_idx %arg10[%add3A_69, %broadcast_in_dim3A_515] : memref<80x128xf32, #tpu.memory_space<vmem>>[vector<16xi32>, vector<16xi32>], vector<16xf32>,
          %mul3A_518 = arith.mulf %gather3A_516, %gather3A_517 : vector<16xf32>
          %add3A_519 = arith.addf %add3A_513, %mul3A_518 : vector<16xf32>
          %broadcast_in_dim3A_520 = arith.constant 75 : i32
          %broadcast_in_dim3A_521 = vector.broadcast %broadcast_in_dim3A_520 : i32 to vector<16xi32>
          %gather3A_522 = tpu.vector_load_idx %arg8[%add3A_69, %broadcast_in_dim3A_521] : memref<80x128xf32, #tpu.memory_space<vmem>>[vector<16xi32>, vector<16xi32>], vector<16xf32>,
          %gather3A_523 = tpu.vector_load_idx %arg10[%add3A_69, %broadcast_in_dim3A_521] : memref<80x128xf32, #tpu.memory_space<vmem>>[vector<16xi32>, vector<16xi32>], vector<16xf32>,
          %mul3A_524 = arith.mulf %gather3A_522, %gather3A_523 : vector<16xf32>
          %add3A_525 = arith.addf %add3A_519, %mul3A_524 : vector<16xf32>
          %broadcast_in_dim3A_526 = arith.constant 76 : i32
          %broadcast_in_dim3A_527 = vector.broadcast %broadcast_in_dim3A_526 : i32 to vector<16xi32>
          %gather3A_528 = tpu.vector_load_idx %arg8[%add3A_69, %broadcast_in_dim3A_527] : memref<80x128xf32, #tpu.memory_space<vmem>>[vector<16xi32>, vector<16xi32>], vector<16xf32>,
          %gather3A_529 = tpu.vector_load_idx %arg10[%add3A_69, %broadcast_in_dim3A_527] : memref<80x128xf32, #tpu.memory_space<vmem>>[vector<16xi32>, vector<16xi32>], vector<16xf32>,
          %mul3A_530 = arith.mulf %gather3A_528, %gather3A_529 : vector<16xf32>
          %add3A_531 = arith.addf %add3A_525, %mul3A_530 : vector<16xf32>
          %broadcast_in_dim3A_532 = arith.constant 77 : i32
          %broadcast_in_dim3A_533 = vector.broadcast %broadcast_in_dim3A_532 : i32 to vector<16xi32>
          %gather3A_534 = tpu.vector_load_idx %arg8[%add3A_69, %broadcast_in_dim3A_533] : memref<80x128xf32, #tpu.memory_space<vmem>>[vector<16xi32>, vector<16xi32>], vector<16xf32>,
          %gather3A_535 = tpu.vector_load_idx %arg10[%add3A_69, %broadcast_in_dim3A_533] : memref<80x128xf32, #tpu.memory_space<vmem>>[vector<16xi32>, vector<16xi32>], vector<16xf32>,
          %mul3A_536 = arith.mulf %gather3A_534, %gather3A_535 : vector<16xf32>
          %add3A_537 = arith.addf %add3A_531, %mul3A_536 : vector<16xf32>
          %broadcast_in_dim3A_538 = arith.constant 78 : i32
          %broadcast_in_dim3A_539 = vector.broadcast %broadcast_in_dim3A_538 : i32 to vector<16xi32>
          %gather3A_540 = tpu.vector_load_idx %arg8[%add3A_69, %broadcast_in_dim3A_539] : memref<80x128xf32, #tpu.memory_space<vmem>>[vector<16xi32>, vector<16xi32>], vector<16xf32>,
          %gather3A_541 = tpu.vector_load_idx %arg10[%add3A_69, %broadcast_in_dim3A_539] : memref<80x128xf32, #tpu.memory_space<vmem>>[vector<16xi32>, vector<16xi32>], vector<16xf32>,
          %mul3A_542 = arith.mulf %gather3A_540, %gather3A_541 : vector<16xf32>
          %add3A_543 = arith.addf %add3A_537, %mul3A_542 : vector<16xf32>
          %broadcast_in_dim3A_544 = arith.constant 79 : i32
          %broadcast_in_dim3A_545 = vector.broadcast %broadcast_in_dim3A_544 : i32 to vector<16xi32>
          %gather3A_546 = tpu.vector_load_idx %arg8[%add3A_69, %broadcast_in_dim3A_545] : memref<80x128xf32, #tpu.memory_space<vmem>>[vector<16xi32>, vector<16xi32>], vector<16xf32>,
          %gather3A_547 = tpu.vector_load_idx %arg10[%add3A_69, %broadcast_in_dim3A_545] : memref<80x128xf32, #tpu.memory_space<vmem>>[vector<16xi32>, vector<16xi32>], vector<16xf32>,
          %mul3A_548 = arith.mulf %gather3A_546, %gather3A_547 : vector<16xf32>
          %add3A_549 = arith.addf %add3A_543, %mul3A_548 : vector<16xf32>
          %broadcast_in_dim3A_550 = arith.constant 80 : i32
          %broadcast_in_dim3A_551 = vector.broadcast %broadcast_in_dim3A_550 : i32 to vector<16xi32>
          %gather3A_552 = tpu.vector_load_idx %arg8[%add3A_69, %broadcast_in_dim3A_551] : memref<80x128xf32, #tpu.memory_space<vmem>>[vector<16xi32>, vector<16xi32>], vector<16xf32>,
          %gather3A_553 = tpu.vector_load_idx %arg10[%add3A_69, %broadcast_in_dim3A_551] : memref<80x128xf32, #tpu.memory_space<vmem>>[vector<16xi32>, vector<16xi32>], vector<16xf32>,
          %mul3A_554 = arith.mulf %gather3A_552, %gather3A_553 : vector<16xf32>
          %add3A_555 = arith.addf %add3A_549, %mul3A_554 : vector<16xf32>
          %broadcast_in_dim3A_556 = arith.constant 81 : i32
          %broadcast_in_dim3A_557 = vector.broadcast %broadcast_in_dim3A_556 : i32 to vector<16xi32>
          %gather3A_558 = tpu.vector_load_idx %arg8[%add3A_69, %broadcast_in_dim3A_557] : memref<80x128xf32, #tpu.memory_space<vmem>>[vector<16xi32>, vector<16xi32>], vector<16xf32>,
          %gather3A_559 = tpu.vector_load_idx %arg10[%add3A_69, %broadcast_in_dim3A_557] : memref<80x128xf32, #tpu.memory_space<vmem>>[vector<16xi32>, vector<16xi32>], vector<16xf32>,
          %mul3A_560 = arith.mulf %gather3A_558, %gather3A_559 : vector<16xf32>
          %add3A_561 = arith.addf %add3A_555, %mul3A_560 : vector<16xf32>
          %broadcast_in_dim3A_562 = arith.constant 82 : i32
          %broadcast_in_dim3A_563 = vector.broadcast %broadcast_in_dim3A_562 : i32 to vector<16xi32>
          %gather3A_564 = tpu.vector_load_idx %arg8[%add3A_69, %broadcast_in_dim3A_563] : memref<80x128xf32, #tpu.memory_space<vmem>>[vector<16xi32>, vector<16xi32>], vector<16xf32>,
          %gather3A_565 = tpu.vector_load_idx %arg10[%add3A_69, %broadcast_in_dim3A_563] : memref<80x128xf32, #tpu.memory_space<vmem>>[vector<16xi32>, vector<16xi32>], vector<16xf32>,
          %mul3A_566 = arith.mulf %gather3A_564, %gather3A_565 : vector<16xf32>
          %add3A_567 = arith.addf %add3A_561, %mul3A_566 : vector<16xf32>
          %broadcast_in_dim3A_568 = arith.constant 83 : i32
          %broadcast_in_dim3A_569 = vector.broadcast %broadcast_in_dim3A_568 : i32 to vector<16xi32>
          %gather3A_570 = tpu.vector_load_idx %arg8[%add3A_69, %broadcast_in_dim3A_569] : memref<80x128xf32, #tpu.memory_space<vmem>>[vector<16xi32>, vector<16xi32>], vector<16xf32>,
          %gather3A_571 = tpu.vector_load_idx %arg10[%add3A_69, %broadcast_in_dim3A_569] : memref<80x128xf32, #tpu.memory_space<vmem>>[vector<16xi32>, vector<16xi32>], vector<16xf32>,
          %mul3A_572 = arith.mulf %gather3A_570, %gather3A_571 : vector<16xf32>
          %add3A_573 = arith.addf %add3A_567, %mul3A_572 : vector<16xf32>
          %broadcast_in_dim3A_574 = arith.constant 84 : i32
          %broadcast_in_dim3A_575 = vector.broadcast %broadcast_in_dim3A_574 : i32 to vector<16xi32>
          %gather3A_576 = tpu.vector_load_idx %arg8[%add3A_69, %broadcast_in_dim3A_575] : memref<80x128xf32, #tpu.memory_space<vmem>>[vector<16xi32>, vector<16xi32>], vector<16xf32>,
          %gather3A_577 = tpu.vector_load_idx %arg10[%add3A_69, %broadcast_in_dim3A_575] : memref<80x128xf32, #tpu.memory_space<vmem>>[vector<16xi32>, vector<16xi32>], vector<16xf32>,
          %mul3A_578 = arith.mulf %gather3A_576, %gather3A_577 : vector<16xf32>
          %add3A_579 = arith.addf %add3A_573, %mul3A_578 : vector<16xf32>
          %broadcast_in_dim3A_580 = arith.constant 85 : i32
          %broadcast_in_dim3A_581 = vector.broadcast %broadcast_in_dim3A_580 : i32 to vector<16xi32>
          %gather3A_582 = tpu.vector_load_idx %arg8[%add3A_69, %broadcast_in_dim3A_581] : memref<80x128xf32, #tpu.memory_space<vmem>>[vector<16xi32>, vector<16xi32>], vector<16xf32>,
          %gather3A_583 = tpu.vector_load_idx %arg10[%add3A_69, %broadcast_in_dim3A_581] : memref<80x128xf32, #tpu.memory_space<vmem>>[vector<16xi32>, vector<16xi32>], vector<16xf32>,
          %mul3A_584 = arith.mulf %gather3A_582, %gather3A_583 : vector<16xf32>
          %add3A_585 = arith.addf %add3A_579, %mul3A_584 : vector<16xf32>
          %broadcast_in_dim3A_586 = arith.constant 86 : i32
          %broadcast_in_dim3A_587 = vector.broadcast %broadcast_in_dim3A_586 : i32 to vector<16xi32>
          %gather3A_588 = tpu.vector_load_idx %arg8[%add3A_69, %broadcast_in_dim3A_587] : memref<80x128xf32, #tpu.memory_space<vmem>>[vector<16xi32>, vector<16xi32>], vector<16xf32>,
          %gather3A_589 = tpu.vector_load_idx %arg10[%add3A_69, %broadcast_in_dim3A_587] : memref<80x128xf32, #tpu.memory_space<vmem>>[vector<16xi32>, vector<16xi32>], vector<16xf32>,
          %mul3A_590 = arith.mulf %gather3A_588, %gather3A_589 : vector<16xf32>
          %add3A_591 = arith.addf %add3A_585, %mul3A_590 : vector<16xf32>
          %broadcast_in_dim3A_592 = arith.constant 87 : i32
          %broadcast_in_dim3A_593 = vector.broadcast %broadcast_in_dim3A_592 : i32 to vector<16xi32>
          %gather3A_594 = tpu.vector_load_idx %arg8[%add3A_69, %broadcast_in_dim3A_593] : memref<80x128xf32, #tpu.memory_space<vmem>>[vector<16xi32>, vector<16xi32>], vector<16xf32>,
          %gather3A_595 = tpu.vector_load_idx %arg10[%add3A_69, %broadcast_in_dim3A_593] : memref<80x128xf32, #tpu.memory_space<vmem>>[vector<16xi32>, vector<16xi32>], vector<16xf32>,
          %mul3A_596 = arith.mulf %gather3A_594, %gather3A_595 : vector<16xf32>
          %add3A_597 = arith.addf %add3A_591, %mul3A_596 : vector<16xf32>
          %broadcast_in_dim3A_598 = arith.constant 88 : i32
          %broadcast_in_dim3A_599 = vector.broadcast %broadcast_in_dim3A_598 : i32 to vector<16xi32>
          %gather3A_600 = tpu.vector_load_idx %arg8[%add3A_69, %broadcast_in_dim3A_599] : memref<80x128xf32, #tpu.memory_space<vmem>>[vector<16xi32>, vector<16xi32>], vector<16xf32>,
          %gather3A_601 = tpu.vector_load_idx %arg10[%add3A_69, %broadcast_in_dim3A_599] : memref<80x128xf32, #tpu.memory_space<vmem>>[vector<16xi32>, vector<16xi32>], vector<16xf32>,
          %mul3A_602 = arith.mulf %gather3A_600, %gather3A_601 : vector<16xf32>
          %add3A_603 = arith.addf %add3A_597, %mul3A_602 : vector<16xf32>
          %broadcast_in_dim3A_604 = arith.constant 89 : i32
          %broadcast_in_dim3A_605 = vector.broadcast %broadcast_in_dim3A_604 : i32 to vector<16xi32>
          %gather3A_606 = tpu.vector_load_idx %arg8[%add3A_69, %broadcast_in_dim3A_605] : memref<80x128xf32, #tpu.memory_space<vmem>>[vector<16xi32>, vector<16xi32>], vector<16xf32>,
          %gather3A_607 = tpu.vector_load_idx %arg10[%add3A_69, %broadcast_in_dim3A_605] : memref<80x128xf32, #tpu.memory_space<vmem>>[vector<16xi32>, vector<16xi32>], vector<16xf32>,
          %mul3A_608 = arith.mulf %gather3A_606, %gather3A_607 : vector<16xf32>
          %add3A_609 = arith.addf %add3A_603, %mul3A_608 : vector<16xf32>
          %broadcast_in_dim3A_610 = arith.constant 90 : i32
          %broadcast_in_dim3A_611 = vector.broadcast %broadcast_in_dim3A_610 : i32 to vector<16xi32>
          %gather3A_612 = tpu.vector_load_idx %arg8[%add3A_69, %broadcast_in_dim3A_611] : memref<80x128xf32, #tpu.memory_space<vmem>>[vector<16xi32>, vector<16xi32>], vector<16xf32>,
          %gather3A_613 = tpu.vector_load_idx %arg10[%add3A_69, %broadcast_in_dim3A_611] : memref<80x128xf32, #tpu.memory_space<vmem>>[vector<16xi32>, vector<16xi32>], vector<16xf32>,
          %mul3A_614 = arith.mulf %gather3A_612, %gather3A_613 : vector<16xf32>
          %add3A_615 = arith.addf %add3A_609, %mul3A_614 : vector<16xf32>
          %broadcast_in_dim3A_616 = arith.constant 91 : i32
          %broadcast_in_dim3A_617 = vector.broadcast %broadcast_in_dim3A_616 : i32 to vector<16xi32>
          %gather3A_618 = tpu.vector_load_idx %arg8[%add3A_69, %broadcast_in_dim3A_617] : memref<80x128xf32, #tpu.memory_space<vmem>>[vector<16xi32>, vector<16xi32>], vector<16xf32>,
          %gather3A_619 = tpu.vector_load_idx %arg10[%add3A_69, %broadcast_in_dim3A_617] : memref<80x128xf32, #tpu.memory_space<vmem>>[vector<16xi32>, vector<16xi32>], vector<16xf32>,
          %mul3A_620 = arith.mulf %gather3A_618, %gather3A_619 : vector<16xf32>
          %add3A_621 = arith.addf %add3A_615, %mul3A_620 : vector<16xf32>
          %broadcast_in_dim3A_622 = arith.constant 92 : i32
          %broadcast_in_dim3A_623 = vector.broadcast %broadcast_in_dim3A_622 : i32 to vector<16xi32>
          %gather3A_624 = tpu.vector_load_idx %arg8[%add3A_69, %broadcast_in_dim3A_623] : memref<80x128xf32, #tpu.memory_space<vmem>>[vector<16xi32>, vector<16xi32>], vector<16xf32>,
          %gather3A_625 = tpu.vector_load_idx %arg10[%add3A_69, %broadcast_in_dim3A_623] : memref<80x128xf32, #tpu.memory_space<vmem>>[vector<16xi32>, vector<16xi32>], vector<16xf32>,
          %mul3A_626 = arith.mulf %gather3A_624, %gather3A_625 : vector<16xf32>
          %add3A_627 = arith.addf %add3A_621, %mul3A_626 : vector<16xf32>
          %broadcast_in_dim3A_628 = arith.constant 93 : i32
          %broadcast_in_dim3A_629 = vector.broadcast %broadcast_in_dim3A_628 : i32 to vector<16xi32>
          %gather3A_630 = tpu.vector_load_idx %arg8[%add3A_69, %broadcast_in_dim3A_629] : memref<80x128xf32, #tpu.memory_space<vmem>>[vector<16xi32>, vector<16xi32>], vector<16xf32>,
          %gather3A_631 = tpu.vector_load_idx %arg10[%add3A_69, %broadcast_in_dim3A_629] : memref<80x128xf32, #tpu.memory_space<vmem>>[vector<16xi32>, vector<16xi32>], vector<16xf32>,
          %mul3A_632 = arith.mulf %gather3A_630, %gather3A_631 : vector<16xf32>
          %add3A_633 = arith.addf %add3A_627, %mul3A_632 : vector<16xf32>
          %broadcast_in_dim3A_634 = arith.constant 94 : i32
          %broadcast_in_dim3A_635 = vector.broadcast %broadcast_in_dim3A_634 : i32 to vector<16xi32>
          %gather3A_636 = tpu.vector_load_idx %arg8[%add3A_69, %broadcast_in_dim3A_635] : memref<80x128xf32, #tpu.memory_space<vmem>>[vector<16xi32>, vector<16xi32>], vector<16xf32>,
          %gather3A_637 = tpu.vector_load_idx %arg10[%add3A_69, %broadcast_in_dim3A_635] : memref<80x128xf32, #tpu.memory_space<vmem>>[vector<16xi32>, vector<16xi32>], vector<16xf32>,
          %mul3A_638 = arith.mulf %gather3A_636, %gather3A_637 : vector<16xf32>
          %add3A_639 = arith.addf %add3A_633, %mul3A_638 : vector<16xf32>
          %broadcast_in_dim3A_640 = arith.constant 95 : i32
          %broadcast_in_dim3A_641 = vector.broadcast %broadcast_in_dim3A_640 : i32 to vector<16xi32>
          %gather3A_642 = tpu.vector_load_idx %arg8[%add3A_69, %broadcast_in_dim3A_641] : memref<80x128xf32, #tpu.memory_space<vmem>>[vector<16xi32>, vector<16xi32>], vector<16xf32>,
          %gather3A_643 = tpu.vector_load_idx %arg10[%add3A_69, %broadcast_in_dim3A_641] : memref<80x128xf32, #tpu.memory_space<vmem>>[vector<16xi32>, vector<16xi32>], vector<16xf32>,
          %mul3A_644 = arith.mulf %gather3A_642, %gather3A_643 : vector<16xf32>
          %add3A_645 = arith.addf %add3A_639, %mul3A_644 : vector<16xf32>
          %broadcast_in_dim3A_646 = arith.constant 96 : i32
          %broadcast_in_dim3A_647 = vector.broadcast %broadcast_in_dim3A_646 : i32 to vector<16xi32>
          %gather3A_648 = tpu.vector_load_idx %arg8[%add3A_69, %broadcast_in_dim3A_647] : memref<80x128xf32, #tpu.memory_space<vmem>>[vector<16xi32>, vector<16xi32>], vector<16xf32>,
          %gather3A_649 = tpu.vector_load_idx %arg10[%add3A_69, %broadcast_in_dim3A_647] : memref<80x128xf32, #tpu.memory_space<vmem>>[vector<16xi32>, vector<16xi32>], vector<16xf32>,
          %mul3A_650 = arith.mulf %gather3A_648, %gather3A_649 : vector<16xf32>
          %add3A_651 = arith.addf %add3A_645, %mul3A_650 : vector<16xf32>
          %broadcast_in_dim3A_652 = arith.constant 97 : i32
          %broadcast_in_dim3A_653 = vector.broadcast %broadcast_in_dim3A_652 : i32 to vector<16xi32>
          %gather3A_654 = tpu.vector_load_idx %arg8[%add3A_69, %broadcast_in_dim3A_653] : memref<80x128xf32, #tpu.memory_space<vmem>>[vector<16xi32>, vector<16xi32>], vector<16xf32>,
          %gather3A_655 = tpu.vector_load_idx %arg10[%add3A_69, %broadcast_in_dim3A_653] : memref<80x128xf32, #tpu.memory_space<vmem>>[vector<16xi32>, vector<16xi32>], vector<16xf32>,
          %mul3A_656 = arith.mulf %gather3A_654, %gather3A_655 : vector<16xf32>
          %add3A_657 = arith.addf %add3A_651, %mul3A_656 : vector<16xf32>
          %broadcast_in_dim3A_658 = arith.constant 98 : i32
          %broadcast_in_dim3A_659 = vector.broadcast %broadcast_in_dim3A_658 : i32 to vector<16xi32>
          %gather3A_660 = tpu.vector_load_idx %arg8[%add3A_69, %broadcast_in_dim3A_659] : memref<80x128xf32, #tpu.memory_space<vmem>>[vector<16xi32>, vector<16xi32>], vector<16xf32>,
          %gather3A_661 = tpu.vector_load_idx %arg10[%add3A_69, %broadcast_in_dim3A_659] : memref<80x128xf32, #tpu.memory_space<vmem>>[vector<16xi32>, vector<16xi32>], vector<16xf32>,
          %mul3A_662 = arith.mulf %gather3A_660, %gather3A_661 : vector<16xf32>
          %add3A_663 = arith.addf %add3A_657, %mul3A_662 : vector<16xf32>
          %broadcast_in_dim3A_664 = arith.constant 99 : i32
          %broadcast_in_dim3A_665 = vector.broadcast %broadcast_in_dim3A_664 : i32 to vector<16xi32>
          %gather3A_666 = tpu.vector_load_idx %arg8[%add3A_69, %broadcast_in_dim3A_665] : memref<80x128xf32, #tpu.memory_space<vmem>>[vector<16xi32>, vector<16xi32>], vector<16xf32>,
          %gather3A_667 = tpu.vector_load_idx %arg10[%add3A_69, %broadcast_in_dim3A_665] : memref<80x128xf32, #tpu.memory_space<vmem>>[vector<16xi32>, vector<16xi32>], vector<16xf32>,
          %mul3A_668 = arith.mulf %gather3A_666, %gather3A_667 : vector<16xf32>
          %add3A_669 = arith.addf %add3A_663, %mul3A_668 : vector<16xf32>
          %broadcast_in_dim3A_670 = arith.constant 100 : i32
          %broadcast_in_dim3A_671 = vector.broadcast %broadcast_in_dim3A_670 : i32 to vector<16xi32>
          %gather3A_672 = tpu.vector_load_idx %arg8[%add3A_69, %broadcast_in_dim3A_671] : memref<80x128xf32, #tpu.memory_space<vmem>>[vector<16xi32>, vector<16xi32>], vector<16xf32>,
          %gather3A_673 = tpu.vector_load_idx %arg10[%add3A_69, %broadcast_in_dim3A_671] : memref<80x128xf32, #tpu.memory_space<vmem>>[vector<16xi32>, vector<16xi32>], vector<16xf32>,
          %mul3A_674 = arith.mulf %gather3A_672, %gather3A_673 : vector<16xf32>
          %add3A_675 = arith.addf %add3A_669, %mul3A_674 : vector<16xf32>
          %broadcast_in_dim3A_676 = arith.constant 101 : i32
          %broadcast_in_dim3A_677 = vector.broadcast %broadcast_in_dim3A_676 : i32 to vector<16xi32>
          %gather3A_678 = tpu.vector_load_idx %arg8[%add3A_69, %broadcast_in_dim3A_677] : memref<80x128xf32, #tpu.memory_space<vmem>>[vector<16xi32>, vector<16xi32>], vector<16xf32>,
          %gather3A_679 = tpu.vector_load_idx %arg10[%add3A_69, %broadcast_in_dim3A_677] : memref<80x128xf32, #tpu.memory_space<vmem>>[vector<16xi32>, vector<16xi32>], vector<16xf32>,
          %mul3A_680 = arith.mulf %gather3A_678, %gather3A_679 : vector<16xf32>
          %add3A_681 = arith.addf %add3A_675, %mul3A_680 : vector<16xf32>
          %broadcast_in_dim3A_682 = arith.constant 102 : i32
          %broadcast_in_dim3A_683 = vector.broadcast %broadcast_in_dim3A_682 : i32 to vector<16xi32>
          %gather3A_684 = tpu.vector_load_idx %arg8[%add3A_69, %broadcast_in_dim3A_683] : memref<80x128xf32, #tpu.memory_space<vmem>>[vector<16xi32>, vector<16xi32>], vector<16xf32>,
          %gather3A_685 = tpu.vector_load_idx %arg10[%add3A_69, %broadcast_in_dim3A_683] : memref<80x128xf32, #tpu.memory_space<vmem>>[vector<16xi32>, vector<16xi32>], vector<16xf32>,
          %mul3A_686 = arith.mulf %gather3A_684, %gather3A_685 : vector<16xf32>
          %add3A_687 = arith.addf %add3A_681, %mul3A_686 : vector<16xf32>
          %broadcast_in_dim3A_688 = arith.constant 103 : i32
          %broadcast_in_dim3A_689 = vector.broadcast %broadcast_in_dim3A_688 : i32 to vector<16xi32>
          %gather3A_690 = tpu.vector_load_idx %arg8[%add3A_69, %broadcast_in_dim3A_689] : memref<80x128xf32, #tpu.memory_space<vmem>>[vector<16xi32>, vector<16xi32>], vector<16xf32>,
          %gather3A_691 = tpu.vector_load_idx %arg10[%add3A_69, %broadcast_in_dim3A_689] : memref<80x128xf32, #tpu.memory_space<vmem>>[vector<16xi32>, vector<16xi32>], vector<16xf32>,
          %mul3A_692 = arith.mulf %gather3A_690, %gather3A_691 : vector<16xf32>
          %add3A_693 = arith.addf %add3A_687, %mul3A_692 : vector<16xf32>
          %broadcast_in_dim3A_694 = arith.constant 104 : i32
          %broadcast_in_dim3A_695 = vector.broadcast %broadcast_in_dim3A_694 : i32 to vector<16xi32>
          %gather3A_696 = tpu.vector_load_idx %arg8[%add3A_69, %broadcast_in_dim3A_695] : memref<80x128xf32, #tpu.memory_space<vmem>>[vector<16xi32>, vector<16xi32>], vector<16xf32>,
          %gather3A_697 = tpu.vector_load_idx %arg10[%add3A_69, %broadcast_in_dim3A_695] : memref<80x128xf32, #tpu.memory_space<vmem>>[vector<16xi32>, vector<16xi32>], vector<16xf32>,
          %mul3A_698 = arith.mulf %gather3A_696, %gather3A_697 : vector<16xf32>
          %add3A_699 = arith.addf %add3A_693, %mul3A_698 : vector<16xf32>
          %broadcast_in_dim3A_700 = arith.constant 105 : i32
          %broadcast_in_dim3A_701 = vector.broadcast %broadcast_in_dim3A_700 : i32 to vector<16xi32>
          %gather3A_702 = tpu.vector_load_idx %arg8[%add3A_69, %broadcast_in_dim3A_701] : memref<80x128xf32, #tpu.memory_space<vmem>>[vector<16xi32>, vector<16xi32>], vector<16xf32>,
          %gather3A_703 = tpu.vector_load_idx %arg10[%add3A_69, %broadcast_in_dim3A_701] : memref<80x128xf32, #tpu.memory_space<vmem>>[vector<16xi32>, vector<16xi32>], vector<16xf32>,
          %mul3A_704 = arith.mulf %gather3A_702, %gather3A_703 : vector<16xf32>
          %add3A_705 = arith.addf %add3A_699, %mul3A_704 : vector<16xf32>
          %broadcast_in_dim3A_706 = arith.constant 106 : i32
          %broadcast_in_dim3A_707 = vector.broadcast %broadcast_in_dim3A_706 : i32 to vector<16xi32>
          %gather3A_708 = tpu.vector_load_idx %arg8[%add3A_69, %broadcast_in_dim3A_707] : memref<80x128xf32, #tpu.memory_space<vmem>>[vector<16xi32>, vector<16xi32>], vector<16xf32>,
          %gather3A_709 = tpu.vector_load_idx %arg10[%add3A_69, %broadcast_in_dim3A_707] : memref<80x128xf32, #tpu.memory_space<vmem>>[vector<16xi32>, vector<16xi32>], vector<16xf32>,
          %mul3A_710 = arith.mulf %gather3A_708, %gather3A_709 : vector<16xf32>
          %add3A_711 = arith.addf %add3A_705, %mul3A_710 : vector<16xf32>
          %broadcast_in_dim3A_712 = arith.constant 107 : i32
          %broadcast_in_dim3A_713 = vector.broadcast %broadcast_in_dim3A_712 : i32 to vector<16xi32>
          %gather3A_714 = tpu.vector_load_idx %arg8[%add3A_69, %broadcast_in_dim3A_713] : memref<80x128xf32, #tpu.memory_space<vmem>>[vector<16xi32>, vector<16xi32>], vector<16xf32>,
          %gather3A_715 = tpu.vector_load_idx %arg10[%add3A_69, %broadcast_in_dim3A_713] : memref<80x128xf32, #tpu.memory_space<vmem>>[vector<16xi32>, vector<16xi32>], vector<16xf32>,
          %mul3A_716 = arith.mulf %gather3A_714, %gather3A_715 : vector<16xf32>
          %add3A_717 = arith.addf %add3A_711, %mul3A_716 : vector<16xf32>
          %broadcast_in_dim3A_718 = arith.constant 108 : i32
          %broadcast_in_dim3A_719 = vector.broadcast %broadcast_in_dim3A_718 : i32 to vector<16xi32>
          %gather3A_720 = tpu.vector_load_idx %arg8[%add3A_69, %broadcast_in_dim3A_719] : memref<80x128xf32, #tpu.memory_space<vmem>>[vector<16xi32>, vector<16xi32>], vector<16xf32>,
          %gather3A_721 = tpu.vector_load_idx %arg10[%add3A_69, %broadcast_in_dim3A_719] : memref<80x128xf32, #tpu.memory_space<vmem>>[vector<16xi32>, vector<16xi32>], vector<16xf32>,
          %mul3A_722 = arith.mulf %gather3A_720, %gather3A_721 : vector<16xf32>
          %add3A_723 = arith.addf %add3A_717, %mul3A_722 : vector<16xf32>
          %broadcast_in_dim3A_724 = arith.constant 109 : i32
          %broadcast_in_dim3A_725 = vector.broadcast %broadcast_in_dim3A_724 : i32 to vector<16xi32>
          %gather3A_726 = tpu.vector_load_idx %arg8[%add3A_69, %broadcast_in_dim3A_725] : memref<80x128xf32, #tpu.memory_space<vmem>>[vector<16xi32>, vector<16xi32>], vector<16xf32>,
          %gather3A_727 = tpu.vector_load_idx %arg10[%add3A_69, %broadcast_in_dim3A_725] : memref<80x128xf32, #tpu.memory_space<vmem>>[vector<16xi32>, vector<16xi32>], vector<16xf32>,
          %mul3A_728 = arith.mulf %gather3A_726, %gather3A_727 : vector<16xf32>
          %add3A_729 = arith.addf %add3A_723, %mul3A_728 : vector<16xf32>
          %broadcast_in_dim3A_730 = arith.constant 110 : i32
          %broadcast_in_dim3A_731 = vector.broadcast %broadcast_in_dim3A_730 : i32 to vector<16xi32>
          %gather3A_732 = tpu.vector_load_idx %arg8[%add3A_69, %broadcast_in_dim3A_731] : memref<80x128xf32, #tpu.memory_space<vmem>>[vector<16xi32>, vector<16xi32>], vector<16xf32>,
          %gather3A_733 = tpu.vector_load_idx %arg10[%add3A_69, %broadcast_in_dim3A_731] : memref<80x128xf32, #tpu.memory_space<vmem>>[vector<16xi32>, vector<16xi32>], vector<16xf32>,
          %mul3A_734 = arith.mulf %gather3A_732, %gather3A_733 : vector<16xf32>
          %add3A_735 = arith.addf %add3A_729, %mul3A_734 : vector<16xf32>
          %broadcast_in_dim3A_736 = arith.constant 111 : i32
          %broadcast_in_dim3A_737 = vector.broadcast %broadcast_in_dim3A_736 : i32 to vector<16xi32>
          %gather3A_738 = tpu.vector_load_idx %arg8[%add3A_69, %broadcast_in_dim3A_737] : memref<80x128xf32, #tpu.memory_space<vmem>>[vector<16xi32>, vector<16xi32>], vector<16xf32>,
          %gather3A_739 = tpu.vector_load_idx %arg10[%add3A_69, %broadcast_in_dim3A_737] : memref<80x128xf32, #tpu.memory_space<vmem>>[vector<16xi32>, vector<16xi32>], vector<16xf32>,
          %mul3A_740 = arith.mulf %gather3A_738, %gather3A_739 : vector<16xf32>
          %add3A_741 = arith.addf %add3A_735, %mul3A_740 : vector<16xf32>
          %broadcast_in_dim3A_742 = arith.constant 112 : i32
          %broadcast_in_dim3A_743 = vector.broadcast %broadcast_in_dim3A_742 : i32 to vector<16xi32>
          %gather3A_744 = tpu.vector_load_idx %arg8[%add3A_69, %broadcast_in_dim3A_743] : memref<80x128xf32, #tpu.memory_space<vmem>>[vector<16xi32>, vector<16xi32>], vector<16xf32>,
          %gather3A_745 = tpu.vector_load_idx %arg10[%add3A_69, %broadcast_in_dim3A_743] : memref<80x128xf32, #tpu.memory_space<vmem>>[vector<16xi32>, vector<16xi32>], vector<16xf32>,
          %mul3A_746 = arith.mulf %gather3A_744, %gather3A_745 : vector<16xf32>
          %add3A_747 = arith.addf %add3A_741, %mul3A_746 : vector<16xf32>
          %broadcast_in_dim3A_748 = arith.constant 113 : i32
          %broadcast_in_dim3A_749 = vector.broadcast %broadcast_in_dim3A_748 : i32 to vector<16xi32>
          %gather3A_750 = tpu.vector_load_idx %arg8[%add3A_69, %broadcast_in_dim3A_749] : memref<80x128xf32, #tpu.memory_space<vmem>>[vector<16xi32>, vector<16xi32>], vector<16xf32>,
          %gather3A_751 = tpu.vector_load_idx %arg10[%add3A_69, %broadcast_in_dim3A_749] : memref<80x128xf32, #tpu.memory_space<vmem>>[vector<16xi32>, vector<16xi32>], vector<16xf32>,
          %mul3A_752 = arith.mulf %gather3A_750, %gather3A_751 : vector<16xf32>
          %add3A_753 = arith.addf %add3A_747, %mul3A_752 : vector<16xf32>
          %broadcast_in_dim3A_754 = arith.constant 114 : i32
          %broadcast_in_dim3A_755 = vector.broadcast %broadcast_in_dim3A_754 : i32 to vector<16xi32>
          %gather3A_756 = tpu.vector_load_idx %arg8[%add3A_69, %broadcast_in_dim3A_755] : memref<80x128xf32, #tpu.memory_space<vmem>>[vector<16xi32>, vector<16xi32>], vector<16xf32>,
          %gather3A_757 = tpu.vector_load_idx %arg10[%add3A_69, %broadcast_in_dim3A_755] : memref<80x128xf32, #tpu.memory_space<vmem>>[vector<16xi32>, vector<16xi32>], vector<16xf32>,
          %mul3A_758 = arith.mulf %gather3A_756, %gather3A_757 : vector<16xf32>
          %add3A_759 = arith.addf %add3A_753, %mul3A_758 : vector<16xf32>
          %broadcast_in_dim3A_760 = arith.constant 115 : i32
          %broadcast_in_dim3A_761 = vector.broadcast %broadcast_in_dim3A_760 : i32 to vector<16xi32>
          %gather3A_762 = tpu.vector_load_idx %arg8[%add3A_69, %broadcast_in_dim3A_761] : memref<80x128xf32, #tpu.memory_space<vmem>>[vector<16xi32>, vector<16xi32>], vector<16xf32>,
          %gather3A_763 = tpu.vector_load_idx %arg10[%add3A_69, %broadcast_in_dim3A_761] : memref<80x128xf32, #tpu.memory_space<vmem>>[vector<16xi32>, vector<16xi32>], vector<16xf32>,
          %mul3A_764 = arith.mulf %gather3A_762, %gather3A_763 : vector<16xf32>
          %add3A_765 = arith.addf %add3A_759, %mul3A_764 : vector<16xf32>
          %broadcast_in_dim3A_766 = arith.constant 116 : i32
          %broadcast_in_dim3A_767 = vector.broadcast %broadcast_in_dim3A_766 : i32 to vector<16xi32>
          %gather3A_768 = tpu.vector_load_idx %arg8[%add3A_69, %broadcast_in_dim3A_767] : memref<80x128xf32, #tpu.memory_space<vmem>>[vector<16xi32>, vector<16xi32>], vector<16xf32>,
          %gather3A_769 = tpu.vector_load_idx %arg10[%add3A_69, %broadcast_in_dim3A_767] : memref<80x128xf32, #tpu.memory_space<vmem>>[vector<16xi32>, vector<16xi32>], vector<16xf32>,
          %mul3A_770 = arith.mulf %gather3A_768, %gather3A_769 : vector<16xf32>
          %add3A_771 = arith.addf %add3A_765, %mul3A_770 : vector<16xf32>
          %broadcast_in_dim3A_772 = arith.constant 117 : i32
          %broadcast_in_dim3A_773 = vector.broadcast %broadcast_in_dim3A_772 : i32 to vector<16xi32>
          %gather3A_774 = tpu.vector_load_idx %arg8[%add3A_69, %broadcast_in_dim3A_773] : memref<80x128xf32, #tpu.memory_space<vmem>>[vector<16xi32>, vector<16xi32>], vector<16xf32>,
          %gather3A_775 = tpu.vector_load_idx %arg10[%add3A_69, %broadcast_in_dim3A_773] : memref<80x128xf32, #tpu.memory_space<vmem>>[vector<16xi32>, vector<16xi32>], vector<16xf32>,
          %mul3A_776 = arith.mulf %gather3A_774, %gather3A_775 : vector<16xf32>
          %add3A_777 = arith.addf %add3A_771, %mul3A_776 : vector<16xf32>
          %broadcast_in_dim3A_778 = arith.constant 118 : i32
          %broadcast_in_dim3A_779 = vector.broadcast %broadcast_in_dim3A_778 : i32 to vector<16xi32>
          %gather3A_780 = tpu.vector_load_idx %arg8[%add3A_69, %broadcast_in_dim3A_779] : memref<80x128xf32, #tpu.memory_space<vmem>>[vector<16xi32>, vector<16xi32>], vector<16xf32>,
          %gather3A_781 = tpu.vector_load_idx %arg10[%add3A_69, %broadcast_in_dim3A_779] : memref<80x128xf32, #tpu.memory_space<vmem>>[vector<16xi32>, vector<16xi32>], vector<16xf32>,
          %mul3A_782 = arith.mulf %gather3A_780, %gather3A_781 : vector<16xf32>
          %add3A_783 = arith.addf %add3A_777, %mul3A_782 : vector<16xf32>
          %broadcast_in_dim3A_784 = arith.constant 119 : i32
          %broadcast_in_dim3A_785 = vector.broadcast %broadcast_in_dim3A_784 : i32 to vector<16xi32>
          %gather3A_786 = tpu.vector_load_idx %arg8[%add3A_69, %broadcast_in_dim3A_785] : memref<80x128xf32, #tpu.memory_space<vmem>>[vector<16xi32>, vector<16xi32>], vector<16xf32>,
          %gather3A_787 = tpu.vector_load_idx %arg10[%add3A_69, %broadcast_in_dim3A_785] : memref<80x128xf32, #tpu.memory_space<vmem>>[vector<16xi32>, vector<16xi32>], vector<16xf32>,
          %mul3A_788 = arith.mulf %gather3A_786, %gather3A_787 : vector<16xf32>
          %add3A_789 = arith.addf %add3A_783, %mul3A_788 : vector<16xf32>
          %broadcast_in_dim3A_790 = arith.constant 120 : i32
          %broadcast_in_dim3A_791 = vector.broadcast %broadcast_in_dim3A_790 : i32 to vector<16xi32>
          %gather3A_792 = tpu.vector_load_idx %arg8[%add3A_69, %broadcast_in_dim3A_791] : memref<80x128xf32, #tpu.memory_space<vmem>>[vector<16xi32>, vector<16xi32>], vector<16xf32>,
          %gather3A_793 = tpu.vector_load_idx %arg10[%add3A_69, %broadcast_in_dim3A_791] : memref<80x128xf32, #tpu.memory_space<vmem>>[vector<16xi32>, vector<16xi32>], vector<16xf32>,
          %mul3A_794 = arith.mulf %gather3A_792, %gather3A_793 : vector<16xf32>
          %add3A_795 = arith.addf %add3A_789, %mul3A_794 : vector<16xf32>
          %broadcast_in_dim3A_796 = arith.constant 121 : i32
          %broadcast_in_dim3A_797 = vector.broadcast %broadcast_in_dim3A_796 : i32 to vector<16xi32>
          %gather3A_798 = tpu.vector_load_idx %arg8[%add3A_69, %broadcast_in_dim3A_797] : memref<80x128xf32, #tpu.memory_space<vmem>>[vector<16xi32>, vector<16xi32>], vector<16xf32>,
          %gather3A_799 = tpu.vector_load_idx %arg10[%add3A_69, %broadcast_in_dim3A_797] : memref<80x128xf32, #tpu.memory_space<vmem>>[vector<16xi32>, vector<16xi32>], vector<16xf32>,
          %mul3A_800 = arith.mulf %gather3A_798, %gather3A_799 : vector<16xf32>
          %add3A_801 = arith.addf %add3A_795, %mul3A_800 : vector<16xf32>
          %broadcast_in_dim3A_802 = arith.constant 122 : i32
          %broadcast_in_dim3A_803 = vector.broadcast %broadcast_in_dim3A_802 : i32 to vector<16xi32>
          %gather3A_804 = tpu.vector_load_idx %arg8[%add3A_69, %broadcast_in_dim3A_803] : memref<80x128xf32, #tpu.memory_space<vmem>>[vector<16xi32>, vector<16xi32>], vector<16xf32>,
          %gather3A_805 = tpu.vector_load_idx %arg10[%add3A_69, %broadcast_in_dim3A_803] : memref<80x128xf32, #tpu.memory_space<vmem>>[vector<16xi32>, vector<16xi32>], vector<16xf32>,
          %mul3A_806 = arith.mulf %gather3A_804, %gather3A_805 : vector<16xf32>
          %add3A_807 = arith.addf %add3A_801, %mul3A_806 : vector<16xf32>
          %broadcast_in_dim3A_808 = arith.constant 123 : i32
          %broadcast_in_dim3A_809 = vector.broadcast %broadcast_in_dim3A_808 : i32 to vector<16xi32>
          %gather3A_810 = tpu.vector_load_idx %arg8[%add3A_69, %broadcast_in_dim3A_809] : memref<80x128xf32, #tpu.memory_space<vmem>>[vector<16xi32>, vector<16xi32>], vector<16xf32>,
          %gather3A_811 = tpu.vector_load_idx %arg10[%add3A_69, %broadcast_in_dim3A_809] : memref<80x128xf32, #tpu.memory_space<vmem>>[vector<16xi32>, vector<16xi32>], vector<16xf32>,
          %mul3A_812 = arith.mulf %gather3A_810, %gather3A_811 : vector<16xf32>
          %add3A_813 = arith.addf %add3A_807, %mul3A_812 : vector<16xf32>
          %broadcast_in_dim3A_814 = arith.constant 124 : i32
          %broadcast_in_dim3A_815 = vector.broadcast %broadcast_in_dim3A_814 : i32 to vector<16xi32>
          %gather3A_816 = tpu.vector_load_idx %arg8[%add3A_69, %broadcast_in_dim3A_815] : memref<80x128xf32, #tpu.memory_space<vmem>>[vector<16xi32>, vector<16xi32>], vector<16xf32>,
          %gather3A_817 = tpu.vector_load_idx %arg10[%add3A_69, %broadcast_in_dim3A_815] : memref<80x128xf32, #tpu.memory_space<vmem>>[vector<16xi32>, vector<16xi32>], vector<16xf32>,
          %mul3A_818 = arith.mulf %gather3A_816, %gather3A_817 : vector<16xf32>
          %add3A_819 = arith.addf %add3A_813, %mul3A_818 : vector<16xf32>
          %broadcast_in_dim3A_820 = arith.constant 125 : i32
          %broadcast_in_dim3A_821 = vector.broadcast %broadcast_in_dim3A_820 : i32 to vector<16xi32>
          %gather3A_822 = tpu.vector_load_idx %arg8[%add3A_69, %broadcast_in_dim3A_821] : memref<80x128xf32, #tpu.memory_space<vmem>>[vector<16xi32>, vector<16xi32>], vector<16xf32>,
          %gather3A_823 = tpu.vector_load_idx %arg10[%add3A_69, %broadcast_in_dim3A_821] : memref<80x128xf32, #tpu.memory_space<vmem>>[vector<16xi32>, vector<16xi32>], vector<16xf32>,
          %mul3A_824 = arith.mulf %gather3A_822, %gather3A_823 : vector<16xf32>
          %add3A_825 = arith.addf %add3A_819, %mul3A_824 : vector<16xf32>
          %broadcast_in_dim3A_826 = arith.constant 126 : i32
          %broadcast_in_dim3A_827 = vector.broadcast %broadcast_in_dim3A_826 : i32 to vector<16xi32>
          %gather3A_828 = tpu.vector_load_idx %arg8[%add3A_69, %broadcast_in_dim3A_827] : memref<80x128xf32, #tpu.memory_space<vmem>>[vector<16xi32>, vector<16xi32>], vector<16xf32>,
          %gather3A_829 = tpu.vector_load_idx %arg10[%add3A_69, %broadcast_in_dim3A_827] : memref<80x128xf32, #tpu.memory_space<vmem>>[vector<16xi32>, vector<16xi32>], vector<16xf32>,
          %mul3A_830 = arith.mulf %gather3A_828, %gather3A_829 : vector<16xf32>
          %add3A_831 = arith.addf %add3A_825, %mul3A_830 : vector<16xf32>
          %broadcast_in_dim3A_832 = arith.constant 127 : i32
          %broadcast_in_dim3A_833 = vector.broadcast %broadcast_in_dim3A_832 : i32 to vector<16xi32>
          %gather3A_834 = tpu.vector_load_idx %arg8[%add3A_69, %broadcast_in_dim3A_833] : memref<80x128xf32, #tpu.memory_space<vmem>>[vector<16xi32>, vector<16xi32>], vector<16xf32>,
          %gather3A_835 = tpu.vector_load_idx %arg10[%add3A_69, %broadcast_in_dim3A_833] : memref<80x128xf32, #tpu.memory_space<vmem>>[vector<16xi32>, vector<16xi32>], vector<16xf32>,
          %mul3A_836 = arith.mulf %gather3A_834, %gather3A_835 : vector<16xf32>
          %add3A_837 = arith.addf %add3A_831, %mul3A_836 : vector<16xf32>
          %mul3A_838 = arith.constant 80 : i32
          %mul3A_839 = arith.muli %add3A_31, %mul3A_838 : i32
          %mul3A_840 = arith.constant 16 : i32
          %mul3A_841 = arith.muli %scan3A_65, %mul3A_840 : i32
          %add3A_842 = arith.addi %mul3A_839, %mul3A_841 : i32
          %swap3A = arith.index_cast %add3A_842 : i32 to index
          %swap3A_843 = tpu.vector_load %arg12[%swap3A] {strides = array<i32>} : memref<10000xf32, #tpu.memory_space<vmem>>, vector<16xf32>,
          tpu.vector_store %arg12[%swap3A], %add3A_837 {strides = array<i32>} : memref<10000xf32, #tpu.memory_space<vmem>>, vector<16xf32>,
        }
        %scan3A_57 = arith.constant 5 : i32
        %add3A_58 = arith.constant 2 : i32
        %add3A_59 = arith.addi %add3A_31, %add3A_58 : i32
        %lt3A_60 = arith.constant 125 : i32
        %lt3A_61 = arith.cmpi slt, %add3A_59, %lt3A_60 : i32
        %convert_element_type3A_62 = arith.extui %lt3A_61 : i1 to i32
        %cond3A_63 = arith.constant 0 : i32
        %cond3A_64 = arith.cmpi ne, %convert_element_type3A_62, %cond3A_63 : i32
        scf.if %cond3A_64 {
          %add3A_65 = arith.constant 2 : i32
          %add3A_66 = arith.addi %add3A_31, %add3A_65 : i32
          %mul3A_67 = arith.constant 80 : i32
          %mul3A_68 = arith.muli %add3A_66, %mul3A_67 : i32
          %dma_start3A_69 = tpu.memref_slice %arg6[%mul3A_68] : memref<10000xi32, #tpu.memory_space<vmem>> -> memref<80xi32, #tpu.memory_space<vmem>>
          %dma_start3A_70 = arith.constant 0 : i32
          %dma_start3A_71 = arith.constant 0 : i32
          %dma_start3A_72 = tpu.memref_slice %arg2[%dma_start3A_70, %dma_start3A_71] : memref<10000x128xf32, #tpu.memory_space<hbm>> -> memref<10000x128xf32, #tpu.memory_space<hbm>>
          tpu.enqueue_indirect_dma source(%dma_start3A_72 : memref<10000x128xf32, #tpu.memory_space<hbm>>) target(%arg8 : memref<80x128xf32, #tpu.memory_space<vmem>>) offsets(%dma_start3A_69 : memref<80xi32, #tpu.memory_space<vmem>>) semaphore(%arg13 : memref<!tpu.dma_semaphore, #tpu.memory_space<semaphore_mem>>)
          %mul3A_73 = arith.constant 80 : i32
          %mul3A_74 = arith.muli %add3A_66, %mul3A_73 : i32
          %dma_start3A_75 = tpu.memref_slice %arg7[%mul3A_74] : memref<10000xi32, #tpu.memory_space<vmem>> -> memref<80xi32, #tpu.memory_space<vmem>>
          %dma_start3A_76 = arith.constant 0 : i32
          %dma_start3A_77 = arith.constant 0 : i32
          %dma_start3A_78 = tpu.memref_slice %arg2[%dma_start3A_76, %dma_start3A_77] : memref<10000x128xf32, #tpu.memory_space<hbm>> -> memref<10000x128xf32, #tpu.memory_space<hbm>>
          tpu.enqueue_indirect_dma source(%dma_start3A_78 : memref<10000x128xf32, #tpu.memory_space<hbm>>) target(%arg10 : memref<80x128xf32, #tpu.memory_space<vmem>>) offsets(%dma_start3A_75 : memref<80xi32, #tpu.memory_space<vmem>>) semaphore(%arg15 : memref<!tpu.dma_semaphore, #tpu.memory_space<semaphore_mem>>)
        } else {
        }
      } else {
      }
      %mul3A_34 = arith.constant 2 : i32
      %mul3A_35 = arith.muli %scan3A_27, %mul3A_34 : i32
      %add3A_36 = arith.constant 1 : i32
      %add3A_37 = arith.addi %mul3A_35, %add3A_36 : i32
      %lt3A_38 = arith.constant 125 : i32
      %lt3A_39 = arith.cmpi slt, %add3A_37, %lt3A_38 : i32
      %convert_element_type3A_40 = arith.extui %lt3A_39 : i1 to i32
      %cond3A_41 = arith.constant 0 : i32
      %cond3A_42 = arith.cmpi ne, %convert_element_type3A_40, %cond3A_41 : i32
      scf.if %cond3A_42 {
        %dma_wait3A = arith.constant 0 : i32
        %dma_wait3A_43 = tpu.memref_slice %arg6[%dma_wait3A] : memref<10000xi32, #tpu.memory_space<vmem>> -> memref<80xi32, #tpu.memory_space<vmem>>
        %dma_wait3A_44 = arith.constant 0 : i32
        %dma_wait3A_45 = arith.constant 0 : i32
        %dma_wait3A_46 = tpu.memref_slice %arg2[%dma_wait3A_44, %dma_wait3A_45] : memref<10000x128xf32, #tpu.memory_space<hbm>> -> memref<10000x128xf32, #tpu.memory_space<hbm>>
        tpu.wait_indirect_dma semaphore(%arg14 : memref<!tpu.dma_semaphore, #tpu.memory_space<semaphore_mem>>) src(%dma_wait3A_46 : memref<10000x128xf32, #tpu.memory_space<hbm>>) dst(%arg9 : memref<80x128xf32, #tpu.memory_space<vmem>>)
        %dma_wait3A_47 = arith.constant 0 : i32
        %dma_wait3A_48 = tpu.memref_slice %arg7[%dma_wait3A_47] : memref<10000xi32, #tpu.memory_space<vmem>> -> memref<80xi32, #tpu.memory_space<vmem>>
        %dma_wait3A_49 = arith.constant 0 : i32
        %dma_wait3A_50 = arith.constant 0 : i32
        %dma_wait3A_51 = tpu.memref_slice %arg2[%dma_wait3A_49, %dma_wait3A_50] : memref<10000x128xf32, #tpu.memory_space<hbm>> -> memref<10000x128xf32, #tpu.memory_space<hbm>>
        tpu.wait_indirect_dma semaphore(%arg16 : memref<!tpu.dma_semaphore, #tpu.memory_space<semaphore_mem>>) src(%dma_wait3A_51 : memref<10000x128xf32, #tpu.memory_space<hbm>>) dst(%arg11 : memref<80x128xf32, #tpu.memory_space<vmem>>)
        %scan3A_52 = arith.constant 0 : i32
        %scan3A_53 = arith.constant 0 : i32
        %scan3A_54 = arith.constant 5 : i32
        %scan3A_55 = arith.addi %scan3A_53, %scan3A_54 : i32
        %scan3A_56 = arith.constant 1 : i32
        scf.for %scan3A_65 = %scan3A_53 to %scan3A_55 step %scan3A_56  : i32 {
          %iota3A = tpu.iota {dimensions = array<i32: 0>} : vector<16xi32>
          %mul3A_66 = arith.constant 16 : i32
          %mul3A_67 = arith.muli %scan3A_65, %mul3A_66 : i32
          %add3A_68 = vector.broadcast %mul3A_67 : i32 to vector<16xi32>
          %add3A_69 = arith.addi %iota3A, %add3A_68 : vector<16xi32>
          %broadcast_in_dim3A = arith.constant 0.000000e+00 : f32
          %broadcast_in_dim3A_70 = vector.broadcast %broadcast_in_dim3A : f32 to vector<16xf32>
          %broadcast_in_dim3A_71 = arith.constant 0 : i32
          %broadcast_in_dim3A_72 = vector.broadcast %broadcast_in_dim3A_71 : i32 to vector<16xi32>
          %gather3A = tpu.vector_load_idx %arg9[%add3A_69, %broadcast_in_dim3A_72] : memref<80x128xf32, #tpu.memory_space<vmem>>[vector<16xi32>, vector<16xi32>], vector<16xf32>,
          %gather3A_73 = tpu.vector_load_idx %arg11[%add3A_69, %broadcast_in_dim3A_72] : memref<80x128xf32, #tpu.memory_space<vmem>>[vector<16xi32>, vector<16xi32>], vector<16xf32>,
          %mul3A_74 = arith.mulf %gather3A, %gather3A_73 : vector<16xf32>
          %add3A_75 = arith.addf %broadcast_in_dim3A_70, %mul3A_74 : vector<16xf32>
          %broadcast_in_dim3A_76 = arith.constant 1 : i32
          %broadcast_in_dim3A_77 = vector.broadcast %broadcast_in_dim3A_76 : i32 to vector<16xi32>
          %gather3A_78 = tpu.vector_load_idx %arg9[%add3A_69, %broadcast_in_dim3A_77] : memref<80x128xf32, #tpu.memory_space<vmem>>[vector<16xi32>, vector<16xi32>], vector<16xf32>,
          %gather3A_79 = tpu.vector_load_idx %arg11[%add3A_69, %broadcast_in_dim3A_77] : memref<80x128xf32, #tpu.memory_space<vmem>>[vector<16xi32>, vector<16xi32>], vector<16xf32>,
          %mul3A_80 = arith.mulf %gather3A_78, %gather3A_79 : vector<16xf32>
          %add3A_81 = arith.addf %add3A_75, %mul3A_80 : vector<16xf32>
          %broadcast_in_dim3A_82 = arith.constant 2 : i32
          %broadcast_in_dim3A_83 = vector.broadcast %broadcast_in_dim3A_82 : i32 to vector<16xi32>
          %gather3A_84 = tpu.vector_load_idx %arg9[%add3A_69, %broadcast_in_dim3A_83] : memref<80x128xf32, #tpu.memory_space<vmem>>[vector<16xi32>, vector<16xi32>], vector<16xf32>,
          %gather3A_85 = tpu.vector_load_idx %arg11[%add3A_69, %broadcast_in_dim3A_83] : memref<80x128xf32, #tpu.memory_space<vmem>>[vector<16xi32>, vector<16xi32>], vector<16xf32>,
          %mul3A_86 = arith.mulf %gather3A_84, %gather3A_85 : vector<16xf32>
          %add3A_87 = arith.addf %add3A_81, %mul3A_86 : vector<16xf32>
          %broadcast_in_dim3A_88 = arith.constant 3 : i32
          %broadcast_in_dim3A_89 = vector.broadcast %broadcast_in_dim3A_88 : i32 to vector<16xi32>
          %gather3A_90 = tpu.vector_load_idx %arg9[%add3A_69, %broadcast_in_dim3A_89] : memref<80x128xf32, #tpu.memory_space<vmem>>[vector<16xi32>, vector<16xi32>], vector<16xf32>,
          %gather3A_91 = tpu.vector_load_idx %arg11[%add3A_69, %broadcast_in_dim3A_89] : memref<80x128xf32, #tpu.memory_space<vmem>>[vector<16xi32>, vector<16xi32>], vector<16xf32>,
          %mul3A_92 = arith.mulf %gather3A_90, %gather3A_91 : vector<16xf32>
          %add3A_93 = arith.addf %add3A_87, %mul3A_92 : vector<16xf32>
          %broadcast_in_dim3A_94 = arith.constant 4 : i32
          %broadcast_in_dim3A_95 = vector.broadcast %broadcast_in_dim3A_94 : i32 to vector<16xi32>
          %gather3A_96 = tpu.vector_load_idx %arg9[%add3A_69, %broadcast_in_dim3A_95] : memref<80x128xf32, #tpu.memory_space<vmem>>[vector<16xi32>, vector<16xi32>], vector<16xf32>,
          %gather3A_97 = tpu.vector_load_idx %arg11[%add3A_69, %broadcast_in_dim3A_95] : memref<80x128xf32, #tpu.memory_space<vmem>>[vector<16xi32>, vector<16xi32>], vector<16xf32>,
          %mul3A_98 = arith.mulf %gather3A_96, %gather3A_97 : vector<16xf32>
          %add3A_99 = arith.addf %add3A_93, %mul3A_98 : vector<16xf32>
          %broadcast_in_dim3A_100 = arith.constant 5 : i32
          %broadcast_in_dim3A_101 = vector.broadcast %broadcast_in_dim3A_100 : i32 to vector<16xi32>
          %gather3A_102 = tpu.vector_load_idx %arg9[%add3A_69, %broadcast_in_dim3A_101] : memref<80x128xf32, #tpu.memory_space<vmem>>[vector<16xi32>, vector<16xi32>], vector<16xf32>,
          %gather3A_103 = tpu.vector_load_idx %arg11[%add3A_69, %broadcast_in_dim3A_101] : memref<80x128xf32, #tpu.memory_space<vmem>>[vector<16xi32>, vector<16xi32>], vector<16xf32>,
          %mul3A_104 = arith.mulf %gather3A_102, %gather3A_103 : vector<16xf32>
          %add3A_105 = arith.addf %add3A_99, %mul3A_104 : vector<16xf32>
          %broadcast_in_dim3A_106 = arith.constant 6 : i32
          %broadcast_in_dim3A_107 = vector.broadcast %broadcast_in_dim3A_106 : i32 to vector<16xi32>
          %gather3A_108 = tpu.vector_load_idx %arg9[%add3A_69, %broadcast_in_dim3A_107] : memref<80x128xf32, #tpu.memory_space<vmem>>[vector<16xi32>, vector<16xi32>], vector<16xf32>,
          %gather3A_109 = tpu.vector_load_idx %arg11[%add3A_69, %broadcast_in_dim3A_107] : memref<80x128xf32, #tpu.memory_space<vmem>>[vector<16xi32>, vector<16xi32>], vector<16xf32>,
          %mul3A_110 = arith.mulf %gather3A_108, %gather3A_109 : vector<16xf32>
          %add3A_111 = arith.addf %add3A_105, %mul3A_110 : vector<16xf32>
          %broadcast_in_dim3A_112 = arith.constant 7 : i32
          %broadcast_in_dim3A_113 = vector.broadcast %broadcast_in_dim3A_112 : i32 to vector<16xi32>
          %gather3A_114 = tpu.vector_load_idx %arg9[%add3A_69, %broadcast_in_dim3A_113] : memref<80x128xf32, #tpu.memory_space<vmem>>[vector<16xi32>, vector<16xi32>], vector<16xf32>,
          %gather3A_115 = tpu.vector_load_idx %arg11[%add3A_69, %broadcast_in_dim3A_113] : memref<80x128xf32, #tpu.memory_space<vmem>>[vector<16xi32>, vector<16xi32>], vector<16xf32>,
          %mul3A_116 = arith.mulf %gather3A_114, %gather3A_115 : vector<16xf32>
          %add3A_117 = arith.addf %add3A_111, %mul3A_116 : vector<16xf32>
          %broadcast_in_dim3A_118 = arith.constant 8 : i32
          %broadcast_in_dim3A_119 = vector.broadcast %broadcast_in_dim3A_118 : i32 to vector<16xi32>
          %gather3A_120 = tpu.vector_load_idx %arg9[%add3A_69, %broadcast_in_dim3A_119] : memref<80x128xf32, #tpu.memory_space<vmem>>[vector<16xi32>, vector<16xi32>], vector<16xf32>,
          %gather3A_121 = tpu.vector_load_idx %arg11[%add3A_69, %broadcast_in_dim3A_119] : memref<80x128xf32, #tpu.memory_space<vmem>>[vector<16xi32>, vector<16xi32>], vector<16xf32>,
          %mul3A_122 = arith.mulf %gather3A_120, %gather3A_121 : vector<16xf32>
          %add3A_123 = arith.addf %add3A_117, %mul3A_122 : vector<16xf32>
          %broadcast_in_dim3A_124 = arith.constant 9 : i32
          %broadcast_in_dim3A_125 = vector.broadcast %broadcast_in_dim3A_124 : i32 to vector<16xi32>
          %gather3A_126 = tpu.vector_load_idx %arg9[%add3A_69, %broadcast_in_dim3A_125] : memref<80x128xf32, #tpu.memory_space<vmem>>[vector<16xi32>, vector<16xi32>], vector<16xf32>,
          %gather3A_127 = tpu.vector_load_idx %arg11[%add3A_69, %broadcast_in_dim3A_125] : memref<80x128xf32, #tpu.memory_space<vmem>>[vector<16xi32>, vector<16xi32>], vector<16xf32>,
          %mul3A_128 = arith.mulf %gather3A_126, %gather3A_127 : vector<16xf32>
          %add3A_129 = arith.addf %add3A_123, %mul3A_128 : vector<16xf32>
          %broadcast_in_dim3A_130 = arith.constant 10 : i32
          %broadcast_in_dim3A_131 = vector.broadcast %broadcast_in_dim3A_130 : i32 to vector<16xi32>
          %gather3A_132 = tpu.vector_load_idx %arg9[%add3A_69, %broadcast_in_dim3A_131] : memref<80x128xf32, #tpu.memory_space<vmem>>[vector<16xi32>, vector<16xi32>], vector<16xf32>,
          %gather3A_133 = tpu.vector_load_idx %arg11[%add3A_69, %broadcast_in_dim3A_131] : memref<80x128xf32, #tpu.memory_space<vmem>>[vector<16xi32>, vector<16xi32>], vector<16xf32>,
          %mul3A_134 = arith.mulf %gather3A_132, %gather3A_133 : vector<16xf32>
          %add3A_135 = arith.addf %add3A_129, %mul3A_134 : vector<16xf32>
          %broadcast_in_dim3A_136 = arith.constant 11 : i32
          %broadcast_in_dim3A_137 = vector.broadcast %broadcast_in_dim3A_136 : i32 to vector<16xi32>
          %gather3A_138 = tpu.vector_load_idx %arg9[%add3A_69, %broadcast_in_dim3A_137] : memref<80x128xf32, #tpu.memory_space<vmem>>[vector<16xi32>, vector<16xi32>], vector<16xf32>,
          %gather3A_139 = tpu.vector_load_idx %arg11[%add3A_69, %broadcast_in_dim3A_137] : memref<80x128xf32, #tpu.memory_space<vmem>>[vector<16xi32>, vector<16xi32>], vector<16xf32>,
          %mul3A_140 = arith.mulf %gather3A_138, %gather3A_139 : vector<16xf32>
          %add3A_141 = arith.addf %add3A_135, %mul3A_140 : vector<16xf32>
          %broadcast_in_dim3A_142 = arith.constant 12 : i32
          %broadcast_in_dim3A_143 = vector.broadcast %broadcast_in_dim3A_142 : i32 to vector<16xi32>
          %gather3A_144 = tpu.vector_load_idx %arg9[%add3A_69, %broadcast_in_dim3A_143] : memref<80x128xf32, #tpu.memory_space<vmem>>[vector<16xi32>, vector<16xi32>], vector<16xf32>,
          %gather3A_145 = tpu.vector_load_idx %arg11[%add3A_69, %broadcast_in_dim3A_143] : memref<80x128xf32, #tpu.memory_space<vmem>>[vector<16xi32>, vector<16xi32>], vector<16xf32>,
          %mul3A_146 = arith.mulf %gather3A_144, %gather3A_145 : vector<16xf32>
          %add3A_147 = arith.addf %add3A_141, %mul3A_146 : vector<16xf32>
          %broadcast_in_dim3A_148 = arith.constant 13 : i32
          %broadcast_in_dim3A_149 = vector.broadcast %broadcast_in_dim3A_148 : i32 to vector<16xi32>
          %gather3A_150 = tpu.vector_load_idx %arg9[%add3A_69, %broadcast_in_dim3A_149] : memref<80x128xf32, #tpu.memory_space<vmem>>[vector<16xi32>, vector<16xi32>], vector<16xf32>,
          %gather3A_151 = tpu.vector_load_idx %arg11[%add3A_69, %broadcast_in_dim3A_149] : memref<80x128xf32, #tpu.memory_space<vmem>>[vector<16xi32>, vector<16xi32>], vector<16xf32>,
          %mul3A_152 = arith.mulf %gather3A_150, %gather3A_151 : vector<16xf32>
          %add3A_153 = arith.addf %add3A_147, %mul3A_152 : vector<16xf32>
          %broadcast_in_dim3A_154 = arith.constant 14 : i32
          %broadcast_in_dim3A_155 = vector.broadcast %broadcast_in_dim3A_154 : i32 to vector<16xi32>
          %gather3A_156 = tpu.vector_load_idx %arg9[%add3A_69, %broadcast_in_dim3A_155] : memref<80x128xf32, #tpu.memory_space<vmem>>[vector<16xi32>, vector<16xi32>], vector<16xf32>,
          %gather3A_157 = tpu.vector_load_idx %arg11[%add3A_69, %broadcast_in_dim3A_155] : memref<80x128xf32, #tpu.memory_space<vmem>>[vector<16xi32>, vector<16xi32>], vector<16xf32>,
          %mul3A_158 = arith.mulf %gather3A_156, %gather3A_157 : vector<16xf32>
          %add3A_159 = arith.addf %add3A_153, %mul3A_158 : vector<16xf32>
          %broadcast_in_dim3A_160 = arith.constant 15 : i32
          %broadcast_in_dim3A_161 = vector.broadcast %broadcast_in_dim3A_160 : i32 to vector<16xi32>
          %gather3A_162 = tpu.vector_load_idx %arg9[%add3A_69, %broadcast_in_dim3A_161] : memref<80x128xf32, #tpu.memory_space<vmem>>[vector<16xi32>, vector<16xi32>], vector<16xf32>,
          %gather3A_163 = tpu.vector_load_idx %arg11[%add3A_69, %broadcast_in_dim3A_161] : memref<80x128xf32, #tpu.memory_space<vmem>>[vector<16xi32>, vector<16xi32>], vector<16xf32>,
          %mul3A_164 = arith.mulf %gather3A_162, %gather3A_163 : vector<16xf32>
          %add3A_165 = arith.addf %add3A_159, %mul3A_164 : vector<16xf32>
          %broadcast_in_dim3A_166 = arith.constant 16 : i32
          %broadcast_in_dim3A_167 = vector.broadcast %broadcast_in_dim3A_166 : i32 to vector<16xi32>
          %gather3A_168 = tpu.vector_load_idx %arg9[%add3A_69, %broadcast_in_dim3A_167] : memref<80x128xf32, #tpu.memory_space<vmem>>[vector<16xi32>, vector<16xi32>], vector<16xf32>,
          %gather3A_169 = tpu.vector_load_idx %arg11[%add3A_69, %broadcast_in_dim3A_167] : memref<80x128xf32, #tpu.memory_space<vmem>>[vector<16xi32>, vector<16xi32>], vector<16xf32>,
          %mul3A_170 = arith.mulf %gather3A_168, %gather3A_169 : vector<16xf32>
          %add3A_171 = arith.addf %add3A_165, %mul3A_170 : vector<16xf32>
          %broadcast_in_dim3A_172 = arith.constant 17 : i32
          %broadcast_in_dim3A_173 = vector.broadcast %broadcast_in_dim3A_172 : i32 to vector<16xi32>
          %gather3A_174 = tpu.vector_load_idx %arg9[%add3A_69, %broadcast_in_dim3A_173] : memref<80x128xf32, #tpu.memory_space<vmem>>[vector<16xi32>, vector<16xi32>], vector<16xf32>,
          %gather3A_175 = tpu.vector_load_idx %arg11[%add3A_69, %broadcast_in_dim3A_173] : memref<80x128xf32, #tpu.memory_space<vmem>>[vector<16xi32>, vector<16xi32>], vector<16xf32>,
          %mul3A_176 = arith.mulf %gather3A_174, %gather3A_175 : vector<16xf32>
          %add3A_177 = arith.addf %add3A_171, %mul3A_176 : vector<16xf32>
          %broadcast_in_dim3A_178 = arith.constant 18 : i32
          %broadcast_in_dim3A_179 = vector.broadcast %broadcast_in_dim3A_178 : i32 to vector<16xi32>
          %gather3A_180 = tpu.vector_load_idx %arg9[%add3A_69, %broadcast_in_dim3A_179] : memref<80x128xf32, #tpu.memory_space<vmem>>[vector<16xi32>, vector<16xi32>], vector<16xf32>,
          %gather3A_181 = tpu.vector_load_idx %arg11[%add3A_69, %broadcast_in_dim3A_179] : memref<80x128xf32, #tpu.memory_space<vmem>>[vector<16xi32>, vector<16xi32>], vector<16xf32>,
          %mul3A_182 = arith.mulf %gather3A_180, %gather3A_181 : vector<16xf32>
          %add3A_183 = arith.addf %add3A_177, %mul3A_182 : vector<16xf32>
          %broadcast_in_dim3A_184 = arith.constant 19 : i32
          %broadcast_in_dim3A_185 = vector.broadcast %broadcast_in_dim3A_184 : i32 to vector<16xi32>
          %gather3A_186 = tpu.vector_load_idx %arg9[%add3A_69, %broadcast_in_dim3A_185] : memref<80x128xf32, #tpu.memory_space<vmem>>[vector<16xi32>, vector<16xi32>], vector<16xf32>,
          %gather3A_187 = tpu.vector_load_idx %arg11[%add3A_69, %broadcast_in_dim3A_185] : memref<80x128xf32, #tpu.memory_space<vmem>>[vector<16xi32>, vector<16xi32>], vector<16xf32>,
          %mul3A_188 = arith.mulf %gather3A_186, %gather3A_187 : vector<16xf32>
          %add3A_189 = arith.addf %add3A_183, %mul3A_188 : vector<16xf32>
          %broadcast_in_dim3A_190 = arith.constant 20 : i32
          %broadcast_in_dim3A_191 = vector.broadcast %broadcast_in_dim3A_190 : i32 to vector<16xi32>
          %gather3A_192 = tpu.vector_load_idx %arg9[%add3A_69, %broadcast_in_dim3A_191] : memref<80x128xf32, #tpu.memory_space<vmem>>[vector<16xi32>, vector<16xi32>], vector<16xf32>,
          %gather3A_193 = tpu.vector_load_idx %arg11[%add3A_69, %broadcast_in_dim3A_191] : memref<80x128xf32, #tpu.memory_space<vmem>>[vector<16xi32>, vector<16xi32>], vector<16xf32>,
          %mul3A_194 = arith.mulf %gather3A_192, %gather3A_193 : vector<16xf32>
          %add3A_195 = arith.addf %add3A_189, %mul3A_194 : vector<16xf32>
          %broadcast_in_dim3A_196 = arith.constant 21 : i32
          %broadcast_in_dim3A_197 = vector.broadcast %broadcast_in_dim3A_196 : i32 to vector<16xi32>
          %gather3A_198 = tpu.vector_load_idx %arg9[%add3A_69, %broadcast_in_dim3A_197] : memref<80x128xf32, #tpu.memory_space<vmem>>[vector<16xi32>, vector<16xi32>], vector<16xf32>,
          %gather3A_199 = tpu.vector_load_idx %arg11[%add3A_69, %broadcast_in_dim3A_197] : memref<80x128xf32, #tpu.memory_space<vmem>>[vector<16xi32>, vector<16xi32>], vector<16xf32>,
          %mul3A_200 = arith.mulf %gather3A_198, %gather3A_199 : vector<16xf32>
          %add3A_201 = arith.addf %add3A_195, %mul3A_200 : vector<16xf32>
          %broadcast_in_dim3A_202 = arith.constant 22 : i32
          %broadcast_in_dim3A_203 = vector.broadcast %broadcast_in_dim3A_202 : i32 to vector<16xi32>
          %gather3A_204 = tpu.vector_load_idx %arg9[%add3A_69, %broadcast_in_dim3A_203] : memref<80x128xf32, #tpu.memory_space<vmem>>[vector<16xi32>, vector<16xi32>], vector<16xf32>,
          %gather3A_205 = tpu.vector_load_idx %arg11[%add3A_69, %broadcast_in_dim3A_203] : memref<80x128xf32, #tpu.memory_space<vmem>>[vector<16xi32>, vector<16xi32>], vector<16xf32>,
          %mul3A_206 = arith.mulf %gather3A_204, %gather3A_205 : vector<16xf32>
          %add3A_207 = arith.addf %add3A_201, %mul3A_206 : vector<16xf32>
          %broadcast_in_dim3A_208 = arith.constant 23 : i32
          %broadcast_in_dim3A_209 = vector.broadcast %broadcast_in_dim3A_208 : i32 to vector<16xi32>
          %gather3A_210 = tpu.vector_load_idx %arg9[%add3A_69, %broadcast_in_dim3A_209] : memref<80x128xf32, #tpu.memory_space<vmem>>[vector<16xi32>, vector<16xi32>], vector<16xf32>,
          %gather3A_211 = tpu.vector_load_idx %arg11[%add3A_69, %broadcast_in_dim3A_209] : memref<80x128xf32, #tpu.memory_space<vmem>>[vector<16xi32>, vector<16xi32>], vector<16xf32>,
          %mul3A_212 = arith.mulf %gather3A_210, %gather3A_211 : vector<16xf32>
          %add3A_213 = arith.addf %add3A_207, %mul3A_212 : vector<16xf32>
          %broadcast_in_dim3A_214 = arith.constant 24 : i32
          %broadcast_in_dim3A_215 = vector.broadcast %broadcast_in_dim3A_214 : i32 to vector<16xi32>
          %gather3A_216 = tpu.vector_load_idx %arg9[%add3A_69, %broadcast_in_dim3A_215] : memref<80x128xf32, #tpu.memory_space<vmem>>[vector<16xi32>, vector<16xi32>], vector<16xf32>,
          %gather3A_217 = tpu.vector_load_idx %arg11[%add3A_69, %broadcast_in_dim3A_215] : memref<80x128xf32, #tpu.memory_space<vmem>>[vector<16xi32>, vector<16xi32>], vector<16xf32>,
          %mul3A_218 = arith.mulf %gather3A_216, %gather3A_217 : vector<16xf32>
          %add3A_219 = arith.addf %add3A_213, %mul3A_218 : vector<16xf32>
          %broadcast_in_dim3A_220 = arith.constant 25 : i32
          %broadcast_in_dim3A_221 = vector.broadcast %broadcast_in_dim3A_220 : i32 to vector<16xi32>
          %gather3A_222 = tpu.vector_load_idx %arg9[%add3A_69, %broadcast_in_dim3A_221] : memref<80x128xf32, #tpu.memory_space<vmem>>[vector<16xi32>, vector<16xi32>], vector<16xf32>,
          %gather3A_223 = tpu.vector_load_idx %arg11[%add3A_69, %broadcast_in_dim3A_221] : memref<80x128xf32, #tpu.memory_space<vmem>>[vector<16xi32>, vector<16xi32>], vector<16xf32>,
          %mul3A_224 = arith.mulf %gather3A_222, %gather3A_223 : vector<16xf32>
          %add3A_225 = arith.addf %add3A_219, %mul3A_224 : vector<16xf32>
          %broadcast_in_dim3A_226 = arith.constant 26 : i32
          %broadcast_in_dim3A_227 = vector.broadcast %broadcast_in_dim3A_226 : i32 to vector<16xi32>
          %gather3A_228 = tpu.vector_load_idx %arg9[%add3A_69, %broadcast_in_dim3A_227] : memref<80x128xf32, #tpu.memory_space<vmem>>[vector<16xi32>, vector<16xi32>], vector<16xf32>,
          %gather3A_229 = tpu.vector_load_idx %arg11[%add3A_69, %broadcast_in_dim3A_227] : memref<80x128xf32, #tpu.memory_space<vmem>>[vector<16xi32>, vector<16xi32>], vector<16xf32>,
          %mul3A_230 = arith.mulf %gather3A_228, %gather3A_229 : vector<16xf32>
          %add3A_231 = arith.addf %add3A_225, %mul3A_230 : vector<16xf32>
          %broadcast_in_dim3A_232 = arith.constant 27 : i32
          %broadcast_in_dim3A_233 = vector.broadcast %broadcast_in_dim3A_232 : i32 to vector<16xi32>
          %gather3A_234 = tpu.vector_load_idx %arg9[%add3A_69, %broadcast_in_dim3A_233] : memref<80x128xf32, #tpu.memory_space<vmem>>[vector<16xi32>, vector<16xi32>], vector<16xf32>,
          %gather3A_235 = tpu.vector_load_idx %arg11[%add3A_69, %broadcast_in_dim3A_233] : memref<80x128xf32, #tpu.memory_space<vmem>>[vector<16xi32>, vector<16xi32>], vector<16xf32>,
          %mul3A_236 = arith.mulf %gather3A_234, %gather3A_235 : vector<16xf32>
          %add3A_237 = arith.addf %add3A_231, %mul3A_236 : vector<16xf32>
          %broadcast_in_dim3A_238 = arith.constant 28 : i32
          %broadcast_in_dim3A_239 = vector.broadcast %broadcast_in_dim3A_238 : i32 to vector<16xi32>
          %gather3A_240 = tpu.vector_load_idx %arg9[%add3A_69, %broadcast_in_dim3A_239] : memref<80x128xf32, #tpu.memory_space<vmem>>[vector<16xi32>, vector<16xi32>], vector<16xf32>,
          %gather3A_241 = tpu.vector_load_idx %arg11[%add3A_69, %broadcast_in_dim3A_239] : memref<80x128xf32, #tpu.memory_space<vmem>>[vector<16xi32>, vector<16xi32>], vector<16xf32>,
          %mul3A_242 = arith.mulf %gather3A_240, %gather3A_241 : vector<16xf32>
          %add3A_243 = arith.addf %add3A_237, %mul3A_242 : vector<16xf32>
          %broadcast_in_dim3A_244 = arith.constant 29 : i32
          %broadcast_in_dim3A_245 = vector.broadcast %broadcast_in_dim3A_244 : i32 to vector<16xi32>
          %gather3A_246 = tpu.vector_load_idx %arg9[%add3A_69, %broadcast_in_dim3A_245] : memref<80x128xf32, #tpu.memory_space<vmem>>[vector<16xi32>, vector<16xi32>], vector<16xf32>,
          %gather3A_247 = tpu.vector_load_idx %arg11[%add3A_69, %broadcast_in_dim3A_245] : memref<80x128xf32, #tpu.memory_space<vmem>>[vector<16xi32>, vector<16xi32>], vector<16xf32>,
          %mul3A_248 = arith.mulf %gather3A_246, %gather3A_247 : vector<16xf32>
          %add3A_249 = arith.addf %add3A_243, %mul3A_248 : vector<16xf32>
          %broadcast_in_dim3A_250 = arith.constant 30 : i32
          %broadcast_in_dim3A_251 = vector.broadcast %broadcast_in_dim3A_250 : i32 to vector<16xi32>
          %gather3A_252 = tpu.vector_load_idx %arg9[%add3A_69, %broadcast_in_dim3A_251] : memref<80x128xf32, #tpu.memory_space<vmem>>[vector<16xi32>, vector<16xi32>], vector<16xf32>,
          %gather3A_253 = tpu.vector_load_idx %arg11[%add3A_69, %broadcast_in_dim3A_251] : memref<80x128xf32, #tpu.memory_space<vmem>>[vector<16xi32>, vector<16xi32>], vector<16xf32>,
          %mul3A_254 = arith.mulf %gather3A_252, %gather3A_253 : vector<16xf32>
          %add3A_255 = arith.addf %add3A_249, %mul3A_254 : vector<16xf32>
          %broadcast_in_dim3A_256 = arith.constant 31 : i32
          %broadcast_in_dim3A_257 = vector.broadcast %broadcast_in_dim3A_256 : i32 to vector<16xi32>
          %gather3A_258 = tpu.vector_load_idx %arg9[%add3A_69, %broadcast_in_dim3A_257] : memref<80x128xf32, #tpu.memory_space<vmem>>[vector<16xi32>, vector<16xi32>], vector<16xf32>,
          %gather3A_259 = tpu.vector_load_idx %arg11[%add3A_69, %broadcast_in_dim3A_257] : memref<80x128xf32, #tpu.memory_space<vmem>>[vector<16xi32>, vector<16xi32>], vector<16xf32>,
          %mul3A_260 = arith.mulf %gather3A_258, %gather3A_259 : vector<16xf32>
          %add3A_261 = arith.addf %add3A_255, %mul3A_260 : vector<16xf32>
          %broadcast_in_dim3A_262 = arith.constant 32 : i32
          %broadcast_in_dim3A_263 = vector.broadcast %broadcast_in_dim3A_262 : i32 to vector<16xi32>
          %gather3A_264 = tpu.vector_load_idx %arg9[%add3A_69, %broadcast_in_dim3A_263] : memref<80x128xf32, #tpu.memory_space<vmem>>[vector<16xi32>, vector<16xi32>], vector<16xf32>,
          %gather3A_265 = tpu.vector_load_idx %arg11[%add3A_69, %broadcast_in_dim3A_263] : memref<80x128xf32, #tpu.memory_space<vmem>>[vector<16xi32>, vector<16xi32>], vector<16xf32>,
          %mul3A_266 = arith.mulf %gather3A_264, %gather3A_265 : vector<16xf32>
          %add3A_267 = arith.addf %add3A_261, %mul3A_266 : vector<16xf32>
          %broadcast_in_dim3A_268 = arith.constant 33 : i32
          %broadcast_in_dim3A_269 = vector.broadcast %broadcast_in_dim3A_268 : i32 to vector<16xi32>
          %gather3A_270 = tpu.vector_load_idx %arg9[%add3A_69, %broadcast_in_dim3A_269] : memref<80x128xf32, #tpu.memory_space<vmem>>[vector<16xi32>, vector<16xi32>], vector<16xf32>,
          %gather3A_271 = tpu.vector_load_idx %arg11[%add3A_69, %broadcast_in_dim3A_269] : memref<80x128xf32, #tpu.memory_space<vmem>>[vector<16xi32>, vector<16xi32>], vector<16xf32>,
          %mul3A_272 = arith.mulf %gather3A_270, %gather3A_271 : vector<16xf32>
          %add3A_273 = arith.addf %add3A_267, %mul3A_272 : vector<16xf32>
          %broadcast_in_dim3A_274 = arith.constant 34 : i32
          %broadcast_in_dim3A_275 = vector.broadcast %broadcast_in_dim3A_274 : i32 to vector<16xi32>
          %gather3A_276 = tpu.vector_load_idx %arg9[%add3A_69, %broadcast_in_dim3A_275] : memref<80x128xf32, #tpu.memory_space<vmem>>[vector<16xi32>, vector<16xi32>], vector<16xf32>,
          %gather3A_277 = tpu.vector_load_idx %arg11[%add3A_69, %broadcast_in_dim3A_275] : memref<80x128xf32, #tpu.memory_space<vmem>>[vector<16xi32>, vector<16xi32>], vector<16xf32>,
          %mul3A_278 = arith.mulf %gather3A_276, %gather3A_277 : vector<16xf32>
          %add3A_279 = arith.addf %add3A_273, %mul3A_278 : vector<16xf32>
          %broadcast_in_dim3A_280 = arith.constant 35 : i32
          %broadcast_in_dim3A_281 = vector.broadcast %broadcast_in_dim3A_280 : i32 to vector<16xi32>
          %gather3A_282 = tpu.vector_load_idx %arg9[%add3A_69, %broadcast_in_dim3A_281] : memref<80x128xf32, #tpu.memory_space<vmem>>[vector<16xi32>, vector<16xi32>], vector<16xf32>,
          %gather3A_283 = tpu.vector_load_idx %arg11[%add3A_69, %broadcast_in_dim3A_281] : memref<80x128xf32, #tpu.memory_space<vmem>>[vector<16xi32>, vector<16xi32>], vector<16xf32>,
          %mul3A_284 = arith.mulf %gather3A_282, %gather3A_283 : vector<16xf32>
          %add3A_285 = arith.addf %add3A_279, %mul3A_284 : vector<16xf32>
          %broadcast_in_dim3A_286 = arith.constant 36 : i32
          %broadcast_in_dim3A_287 = vector.broadcast %broadcast_in_dim3A_286 : i32 to vector<16xi32>
          %gather3A_288 = tpu.vector_load_idx %arg9[%add3A_69, %broadcast_in_dim3A_287] : memref<80x128xf32, #tpu.memory_space<vmem>>[vector<16xi32>, vector<16xi32>], vector<16xf32>,
          %gather3A_289 = tpu.vector_load_idx %arg11[%add3A_69, %broadcast_in_dim3A_287] : memref<80x128xf32, #tpu.memory_space<vmem>>[vector<16xi32>, vector<16xi32>], vector<16xf32>,
          %mul3A_290 = arith.mulf %gather3A_288, %gather3A_289 : vector<16xf32>
          %add3A_291 = arith.addf %add3A_285, %mul3A_290 : vector<16xf32>
          %broadcast_in_dim3A_292 = arith.constant 37 : i32
          %broadcast_in_dim3A_293 = vector.broadcast %broadcast_in_dim3A_292 : i32 to vector<16xi32>
          %gather3A_294 = tpu.vector_load_idx %arg9[%add3A_69, %broadcast_in_dim3A_293] : memref<80x128xf32, #tpu.memory_space<vmem>>[vector<16xi32>, vector<16xi32>], vector<16xf32>,
          %gather3A_295 = tpu.vector_load_idx %arg11[%add3A_69, %broadcast_in_dim3A_293] : memref<80x128xf32, #tpu.memory_space<vmem>>[vector<16xi32>, vector<16xi32>], vector<16xf32>,
          %mul3A_296 = arith.mulf %gather3A_294, %gather3A_295 : vector<16xf32>
          %add3A_297 = arith.addf %add3A_291, %mul3A_296 : vector<16xf32>
          %broadcast_in_dim3A_298 = arith.constant 38 : i32
          %broadcast_in_dim3A_299 = vector.broadcast %broadcast_in_dim3A_298 : i32 to vector<16xi32>
          %gather3A_300 = tpu.vector_load_idx %arg9[%add3A_69, %broadcast_in_dim3A_299] : memref<80x128xf32, #tpu.memory_space<vmem>>[vector<16xi32>, vector<16xi32>], vector<16xf32>,
          %gather3A_301 = tpu.vector_load_idx %arg11[%add3A_69, %broadcast_in_dim3A_299] : memref<80x128xf32, #tpu.memory_space<vmem>>[vector<16xi32>, vector<16xi32>], vector<16xf32>,
          %mul3A_302 = arith.mulf %gather3A_300, %gather3A_301 : vector<16xf32>
          %add3A_303 = arith.addf %add3A_297, %mul3A_302 : vector<16xf32>
          %broadcast_in_dim3A_304 = arith.constant 39 : i32
          %broadcast_in_dim3A_305 = vector.broadcast %broadcast_in_dim3A_304 : i32 to vector<16xi32>
          %gather3A_306 = tpu.vector_load_idx %arg9[%add3A_69, %broadcast_in_dim3A_305] : memref<80x128xf32, #tpu.memory_space<vmem>>[vector<16xi32>, vector<16xi32>], vector<16xf32>,
          %gather3A_307 = tpu.vector_load_idx %arg11[%add3A_69, %broadcast_in_dim3A_305] : memref<80x128xf32, #tpu.memory_space<vmem>>[vector<16xi32>, vector<16xi32>], vector<16xf32>,
          %mul3A_308 = arith.mulf %gather3A_306, %gather3A_307 : vector<16xf32>
          %add3A_309 = arith.addf %add3A_303, %mul3A_308 : vector<16xf32>
          %broadcast_in_dim3A_310 = arith.constant 40 : i32
          %broadcast_in_dim3A_311 = vector.broadcast %broadcast_in_dim3A_310 : i32 to vector<16xi32>
          %gather3A_312 = tpu.vector_load_idx %arg9[%add3A_69, %broadcast_in_dim3A_311] : memref<80x128xf32, #tpu.memory_space<vmem>>[vector<16xi32>, vector<16xi32>], vector<16xf32>,
          %gather3A_313 = tpu.vector_load_idx %arg11[%add3A_69, %broadcast_in_dim3A_311] : memref<80x128xf32, #tpu.memory_space<vmem>>[vector<16xi32>, vector<16xi32>], vector<16xf32>,
          %mul3A_314 = arith.mulf %gather3A_312, %gather3A_313 : vector<16xf32>
          %add3A_315 = arith.addf %add3A_309, %mul3A_314 : vector<16xf32>
          %broadcast_in_dim3A_316 = arith.constant 41 : i32
          %broadcast_in_dim3A_317 = vector.broadcast %broadcast_in_dim3A_316 : i32 to vector<16xi32>
          %gather3A_318 = tpu.vector_load_idx %arg9[%add3A_69, %broadcast_in_dim3A_317] : memref<80x128xf32, #tpu.memory_space<vmem>>[vector<16xi32>, vector<16xi32>], vector<16xf32>,
          %gather3A_319 = tpu.vector_load_idx %arg11[%add3A_69, %broadcast_in_dim3A_317] : memref<80x128xf32, #tpu.memory_space<vmem>>[vector<16xi32>, vector<16xi32>], vector<16xf32>,
          %mul3A_320 = arith.mulf %gather3A_318, %gather3A_319 : vector<16xf32>
          %add3A_321 = arith.addf %add3A_315, %mul3A_320 : vector<16xf32>
          %broadcast_in_dim3A_322 = arith.constant 42 : i32
          %broadcast_in_dim3A_323 = vector.broadcast %broadcast_in_dim3A_322 : i32 to vector<16xi32>
          %gather3A_324 = tpu.vector_load_idx %arg9[%add3A_69, %broadcast_in_dim3A_323] : memref<80x128xf32, #tpu.memory_space<vmem>>[vector<16xi32>, vector<16xi32>], vector<16xf32>,
          %gather3A_325 = tpu.vector_load_idx %arg11[%add3A_69, %broadcast_in_dim3A_323] : memref<80x128xf32, #tpu.memory_space<vmem>>[vector<16xi32>, vector<16xi32>], vector<16xf32>,
          %mul3A_326 = arith.mulf %gather3A_324, %gather3A_325 : vector<16xf32>
          %add3A_327 = arith.addf %add3A_321, %mul3A_326 : vector<16xf32>
          %broadcast_in_dim3A_328 = arith.constant 43 : i32
          %broadcast_in_dim3A_329 = vector.broadcast %broadcast_in_dim3A_328 : i32 to vector<16xi32>
          %gather3A_330 = tpu.vector_load_idx %arg9[%add3A_69, %broadcast_in_dim3A_329] : memref<80x128xf32, #tpu.memory_space<vmem>>[vector<16xi32>, vector<16xi32>], vector<16xf32>,
          %gather3A_331 = tpu.vector_load_idx %arg11[%add3A_69, %broadcast_in_dim3A_329] : memref<80x128xf32, #tpu.memory_space<vmem>>[vector<16xi32>, vector<16xi32>], vector<16xf32>,
          %mul3A_332 = arith.mulf %gather3A_330, %gather3A_331 : vector<16xf32>
          %add3A_333 = arith.addf %add3A_327, %mul3A_332 : vector<16xf32>
          %broadcast_in_dim3A_334 = arith.constant 44 : i32
          %broadcast_in_dim3A_335 = vector.broadcast %broadcast_in_dim3A_334 : i32 to vector<16xi32>
          %gather3A_336 = tpu.vector_load_idx %arg9[%add3A_69, %broadcast_in_dim3A_335] : memref<80x128xf32, #tpu.memory_space<vmem>>[vector<16xi32>, vector<16xi32>], vector<16xf32>,
          %gather3A_337 = tpu.vector_load_idx %arg11[%add3A_69, %broadcast_in_dim3A_335] : memref<80x128xf32, #tpu.memory_space<vmem>>[vector<16xi32>, vector<16xi32>], vector<16xf32>,
          %mul3A_338 = arith.mulf %gather3A_336, %gather3A_337 : vector<16xf32>
          %add3A_339 = arith.addf %add3A_333, %mul3A_338 : vector<16xf32>
          %broadcast_in_dim3A_340 = arith.constant 45 : i32
          %broadcast_in_dim3A_341 = vector.broadcast %broadcast_in_dim3A_340 : i32 to vector<16xi32>
          %gather3A_342 = tpu.vector_load_idx %arg9[%add3A_69, %broadcast_in_dim3A_341] : memref<80x128xf32, #tpu.memory_space<vmem>>[vector<16xi32>, vector<16xi32>], vector<16xf32>,
          %gather3A_343 = tpu.vector_load_idx %arg11[%add3A_69, %broadcast_in_dim3A_341] : memref<80x128xf32, #tpu.memory_space<vmem>>[vector<16xi32>, vector<16xi32>], vector<16xf32>,
          %mul3A_344 = arith.mulf %gather3A_342, %gather3A_343 : vector<16xf32>
          %add3A_345 = arith.addf %add3A_339, %mul3A_344 : vector<16xf32>
          %broadcast_in_dim3A_346 = arith.constant 46 : i32
          %broadcast_in_dim3A_347 = vector.broadcast %broadcast_in_dim3A_346 : i32 to vector<16xi32>
          %gather3A_348 = tpu.vector_load_idx %arg9[%add3A_69, %broadcast_in_dim3A_347] : memref<80x128xf32, #tpu.memory_space<vmem>>[vector<16xi32>, vector<16xi32>], vector<16xf32>,
          %gather3A_349 = tpu.vector_load_idx %arg11[%add3A_69, %broadcast_in_dim3A_347] : memref<80x128xf32, #tpu.memory_space<vmem>>[vector<16xi32>, vector<16xi32>], vector<16xf32>,
          %mul3A_350 = arith.mulf %gather3A_348, %gather3A_349 : vector<16xf32>
          %add3A_351 = arith.addf %add3A_345, %mul3A_350 : vector<16xf32>
          %broadcast_in_dim3A_352 = arith.constant 47 : i32
          %broadcast_in_dim3A_353 = vector.broadcast %broadcast_in_dim3A_352 : i32 to vector<16xi32>
          %gather3A_354 = tpu.vector_load_idx %arg9[%add3A_69, %broadcast_in_dim3A_353] : memref<80x128xf32, #tpu.memory_space<vmem>>[vector<16xi32>, vector<16xi32>], vector<16xf32>,
          %gather3A_355 = tpu.vector_load_idx %arg11[%add3A_69, %broadcast_in_dim3A_353] : memref<80x128xf32, #tpu.memory_space<vmem>>[vector<16xi32>, vector<16xi32>], vector<16xf32>,
          %mul3A_356 = arith.mulf %gather3A_354, %gather3A_355 : vector<16xf32>
          %add3A_357 = arith.addf %add3A_351, %mul3A_356 : vector<16xf32>
          %broadcast_in_dim3A_358 = arith.constant 48 : i32
          %broadcast_in_dim3A_359 = vector.broadcast %broadcast_in_dim3A_358 : i32 to vector<16xi32>
          %gather3A_360 = tpu.vector_load_idx %arg9[%add3A_69, %broadcast_in_dim3A_359] : memref<80x128xf32, #tpu.memory_space<vmem>>[vector<16xi32>, vector<16xi32>], vector<16xf32>,
          %gather3A_361 = tpu.vector_load_idx %arg11[%add3A_69, %broadcast_in_dim3A_359] : memref<80x128xf32, #tpu.memory_space<vmem>>[vector<16xi32>, vector<16xi32>], vector<16xf32>,
          %mul3A_362 = arith.mulf %gather3A_360, %gather3A_361 : vector<16xf32>
          %add3A_363 = arith.addf %add3A_357, %mul3A_362 : vector<16xf32>
          %broadcast_in_dim3A_364 = arith.constant 49 : i32
          %broadcast_in_dim3A_365 = vector.broadcast %broadcast_in_dim3A_364 : i32 to vector<16xi32>
          %gather3A_366 = tpu.vector_load_idx %arg9[%add3A_69, %broadcast_in_dim3A_365] : memref<80x128xf32, #tpu.memory_space<vmem>>[vector<16xi32>, vector<16xi32>], vector<16xf32>,
          %gather3A_367 = tpu.vector_load_idx %arg11[%add3A_69, %broadcast_in_dim3A_365] : memref<80x128xf32, #tpu.memory_space<vmem>>[vector<16xi32>, vector<16xi32>], vector<16xf32>,
          %mul3A_368 = arith.mulf %gather3A_366, %gather3A_367 : vector<16xf32>
          %add3A_369 = arith.addf %add3A_363, %mul3A_368 : vector<16xf32>
          %broadcast_in_dim3A_370 = arith.constant 50 : i32
          %broadcast_in_dim3A_371 = vector.broadcast %broadcast_in_dim3A_370 : i32 to vector<16xi32>
          %gather3A_372 = tpu.vector_load_idx %arg9[%add3A_69, %broadcast_in_dim3A_371] : memref<80x128xf32, #tpu.memory_space<vmem>>[vector<16xi32>, vector<16xi32>], vector<16xf32>,
          %gather3A_373 = tpu.vector_load_idx %arg11[%add3A_69, %broadcast_in_dim3A_371] : memref<80x128xf32, #tpu.memory_space<vmem>>[vector<16xi32>, vector<16xi32>], vector<16xf32>,
          %mul3A_374 = arith.mulf %gather3A_372, %gather3A_373 : vector<16xf32>
          %add3A_375 = arith.addf %add3A_369, %mul3A_374 : vector<16xf32>
          %broadcast_in_dim3A_376 = arith.constant 51 : i32
          %broadcast_in_dim3A_377 = vector.broadcast %broadcast_in_dim3A_376 : i32 to vector<16xi32>
          %gather3A_378 = tpu.vector_load_idx %arg9[%add3A_69, %broadcast_in_dim3A_377] : memref<80x128xf32, #tpu.memory_space<vmem>>[vector<16xi32>, vector<16xi32>], vector<16xf32>,
          %gather3A_379 = tpu.vector_load_idx %arg11[%add3A_69, %broadcast_in_dim3A_377] : memref<80x128xf32, #tpu.memory_space<vmem>>[vector<16xi32>, vector<16xi32>], vector<16xf32>,
          %mul3A_380 = arith.mulf %gather3A_378, %gather3A_379 : vector<16xf32>
          %add3A_381 = arith.addf %add3A_375, %mul3A_380 : vector<16xf32>
          %broadcast_in_dim3A_382 = arith.constant 52 : i32
          %broadcast_in_dim3A_383 = vector.broadcast %broadcast_in_dim3A_382 : i32 to vector<16xi32>
          %gather3A_384 = tpu.vector_load_idx %arg9[%add3A_69, %broadcast_in_dim3A_383] : memref<80x128xf32, #tpu.memory_space<vmem>>[vector<16xi32>, vector<16xi32>], vector<16xf32>,
          %gather3A_385 = tpu.vector_load_idx %arg11[%add3A_69, %broadcast_in_dim3A_383] : memref<80x128xf32, #tpu.memory_space<vmem>>[vector<16xi32>, vector<16xi32>], vector<16xf32>,
          %mul3A_386 = arith.mulf %gather3A_384, %gather3A_385 : vector<16xf32>
          %add3A_387 = arith.addf %add3A_381, %mul3A_386 : vector<16xf32>
          %broadcast_in_dim3A_388 = arith.constant 53 : i32
          %broadcast_in_dim3A_389 = vector.broadcast %broadcast_in_dim3A_388 : i32 to vector<16xi32>
          %gather3A_390 = tpu.vector_load_idx %arg9[%add3A_69, %broadcast_in_dim3A_389] : memref<80x128xf32, #tpu.memory_space<vmem>>[vector<16xi32>, vector<16xi32>], vector<16xf32>,
          %gather3A_391 = tpu.vector_load_idx %arg11[%add3A_69, %broadcast_in_dim3A_389] : memref<80x128xf32, #tpu.memory_space<vmem>>[vector<16xi32>, vector<16xi32>], vector<16xf32>,
          %mul3A_392 = arith.mulf %gather3A_390, %gather3A_391 : vector<16xf32>
          %add3A_393 = arith.addf %add3A_387, %mul3A_392 : vector<16xf32>
          %broadcast_in_dim3A_394 = arith.constant 54 : i32
          %broadcast_in_dim3A_395 = vector.broadcast %broadcast_in_dim3A_394 : i32 to vector<16xi32>
          %gather3A_396 = tpu.vector_load_idx %arg9[%add3A_69, %broadcast_in_dim3A_395] : memref<80x128xf32, #tpu.memory_space<vmem>>[vector<16xi32>, vector<16xi32>], vector<16xf32>,
          %gather3A_397 = tpu.vector_load_idx %arg11[%add3A_69, %broadcast_in_dim3A_395] : memref<80x128xf32, #tpu.memory_space<vmem>>[vector<16xi32>, vector<16xi32>], vector<16xf32>,
          %mul3A_398 = arith.mulf %gather3A_396, %gather3A_397 : vector<16xf32>
          %add3A_399 = arith.addf %add3A_393, %mul3A_398 : vector<16xf32>
          %broadcast_in_dim3A_400 = arith.constant 55 : i32
          %broadcast_in_dim3A_401 = vector.broadcast %broadcast_in_dim3A_400 : i32 to vector<16xi32>
          %gather3A_402 = tpu.vector_load_idx %arg9[%add3A_69, %broadcast_in_dim3A_401] : memref<80x128xf32, #tpu.memory_space<vmem>>[vector<16xi32>, vector<16xi32>], vector<16xf32>,
          %gather3A_403 = tpu.vector_load_idx %arg11[%add3A_69, %broadcast_in_dim3A_401] : memref<80x128xf32, #tpu.memory_space<vmem>>[vector<16xi32>, vector<16xi32>], vector<16xf32>,
          %mul3A_404 = arith.mulf %gather3A_402, %gather3A_403 : vector<16xf32>
          %add3A_405 = arith.addf %add3A_399, %mul3A_404 : vector<16xf32>
          %broadcast_in_dim3A_406 = arith.constant 56 : i32
          %broadcast_in_dim3A_407 = vector.broadcast %broadcast_in_dim3A_406 : i32 to vector<16xi32>
          %gather3A_408 = tpu.vector_load_idx %arg9[%add3A_69, %broadcast_in_dim3A_407] : memref<80x128xf32, #tpu.memory_space<vmem>>[vector<16xi32>, vector<16xi32>], vector<16xf32>,
          %gather3A_409 = tpu.vector_load_idx %arg11[%add3A_69, %broadcast_in_dim3A_407] : memref<80x128xf32, #tpu.memory_space<vmem>>[vector<16xi32>, vector<16xi32>], vector<16xf32>,
          %mul3A_410 = arith.mulf %gather3A_408, %gather3A_409 : vector<16xf32>
          %add3A_411 = arith.addf %add3A_405, %mul3A_410 : vector<16xf32>
          %broadcast_in_dim3A_412 = arith.constant 57 : i32
          %broadcast_in_dim3A_413 = vector.broadcast %broadcast_in_dim3A_412 : i32 to vector<16xi32>
          %gather3A_414 = tpu.vector_load_idx %arg9[%add3A_69, %broadcast_in_dim3A_413] : memref<80x128xf32, #tpu.memory_space<vmem>>[vector<16xi32>, vector<16xi32>], vector<16xf32>,
          %gather3A_415 = tpu.vector_load_idx %arg11[%add3A_69, %broadcast_in_dim3A_413] : memref<80x128xf32, #tpu.memory_space<vmem>>[vector<16xi32>, vector<16xi32>], vector<16xf32>,
          %mul3A_416 = arith.mulf %gather3A_414, %gather3A_415 : vector<16xf32>
          %add3A_417 = arith.addf %add3A_411, %mul3A_416 : vector<16xf32>
          %broadcast_in_dim3A_418 = arith.constant 58 : i32
          %broadcast_in_dim3A_419 = vector.broadcast %broadcast_in_dim3A_418 : i32 to vector<16xi32>
          %gather3A_420 = tpu.vector_load_idx %arg9[%add3A_69, %broadcast_in_dim3A_419] : memref<80x128xf32, #tpu.memory_space<vmem>>[vector<16xi32>, vector<16xi32>], vector<16xf32>,
          %gather3A_421 = tpu.vector_load_idx %arg11[%add3A_69, %broadcast_in_dim3A_419] : memref<80x128xf32, #tpu.memory_space<vmem>>[vector<16xi32>, vector<16xi32>], vector<16xf32>,
          %mul3A_422 = arith.mulf %gather3A_420, %gather3A_421 : vector<16xf32>
          %add3A_423 = arith.addf %add3A_417, %mul3A_422 : vector<16xf32>
          %broadcast_in_dim3A_424 = arith.constant 59 : i32
          %broadcast_in_dim3A_425 = vector.broadcast %broadcast_in_dim3A_424 : i32 to vector<16xi32>
          %gather3A_426 = tpu.vector_load_idx %arg9[%add3A_69, %broadcast_in_dim3A_425] : memref<80x128xf32, #tpu.memory_space<vmem>>[vector<16xi32>, vector<16xi32>], vector<16xf32>,
          %gather3A_427 = tpu.vector_load_idx %arg11[%add3A_69, %broadcast_in_dim3A_425] : memref<80x128xf32, #tpu.memory_space<vmem>>[vector<16xi32>, vector<16xi32>], vector<16xf32>,
          %mul3A_428 = arith.mulf %gather3A_426, %gather3A_427 : vector<16xf32>
          %add3A_429 = arith.addf %add3A_423, %mul3A_428 : vector<16xf32>
          %broadcast_in_dim3A_430 = arith.constant 60 : i32
          %broadcast_in_dim3A_431 = vector.broadcast %broadcast_in_dim3A_430 : i32 to vector<16xi32>
          %gather3A_432 = tpu.vector_load_idx %arg9[%add3A_69, %broadcast_in_dim3A_431] : memref<80x128xf32, #tpu.memory_space<vmem>>[vector<16xi32>, vector<16xi32>], vector<16xf32>,
          %gather3A_433 = tpu.vector_load_idx %arg11[%add3A_69, %broadcast_in_dim3A_431] : memref<80x128xf32, #tpu.memory_space<vmem>>[vector<16xi32>, vector<16xi32>], vector<16xf32>,
          %mul3A_434 = arith.mulf %gather3A_432, %gather3A_433 : vector<16xf32>
          %add3A_435 = arith.addf %add3A_429, %mul3A_434 : vector<16xf32>
          %broadcast_in_dim3A_436 = arith.constant 61 : i32
          %broadcast_in_dim3A_437 = vector.broadcast %broadcast_in_dim3A_436 : i32 to vector<16xi32>
          %gather3A_438 = tpu.vector_load_idx %arg9[%add3A_69, %broadcast_in_dim3A_437] : memref<80x128xf32, #tpu.memory_space<vmem>>[vector<16xi32>, vector<16xi32>], vector<16xf32>,
          %gather3A_439 = tpu.vector_load_idx %arg11[%add3A_69, %broadcast_in_dim3A_437] : memref<80x128xf32, #tpu.memory_space<vmem>>[vector<16xi32>, vector<16xi32>], vector<16xf32>,
          %mul3A_440 = arith.mulf %gather3A_438, %gather3A_439 : vector<16xf32>
          %add3A_441 = arith.addf %add3A_435, %mul3A_440 : vector<16xf32>
          %broadcast_in_dim3A_442 = arith.constant 62 : i32
          %broadcast_in_dim3A_443 = vector.broadcast %broadcast_in_dim3A_442 : i32 to vector<16xi32>
          %gather3A_444 = tpu.vector_load_idx %arg9[%add3A_69, %broadcast_in_dim3A_443] : memref<80x128xf32, #tpu.memory_space<vmem>>[vector<16xi32>, vector<16xi32>], vector<16xf32>,
          %gather3A_445 = tpu.vector_load_idx %arg11[%add3A_69, %broadcast_in_dim3A_443] : memref<80x128xf32, #tpu.memory_space<vmem>>[vector<16xi32>, vector<16xi32>], vector<16xf32>,
          %mul3A_446 = arith.mulf %gather3A_444, %gather3A_445 : vector<16xf32>
          %add3A_447 = arith.addf %add3A_441, %mul3A_446 : vector<16xf32>
          %broadcast_in_dim3A_448 = arith.constant 63 : i32
          %broadcast_in_dim3A_449 = vector.broadcast %broadcast_in_dim3A_448 : i32 to vector<16xi32>
          %gather3A_450 = tpu.vector_load_idx %arg9[%add3A_69, %broadcast_in_dim3A_449] : memref<80x128xf32, #tpu.memory_space<vmem>>[vector<16xi32>, vector<16xi32>], vector<16xf32>,
          %gather3A_451 = tpu.vector_load_idx %arg11[%add3A_69, %broadcast_in_dim3A_449] : memref<80x128xf32, #tpu.memory_space<vmem>>[vector<16xi32>, vector<16xi32>], vector<16xf32>,
          %mul3A_452 = arith.mulf %gather3A_450, %gather3A_451 : vector<16xf32>
          %add3A_453 = arith.addf %add3A_447, %mul3A_452 : vector<16xf32>
          %broadcast_in_dim3A_454 = arith.constant 64 : i32
          %broadcast_in_dim3A_455 = vector.broadcast %broadcast_in_dim3A_454 : i32 to vector<16xi32>
          %gather3A_456 = tpu.vector_load_idx %arg9[%add3A_69, %broadcast_in_dim3A_455] : memref<80x128xf32, #tpu.memory_space<vmem>>[vector<16xi32>, vector<16xi32>], vector<16xf32>,
          %gather3A_457 = tpu.vector_load_idx %arg11[%add3A_69, %broadcast_in_dim3A_455] : memref<80x128xf32, #tpu.memory_space<vmem>>[vector<16xi32>, vector<16xi32>], vector<16xf32>,
          %mul3A_458 = arith.mulf %gather3A_456, %gather3A_457 : vector<16xf32>
          %add3A_459 = arith.addf %add3A_453, %mul3A_458 : vector<16xf32>
          %broadcast_in_dim3A_460 = arith.constant 65 : i32
          %broadcast_in_dim3A_461 = vector.broadcast %broadcast_in_dim3A_460 : i32 to vector<16xi32>
          %gather3A_462 = tpu.vector_load_idx %arg9[%add3A_69, %broadcast_in_dim3A_461] : memref<80x128xf32, #tpu.memory_space<vmem>>[vector<16xi32>, vector<16xi32>], vector<16xf32>,
          %gather3A_463 = tpu.vector_load_idx %arg11[%add3A_69, %broadcast_in_dim3A_461] : memref<80x128xf32, #tpu.memory_space<vmem>>[vector<16xi32>, vector<16xi32>], vector<16xf32>,
          %mul3A_464 = arith.mulf %gather3A_462, %gather3A_463 : vector<16xf32>
          %add3A_465 = arith.addf %add3A_459, %mul3A_464 : vector<16xf32>
          %broadcast_in_dim3A_466 = arith.constant 66 : i32
          %broadcast_in_dim3A_467 = vector.broadcast %broadcast_in_dim3A_466 : i32 to vector<16xi32>
          %gather3A_468 = tpu.vector_load_idx %arg9[%add3A_69, %broadcast_in_dim3A_467] : memref<80x128xf32, #tpu.memory_space<vmem>>[vector<16xi32>, vector<16xi32>], vector<16xf32>,
          %gather3A_469 = tpu.vector_load_idx %arg11[%add3A_69, %broadcast_in_dim3A_467] : memref<80x128xf32, #tpu.memory_space<vmem>>[vector<16xi32>, vector<16xi32>], vector<16xf32>,
          %mul3A_470 = arith.mulf %gather3A_468, %gather3A_469 : vector<16xf32>
          %add3A_471 = arith.addf %add3A_465, %mul3A_470 : vector<16xf32>
          %broadcast_in_dim3A_472 = arith.constant 67 : i32
          %broadcast_in_dim3A_473 = vector.broadcast %broadcast_in_dim3A_472 : i32 to vector<16xi32>
          %gather3A_474 = tpu.vector_load_idx %arg9[%add3A_69, %broadcast_in_dim3A_473] : memref<80x128xf32, #tpu.memory_space<vmem>>[vector<16xi32>, vector<16xi32>], vector<16xf32>,
          %gather3A_475 = tpu.vector_load_idx %arg11[%add3A_69, %broadcast_in_dim3A_473] : memref<80x128xf32, #tpu.memory_space<vmem>>[vector<16xi32>, vector<16xi32>], vector<16xf32>,
          %mul3A_476 = arith.mulf %gather3A_474, %gather3A_475 : vector<16xf32>
          %add3A_477 = arith.addf %add3A_471, %mul3A_476 : vector<16xf32>
          %broadcast_in_dim3A_478 = arith.constant 68 : i32
          %broadcast_in_dim3A_479 = vector.broadcast %broadcast_in_dim3A_478 : i32 to vector<16xi32>
          %gather3A_480 = tpu.vector_load_idx %arg9[%add3A_69, %broadcast_in_dim3A_479] : memref<80x128xf32, #tpu.memory_space<vmem>>[vector<16xi32>, vector<16xi32>], vector<16xf32>,
          %gather3A_481 = tpu.vector_load_idx %arg11[%add3A_69, %broadcast_in_dim3A_479] : memref<80x128xf32, #tpu.memory_space<vmem>>[vector<16xi32>, vector<16xi32>], vector<16xf32>,
          %mul3A_482 = arith.mulf %gather3A_480, %gather3A_481 : vector<16xf32>
          %add3A_483 = arith.addf %add3A_477, %mul3A_482 : vector<16xf32>
          %broadcast_in_dim3A_484 = arith.constant 69 : i32
          %broadcast_in_dim3A_485 = vector.broadcast %broadcast_in_dim3A_484 : i32 to vector<16xi32>
          %gather3A_486 = tpu.vector_load_idx %arg9[%add3A_69, %broadcast_in_dim3A_485] : memref<80x128xf32, #tpu.memory_space<vmem>>[vector<16xi32>, vector<16xi32>], vector<16xf32>,
          %gather3A_487 = tpu.vector_load_idx %arg11[%add3A_69, %broadcast_in_dim3A_485] : memref<80x128xf32, #tpu.memory_space<vmem>>[vector<16xi32>, vector<16xi32>], vector<16xf32>,
          %mul3A_488 = arith.mulf %gather3A_486, %gather3A_487 : vector<16xf32>
          %add3A_489 = arith.addf %add3A_483, %mul3A_488 : vector<16xf32>
          %broadcast_in_dim3A_490 = arith.constant 70 : i32
          %broadcast_in_dim3A_491 = vector.broadcast %broadcast_in_dim3A_490 : i32 to vector<16xi32>
          %gather3A_492 = tpu.vector_load_idx %arg9[%add3A_69, %broadcast_in_dim3A_491] : memref<80x128xf32, #tpu.memory_space<vmem>>[vector<16xi32>, vector<16xi32>], vector<16xf32>,
          %gather3A_493 = tpu.vector_load_idx %arg11[%add3A_69, %broadcast_in_dim3A_491] : memref<80x128xf32, #tpu.memory_space<vmem>>[vector<16xi32>, vector<16xi32>], vector<16xf32>,
          %mul3A_494 = arith.mulf %gather3A_492, %gather3A_493 : vector<16xf32>
          %add3A_495 = arith.addf %add3A_489, %mul3A_494 : vector<16xf32>
          %broadcast_in_dim3A_496 = arith.constant 71 : i32
          %broadcast_in_dim3A_497 = vector.broadcast %broadcast_in_dim3A_496 : i32 to vector<16xi32>
          %gather3A_498 = tpu.vector_load_idx %arg9[%add3A_69, %broadcast_in_dim3A_497] : memref<80x128xf32, #tpu.memory_space<vmem>>[vector<16xi32>, vector<16xi32>], vector<16xf32>,
          %gather3A_499 = tpu.vector_load_idx %arg11[%add3A_69, %broadcast_in_dim3A_497] : memref<80x128xf32, #tpu.memory_space<vmem>>[vector<16xi32>, vector<16xi32>], vector<16xf32>,
          %mul3A_500 = arith.mulf %gather3A_498, %gather3A_499 : vector<16xf32>
          %add3A_501 = arith.addf %add3A_495, %mul3A_500 : vector<16xf32>
          %broadcast_in_dim3A_502 = arith.constant 72 : i32
          %broadcast_in_dim3A_503 = vector.broadcast %broadcast_in_dim3A_502 : i32 to vector<16xi32>
          %gather3A_504 = tpu.vector_load_idx %arg9[%add3A_69, %broadcast_in_dim3A_503] : memref<80x128xf32, #tpu.memory_space<vmem>>[vector<16xi32>, vector<16xi32>], vector<16xf32>,
          %gather3A_505 = tpu.vector_load_idx %arg11[%add3A_69, %broadcast_in_dim3A_503] : memref<80x128xf32, #tpu.memory_space<vmem>>[vector<16xi32>, vector<16xi32>], vector<16xf32>,
          %mul3A_506 = arith.mulf %gather3A_504, %gather3A_505 : vector<16xf32>
          %add3A_507 = arith.addf %add3A_501, %mul3A_506 : vector<16xf32>
          %broadcast_in_dim3A_508 = arith.constant 73 : i32
          %broadcast_in_dim3A_509 = vector.broadcast %broadcast_in_dim3A_508 : i32 to vector<16xi32>
          %gather3A_510 = tpu.vector_load_idx %arg9[%add3A_69, %broadcast_in_dim3A_509] : memref<80x128xf32, #tpu.memory_space<vmem>>[vector<16xi32>, vector<16xi32>], vector<16xf32>,
          %gather3A_511 = tpu.vector_load_idx %arg11[%add3A_69, %broadcast_in_dim3A_509] : memref<80x128xf32, #tpu.memory_space<vmem>>[vector<16xi32>, vector<16xi32>], vector<16xf32>,
          %mul3A_512 = arith.mulf %gather3A_510, %gather3A_511 : vector<16xf32>
          %add3A_513 = arith.addf %add3A_507, %mul3A_512 : vector<16xf32>
          %broadcast_in_dim3A_514 = arith.constant 74 : i32
          %broadcast_in_dim3A_515 = vector.broadcast %broadcast_in_dim3A_514 : i32 to vector<16xi32>
          %gather3A_516 = tpu.vector_load_idx %arg9[%add3A_69, %broadcast_in_dim3A_515] : memref<80x128xf32, #tpu.memory_space<vmem>>[vector<16xi32>, vector<16xi32>], vector<16xf32>,
          %gather3A_517 = tpu.vector_load_idx %arg11[%add3A_69, %broadcast_in_dim3A_515] : memref<80x128xf32, #tpu.memory_space<vmem>>[vector<16xi32>, vector<16xi32>], vector<16xf32>,
          %mul3A_518 = arith.mulf %gather3A_516, %gather3A_517 : vector<16xf32>
          %add3A_519 = arith.addf %add3A_513, %mul3A_518 : vector<16xf32>
          %broadcast_in_dim3A_520 = arith.constant 75 : i32
          %broadcast_in_dim3A_521 = vector.broadcast %broadcast_in_dim3A_520 : i32 to vector<16xi32>
          %gather3A_522 = tpu.vector_load_idx %arg9[%add3A_69, %broadcast_in_dim3A_521] : memref<80x128xf32, #tpu.memory_space<vmem>>[vector<16xi32>, vector<16xi32>], vector<16xf32>,
          %gather3A_523 = tpu.vector_load_idx %arg11[%add3A_69, %broadcast_in_dim3A_521] : memref<80x128xf32, #tpu.memory_space<vmem>>[vector<16xi32>, vector<16xi32>], vector<16xf32>,
          %mul3A_524 = arith.mulf %gather3A_522, %gather3A_523 : vector<16xf32>
          %add3A_525 = arith.addf %add3A_519, %mul3A_524 : vector<16xf32>
          %broadcast_in_dim3A_526 = arith.constant 76 : i32
          %broadcast_in_dim3A_527 = vector.broadcast %broadcast_in_dim3A_526 : i32 to vector<16xi32>
          %gather3A_528 = tpu.vector_load_idx %arg9[%add3A_69, %broadcast_in_dim3A_527] : memref<80x128xf32, #tpu.memory_space<vmem>>[vector<16xi32>, vector<16xi32>], vector<16xf32>,
          %gather3A_529 = tpu.vector_load_idx %arg11[%add3A_69, %broadcast_in_dim3A_527] : memref<80x128xf32, #tpu.memory_space<vmem>>[vector<16xi32>, vector<16xi32>], vector<16xf32>,
          %mul3A_530 = arith.mulf %gather3A_528, %gather3A_529 : vector<16xf32>
          %add3A_531 = arith.addf %add3A_525, %mul3A_530 : vector<16xf32>
          %broadcast_in_dim3A_532 = arith.constant 77 : i32
          %broadcast_in_dim3A_533 = vector.broadcast %broadcast_in_dim3A_532 : i32 to vector<16xi32>
          %gather3A_534 = tpu.vector_load_idx %arg9[%add3A_69, %broadcast_in_dim3A_533] : memref<80x128xf32, #tpu.memory_space<vmem>>[vector<16xi32>, vector<16xi32>], vector<16xf32>,
          %gather3A_535 = tpu.vector_load_idx %arg11[%add3A_69, %broadcast_in_dim3A_533] : memref<80x128xf32, #tpu.memory_space<vmem>>[vector<16xi32>, vector<16xi32>], vector<16xf32>,
          %mul3A_536 = arith.mulf %gather3A_534, %gather3A_535 : vector<16xf32>
          %add3A_537 = arith.addf %add3A_531, %mul3A_536 : vector<16xf32>
          %broadcast_in_dim3A_538 = arith.constant 78 : i32
          %broadcast_in_dim3A_539 = vector.broadcast %broadcast_in_dim3A_538 : i32 to vector<16xi32>
          %gather3A_540 = tpu.vector_load_idx %arg9[%add3A_69, %broadcast_in_dim3A_539] : memref<80x128xf32, #tpu.memory_space<vmem>>[vector<16xi32>, vector<16xi32>], vector<16xf32>,
          %gather3A_541 = tpu.vector_load_idx %arg11[%add3A_69, %broadcast_in_dim3A_539] : memref<80x128xf32, #tpu.memory_space<vmem>>[vector<16xi32>, vector<16xi32>], vector<16xf32>,
          %mul3A_542 = arith.mulf %gather3A_540, %gather3A_541 : vector<16xf32>
          %add3A_543 = arith.addf %add3A_537, %mul3A_542 : vector<16xf32>
          %broadcast_in_dim3A_544 = arith.constant 79 : i32
          %broadcast_in_dim3A_545 = vector.broadcast %broadcast_in_dim3A_544 : i32 to vector<16xi32>
          %gather3A_546 = tpu.vector_load_idx %arg9[%add3A_69, %broadcast_in_dim3A_545] : memref<80x128xf32, #tpu.memory_space<vmem>>[vector<16xi32>, vector<16xi32>], vector<16xf32>,
          %gather3A_547 = tpu.vector_load_idx %arg11[%add3A_69, %broadcast_in_dim3A_545] : memref<80x128xf32, #tpu.memory_space<vmem>>[vector<16xi32>, vector<16xi32>], vector<16xf32>,
          %mul3A_548 = arith.mulf %gather3A_546, %gather3A_547 : vector<16xf32>
          %add3A_549 = arith.addf %add3A_543, %mul3A_548 : vector<16xf32>
          %broadcast_in_dim3A_550 = arith.constant 80 : i32
          %broadcast_in_dim3A_551 = vector.broadcast %broadcast_in_dim3A_550 : i32 to vector<16xi32>
          %gather3A_552 = tpu.vector_load_idx %arg9[%add3A_69, %broadcast_in_dim3A_551] : memref<80x128xf32, #tpu.memory_space<vmem>>[vector<16xi32>, vector<16xi32>], vector<16xf32>,
          %gather3A_553 = tpu.vector_load_idx %arg11[%add3A_69, %broadcast_in_dim3A_551] : memref<80x128xf32, #tpu.memory_space<vmem>>[vector<16xi32>, vector<16xi32>], vector<16xf32>,
          %mul3A_554 = arith.mulf %gather3A_552, %gather3A_553 : vector<16xf32>
          %add3A_555 = arith.addf %add3A_549, %mul3A_554 : vector<16xf32>
          %broadcast_in_dim3A_556 = arith.constant 81 : i32
          %broadcast_in_dim3A_557 = vector.broadcast %broadcast_in_dim3A_556 : i32 to vector<16xi32>
          %gather3A_558 = tpu.vector_load_idx %arg9[%add3A_69, %broadcast_in_dim3A_557] : memref<80x128xf32, #tpu.memory_space<vmem>>[vector<16xi32>, vector<16xi32>], vector<16xf32>,
          %gather3A_559 = tpu.vector_load_idx %arg11[%add3A_69, %broadcast_in_dim3A_557] : memref<80x128xf32, #tpu.memory_space<vmem>>[vector<16xi32>, vector<16xi32>], vector<16xf32>,
          %mul3A_560 = arith.mulf %gather3A_558, %gather3A_559 : vector<16xf32>
          %add3A_561 = arith.addf %add3A_555, %mul3A_560 : vector<16xf32>
          %broadcast_in_dim3A_562 = arith.constant 82 : i32
          %broadcast_in_dim3A_563 = vector.broadcast %broadcast_in_dim3A_562 : i32 to vector<16xi32>
          %gather3A_564 = tpu.vector_load_idx %arg9[%add3A_69, %broadcast_in_dim3A_563] : memref<80x128xf32, #tpu.memory_space<vmem>>[vector<16xi32>, vector<16xi32>], vector<16xf32>,
          %gather3A_565 = tpu.vector_load_idx %arg11[%add3A_69, %broadcast_in_dim3A_563] : memref<80x128xf32, #tpu.memory_space<vmem>>[vector<16xi32>, vector<16xi32>], vector<16xf32>,
          %mul3A_566 = arith.mulf %gather3A_564, %gather3A_565 : vector<16xf32>
          %add3A_567 = arith.addf %add3A_561, %mul3A_566 : vector<16xf32>
          %broadcast_in_dim3A_568 = arith.constant 83 : i32
          %broadcast_in_dim3A_569 = vector.broadcast %broadcast_in_dim3A_568 : i32 to vector<16xi32>
          %gather3A_570 = tpu.vector_load_idx %arg9[%add3A_69, %broadcast_in_dim3A_569] : memref<80x128xf32, #tpu.memory_space<vmem>>[vector<16xi32>, vector<16xi32>], vector<16xf32>,
          %gather3A_571 = tpu.vector_load_idx %arg11[%add3A_69, %broadcast_in_dim3A_569] : memref<80x128xf32, #tpu.memory_space<vmem>>[vector<16xi32>, vector<16xi32>], vector<16xf32>,
          %mul3A_572 = arith.mulf %gather3A_570, %gather3A_571 : vector<16xf32>
          %add3A_573 = arith.addf %add3A_567, %mul3A_572 : vector<16xf32>
          %broadcast_in_dim3A_574 = arith.constant 84 : i32
          %broadcast_in_dim3A_575 = vector.broadcast %broadcast_in_dim3A_574 : i32 to vector<16xi32>
          %gather3A_576 = tpu.vector_load_idx %arg9[%add3A_69, %broadcast_in_dim3A_575] : memref<80x128xf32, #tpu.memory_space<vmem>>[vector<16xi32>, vector<16xi32>], vector<16xf32>,
          %gather3A_577 = tpu.vector_load_idx %arg11[%add3A_69, %broadcast_in_dim3A_575] : memref<80x128xf32, #tpu.memory_space<vmem>>[vector<16xi32>, vector<16xi32>], vector<16xf32>,
          %mul3A_578 = arith.mulf %gather3A_576, %gather3A_577 : vector<16xf32>
          %add3A_579 = arith.addf %add3A_573, %mul3A_578 : vector<16xf32>
          %broadcast_in_dim3A_580 = arith.constant 85 : i32
          %broadcast_in_dim3A_581 = vector.broadcast %broadcast_in_dim3A_580 : i32 to vector<16xi32>
          %gather3A_582 = tpu.vector_load_idx %arg9[%add3A_69, %broadcast_in_dim3A_581] : memref<80x128xf32, #tpu.memory_space<vmem>>[vector<16xi32>, vector<16xi32>], vector<16xf32>,
          %gather3A_583 = tpu.vector_load_idx %arg11[%add3A_69, %broadcast_in_dim3A_581] : memref<80x128xf32, #tpu.memory_space<vmem>>[vector<16xi32>, vector<16xi32>], vector<16xf32>,
          %mul3A_584 = arith.mulf %gather3A_582, %gather3A_583 : vector<16xf32>
          %add3A_585 = arith.addf %add3A_579, %mul3A_584 : vector<16xf32>
          %broadcast_in_dim3A_586 = arith.constant 86 : i32
          %broadcast_in_dim3A_587 = vector.broadcast %broadcast_in_dim3A_586 : i32 to vector<16xi32>
          %gather3A_588 = tpu.vector_load_idx %arg9[%add3A_69, %broadcast_in_dim3A_587] : memref<80x128xf32, #tpu.memory_space<vmem>>[vector<16xi32>, vector<16xi32>], vector<16xf32>,
          %gather3A_589 = tpu.vector_load_idx %arg11[%add3A_69, %broadcast_in_dim3A_587] : memref<80x128xf32, #tpu.memory_space<vmem>>[vector<16xi32>, vector<16xi32>], vector<16xf32>,
          %mul3A_590 = arith.mulf %gather3A_588, %gather3A_589 : vector<16xf32>
          %add3A_591 = arith.addf %add3A_585, %mul3A_590 : vector<16xf32>
          %broadcast_in_dim3A_592 = arith.constant 87 : i32
          %broadcast_in_dim3A_593 = vector.broadcast %broadcast_in_dim3A_592 : i32 to vector<16xi32>
          %gather3A_594 = tpu.vector_load_idx %arg9[%add3A_69, %broadcast_in_dim3A_593] : memref<80x128xf32, #tpu.memory_space<vmem>>[vector<16xi32>, vector<16xi32>], vector<16xf32>,
          %gather3A_595 = tpu.vector_load_idx %arg11[%add3A_69, %broadcast_in_dim3A_593] : memref<80x128xf32, #tpu.memory_space<vmem>>[vector<16xi32>, vector<16xi32>], vector<16xf32>,
          %mul3A_596 = arith.mulf %gather3A_594, %gather3A_595 : vector<16xf32>
          %add3A_597 = arith.addf %add3A_591, %mul3A_596 : vector<16xf32>
          %broadcast_in_dim3A_598 = arith.constant 88 : i32
          %broadcast_in_dim3A_599 = vector.broadcast %broadcast_in_dim3A_598 : i32 to vector<16xi32>
          %gather3A_600 = tpu.vector_load_idx %arg9[%add3A_69, %broadcast_in_dim3A_599] : memref<80x128xf32, #tpu.memory_space<vmem>>[vector<16xi32>, vector<16xi32>], vector<16xf32>,
          %gather3A_601 = tpu.vector_load_idx %arg11[%add3A_69, %broadcast_in_dim3A_599] : memref<80x128xf32, #tpu.memory_space<vmem>>[vector<16xi32>, vector<16xi32>], vector<16xf32>,
          %mul3A_602 = arith.mulf %gather3A_600, %gather3A_601 : vector<16xf32>
          %add3A_603 = arith.addf %add3A_597, %mul3A_602 : vector<16xf32>
          %broadcast_in_dim3A_604 = arith.constant 89 : i32
          %broadcast_in_dim3A_605 = vector.broadcast %broadcast_in_dim3A_604 : i32 to vector<16xi32>
          %gather3A_606 = tpu.vector_load_idx %arg9[%add3A_69, %broadcast_in_dim3A_605] : memref<80x128xf32, #tpu.memory_space<vmem>>[vector<16xi32>, vector<16xi32>], vector<16xf32>,
          %gather3A_607 = tpu.vector_load_idx %arg11[%add3A_69, %broadcast_in_dim3A_605] : memref<80x128xf32, #tpu.memory_space<vmem>>[vector<16xi32>, vector<16xi32>], vector<16xf32>,
          %mul3A_608 = arith.mulf %gather3A_606, %gather3A_607 : vector<16xf32>
          %add3A_609 = arith.addf %add3A_603, %mul3A_608 : vector<16xf32>
          %broadcast_in_dim3A_610 = arith.constant 90 : i32
          %broadcast_in_dim3A_611 = vector.broadcast %broadcast_in_dim3A_610 : i32 to vector<16xi32>
          %gather3A_612 = tpu.vector_load_idx %arg9[%add3A_69, %broadcast_in_dim3A_611] : memref<80x128xf32, #tpu.memory_space<vmem>>[vector<16xi32>, vector<16xi32>], vector<16xf32>,
          %gather3A_613 = tpu.vector_load_idx %arg11[%add3A_69, %broadcast_in_dim3A_611] : memref<80x128xf32, #tpu.memory_space<vmem>>[vector<16xi32>, vector<16xi32>], vector<16xf32>,
          %mul3A_614 = arith.mulf %gather3A_612, %gather3A_613 : vector<16xf32>
          %add3A_615 = arith.addf %add3A_609, %mul3A_614 : vector<16xf32>
          %broadcast_in_dim3A_616 = arith.constant 91 : i32
          %broadcast_in_dim3A_617 = vector.broadcast %broadcast_in_dim3A_616 : i32 to vector<16xi32>
          %gather3A_618 = tpu.vector_load_idx %arg9[%add3A_69, %broadcast_in_dim3A_617] : memref<80x128xf32, #tpu.memory_space<vmem>>[vector<16xi32>, vector<16xi32>], vector<16xf32>,
          %gather3A_619 = tpu.vector_load_idx %arg11[%add3A_69, %broadcast_in_dim3A_617] : memref<80x128xf32, #tpu.memory_space<vmem>>[vector<16xi32>, vector<16xi32>], vector<16xf32>,
          %mul3A_620 = arith.mulf %gather3A_618, %gather3A_619 : vector<16xf32>
          %add3A_621 = arith.addf %add3A_615, %mul3A_620 : vector<16xf32>
          %broadcast_in_dim3A_622 = arith.constant 92 : i32
          %broadcast_in_dim3A_623 = vector.broadcast %broadcast_in_dim3A_622 : i32 to vector<16xi32>
          %gather3A_624 = tpu.vector_load_idx %arg9[%add3A_69, %broadcast_in_dim3A_623] : memref<80x128xf32, #tpu.memory_space<vmem>>[vector<16xi32>, vector<16xi32>], vector<16xf32>,
          %gather3A_625 = tpu.vector_load_idx %arg11[%add3A_69, %broadcast_in_dim3A_623] : memref<80x128xf32, #tpu.memory_space<vmem>>[vector<16xi32>, vector<16xi32>], vector<16xf32>,
          %mul3A_626 = arith.mulf %gather3A_624, %gather3A_625 : vector<16xf32>
          %add3A_627 = arith.addf %add3A_621, %mul3A_626 : vector<16xf32>
          %broadcast_in_dim3A_628 = arith.constant 93 : i32
          %broadcast_in_dim3A_629 = vector.broadcast %broadcast_in_dim3A_628 : i32 to vector<16xi32>
          %gather3A_630 = tpu.vector_load_idx %arg9[%add3A_69, %broadcast_in_dim3A_629] : memref<80x128xf32, #tpu.memory_space<vmem>>[vector<16xi32>, vector<16xi32>], vector<16xf32>,
          %gather3A_631 = tpu.vector_load_idx %arg11[%add3A_69, %broadcast_in_dim3A_629] : memref<80x128xf32, #tpu.memory_space<vmem>>[vector<16xi32>, vector<16xi32>], vector<16xf32>,
          %mul3A_632 = arith.mulf %gather3A_630, %gather3A_631 : vector<16xf32>
          %add3A_633 = arith.addf %add3A_627, %mul3A_632 : vector<16xf32>
          %broadcast_in_dim3A_634 = arith.constant 94 : i32
          %broadcast_in_dim3A_635 = vector.broadcast %broadcast_in_dim3A_634 : i32 to vector<16xi32>
          %gather3A_636 = tpu.vector_load_idx %arg9[%add3A_69, %broadcast_in_dim3A_635] : memref<80x128xf32, #tpu.memory_space<vmem>>[vector<16xi32>, vector<16xi32>], vector<16xf32>,
          %gather3A_637 = tpu.vector_load_idx %arg11[%add3A_69, %broadcast_in_dim3A_635] : memref<80x128xf32, #tpu.memory_space<vmem>>[vector<16xi32>, vector<16xi32>], vector<16xf32>,
          %mul3A_638 = arith.mulf %gather3A_636, %gather3A_637 : vector<16xf32>
          %add3A_639 = arith.addf %add3A_633, %mul3A_638 : vector<16xf32>
          %broadcast_in_dim3A_640 = arith.constant 95 : i32
          %broadcast_in_dim3A_641 = vector.broadcast %broadcast_in_dim3A_640 : i32 to vector<16xi32>
          %gather3A_642 = tpu.vector_load_idx %arg9[%add3A_69, %broadcast_in_dim3A_641] : memref<80x128xf32, #tpu.memory_space<vmem>>[vector<16xi32>, vector<16xi32>], vector<16xf32>,
          %gather3A_643 = tpu.vector_load_idx %arg11[%add3A_69, %broadcast_in_dim3A_641] : memref<80x128xf32, #tpu.memory_space<vmem>>[vector<16xi32>, vector<16xi32>], vector<16xf32>,
          %mul3A_644 = arith.mulf %gather3A_642, %gather3A_643 : vector<16xf32>
          %add3A_645 = arith.addf %add3A_639, %mul3A_644 : vector<16xf32>
          %broadcast_in_dim3A_646 = arith.constant 96 : i32
          %broadcast_in_dim3A_647 = vector.broadcast %broadcast_in_dim3A_646 : i32 to vector<16xi32>
          %gather3A_648 = tpu.vector_load_idx %arg9[%add3A_69, %broadcast_in_dim3A_647] : memref<80x128xf32, #tpu.memory_space<vmem>>[vector<16xi32>, vector<16xi32>], vector<16xf32>,
          %gather3A_649 = tpu.vector_load_idx %arg11[%add3A_69, %broadcast_in_dim3A_647] : memref<80x128xf32, #tpu.memory_space<vmem>>[vector<16xi32>, vector<16xi32>], vector<16xf32>,
          %mul3A_650 = arith.mulf %gather3A_648, %gather3A_649 : vector<16xf32>
          %add3A_651 = arith.addf %add3A_645, %mul3A_650 : vector<16xf32>
          %broadcast_in_dim3A_652 = arith.constant 97 : i32
          %broadcast_in_dim3A_653 = vector.broadcast %broadcast_in_dim3A_652 : i32 to vector<16xi32>
          %gather3A_654 = tpu.vector_load_idx %arg9[%add3A_69, %broadcast_in_dim3A_653] : memref<80x128xf32, #tpu.memory_space<vmem>>[vector<16xi32>, vector<16xi32>], vector<16xf32>,
          %gather3A_655 = tpu.vector_load_idx %arg11[%add3A_69, %broadcast_in_dim3A_653] : memref<80x128xf32, #tpu.memory_space<vmem>>[vector<16xi32>, vector<16xi32>], vector<16xf32>,
          %mul3A_656 = arith.mulf %gather3A_654, %gather3A_655 : vector<16xf32>
          %add3A_657 = arith.addf %add3A_651, %mul3A_656 : vector<16xf32>
          %broadcast_in_dim3A_658 = arith.constant 98 : i32
          %broadcast_in_dim3A_659 = vector.broadcast %broadcast_in_dim3A_658 : i32 to vector<16xi32>
          %gather3A_660 = tpu.vector_load_idx %arg9[%add3A_69, %broadcast_in_dim3A_659] : memref<80x128xf32, #tpu.memory_space<vmem>>[vector<16xi32>, vector<16xi32>], vector<16xf32>,
          %gather3A_661 = tpu.vector_load_idx %arg11[%add3A_69, %broadcast_in_dim3A_659] : memref<80x128xf32, #tpu.memory_space<vmem>>[vector<16xi32>, vector<16xi32>], vector<16xf32>,
          %mul3A_662 = arith.mulf %gather3A_660, %gather3A_661 : vector<16xf32>
          %add3A_663 = arith.addf %add3A_657, %mul3A_662 : vector<16xf32>
          %broadcast_in_dim3A_664 = arith.constant 99 : i32
          %broadcast_in_dim3A_665 = vector.broadcast %broadcast_in_dim3A_664 : i32 to vector<16xi32>
          %gather3A_666 = tpu.vector_load_idx %arg9[%add3A_69, %broadcast_in_dim3A_665] : memref<80x128xf32, #tpu.memory_space<vmem>>[vector<16xi32>, vector<16xi32>], vector<16xf32>,
          %gather3A_667 = tpu.vector_load_idx %arg11[%add3A_69, %broadcast_in_dim3A_665] : memref<80x128xf32, #tpu.memory_space<vmem>>[vector<16xi32>, vector<16xi32>], vector<16xf32>,
          %mul3A_668 = arith.mulf %gather3A_666, %gather3A_667 : vector<16xf32>
          %add3A_669 = arith.addf %add3A_663, %mul3A_668 : vector<16xf32>
          %broadcast_in_dim3A_670 = arith.constant 100 : i32
          %broadcast_in_dim3A_671 = vector.broadcast %broadcast_in_dim3A_670 : i32 to vector<16xi32>
          %gather3A_672 = tpu.vector_load_idx %arg9[%add3A_69, %broadcast_in_dim3A_671] : memref<80x128xf32, #tpu.memory_space<vmem>>[vector<16xi32>, vector<16xi32>], vector<16xf32>,
          %gather3A_673 = tpu.vector_load_idx %arg11[%add3A_69, %broadcast_in_dim3A_671] : memref<80x128xf32, #tpu.memory_space<vmem>>[vector<16xi32>, vector<16xi32>], vector<16xf32>,
          %mul3A_674 = arith.mulf %gather3A_672, %gather3A_673 : vector<16xf32>
          %add3A_675 = arith.addf %add3A_669, %mul3A_674 : vector<16xf32>
          %broadcast_in_dim3A_676 = arith.constant 101 : i32
          %broadcast_in_dim3A_677 = vector.broadcast %broadcast_in_dim3A_676 : i32 to vector<16xi32>
          %gather3A_678 = tpu.vector_load_idx %arg9[%add3A_69, %broadcast_in_dim3A_677] : memref<80x128xf32, #tpu.memory_space<vmem>>[vector<16xi32>, vector<16xi32>], vector<16xf32>,
          %gather3A_679 = tpu.vector_load_idx %arg11[%add3A_69, %broadcast_in_dim3A_677] : memref<80x128xf32, #tpu.memory_space<vmem>>[vector<16xi32>, vector<16xi32>], vector<16xf32>,
          %mul3A_680 = arith.mulf %gather3A_678, %gather3A_679 : vector<16xf32>
          %add3A_681 = arith.addf %add3A_675, %mul3A_680 : vector<16xf32>
          %broadcast_in_dim3A_682 = arith.constant 102 : i32
          %broadcast_in_dim3A_683 = vector.broadcast %broadcast_in_dim3A_682 : i32 to vector<16xi32>
          %gather3A_684 = tpu.vector_load_idx %arg9[%add3A_69, %broadcast_in_dim3A_683] : memref<80x128xf32, #tpu.memory_space<vmem>>[vector<16xi32>, vector<16xi32>], vector<16xf32>,
          %gather3A_685 = tpu.vector_load_idx %arg11[%add3A_69, %broadcast_in_dim3A_683] : memref<80x128xf32, #tpu.memory_space<vmem>>[vector<16xi32>, vector<16xi32>], vector<16xf32>,
          %mul3A_686 = arith.mulf %gather3A_684, %gather3A_685 : vector<16xf32>
          %add3A_687 = arith.addf %add3A_681, %mul3A_686 : vector<16xf32>
          %broadcast_in_dim3A_688 = arith.constant 103 : i32
          %broadcast_in_dim3A_689 = vector.broadcast %broadcast_in_dim3A_688 : i32 to vector<16xi32>
          %gather3A_690 = tpu.vector_load_idx %arg9[%add3A_69, %broadcast_in_dim3A_689] : memref<80x128xf32, #tpu.memory_space<vmem>>[vector<16xi32>, vector<16xi32>], vector<16xf32>,
          %gather3A_691 = tpu.vector_load_idx %arg11[%add3A_69, %broadcast_in_dim3A_689] : memref<80x128xf32, #tpu.memory_space<vmem>>[vector<16xi32>, vector<16xi32>], vector<16xf32>,
          %mul3A_692 = arith.mulf %gather3A_690, %gather3A_691 : vector<16xf32>
          %add3A_693 = arith.addf %add3A_687, %mul3A_692 : vector<16xf32>
          %broadcast_in_dim3A_694 = arith.constant 104 : i32
          %broadcast_in_dim3A_695 = vector.broadcast %broadcast_in_dim3A_694 : i32 to vector<16xi32>
          %gather3A_696 = tpu.vector_load_idx %arg9[%add3A_69, %broadcast_in_dim3A_695] : memref<80x128xf32, #tpu.memory_space<vmem>>[vector<16xi32>, vector<16xi32>], vector<16xf32>,
          %gather3A_697 = tpu.vector_load_idx %arg11[%add3A_69, %broadcast_in_dim3A_695] : memref<80x128xf32, #tpu.memory_space<vmem>>[vector<16xi32>, vector<16xi32>], vector<16xf32>,
          %mul3A_698 = arith.mulf %gather3A_696, %gather3A_697 : vector<16xf32>
          %add3A_699 = arith.addf %add3A_693, %mul3A_698 : vector<16xf32>
          %broadcast_in_dim3A_700 = arith.constant 105 : i32
          %broadcast_in_dim3A_701 = vector.broadcast %broadcast_in_dim3A_700 : i32 to vector<16xi32>
          %gather3A_702 = tpu.vector_load_idx %arg9[%add3A_69, %broadcast_in_dim3A_701] : memref<80x128xf32, #tpu.memory_space<vmem>>[vector<16xi32>, vector<16xi32>], vector<16xf32>,
          %gather3A_703 = tpu.vector_load_idx %arg11[%add3A_69, %broadcast_in_dim3A_701] : memref<80x128xf32, #tpu.memory_space<vmem>>[vector<16xi32>, vector<16xi32>], vector<16xf32>,
          %mul3A_704 = arith.mulf %gather3A_702, %gather3A_703 : vector<16xf32>
          %add3A_705 = arith.addf %add3A_699, %mul3A_704 : vector<16xf32>
          %broadcast_in_dim3A_706 = arith.constant 106 : i32
          %broadcast_in_dim3A_707 = vector.broadcast %broadcast_in_dim3A_706 : i32 to vector<16xi32>
          %gather3A_708 = tpu.vector_load_idx %arg9[%add3A_69, %broadcast_in_dim3A_707] : memref<80x128xf32, #tpu.memory_space<vmem>>[vector<16xi32>, vector<16xi32>], vector<16xf32>,
          %gather3A_709 = tpu.vector_load_idx %arg11[%add3A_69, %broadcast_in_dim3A_707] : memref<80x128xf32, #tpu.memory_space<vmem>>[vector<16xi32>, vector<16xi32>], vector<16xf32>,
          %mul3A_710 = arith.mulf %gather3A_708, %gather3A_709 : vector<16xf32>
          %add3A_711 = arith.addf %add3A_705, %mul3A_710 : vector<16xf32>
          %broadcast_in_dim3A_712 = arith.constant 107 : i32
          %broadcast_in_dim3A_713 = vector.broadcast %broadcast_in_dim3A_712 : i32 to vector<16xi32>
          %gather3A_714 = tpu.vector_load_idx %arg9[%add3A_69, %broadcast_in_dim3A_713] : memref<80x128xf32, #tpu.memory_space<vmem>>[vector<16xi32>, vector<16xi32>], vector<16xf32>,
          %gather3A_715 = tpu.vector_load_idx %arg11[%add3A_69, %broadcast_in_dim3A_713] : memref<80x128xf32, #tpu.memory_space<vmem>>[vector<16xi32>, vector<16xi32>], vector<16xf32>,
          %mul3A_716 = arith.mulf %gather3A_714, %gather3A_715 : vector<16xf32>
          %add3A_717 = arith.addf %add3A_711, %mul3A_716 : vector<16xf32>
          %broadcast_in_dim3A_718 = arith.constant 108 : i32
          %broadcast_in_dim3A_719 = vector.broadcast %broadcast_in_dim3A_718 : i32 to vector<16xi32>
          %gather3A_720 = tpu.vector_load_idx %arg9[%add3A_69, %broadcast_in_dim3A_719] : memref<80x128xf32, #tpu.memory_space<vmem>>[vector<16xi32>, vector<16xi32>], vector<16xf32>,
          %gather3A_721 = tpu.vector_load_idx %arg11[%add3A_69, %broadcast_in_dim3A_719] : memref<80x128xf32, #tpu.memory_space<vmem>>[vector<16xi32>, vector<16xi32>], vector<16xf32>,
          %mul3A_722 = arith.mulf %gather3A_720, %gather3A_721 : vector<16xf32>
          %add3A_723 = arith.addf %add3A_717, %mul3A_722 : vector<16xf32>
          %broadcast_in_dim3A_724 = arith.constant 109 : i32
          %broadcast_in_dim3A_725 = vector.broadcast %broadcast_in_dim3A_724 : i32 to vector<16xi32>
          %gather3A_726 = tpu.vector_load_idx %arg9[%add3A_69, %broadcast_in_dim3A_725] : memref<80x128xf32, #tpu.memory_space<vmem>>[vector<16xi32>, vector<16xi32>], vector<16xf32>,
          %gather3A_727 = tpu.vector_load_idx %arg11[%add3A_69, %broadcast_in_dim3A_725] : memref<80x128xf32, #tpu.memory_space<vmem>>[vector<16xi32>, vector<16xi32>], vector<16xf32>,
          %mul3A_728 = arith.mulf %gather3A_726, %gather3A_727 : vector<16xf32>
          %add3A_729 = arith.addf %add3A_723, %mul3A_728 : vector<16xf32>
          %broadcast_in_dim3A_730 = arith.constant 110 : i32
          %broadcast_in_dim3A_731 = vector.broadcast %broadcast_in_dim3A_730 : i32 to vector<16xi32>
          %gather3A_732 = tpu.vector_load_idx %arg9[%add3A_69, %broadcast_in_dim3A_731] : memref<80x128xf32, #tpu.memory_space<vmem>>[vector<16xi32>, vector<16xi32>], vector<16xf32>,
          %gather3A_733 = tpu.vector_load_idx %arg11[%add3A_69, %broadcast_in_dim3A_731] : memref<80x128xf32, #tpu.memory_space<vmem>>[vector<16xi32>, vector<16xi32>], vector<16xf32>,
          %mul3A_734 = arith.mulf %gather3A_732, %gather3A_733 : vector<16xf32>
          %add3A_735 = arith.addf %add3A_729, %mul3A_734 : vector<16xf32>
          %broadcast_in_dim3A_736 = arith.constant 111 : i32
          %broadcast_in_dim3A_737 = vector.broadcast %broadcast_in_dim3A_736 : i32 to vector<16xi32>
          %gather3A_738 = tpu.vector_load_idx %arg9[%add3A_69, %broadcast_in_dim3A_737] : memref<80x128xf32, #tpu.memory_space<vmem>>[vector<16xi32>, vector<16xi32>], vector<16xf32>,
          %gather3A_739 = tpu.vector_load_idx %arg11[%add3A_69, %broadcast_in_dim3A_737] : memref<80x128xf32, #tpu.memory_space<vmem>>[vector<16xi32>, vector<16xi32>], vector<16xf32>,
          %mul3A_740 = arith.mulf %gather3A_738, %gather3A_739 : vector<16xf32>
          %add3A_741 = arith.addf %add3A_735, %mul3A_740 : vector<16xf32>
          %broadcast_in_dim3A_742 = arith.constant 112 : i32
          %broadcast_in_dim3A_743 = vector.broadcast %broadcast_in_dim3A_742 : i32 to vector<16xi32>
          %gather3A_744 = tpu.vector_load_idx %arg9[%add3A_69, %broadcast_in_dim3A_743] : memref<80x128xf32, #tpu.memory_space<vmem>>[vector<16xi32>, vector<16xi32>], vector<16xf32>,
          %gather3A_745 = tpu.vector_load_idx %arg11[%add3A_69, %broadcast_in_dim3A_743] : memref<80x128xf32, #tpu.memory_space<vmem>>[vector<16xi32>, vector<16xi32>], vector<16xf32>,
          %mul3A_746 = arith.mulf %gather3A_744, %gather3A_745 : vector<16xf32>
          %add3A_747 = arith.addf %add3A_741, %mul3A_746 : vector<16xf32>
          %broadcast_in_dim3A_748 = arith.constant 113 : i32
          %broadcast_in_dim3A_749 = vector.broadcast %broadcast_in_dim3A_748 : i32 to vector<16xi32>
          %gather3A_750 = tpu.vector_load_idx %arg9[%add3A_69, %broadcast_in_dim3A_749] : memref<80x128xf32, #tpu.memory_space<vmem>>[vector<16xi32>, vector<16xi32>], vector<16xf32>,
          %gather3A_751 = tpu.vector_load_idx %arg11[%add3A_69, %broadcast_in_dim3A_749] : memref<80x128xf32, #tpu.memory_space<vmem>>[vector<16xi32>, vector<16xi32>], vector<16xf32>,
          %mul3A_752 = arith.mulf %gather3A_750, %gather3A_751 : vector<16xf32>
          %add3A_753 = arith.addf %add3A_747, %mul3A_752 : vector<16xf32>
          %broadcast_in_dim3A_754 = arith.constant 114 : i32
          %broadcast_in_dim3A_755 = vector.broadcast %broadcast_in_dim3A_754 : i32 to vector<16xi32>
          %gather3A_756 = tpu.vector_load_idx %arg9[%add3A_69, %broadcast_in_dim3A_755] : memref<80x128xf32, #tpu.memory_space<vmem>>[vector<16xi32>, vector<16xi32>], vector<16xf32>,
          %gather3A_757 = tpu.vector_load_idx %arg11[%add3A_69, %broadcast_in_dim3A_755] : memref<80x128xf32, #tpu.memory_space<vmem>>[vector<16xi32>, vector<16xi32>], vector<16xf32>,
          %mul3A_758 = arith.mulf %gather3A_756, %gather3A_757 : vector<16xf32>
          %add3A_759 = arith.addf %add3A_753, %mul3A_758 : vector<16xf32>
          %broadcast_in_dim3A_760 = arith.constant 115 : i32
          %broadcast_in_dim3A_761 = vector.broadcast %broadcast_in_dim3A_760 : i32 to vector<16xi32>
          %gather3A_762 = tpu.vector_load_idx %arg9[%add3A_69, %broadcast_in_dim3A_761] : memref<80x128xf32, #tpu.memory_space<vmem>>[vector<16xi32>, vector<16xi32>], vector<16xf32>,
          %gather3A_763 = tpu.vector_load_idx %arg11[%add3A_69, %broadcast_in_dim3A_761] : memref<80x128xf32, #tpu.memory_space<vmem>>[vector<16xi32>, vector<16xi32>], vector<16xf32>,
          %mul3A_764 = arith.mulf %gather3A_762, %gather3A_763 : vector<16xf32>
          %add3A_765 = arith.addf %add3A_759, %mul3A_764 : vector<16xf32>
          %broadcast_in_dim3A_766 = arith.constant 116 : i32
          %broadcast_in_dim3A_767 = vector.broadcast %broadcast_in_dim3A_766 : i32 to vector<16xi32>
          %gather3A_768 = tpu.vector_load_idx %arg9[%add3A_69, %broadcast_in_dim3A_767] : memref<80x128xf32, #tpu.memory_space<vmem>>[vector<16xi32>, vector<16xi32>], vector<16xf32>,
          %gather3A_769 = tpu.vector_load_idx %arg11[%add3A_69, %broadcast_in_dim3A_767] : memref<80x128xf32, #tpu.memory_space<vmem>>[vector<16xi32>, vector<16xi32>], vector<16xf32>,
          %mul3A_770 = arith.mulf %gather3A_768, %gather3A_769 : vector<16xf32>
          %add3A_771 = arith.addf %add3A_765, %mul3A_770 : vector<16xf32>
          %broadcast_in_dim3A_772 = arith.constant 117 : i32
          %broadcast_in_dim3A_773 = vector.broadcast %broadcast_in_dim3A_772 : i32 to vector<16xi32>
          %gather3A_774 = tpu.vector_load_idx %arg9[%add3A_69, %broadcast_in_dim3A_773] : memref<80x128xf32, #tpu.memory_space<vmem>>[vector<16xi32>, vector<16xi32>], vector<16xf32>,
          %gather3A_775 = tpu.vector_load_idx %arg11[%add3A_69, %broadcast_in_dim3A_773] : memref<80x128xf32, #tpu.memory_space<vmem>>[vector<16xi32>, vector<16xi32>], vector<16xf32>,
          %mul3A_776 = arith.mulf %gather3A_774, %gather3A_775 : vector<16xf32>
          %add3A_777 = arith.addf %add3A_771, %mul3A_776 : vector<16xf32>
          %broadcast_in_dim3A_778 = arith.constant 118 : i32
          %broadcast_in_dim3A_779 = vector.broadcast %broadcast_in_dim3A_778 : i32 to vector<16xi32>
          %gather3A_780 = tpu.vector_load_idx %arg9[%add3A_69, %broadcast_in_dim3A_779] : memref<80x128xf32, #tpu.memory_space<vmem>>[vector<16xi32>, vector<16xi32>], vector<16xf32>,
          %gather3A_781 = tpu.vector_load_idx %arg11[%add3A_69, %broadcast_in_dim3A_779] : memref<80x128xf32, #tpu.memory_space<vmem>>[vector<16xi32>, vector<16xi32>], vector<16xf32>,
          %mul3A_782 = arith.mulf %gather3A_780, %gather3A_781 : vector<16xf32>
          %add3A_783 = arith.addf %add3A_777, %mul3A_782 : vector<16xf32>
          %broadcast_in_dim3A_784 = arith.constant 119 : i32
          %broadcast_in_dim3A_785 = vector.broadcast %broadcast_in_dim3A_784 : i32 to vector<16xi32>
          %gather3A_786 = tpu.vector_load_idx %arg9[%add3A_69, %broadcast_in_dim3A_785] : memref<80x128xf32, #tpu.memory_space<vmem>>[vector<16xi32>, vector<16xi32>], vector<16xf32>,
          %gather3A_787 = tpu.vector_load_idx %arg11[%add3A_69, %broadcast_in_dim3A_785] : memref<80x128xf32, #tpu.memory_space<vmem>>[vector<16xi32>, vector<16xi32>], vector<16xf32>,
          %mul3A_788 = arith.mulf %gather3A_786, %gather3A_787 : vector<16xf32>
          %add3A_789 = arith.addf %add3A_783, %mul3A_788 : vector<16xf32>
          %broadcast_in_dim3A_790 = arith.constant 120 : i32
          %broadcast_in_dim3A_791 = vector.broadcast %broadcast_in_dim3A_790 : i32 to vector<16xi32>
          %gather3A_792 = tpu.vector_load_idx %arg9[%add3A_69, %broadcast_in_dim3A_791] : memref<80x128xf32, #tpu.memory_space<vmem>>[vector<16xi32>, vector<16xi32>], vector<16xf32>,
          %gather3A_793 = tpu.vector_load_idx %arg11[%add3A_69, %broadcast_in_dim3A_791] : memref<80x128xf32, #tpu.memory_space<vmem>>[vector<16xi32>, vector<16xi32>], vector<16xf32>,
          %mul3A_794 = arith.mulf %gather3A_792, %gather3A_793 : vector<16xf32>
          %add3A_795 = arith.addf %add3A_789, %mul3A_794 : vector<16xf32>
          %broadcast_in_dim3A_796 = arith.constant 121 : i32
          %broadcast_in_dim3A_797 = vector.broadcast %broadcast_in_dim3A_796 : i32 to vector<16xi32>
          %gather3A_798 = tpu.vector_load_idx %arg9[%add3A_69, %broadcast_in_dim3A_797] : memref<80x128xf32, #tpu.memory_space<vmem>>[vector<16xi32>, vector<16xi32>], vector<16xf32>,
          %gather3A_799 = tpu.vector_load_idx %arg11[%add3A_69, %broadcast_in_dim3A_797] : memref<80x128xf32, #tpu.memory_space<vmem>>[vector<16xi32>, vector<16xi32>], vector<16xf32>,
          %mul3A_800 = arith.mulf %gather3A_798, %gather3A_799 : vector<16xf32>
          %add3A_801 = arith.addf %add3A_795, %mul3A_800 : vector<16xf32>
          %broadcast_in_dim3A_802 = arith.constant 122 : i32
          %broadcast_in_dim3A_803 = vector.broadcast %broadcast_in_dim3A_802 : i32 to vector<16xi32>
          %gather3A_804 = tpu.vector_load_idx %arg9[%add3A_69, %broadcast_in_dim3A_803] : memref<80x128xf32, #tpu.memory_space<vmem>>[vector<16xi32>, vector<16xi32>], vector<16xf32>,
          %gather3A_805 = tpu.vector_load_idx %arg11[%add3A_69, %broadcast_in_dim3A_803] : memref<80x128xf32, #tpu.memory_space<vmem>>[vector<16xi32>, vector<16xi32>], vector<16xf32>,
          %mul3A_806 = arith.mulf %gather3A_804, %gather3A_805 : vector<16xf32>
          %add3A_807 = arith.addf %add3A_801, %mul3A_806 : vector<16xf32>
          %broadcast_in_dim3A_808 = arith.constant 123 : i32
          %broadcast_in_dim3A_809 = vector.broadcast %broadcast_in_dim3A_808 : i32 to vector<16xi32>
          %gather3A_810 = tpu.vector_load_idx %arg9[%add3A_69, %broadcast_in_dim3A_809] : memref<80x128xf32, #tpu.memory_space<vmem>>[vector<16xi32>, vector<16xi32>], vector<16xf32>,
          %gather3A_811 = tpu.vector_load_idx %arg11[%add3A_69, %broadcast_in_dim3A_809] : memref<80x128xf32, #tpu.memory_space<vmem>>[vector<16xi32>, vector<16xi32>], vector<16xf32>,
          %mul3A_812 = arith.mulf %gather3A_810, %gather3A_811 : vector<16xf32>
          %add3A_813 = arith.addf %add3A_807, %mul3A_812 : vector<16xf32>
          %broadcast_in_dim3A_814 = arith.constant 124 : i32
          %broadcast_in_dim3A_815 = vector.broadcast %broadcast_in_dim3A_814 : i32 to vector<16xi32>
          %gather3A_816 = tpu.vector_load_idx %arg9[%add3A_69, %broadcast_in_dim3A_815] : memref<80x128xf32, #tpu.memory_space<vmem>>[vector<16xi32>, vector<16xi32>], vector<16xf32>,
          %gather3A_817 = tpu.vector_load_idx %arg11[%add3A_69, %broadcast_in_dim3A_815] : memref<80x128xf32, #tpu.memory_space<vmem>>[vector<16xi32>, vector<16xi32>], vector<16xf32>,
          %mul3A_818 = arith.mulf %gather3A_816, %gather3A_817 : vector<16xf32>
          %add3A_819 = arith.addf %add3A_813, %mul3A_818 : vector<16xf32>
          %broadcast_in_dim3A_820 = arith.constant 125 : i32
          %broadcast_in_dim3A_821 = vector.broadcast %broadcast_in_dim3A_820 : i32 to vector<16xi32>
          %gather3A_822 = tpu.vector_load_idx %arg9[%add3A_69, %broadcast_in_dim3A_821] : memref<80x128xf32, #tpu.memory_space<vmem>>[vector<16xi32>, vector<16xi32>], vector<16xf32>,
          %gather3A_823 = tpu.vector_load_idx %arg11[%add3A_69, %broadcast_in_dim3A_821] : memref<80x128xf32, #tpu.memory_space<vmem>>[vector<16xi32>, vector<16xi32>], vector<16xf32>,
          %mul3A_824 = arith.mulf %gather3A_822, %gather3A_823 : vector<16xf32>
          %add3A_825 = arith.addf %add3A_819, %mul3A_824 : vector<16xf32>
          %broadcast_in_dim3A_826 = arith.constant 126 : i32
          %broadcast_in_dim3A_827 = vector.broadcast %broadcast_in_dim3A_826 : i32 to vector<16xi32>
          %gather3A_828 = tpu.vector_load_idx %arg9[%add3A_69, %broadcast_in_dim3A_827] : memref<80x128xf32, #tpu.memory_space<vmem>>[vector<16xi32>, vector<16xi32>], vector<16xf32>,
          %gather3A_829 = tpu.vector_load_idx %arg11[%add3A_69, %broadcast_in_dim3A_827] : memref<80x128xf32, #tpu.memory_space<vmem>>[vector<16xi32>, vector<16xi32>], vector<16xf32>,
          %mul3A_830 = arith.mulf %gather3A_828, %gather3A_829 : vector<16xf32>
          %add3A_831 = arith.addf %add3A_825, %mul3A_830 : vector<16xf32>
          %broadcast_in_dim3A_832 = arith.constant 127 : i32
          %broadcast_in_dim3A_833 = vector.broadcast %broadcast_in_dim3A_832 : i32 to vector<16xi32>
          %gather3A_834 = tpu.vector_load_idx %arg9[%add3A_69, %broadcast_in_dim3A_833] : memref<80x128xf32, #tpu.memory_space<vmem>>[vector<16xi32>, vector<16xi32>], vector<16xf32>,
          %gather3A_835 = tpu.vector_load_idx %arg11[%add3A_69, %broadcast_in_dim3A_833] : memref<80x128xf32, #tpu.memory_space<vmem>>[vector<16xi32>, vector<16xi32>], vector<16xf32>,
          %mul3A_836 = arith.mulf %gather3A_834, %gather3A_835 : vector<16xf32>
          %add3A_837 = arith.addf %add3A_831, %mul3A_836 : vector<16xf32>
          %mul3A_838 = arith.constant 80 : i32
          %mul3A_839 = arith.muli %add3A_37, %mul3A_838 : i32
          %mul3A_840 = arith.constant 16 : i32
          %mul3A_841 = arith.muli %scan3A_65, %mul3A_840 : i32
          %add3A_842 = arith.addi %mul3A_839, %mul3A_841 : i32
          %swap3A = arith.index_cast %add3A_842 : i32 to index
          %swap3A_843 = tpu.vector_load %arg12[%swap3A] {strides = array<i32>} : memref<10000xf32, #tpu.memory_space<vmem>>, vector<16xf32>,
          tpu.vector_store %arg12[%swap3A], %add3A_837 {strides = array<i32>} : memref<10000xf32, #tpu.memory_space<vmem>>, vector<16xf32>,
        }
        %scan3A_57 = arith.constant 5 : i32
        %add3A_58 = arith.constant 2 : i32
        %add3A_59 = arith.addi %add3A_37, %add3A_58 : i32
        %lt3A_60 = arith.constant 125 : i32
        %lt3A_61 = arith.cmpi slt, %add3A_59, %lt3A_60 : i32
        %convert_element_type3A_62 = arith.extui %lt3A_61 : i1 to i32
        %cond3A_63 = arith.constant 0 : i32
        %cond3A_64 = arith.cmpi ne, %convert_element_type3A_62, %cond3A_63 : i32
        scf.if %cond3A_64 {
          %add3A_65 = arith.constant 2 : i32
          %add3A_66 = arith.addi %add3A_37, %add3A_65 : i32
          %mul3A_67 = arith.constant 80 : i32
          %mul3A_68 = arith.muli %add3A_66, %mul3A_67 : i32
          %dma_start3A_69 = tpu.memref_slice %arg6[%mul3A_68] : memref<10000xi32, #tpu.memory_space<vmem>> -> memref<80xi32, #tpu.memory_space<vmem>>
          %dma_start3A_70 = arith.constant 0 : i32
          %dma_start3A_71 = arith.constant 0 : i32
          %dma_start3A_72 = tpu.memref_slice %arg2[%dma_start3A_70, %dma_start3A_71] : memref<10000x128xf32, #tpu.memory_space<hbm>> -> memref<10000x128xf32, #tpu.memory_space<hbm>>
          tpu.enqueue_indirect_dma source(%dma_start3A_72 : memref<10000x128xf32, #tpu.memory_space<hbm>>) target(%arg9 : memref<80x128xf32, #tpu.memory_space<vmem>>) offsets(%dma_start3A_69 : memref<80xi32, #tpu.memory_space<vmem>>) semaphore(%arg14 : memref<!tpu.dma_semaphore, #tpu.memory_space<semaphore_mem>>)
          %mul3A_73 = arith.constant 80 : i32
          %mul3A_74 = arith.muli %add3A_66, %mul3A_73 : i32
          %dma_start3A_75 = tpu.memref_slice %arg7[%mul3A_74] : memref<10000xi32, #tpu.memory_space<vmem>> -> memref<80xi32, #tpu.memory_space<vmem>>
          %dma_start3A_76 = arith.constant 0 : i32
          %dma_start3A_77 = arith.constant 0 : i32
          %dma_start3A_78 = tpu.memref_slice %arg2[%dma_start3A_76, %dma_start3A_77] : memref<10000x128xf32, #tpu.memory_space<hbm>> -> memref<10000x128xf32, #tpu.memory_space<hbm>>
          tpu.enqueue_indirect_dma source(%dma_start3A_78 : memref<10000x128xf32, #tpu.memory_space<hbm>>) target(%arg11 : memref<80x128xf32, #tpu.memory_space<vmem>>) offsets(%dma_start3A_75 : memref<80xi32, #tpu.memory_space<vmem>>) semaphore(%arg16 : memref<!tpu.dma_semaphore, #tpu.memory_space<semaphore_mem>>)
        } else {
        }
      } else {
      }
    }
    %scan3A_26 = arith.constant 63 : i32
    "tpu.region"() ({
      %run_scoped3A = tpu.sem_alloc : memref<!tpu.dma_semaphore, #tpu.memory_space<semaphore_mem>>
      %dma_start3A_27 = tpu.memref_slice %arg5[%mul3A_2] : memref<320000xf32, #tpu.memory_space<hbm>> -> memref<10000xf32, #tpu.memory_space<hbm>>
      %dma_start3A_28 = tpu.memref_slice %arg5[%mul3A_2] : memref<320000xf32, #tpu.memory_space<hbm>> -> memref<10000xf32, #tpu.memory_space<hbm>>
      tpu.enqueue_dma source(%arg12 : memref<10000xf32, #tpu.memory_space<vmem>>) target(%dma_start3A_28 : memref<10000xf32, #tpu.memory_space<hbm>>) target_semaphore(%run_scoped3A : memref<!tpu.dma_semaphore, #tpu.memory_space<semaphore_mem>>)
      %dma_wait3A = tpu.memref_slice %arg5[%mul3A_2] : memref<320000xf32, #tpu.memory_space<hbm>> -> memref<10000xf32, #tpu.memory_space<hbm>>
      %dma_wait3A_29 = tpu.memref_slice %arg5[%mul3A_2] : memref<320000xf32, #tpu.memory_space<hbm>> -> memref<10000xf32, #tpu.memory_space<hbm>>
      tpu.wait_dma2 semaphore(%run_scoped3A : memref<!tpu.dma_semaphore, #tpu.memory_space<semaphore_mem>>) src(%arg12 : memref<10000xf32, #tpu.memory_space<vmem>>) dst(%dma_wait3A_29 : memref<10000xf32, #tpu.memory_space<hbm>>)
      tpu.yield
    }) : () -> ()
    return
  }
}

</mosaic_0001>

<sc_bundles>
// kernel: kernel.3.cloned.1.call-start
scs
__scs_entry_jumppad:
0x0: {  	(pc) =	sbr.rel $0x88, $3  }
0x1: {  	(tag) =	ssettag $0x0;
	lr =	simm.s32 $0x1  }
0x2: {  	[smem:$0x3F9F] =	sst lr;
	_ =	strace $0xD0000000  }
0x3: {  	_ = 	snop  }
0x4: {  	_ = 	snop  }
0x5: {  	_ = 	snop  }
0x6: {  	_ = 	snop  }
0x7: {  	_ = 	snop  }
__scs_overlays_trampoline_lowered:
0x8: {  	[smem:$0x3FAE] =	sst s0  }
0x9: {  	[smem:$0x3FAF] =	sst s1  }
0xa: {  	[smem:$0x3FB0] =	sst s2  }
0xb: {  	[smem:$0x3FB1] =	sst s3  }
0xc: {  	[smem:$0x3FB2] =	sst s4  }
0xd: {  	[smem:$0x3FB3] =	sst s5  }
0xe: {  	[smem:$0x3FB4] =	sst s6  }
0xf: {  	[smem:$0x3FB5] =	sst s7  }
0x10: {  	[smem:$0x3FB6] =	sst s8  }
0x11: {  	[smem:$0x3FB7] =	sst s9;
	s0 =	simm.s32 @!p0 $0x0  }
0x12: {  	s1 =	sld [smem:$0x3F9D];
	s0 =	simm.s32 @p0 $0x1  }
0x13: {  	[smem:$0x3FB8] =	sst s0;
	s0 =	simm.s32 @!p1 $0x0  }
0x14: {  	s2 =	sld [smem:$0x3F9C];
	s0 =	simm.s32 @p1 $0x1  }
0x15: {  	[smem:$0x3FB9] =	sst s0;
	s0 =	simm.s32 @!p2 $0x0  }
0x16: {  	s3 =	sld [smem:$0x3FDB];
	s0 =	simm.s32 @p2 $0x1  }
0x17: {  	s4 =	simm.s32 $0x1BF5;
	[smem:$0x3FBB] =	sst s0  }
0x18: {  	s0 =	sld [smem:$0x3F9E];
	_ =	swait.ge [sflag:s4], $0x0  }
0x19: {  	s7 =	sld [smem:$0x3F9F]  }
0x1a: {  	s8 =	sadd.s32 $0xFFFFE003, lr  }
0x1b: {  	s9 =	sadd.s32 $0xFFFFFEF7, lr;
	s5 =	simm.s32 $0xFFFFFFFF;
	p2 =	slt.u32 s8, $0xFFFFF086  }
0x1c: {  	p1 =	slt.u32 s9, $0xF7A;
	s5 =	simm.s32 @!p2 $0x0  }
0x1d: {  	s5 =	simm.s32 @p1 $0x1;
	p0 =	seq.s32 s7, s2  }
0x1e: {  	s7 =	smul.u32 @!p0 $0xF7A, s2;
	p2 =	seq.s32 @!p0 s5, $0x0  }
0x1f: {  	s9 =	smul.u32 $0xF7A, s1;
	s8 =	simm.s32 @!p0 $0x1BF5;
	p2 =	por !p2, p0  }
0x20: {  	[sflag:s8] =	ssyncset.s32 @!p0 $0xFFFFF086;
	s6 =	sadd.s32 @!p0 s3, s7;
	s7 =	simm.s32 @!p0 $0x108  }
0x21: {  	s3 =	sadd.s32 s3, s9;
	s6 =	sadd.s32 @!p0 $0x88, s6;
	s7 =	simm.s32 @p2 $0x1082  }
0x22: {  	[simem:s7], [sflag:s8] =	dma.local @!p0 [hbm:s6], $0xF7A  }
0x23: {  	s9 =	sor.u32 $0xD0000000, s2;
	s6 =	simm.s32 $0x108;
	_ =	swait.ge @!p0 [sflag:s8], $0x0  }
0x24: {  	s3 =	sadd.s32 $0x88, s3;
	s6 =	simm.s32 @!p1 $0x1082;
	[sflag:s4] =	ssyncset.s32 $0xFFFFF086  }
0x25: {  	[simem:s6], [sflag:s4] =	dma.local [hbm:s3], $0xF7A  }
0x26: {  	[smem:$0x3F9F] =	sst s1;
	(tag) =	ssettag s2;
	_ =	strace s9  }
0x27: {  	s1 =	sld [smem:$0x3FAF]  }
0x28: {  	s2 =	sld [smem:$0x3FB0]  }
0x29: {  	s4 =	sld [smem:$0x3FB2]  }
0x2a: {  	p0 =	seq.s32 s5, $0x0;
	s5 =	sld [smem:$0x3FB3]  }
0x2b: {  	s6 =	sld [smem:$0x3FB4]  }
0x2c: {  	s7 =	sld [smem:$0x3FB5]  }
0x2d: {  	s3 =	simm.s32 $0x108;
	s8 =	sld [smem:$0x3FB6]  }
0x2e: {  	s3 =	simm.s32 @!p0 $0x1082;
	s9 =	sld [smem:$0x3FB7]  }
0x2f: {  	lr =	sadd.s32 s0, s3;
	s0 =	sld [smem:$0x3FAE]  }
0x30: {  	s3 =	sld [smem:$0x3FB1]  }
0x31: {  	[smem:$0x3FBA] =	sst s10  }
0x32: {  	s10 =	sld [smem:$0x3FB8];
	_ =	sdelay $0x3  }
0x33: {  	p0 =	seq.s32 s10, $0x1;
	s10 =	sld [smem:$0x3FBA];
	_ =	sdelay $0x3  }
0x34: {  	[smem:$0x3FBA] =	sst s10  }
0x35: {  	s10 =	sld [smem:$0x3FB9];
	_ =	sdelay $0x3  }
0x36: {  	p1 =	seq.s32 s10, $0x1;
	s10 =	sld [smem:$0x3FBA];
	_ =	sdelay $0x3  }
0x37: {  	[smem:$0x3FBA] =	sst s10  }
0x38: {  	s10 =	sld [smem:$0x3FBB]  }
0x39: {  	_ = 	snop;
	(pc) =	sbr.ind lr, $3  }
0x3a: {  	_ = 	snop  }
0x3b: {  	_ = 	snop  }
0x3c: {  	p2 =	seq.s32 s10, $0x1;
	s10 =	sld [smem:$0x3FBA]  }
0x3d: {  	_ =	shalt  }
0x3e: {  	_ =	shalt  }
0x3f: {  	_ =	shalt  }
0x40: {  	_ =	shalt  }
0x41: {  	_ =	shalt  }
0x42: {  	_ =	shalt  }
0x43: {  	_ =	shalt  }
0x44: {  	_ =	shalt  }
0x45: {  	_ =	shalt  }
0x46: {  	_ =	shalt  }
0x47: {  	_ =	shalt  }
0x48: {  	_ =	shalt  }
0x49: {  	_ =	shalt  }
0x4a: {  	_ =	shalt  }
0x4b: {  	_ =	shalt  }
0x4c: {  	_ =	shalt  }
0x4d: {  	_ =	shalt  }
0x4e: {  	_ =	shalt  }
0x4f: {  	_ =	shalt  }
0x50: {  	_ =	shalt  }
0x51: {  	_ =	shalt  }
0x52: {  	_ =	shalt  }
0x53: {  	_ =	shalt  }
0x54: {  	_ =	shalt  }
0x55: {  	_ =	shalt  }
0x56: {  	_ =	shalt  }
0x57: {  	_ =	shalt  }
0x58: {  	_ =	shalt  }
0x59: {  	_ =	shalt  }
0x5a: {  	_ =	shalt  }
0x5b: {  	_ =	shalt  }
0x5c: {  	_ =	shalt  }
0x5d: {  	_ =	shalt  }
0x5e: {  	_ =	shalt  }
0x5f: {  	_ =	shalt  }
0x60: {  	_ =	shalt  }
0x61: {  	_ =	shalt  }
0x62: {  	_ =	shalt  }
0x63: {  	_ =	shalt  }
0x64: {  	_ =	shalt  }
0x65: {  	_ =	shalt  }
0x66: {  	_ =	shalt  }
0x67: {  	_ =	shalt  }
0x68: {  	_ =	shalt  }
0x69: {  	_ =	shalt  }
0x6a: {  	_ =	shalt  }
0x6b: {  	_ =	shalt  }
0x6c: {  	_ =	shalt  }
0x6d: {  	_ =	shalt  }
0x6e: {  	_ =	shalt  }
0x6f: {  	_ =	shalt  }
0x70: {  	_ =	shalt  }
0x71: {  	_ =	shalt  }
0x72: {  	_ =	shalt  }
0x73: {  	_ =	shalt  }
0x74: {  	_ =	shalt  }
0x75: {  	_ =	shalt  }
0x76: {  	_ =	shalt  }
0x77: {  	_ =	shalt  }
0x78: {  	_ =	shalt  }
0x79: {  	_ =	shalt  }
0x7a: {  	_ =	shalt  }
0x7b: {  	_ =	shalt  }
0x7c: {  	_ =	shalt  }
0x7d: {  	_ =	shalt  }
0x7e: {  	_ =	shalt  }
0x7f: {  	_ =	shalt  }
0x80: {  	_ =	shalt  }
0x81: {  	_ =	shalt  }
0x82: {  	_ =	shalt  }
0x83: {  	_ =	shalt  }
0x84: {  	_ =	shalt  }
0x85: {  	_ =	shalt  }
0x86: {  	_ =	shalt  }
0x87: {  	_ =	shalt  }
.Lfunc_end0:
.L_simem_size_0:
called_computation_lowered:
.L_overlay_start_0:
0x88: {  	s2 =	sld [smem:$0x3FD9]  }
0x89: {  	s3 =	sld [smem:$0x3FFE];
	_ =	sdelay $0x1  }
0x8a: {  	s1 =	srdreg.scid  }
0x8b: {  	s0 =	sand.u32 $0x1, s1  }
0x8c: {  	s17 =	sshll.u32 s0, $0xA;
	s2 =	sadd.s32 s3, s2  }
0x8d: {  	s2 =	sadd.s32 s2, s17  }
0x8e: {  	[smem:$0x3FC6] =	sst s2  }
0x8f: {  	_ = 	snop  }
0x90: {  	s2 =	sld [smem:$0x3FC9]  }
0x91: {  	s18 =	sld [smem:$0x3FD0];
	(tm) =	ssettm $0x1  }
0x92: {  	s4 =	sld [smem:$0x3FFB];
	_ =	sdelay $0x3  }
0x93: {  	_ =	strace s4  }
0x94: {  	s4 =	sld [smem:$0x3FFC];
	_ =	sdelay $0x3  }
0x95: {  	_ =	strace s4  }
0x96: {  	s4 =	sld [smem:$0x3FFD];
	_ =	sdelay $0x3  }
0x97: {  	_ =	strace s4  }
0x98: {  	_ =	strace $0x8FFFFFFF  }
0x99: {  	s19 =	sld [smem:$0x3FDB];
	_ =	sdelay $0x1  }
0x9a: {  	s5 =	simm.s32 $_scs_section_size  }
0x9b: {  	s6 =	simm.s32 $_size__tile_overlayer_lowered;
	s7 =	simm.s32 $_tile_overlayer_lowered  }
0x9c: {  	s22 =	simm.s32 $0x1BFF;
	s21 =	sshll.u32 s7, $0x1;
	s4 =	sadd.s32 s5, s19  }
0x9d: {  	s8 =	simm.s32 $0x0;
	s20 =	sshll.u32 s6, $0x1;
	s6 =	sadd.s32 s21, s4  }
0x9e: {  	[timem:s8], [sflag:s22] =	dma.local [hbm:s6], s20  }
0x9f: {  	_ =	swait.ge [sflag:s22], s20  }
0xa0: {  	s5 =	ssub.s32 $0x0, s20;
	[sflag:s22] =	ssyncset.done $0x0  }
0xa1: {  	[sflag:s22] =	ssyncadd.s32 s5;
	_ =	sdelay $0x1  }
0xa2: {  	s23 =	simm.s32 $0x1B8B  }
0xa3: {  	_ =	swait.ge [sflag:s23], $0x1  }
0xa4: {  	[sflag:s23] =	ssyncset.done $0x0  }
0xa5: {  	s25 =	simm.s32 $0x1B8E;
	s24 =	sld [smem:$0x3FFE];
	[sflag:s23] =	ssyncadd.s32 $0xFFFFFFFF  }
0xa6: {  	s26 =	simm.s32 $execute0_lowered;
	[smem:$0x3FD2] =	sst s25  }
0xa7: {  	s6 =	sshll.u32 s26, $0x1;
	_ =	strace $0x80000046;
	[dreg:$0x1] =	wrdreg $0xFFFFFFFF  }
0xa8: {  	s28 =	simm.s32 $_size_execute0_lowered;
	s4 =	sadd.s32 s4, s6;
	[dreg:$0x0] =	wrdreg $0x0  }
0xa9: {  	s6 =	sshll.u32 s28, $0x1;
	[dreg:$0x2] =	wrdreg s4  }
0xaa: {  	[dreg:$0x3] =	wrdreg s6  }
0xab: {  	[dreg:$0x4] =	wrdreg $0xC0  }
0xac: {  	_ =	task [dreg:s8], $0x5FFFF  }
0xad: {  	[dreg:$0x1] =	wrdreg $0xFFFFFFFF  }
0xae: {  	[dreg:$0x0] =	wrdreg $0x60  }
0xaf: {  	[dreg:$0x2] =	wrdreg s2  }
0xb0: {  	[dreg:$0x3] =	wrdreg s24  }
0xb1: {  	[dreg:$0x4] =	wrdreg s18  }
0xb2: {  	[dreg:$0x5] =	wrdreg $0x9  }
0xb3: {  	_ =	task.clear_ibuf [dreg:s8], $0x6FFFF;
	_ =	strace $0x90000046  }
0xb4: {  	s29 =	simm.s32 $0x9;
	_ =	strace $0x80000048  }
0xb5: {  	_ =	swait.ge [sflag:s29], $0x1  }
0xb6: {  	[sflag:s29] =	ssyncadd.s32 $0xFFFFFFFF  }
0xb7: {  	_ =	strace $0x90000048  }
0xb8: {  	_ =	sfence  }
0xb9: {  	s30 =	sld [smem:$0x0];
	_ =	sdelay $0x2  }
0xba: {  	s31 =	sshll.u32 s1, $0xD;
	s1 =	sshrl.u32 s1, $0x2  }
0xbb: {  	s3 =	sand.u32 $0x4000, s31;
	s1 =	sadd.s32 s1, s30  }
0xbc: {  	s0 =	sor.u32 s3, s0;
	s1 =	sshll.u32 s1, $0x11  }
0xbd: {  	s0 =	sor.u32 s1, s0  }
0xbe: {  	s0 =	sadd.s32 $0x8F2B, s0  }
0xbf: {  	[sflag:s0] =	ssyncadd.remote.s32 $0x1  }
0xc0: {  	_ =	sfence.sel $0xFFFF  }
0xc1: {  	[dreg:$0x0] =	wrdreg $0xFFFFFFFF;
	(pc) =	sbr.abs _section_cstart, $3  }
0xc2: {  	[dreg:$0x1] =	wrdreg $0xFFFFFFFF  }
0xc3: {  	_ =	task.clear_ibuf [dreg:s8], $0x2FFFF;
	_ =	strace $0x9FFFFFFF  }
0xc4: {  	(tm) =	ssettm $0x7FFFFFFF  }
0xc5: {  	_ =	shalt  }
tec
execute0_lowered:
.L_overlay_start_1:
0x0: {  	(tag) =	ssettag $0x1  }
0x1: {  	s1 =	rddreg [dreg:$0x0]  }
0x2: {  	s2 =	srdreg.scid;
	s4 =	rddreg [dreg:$0x1]  }
0x3: {  	s0 =	stileid.u32;
	s6 =	rddreg [dreg:$0x2]  }
0x4: {  	s3 =	simm.s32 $0x0;
	s9 =	simm.s32 $0x2780;
	s10 =	simm.s32 $0x50  }
0x5: {  	s11 =	simm.s32 $0x4F00;
	s12 =	simm.s32 $0x9F00;
	s13 =	simm.s32 $0x7700  }
0x6: {  	s14 =	simm.s32 $0x27D0;
	s15 =	simm.s32 $0xC700;
	s16 =	simm.s32 $0x1  }
0x7: {  	s17 =	simm.s32 $0x3;
	s18 =	simm.s32 $0xEF00;
	s19 =	simm.s32 $0x2  }
0x8: {  	s20 =	simm.s32 $0x4;
	s5 =	sand.u32 $0x1, s2;
	s31 =	sshll.u32 s0, $0x1  }
.Ltmp0:
0x9: {  	s21 =	simm.s32 $0x0;
	s7 =	sor.u32 s5, s31;
	(pc) =	sbr.rel .LBB2_1-.Ltmp0, $4  }
0xa: {  	[smem:$0x7FF] =	sst s3;
	s5 =	ssub.s32 $0x2, s5;
	s7 =	smul.u32 $0x4E2, s7  }
0xb: {  	v0 =	vlaneseq.u32;
	s2 =	rddreg [dreg:$0x3];
	_ =	strace $0x80000047;
	s8 =	sshrl.u32 s5, $0x1  }
0xc: {  	v0 =	vmul.u32 $0x80, v0;
	s8 =	ssub.s32 s5, s8;
	s4 =	sadd.s32 s4, s7;
	s6 =	sadd.s32 s6, s7  }
0xd: {  	s7 =	smax.u32 s8, $0x1;
	s8 =	simm.s32 $0x5;
	s5 =	sadd.s32 $0x9E00, s4  }
.LBB2_10:
0xe: {  	s21 =	sadd.s32 $0x1, s21  }
0xf: {  	p0 =	sne.s32 s21, s7  }
.Ltmp1:
0x10: {  	_ = 	snop;
	(pc) =	sbr.rel @!p0 .LBB2_11-.Ltmp1, $4  }
0x11: {  	[hbm4b:s6+s3] =	stream.linear.scatter [tilespmem:s18], [sflag:$0x5], $0x2710, $0x38;
	[tilespmem:$0x11680] =	vst v63  }
0x12: {  	_ =	swait.ge [sflag:s8], $0x2710  }
0x13: {  	[sflag:s8] =	ssyncset.done $0x0  }
0x14: {  	[sflag:s8] =	ssyncadd.s32 $0xFFFFD8F0  }
.LBB2_1:
0x15: {  	[tilespmem:s3], [sflag:$0x5] =	stream.linear.gather [hbm4b:s5+s3], $0x2710, $0x38;
	[tilespmem:$0x11680] =	vst v63  }
0x16: {  	_ =	swait.ge [sflag:s8], $0x2710  }
0x17: {  	[sflag:s8] =	ssyncset.done $0x0  }
0x18: {  	[sflag:s8] =	ssyncadd.s32 $0xFFFFD8F0  }
0x19: {  	[tilespmem:s9], [sflag:$0x5] =	stream.linear.gather [hbm4b:s4+s3], $0x2710, $0x38;
	[tilespmem:$0x11680] =	vst v63  }
0x1a: {  	_ =	swait.ge [sflag:s8], $0x2710  }
0x1b: {  	[sflag:s8] =	ssyncset.done $0x0  }
0x1c: {  	[sflag:s8] =	ssyncadd.s32 $0xFFFFD8F0  }
0x1d: {  	[tilespmem:s11], [sflag:$0x1] =	stream.indirect.gather [hbm4b:s1+s10], $0x80, s3, s10, $0xb8;
	[tilespmem:$0x11680] =	vst v63  }
0x1e: {  	_ = 	snop  }
0x1f: {  	[tilespmem:s12], [sflag:$0x3] =	stream.indirect.gather [hbm4b:s1+s10], $0x80, s9, s10, $0xb8;
	[tilespmem:$0x11680] =	vst v63  }
.Ltmp2:
0x20: {  	_ = 	snop;
	(pc) =	sbr.rel .LBB2_2-.Ltmp2, $4  }
0x21: {  	_ = 	snop  }
0x22: {  	[tilespmem:s13], [sflag:$0x2] =	stream.indirect.gather [hbm4b:s1+s10], $0x80, s10, s10, $0xb8;
	[tilespmem:$0x11680] =	vst v63  }
0x23: {  	s22 =	simm.s32 $0xEF50;
	s23 =	simm.s32 $0xEF00;
	s24 =	simm.s32 $0x0  }
0x24: {  	[tilespmem:s15], [sflag:$0x4] =	stream.indirect.gather [hbm4b:s1+s10], $0x80, s14, s10, $0xb8;
	[tilespmem:$0x11680] =	vst v63  }
.LBB2_9:
0x25: {  	s24 =	sadd.s32 $0x1, s24  }
0x26: {  	p0 =	sne.s32 s24, $0x3F  }
.Ltmp3:
0x27: {  	_ = 	snop;
	(pc) =	sbr.rel @!p0 .LBB2_10-.Ltmp3, $2  }
0x28: {  	_ =	sdelay $0x2  }
0x29: {  	s23 =	sadd.s32 $0xA0, s23;
	s22 =	sadd.s32 $0xA0, s22  }
.LBB2_2:
0x2a: {  	s25 =	simm.s32 $0x0  }
0x2b: {  	v1 =	vmov s25  }
0x2c: {  	_ =	swait.ge [sflag:s16], $0x2800;
	v1 =	vshll.u32 v1, $0x7  }
0x2d: {  	[sflag:s16] =	ssyncset.done $0x0;
	v1 =	vor.u32 v0, v1  }
0x2e: {  	[sflag:s16] =	ssyncadd.s32 $0xFFFFD800  }
0x2f: {  	_ =	swait.ge [sflag:s17], $0x2800;
	v2 =	vor.u32 $0x1, v1  }
0x30: {  	[sflag:s17] =	ssyncset.done $0x0  }
0x31: {  	v3 =	vor.u32 $0x2, v1;
	[sflag:s17] =	ssyncadd.s32 $0xFFFFD800  }
0x32: {  	v4 =	vld.idx.msk [tilespmem:v1+s12+$0x0], $0xffff  }
0x33: {  	v6 =	vor.u32 $0x3, v1;
	v5 =	vld.idx.msk [tilespmem:v1+s11+$0x0], $0xffff  }
0x34: {  	v7 =	vld.idx.msk [tilespmem:v2+s11+$0x0], $0xffff  }
0x35: {  	v8 =	vor.u32 $0x4, v1;
	v2 =	vld.idx.msk [tilespmem:v2+s12+$0x0], $0xffff  }
0x36: {  	v9 =	vld.idx.msk [tilespmem:v3+s11+$0x0], $0xffff  }
0x37: {  	v10 =	vor.u32 $0x5, v1;
	v3 =	vld.idx.msk [tilespmem:v3+s12+$0x0], $0xffff  }
0x38: {  	v11 =	vld.idx.msk [tilespmem:v6+s11+$0x0], $0xffff;
	v4 =	vmul.f32 v4, v5  }
0x39: {  	v5 =	vld.idx.msk [tilespmem:v6+s12+$0x0], $0xffff;
	v6 =	vor.u32 $0x6, v1  }
0x3a: {  	v12 =	vld.idx.msk [tilespmem:v8+s11+$0x0], $0xffff;
	v2 =	vmul.f32 v2, v7;
	v4 =	vadd.f32 $0.0e+00, v4  }
0x3b: {  	v40 =	vor.u32 $0x7, v1;
	v7 =	vld.idx.msk [tilespmem:v8+s12+$0x0], $0xffff  }
0x3c: {  	v13 =	vld.idx.msk [tilespmem:v10+s11+$0x0], $0xffff;
	v3 =	vmul.f32 v3, v9;
	v2 =	vadd.f32 v2, v4  }
0x3d: {  	v41 =	vor.u32 $0x8, v1;
	v4 =	vld.idx.msk [tilespmem:v10+s12+$0x0], $0xffff  }
0x3e: {  	v42 =	vld.idx.msk [tilespmem:v6+s11+$0x0], $0xffff;
	v2 =	vadd.f32 v3, v2;
	v3 =	vmul.f32 v5, v11  }
0x3f: {  	v5 =	vld.idx.msk [tilespmem:v6+s12+$0x0], $0xffff;
	v6 =	vor.u32 $0x9, v1  }
0x40: {  	v43 =	vld.idx.msk [tilespmem:v40+s11+$0x0], $0xffff;
	v2 =	vadd.f32 v3, v2;
	v3 =	vmul.f32 v7, v12  }
0x41: {  	v44 =	vor.u32 $0xA, v1;
	v7 =	vld.idx.msk [tilespmem:v40+s12+$0x0], $0xffff  }
0x42: {  	v45 =	vld.idx.msk [tilespmem:v41+s11+$0x0], $0xffff;
	v2 =	vadd.f32 v3, v2;
	v3 =	vmul.f32 v4, v13  }
0x43: {  	v46 =	vor.u32 $0xB, v1;
	v4 =	vld.idx.msk [tilespmem:v41+s12+$0x0], $0xffff  }
0x44: {  	v47 =	vld.idx.msk [tilespmem:v6+s11+$0x0], $0xffff;
	v2 =	vadd.f32 v3, v2;
	v3 =	vmul.f32 v5, v42  }
0x45: {  	v5 =	vld.idx.msk [tilespmem:v6+s12+$0x0], $0xffff;
	v6 =	vor.u32 $0xC, v1  }
0x46: {  	v48 =	vld.idx.msk [tilespmem:v44+s11+$0x0], $0xffff;
	v2 =	vadd.f32 v3, v2;
	v3 =	vmul.f32 v7, v43  }
0x47: {  	v49 =	vor.u32 $0xD, v1;
	v7 =	vld.idx.msk [tilespmem:v44+s12+$0x0], $0xffff  }
0x48: {  	v50 =	vld.idx.msk [tilespmem:v46+s11+$0x0], $0xffff;
	v2 =	vadd.f32 v3, v2;
	v3 =	vmul.f32 v4, v45  }
0x49: {  	v51 =	vor.u32 $0xE, v1;
	v4 =	vld.idx.msk [tilespmem:v46+s12+$0x0], $0xffff  }
0x4a: {  	v52 =	vld.idx.msk [tilespmem:v6+s11+$0x0], $0xffff;
	v2 =	vadd.f32 v3, v2;
	v3 =	vmul.f32 v5, v47  }
0x4b: {  	v5 =	vld.idx.msk [tilespmem:v6+s12+$0x0], $0xffff;
	v6 =	vor.u32 $0xF, v1  }
0x4c: {  	v53 =	vld.idx.msk [tilespmem:v49+s11+$0x0], $0xffff;
	v2 =	vadd.f32 v3, v2;
	v3 =	vmul.f32 v7, v48  }
0x4d: {  	v54 =	vor.u32 $0x10, v1;
	v7 =	vld.idx.msk [tilespmem:v49+s12+$0x0], $0xffff  }
0x4e: {  	v55 =	vld.idx.msk [tilespmem:v51+s11+$0x0], $0xffff;
	v2 =	vadd.f32 v3, v2;
	v3 =	vmul.f32 v4, v50  }
0x4f: {  	v56 =	vor.u32 $0x11, v1;
	v4 =	vld.idx.msk [tilespmem:v51+s12+$0x0], $0xffff  }
0x50: {  	v57 =	vld.idx.msk [tilespmem:v6+s11+$0x0], $0xffff;
	v2 =	vadd.f32 v3, v2;
	v3 =	vmul.f32 v5, v52  }
0x51: {  	v5 =	vld.idx.msk [tilespmem:v6+s12+$0x0], $0xffff;
	v6 =	vor.u32 $0x12, v1  }
0x52: {  	v58 =	vld.idx.msk [tilespmem:v54+s11+$0x0], $0xffff;
	v2 =	vadd.f32 v3, v2;
	v3 =	vmul.f32 v7, v53  }
0x53: {  	v59 =	vor.u32 $0x13, v1;
	v7 =	vld.idx.msk [tilespmem:v54+s12+$0x0], $0xffff  }
0x54: {  	v60 =	vld.idx.msk [tilespmem:v56+s11+$0x0], $0xffff;
	v2 =	vadd.f32 v3, v2;
	v3 =	vmul.f32 v4, v55  }
0x55: {  	v61 =	vor.u32 $0x14, v1;
	v4 =	vld.idx.msk [tilespmem:v56+s12+$0x0], $0xffff  }
0x56: {  	v62 =	vld.idx.msk [tilespmem:v6+s11+$0x0], $0xffff;
	v2 =	vadd.f32 v3, v2;
	v3 =	vmul.f32 v5, v57  }
0x57: {  	v5 =	vld.idx.msk [tilespmem:v6+s12+$0x0], $0xffff;
	v6 =	vor.u32 $0x15, v1  }
0x58: {  	v63 =	vld.idx.msk [tilespmem:v59+s11+$0x0], $0xffff;
	v2 =	vadd.f32 v3, v2;
	v3 =	vmul.f32 v7, v58  }
0x59: {  	v16 =	vor.u32 $0x16, v1;
	v7 =	vld.idx.msk [tilespmem:v59+s12+$0x0], $0xffff  }
0x5a: {  	v17 =	vld.idx.msk [tilespmem:v61+s11+$0x0], $0xffff;
	v2 =	vadd.f32 v3, v2;
	v3 =	vmul.f32 v4, v60  }
0x5b: {  	v18 =	vor.u32 $0x17, v1;
	v4 =	vld.idx.msk [tilespmem:v61+s12+$0x0], $0xffff  }
0x5c: {  	v19 =	vld.idx.msk [tilespmem:v6+s11+$0x0], $0xffff;
	v2 =	vadd.f32 v3, v2;
	v3 =	vmul.f32 v5, v62  }
0x5d: {  	v5 =	vld.idx.msk [tilespmem:v6+s12+$0x0], $0xffff;
	v6 =	vor.u32 $0x18, v1  }
0x5e: {  	v20 =	vld.idx.msk [tilespmem:v16+s11+$0x0], $0xffff;
	v2 =	vadd.f32 v3, v2;
	v3 =	vmul.f32 v7, v63  }
0x5f: {  	v21 =	vor.u32 $0x19, v1;
	v7 =	vld.idx.msk [tilespmem:v16+s12+$0x0], $0xffff  }
0x60: {  	v22 =	vld.idx.msk [tilespmem:v18+s11+$0x0], $0xffff;
	v2 =	vadd.f32 v3, v2;
	v3 =	vmul.f32 v4, v17  }
0x61: {  	v23 =	vor.u32 $0x1A, v1;
	v4 =	vld.idx.msk [tilespmem:v18+s12+$0x0], $0xffff  }
0x62: {  	v24 =	vld.idx.msk [tilespmem:v6+s11+$0x0], $0xffff;
	v2 =	vadd.f32 v3, v2;
	v3 =	vmul.f32 v5, v19  }
0x63: {  	v5 =	vld.idx.msk [tilespmem:v6+s12+$0x0], $0xffff;
	v6 =	vor.u32 $0x1B, v1  }
0x64: {  	v25 =	vld.idx.msk [tilespmem:v21+s11+$0x0], $0xffff;
	v2 =	vadd.f32 v3, v2;
	v3 =	vmul.f32 v7, v20  }
0x65: {  	v26 =	vor.u32 $0x1C, v1;
	v7 =	vld.idx.msk [tilespmem:v21+s12+$0x0], $0xffff  }
0x66: {  	v27 =	vld.idx.msk [tilespmem:v23+s11+$0x0], $0xffff;
	v2 =	vadd.f32 v3, v2;
	v3 =	vmul.f32 v4, v22  }
0x67: {  	v28 =	vor.u32 $0x1D, v1;
	v4 =	vld.idx.msk [tilespmem:v23+s12+$0x0], $0xffff  }
0x68: {  	v29 =	vld.idx.msk [tilespmem:v6+s11+$0x0], $0xffff;
	v2 =	vadd.f32 v3, v2;
	v3 =	vmul.f32 v5, v24  }
0x69: {  	v5 =	vld.idx.msk [tilespmem:v6+s12+$0x0], $0xffff;
	v6 =	vor.u32 $0x1E, v1  }
0x6a: {  	v30 =	vld.idx.msk [tilespmem:v26+s11+$0x0], $0xffff;
	v2 =	vadd.f32 v3, v2;
	v3 =	vmul.f32 v7, v25  }
0x6b: {  	v31 =	vor.u32 $0x1F, v1;
	v7 =	vld.idx.msk [tilespmem:v26+s12+$0x0], $0xffff  }
0x6c: {  	v32 =	vld.idx.msk [tilespmem:v28+s11+$0x0], $0xffff;
	v2 =	vadd.f32 v3, v2;
	v3 =	vmul.f32 v4, v27  }
0x6d: {  	v33 =	vor.u32 $0x20, v1;
	v4 =	vld.idx.msk [tilespmem:v28+s12+$0x0], $0xffff  }
0x6e: {  	v34 =	vld.idx.msk [tilespmem:v6+s11+$0x0], $0xffff;
	v2 =	vadd.f32 v3, v2;
	v3 =	vmul.f32 v5, v29  }
0x6f: {  	v5 =	vld.idx.msk [tilespmem:v6+s12+$0x0], $0xffff;
	v6 =	vor.u32 $0x21, v1  }
0x70: {  	v35 =	vld.idx.msk [tilespmem:v31+s11+$0x0], $0xffff;
	v2 =	vadd.f32 v3, v2;
	v3 =	vmul.f32 v7, v30  }
0x71: {  	v36 =	vor.u32 $0x22, v1;
	v7 =	vld.idx.msk [tilespmem:v31+s12+$0x0], $0xffff  }
0x72: {  	v37 =	vld.idx.msk [tilespmem:v33+s11+$0x0], $0xffff;
	v2 =	vadd.f32 v3, v2;
	v3 =	vmul.f32 v4, v32  }
0x73: {  	v38 =	vor.u32 $0x23, v1;
	v4 =	vld.idx.msk [tilespmem:v33+s12+$0x0], $0xffff  }
0x74: {  	v39 =	vld.idx.msk [tilespmem:v6+s11+$0x0], $0xffff;
	v2 =	vadd.f32 v3, v2;
	v3 =	vmul.f32 v5, v34  }
0x75: {  	v5 =	vld.idx.msk [tilespmem:v6+s12+$0x0], $0xffff;
	v6 =	vor.u32 $0x24, v1  }
0x76: {  	v40 =	vld.idx.msk [tilespmem:v36+s11+$0x0], $0xffff;
	v2 =	vadd.f32 v3, v2;
	v3 =	vmul.f32 v7, v35  }
0x77: {  	v41 =	vor.u32 $0x25, v1;
	v7 =	vld.idx.msk [tilespmem:v36+s12+$0x0], $0xffff  }
0x78: {  	v42 =	vld.idx.msk [tilespmem:v38+s11+$0x0], $0xffff;
	v2 =	vadd.f32 v3, v2;
	v3 =	vmul.f32 v4, v37  }
0x79: {  	v43 =	vor.u32 $0x26, v1;
	v4 =	vld.idx.msk [tilespmem:v38+s12+$0x0], $0xffff  }
0x7a: {  	v44 =	vld.idx.msk [tilespmem:v6+s11+$0x0], $0xffff;
	v2 =	vadd.f32 v3, v2;
	v3 =	vmul.f32 v5, v39  }
0x7b: {  	v5 =	vld.idx.msk [tilespmem:v6+s12+$0x0], $0xffff;
	v6 =	vor.u32 $0x27, v1  }
0x7c: {  	v45 =	vld.idx.msk [tilespmem:v41+s11+$0x0], $0xffff;
	v2 =	vadd.f32 v3, v2;
	v3 =	vmul.f32 v7, v40  }
0x7d: {  	v46 =	vor.u32 $0x28, v1;
	v7 =	vld.idx.msk [tilespmem:v41+s12+$0x0], $0xffff  }
0x7e: {  	v47 =	vld.idx.msk [tilespmem:v43+s11+$0x0], $0xffff;
	v2 =	vadd.f32 v3, v2;
	v3 =	vmul.f32 v4, v42  }
0x7f: {  	v48 =	vor.u32 $0x29, v1;
	v4 =	vld.idx.msk [tilespmem:v43+s12+$0x0], $0xffff  }
0x80: {  	v49 =	vld.idx.msk [tilespmem:v6+s11+$0x0], $0xffff;
	v2 =	vadd.f32 v3, v2;
	v3 =	vmul.f32 v5, v44  }
0x81: {  	v5 =	vld.idx.msk [tilespmem:v6+s12+$0x0], $0xffff;
	v6 =	vor.u32 $0x2A, v1  }
0x82: {  	v50 =	vld.idx.msk [tilespmem:v46+s11+$0x0], $0xffff;
	v2 =	vadd.f32 v3, v2;
	v3 =	vmul.f32 v7, v45  }
0x83: {  	v51 =	vor.u32 $0x2B, v1;
	v7 =	vld.idx.msk [tilespmem:v46+s12+$0x0], $0xffff  }
0x84: {  	v52 =	vld.idx.msk [tilespmem:v48+s11+$0x0], $0xffff;
	v2 =	vadd.f32 v3, v2;
	v3 =	vmul.f32 v4, v47  }
0x85: {  	v53 =	vor.u32 $0x2C, v1;
	v4 =	vld.idx.msk [tilespmem:v48+s12+$0x0], $0xffff  }
0x86: {  	v54 =	vld.idx.msk [tilespmem:v6+s11+$0x0], $0xffff;
	v2 =	vadd.f32 v3, v2;
	v3 =	vmul.f32 v5, v49  }
0x87: {  	v5 =	vld.idx.msk [tilespmem:v6+s12+$0x0], $0xffff;
	v6 =	vor.u32 $0x2D, v1  }
0x88: {  	v55 =	vld.idx.msk [tilespmem:v51+s11+$0x0], $0xffff;
	v2 =	vadd.f32 v3, v2;
	v3 =	vmul.f32 v7, v50  }
0x89: {  	v56 =	vor.u32 $0x2E, v1;
	v7 =	vld.idx.msk [tilespmem:v51+s12+$0x0], $0xffff  }
0x8a: {  	v57 =	vld.idx.msk [tilespmem:v53+s11+$0x0], $0xffff;
	v2 =	vadd.f32 v3, v2;
	v3 =	vmul.f32 v4, v52  }
0x8b: {  	v58 =	vor.u32 $0x2F, v1;
	v4 =	vld.idx.msk [tilespmem:v53+s12+$0x0], $0xffff  }
0x8c: {  	v59 =	vld.idx.msk [tilespmem:v6+s11+$0x0], $0xffff;
	v2 =	vadd.f32 v3, v2;
	v3 =	vmul.f32 v5, v54  }
0x8d: {  	v5 =	vld.idx.msk [tilespmem:v6+s12+$0x0], $0xffff;
	v6 =	vor.u32 $0x30, v1  }
0x8e: {  	v60 =	vld.idx.msk [tilespmem:v56+s11+$0x0], $0xffff;
	v2 =	vadd.f32 v3, v2;
	v3 =	vmul.f32 v7, v55  }
0x8f: {  	v61 =	vor.u32 $0x31, v1;
	v7 =	vld.idx.msk [tilespmem:v56+s12+$0x0], $0xffff  }
0x90: {  	v62 =	vld.idx.msk [tilespmem:v58+s11+$0x0], $0xffff;
	v2 =	vadd.f32 v3, v2;
	v3 =	vmul.f32 v4, v57  }
0x91: {  	v63 =	vor.u32 $0x32, v1;
	v4 =	vld.idx.msk [tilespmem:v58+s12+$0x0], $0xffff  }
0x92: {  	v16 =	vld.idx.msk [tilespmem:v6+s11+$0x0], $0xffff;
	v2 =	vadd.f32 v3, v2;
	v3 =	vmul.f32 v5, v59  }
0x93: {  	v5 =	vld.idx.msk [tilespmem:v6+s12+$0x0], $0xffff;
	v6 =	vor.u32 $0x33, v1  }
0x94: {  	v17 =	vld.idx.msk [tilespmem:v61+s11+$0x0], $0xffff;
	v2 =	vadd.f32 v3, v2;
	v3 =	vmul.f32 v7, v60  }
0x95: {  	v18 =	vor.u32 $0x34, v1;
	v7 =	vld.idx.msk [tilespmem:v61+s12+$0x0], $0xffff  }
0x96: {  	v19 =	vld.idx.msk [tilespmem:v63+s11+$0x0], $0xffff;
	v2 =	vadd.f32 v3, v2;
	v3 =	vmul.f32 v4, v62  }
0x97: {  	v20 =	vor.u32 $0x35, v1;
	v4 =	vld.idx.msk [tilespmem:v63+s12+$0x0], $0xffff  }
0x98: {  	v21 =	vld.idx.msk [tilespmem:v6+s11+$0x0], $0xffff;
	v2 =	vadd.f32 v3, v2;
	v3 =	vmul.f32 v5, v16  }
0x99: {  	v5 =	vld.idx.msk [tilespmem:v6+s12+$0x0], $0xffff;
	v6 =	vor.u32 $0x36, v1  }
0x9a: {  	v22 =	vld.idx.msk [tilespmem:v18+s11+$0x0], $0xffff;
	v2 =	vadd.f32 v3, v2;
	v3 =	vmul.f32 v7, v17  }
0x9b: {  	v23 =	vor.u32 $0x37, v1;
	v7 =	vld.idx.msk [tilespmem:v18+s12+$0x0], $0xffff  }
0x9c: {  	v24 =	vld.idx.msk [tilespmem:v20+s11+$0x0], $0xffff;
	v2 =	vadd.f32 v3, v2;
	v3 =	vmul.f32 v4, v19  }
0x9d: {  	v25 =	vor.u32 $0x38, v1;
	v4 =	vld.idx.msk [tilespmem:v20+s12+$0x0], $0xffff  }
0x9e: {  	v26 =	vld.idx.msk [tilespmem:v6+s11+$0x0], $0xffff;
	v2 =	vadd.f32 v3, v2;
	v3 =	vmul.f32 v5, v21  }
0x9f: {  	v5 =	vld.idx.msk [tilespmem:v6+s12+$0x0], $0xffff;
	v6 =	vor.u32 $0x39, v1  }
0xa0: {  	v27 =	vld.idx.msk [tilespmem:v23+s11+$0x0], $0xffff;
	v2 =	vadd.f32 v3, v2;
	v3 =	vmul.f32 v7, v22  }
0xa1: {  	v28 =	vor.u32 $0x3A, v1;
	v7 =	vld.idx.msk [tilespmem:v23+s12+$0x0], $0xffff  }
0xa2: {  	v29 =	vld.idx.msk [tilespmem:v25+s11+$0x0], $0xffff;
	v2 =	vadd.f32 v3, v2;
	v3 =	vmul.f32 v4, v24  }
0xa3: {  	v30 =	vor.u32 $0x3B, v1;
	v4 =	vld.idx.msk [tilespmem:v25+s12+$0x0], $0xffff  }
0xa4: {  	v31 =	vld.idx.msk [tilespmem:v6+s11+$0x0], $0xffff;
	v2 =	vadd.f32 v3, v2;
	v3 =	vmul.f32 v5, v26  }
0xa5: {  	v5 =	vld.idx.msk [tilespmem:v6+s12+$0x0], $0xffff;
	v6 =	vor.u32 $0x3C, v1  }
0xa6: {  	v32 =	vld.idx.msk [tilespmem:v28+s11+$0x0], $0xffff;
	v2 =	vadd.f32 v3, v2;
	v3 =	vmul.f32 v7, v27  }
0xa7: {  	v33 =	vor.u32 $0x3D, v1;
	v7 =	vld.idx.msk [tilespmem:v28+s12+$0x0], $0xffff  }
0xa8: {  	v34 =	vld.idx.msk [tilespmem:v30+s11+$0x0], $0xffff;
	v2 =	vadd.f32 v3, v2;
	v3 =	vmul.f32 v4, v29  }
0xa9: {  	v35 =	vor.u32 $0x3E, v1;
	v4 =	vld.idx.msk [tilespmem:v30+s12+$0x0], $0xffff  }
0xaa: {  	v36 =	vld.idx.msk [tilespmem:v6+s11+$0x0], $0xffff;
	v2 =	vadd.f32 v3, v2;
	v3 =	vmul.f32 v5, v31  }
0xab: {  	v5 =	vld.idx.msk [tilespmem:v6+s12+$0x0], $0xffff;
	v6 =	vor.u32 $0x3F, v1  }
0xac: {  	v37 =	vld.idx.msk [tilespmem:v33+s11+$0x0], $0xffff;
	v2 =	vadd.f32 v3, v2;
	v3 =	vmul.f32 v7, v32  }
0xad: {  	v38 =	vor.u32 $0x40, v1;
	v7 =	vld.idx.msk [tilespmem:v33+s12+$0x0], $0xffff  }
0xae: {  	v39 =	vld.idx.msk [tilespmem:v35+s11+$0x0], $0xffff;
	v2 =	vadd.f32 v3, v2;
	v3 =	vmul.f32 v4, v34  }
0xaf: {  	v40 =	vor.u32 $0x41, v1;
	v4 =	vld.idx.msk [tilespmem:v35+s12+$0x0], $0xffff  }
0xb0: {  	v41 =	vld.idx.msk [tilespmem:v6+s11+$0x0], $0xffff;
	v2 =	vadd.f32 v3, v2;
	v3 =	vmul.f32 v5, v36  }
0xb1: {  	v5 =	vld.idx.msk [tilespmem:v6+s12+$0x0], $0xffff;
	v6 =	vor.u32 $0x42, v1  }
0xb2: {  	v42 =	vld.idx.msk [tilespmem:v38+s11+$0x0], $0xffff;
	v2 =	vadd.f32 v3, v2;
	v3 =	vmul.f32 v7, v37  }
0xb3: {  	v43 =	vor.u32 $0x43, v1;
	v7 =	vld.idx.msk [tilespmem:v38+s12+$0x0], $0xffff  }
0xb4: {  	v44 =	vld.idx.msk [tilespmem:v40+s11+$0x0], $0xffff;
	v2 =	vadd.f32 v3, v2;
	v3 =	vmul.f32 v4, v39  }
0xb5: {  	v45 =	vor.u32 $0x44, v1;
	v4 =	vld.idx.msk [tilespmem:v40+s12+$0x0], $0xffff  }
0xb6: {  	v46 =	vld.idx.msk [tilespmem:v6+s11+$0x0], $0xffff;
	v2 =	vadd.f32 v3, v2;
	v3 =	vmul.f32 v5, v41  }
0xb7: {  	v5 =	vld.idx.msk [tilespmem:v6+s12+$0x0], $0xffff;
	v6 =	vor.u32 $0x45, v1  }
0xb8: {  	v47 =	vld.idx.msk [tilespmem:v43+s11+$0x0], $0xffff;
	v2 =	vadd.f32 v3, v2;
	v3 =	vmul.f32 v7, v42  }
0xb9: {  	v48 =	vor.u32 $0x46, v1;
	v7 =	vld.idx.msk [tilespmem:v43+s12+$0x0], $0xffff  }
0xba: {  	v49 =	vld.idx.msk [tilespmem:v45+s11+$0x0], $0xffff;
	v2 =	vadd.f32 v3, v2;
	v3 =	vmul.f32 v4, v44  }
0xbb: {  	v50 =	vor.u32 $0x47, v1;
	v4 =	vld.idx.msk [tilespmem:v45+s12+$0x0], $0xffff  }
0xbc: {  	v51 =	vld.idx.msk [tilespmem:v6+s11+$0x0], $0xffff;
	v2 =	vadd.f32 v3, v2;
	v3 =	vmul.f32 v5, v46  }
0xbd: {  	v5 =	vld.idx.msk [tilespmem:v6+s12+$0x0], $0xffff;
	v6 =	vor.u32 $0x48, v1  }
0xbe: {  	v52 =	vld.idx.msk [tilespmem:v48+s11+$0x0], $0xffff;
	v2 =	vadd.f32 v3, v2;
	v3 =	vmul.f32 v7, v47  }
0xbf: {  	v53 =	vor.u32 $0x49, v1;
	v7 =	vld.idx.msk [tilespmem:v48+s12+$0x0], $0xffff  }
0xc0: {  	v54 =	vld.idx.msk [tilespmem:v50+s11+$0x0], $0xffff;
	v2 =	vadd.f32 v3, v2;
	v3 =	vmul.f32 v4, v49  }
0xc1: {  	v55 =	vor.u32 $0x4A, v1;
	v4 =	vld.idx.msk [tilespmem:v50+s12+$0x0], $0xffff  }
0xc2: {  	v56 =	vld.idx.msk [tilespmem:v6+s11+$0x0], $0xffff;
	v2 =	vadd.f32 v3, v2;
	v3 =	vmul.f32 v5, v51  }
0xc3: {  	v5 =	vld.idx.msk [tilespmem:v6+s12+$0x0], $0xffff;
	v6 =	vor.u32 $0x4B, v1  }
0xc4: {  	v57 =	vld.idx.msk [tilespmem:v53+s11+$0x0], $0xffff;
	v2 =	vadd.f32 v3, v2;
	v3 =	vmul.f32 v7, v52  }
0xc5: {  	v58 =	vor.u32 $0x4C, v1;
	v7 =	vld.idx.msk [tilespmem:v53+s12+$0x0], $0xffff  }
0xc6: {  	v59 =	vld.idx.msk [tilespmem:v55+s11+$0x0], $0xffff;
	v2 =	vadd.f32 v3, v2;
	v3 =	vmul.f32 v4, v54  }
0xc7: {  	v60 =	vor.u32 $0x4D, v1;
	v4 =	vld.idx.msk [tilespmem:v55+s12+$0x0], $0xffff  }
0xc8: {  	v61 =	vld.idx.msk [tilespmem:v6+s11+$0x0], $0xffff;
	v2 =	vadd.f32 v3, v2;
	v3 =	vmul.f32 v5, v56  }
0xc9: {  	v5 =	vld.idx.msk [tilespmem:v6+s12+$0x0], $0xffff;
	v6 =	vor.u32 $0x4E, v1  }
0xca: {  	v62 =	vld.idx.msk [tilespmem:v58+s11+$0x0], $0xffff;
	v2 =	vadd.f32 v3, v2;
	v3 =	vmul.f32 v7, v57  }
0xcb: {  	v63 =	vor.u32 $0x4F, v1;
	v7 =	vld.idx.msk [tilespmem:v58+s12+$0x0], $0xffff  }
0xcc: {  	v16 =	vld.idx.msk [tilespmem:v60+s11+$0x0], $0xffff;
	v2 =	vadd.f32 v3, v2;
	v3 =	vmul.f32 v4, v59  }
0xcd: {  	v17 =	vor.u32 $0x50, v1;
	v4 =	vld.idx.msk [tilespmem:v60+s12+$0x0], $0xffff  }
0xce: {  	v18 =	vld.idx.msk [tilespmem:v6+s11+$0x0], $0xffff;
	v2 =	vadd.f32 v3, v2;
	v3 =	vmul.f32 v5, v61  }
0xcf: {  	v5 =	vld.idx.msk [tilespmem:v6+s12+$0x0], $0xffff;
	v6 =	vor.u32 $0x51, v1  }
0xd0: {  	v19 =	vld.idx.msk [tilespmem:v63+s11+$0x0], $0xffff;
	v2 =	vadd.f32 v3, v2;
	v3 =	vmul.f32 v7, v62  }
0xd1: {  	v20 =	vor.u32 $0x52, v1;
	v7 =	vld.idx.msk [tilespmem:v63+s12+$0x0], $0xffff  }
0xd2: {  	v21 =	vld.idx.msk [tilespmem:v17+s11+$0x0], $0xffff;
	v2 =	vadd.f32 v3, v2;
	v3 =	vmul.f32 v4, v16  }
0xd3: {  	v22 =	vor.u32 $0x53, v1;
	v4 =	vld.idx.msk [tilespmem:v17+s12+$0x0], $0xffff  }
0xd4: {  	v23 =	vld.idx.msk [tilespmem:v6+s11+$0x0], $0xffff;
	v2 =	vadd.f32 v3, v2;
	v3 =	vmul.f32 v5, v18  }
0xd5: {  	v5 =	vld.idx.msk [tilespmem:v6+s12+$0x0], $0xffff;
	v6 =	vor.u32 $0x54, v1  }
0xd6: {  	v24 =	vld.idx.msk [tilespmem:v20+s11+$0x0], $0xffff;
	v2 =	vadd.f32 v3, v2;
	v3 =	vmul.f32 v7, v19  }
0xd7: {  	v25 =	vor.u32 $0x55, v1;
	v7 =	vld.idx.msk [tilespmem:v20+s12+$0x0], $0xffff  }
0xd8: {  	v26 =	vld.idx.msk [tilespmem:v22+s11+$0x0], $0xffff;
	v2 =	vadd.f32 v3, v2;
	v3 =	vmul.f32 v4, v21  }
0xd9: {  	v27 =	vor.u32 $0x56, v1;
	v4 =	vld.idx.msk [tilespmem:v22+s12+$0x0], $0xffff  }
0xda: {  	v28 =	vld.idx.msk [tilespmem:v6+s11+$0x0], $0xffff;
	v2 =	vadd.f32 v3, v2;
	v3 =	vmul.f32 v5, v23  }
0xdb: {  	v5 =	vld.idx.msk [tilespmem:v6+s12+$0x0], $0xffff;
	v6 =	vor.u32 $0x57, v1  }
0xdc: {  	v29 =	vld.idx.msk [tilespmem:v25+s11+$0x0], $0xffff;
	v2 =	vadd.f32 v3, v2;
	v3 =	vmul.f32 v7, v24  }
0xdd: {  	v30 =	vor.u32 $0x58, v1;
	v7 =	vld.idx.msk [tilespmem:v25+s12+$0x0], $0xffff  }
0xde: {  	v31 =	vld.idx.msk [tilespmem:v27+s11+$0x0], $0xffff;
	v2 =	vadd.f32 v3, v2;
	v3 =	vmul.f32 v4, v26  }
0xdf: {  	v32 =	vor.u32 $0x59, v1;
	v4 =	vld.idx.msk [tilespmem:v27+s12+$0x0], $0xffff  }
0xe0: {  	v33 =	vld.idx.msk [tilespmem:v6+s11+$0x0], $0xffff;
	v2 =	vadd.f32 v3, v2;
	v3 =	vmul.f32 v5, v28  }
0xe1: {  	v5 =	vld.idx.msk [tilespmem:v6+s12+$0x0], $0xffff;
	v6 =	vor.u32 $0x5A, v1  }
0xe2: {  	v34 =	vld.idx.msk [tilespmem:v30+s11+$0x0], $0xffff;
	v2 =	vadd.f32 v3, v2;
	v3 =	vmul.f32 v7, v29  }
0xe3: {  	v35 =	vor.u32 $0x5B, v1;
	v7 =	vld.idx.msk [tilespmem:v30+s12+$0x0], $0xffff  }
0xe4: {  	v36 =	vld.idx.msk [tilespmem:v32+s11+$0x0], $0xffff;
	v2 =	vadd.f32 v3, v2;
	v3 =	vmul.f32 v4, v31  }
0xe5: {  	v37 =	vor.u32 $0x5C, v1;
	v4 =	vld.idx.msk [tilespmem:v32+s12+$0x0], $0xffff  }
0xe6: {  	v38 =	vld.idx.msk [tilespmem:v6+s11+$0x0], $0xffff;
	v2 =	vadd.f32 v3, v2;
	v3 =	vmul.f32 v5, v33  }
0xe7: {  	v5 =	vld.idx.msk [tilespmem:v6+s12+$0x0], $0xffff;
	v6 =	vor.u32 $0x5D, v1  }
0xe8: {  	v39 =	vld.idx.msk [tilespmem:v35+s11+$0x0], $0xffff;
	v2 =	vadd.f32 v3, v2;
	v3 =	vmul.f32 v7, v34  }
0xe9: {  	v40 =	vor.u32 $0x5E, v1;
	v7 =	vld.idx.msk [tilespmem:v35+s12+$0x0], $0xffff  }
0xea: {  	v41 =	vld.idx.msk [tilespmem:v37+s11+$0x0], $0xffff;
	v2 =	vadd.f32 v3, v2;
	v3 =	vmul.f32 v4, v36  }
0xeb: {  	v42 =	vor.u32 $0x5F, v1;
	v4 =	vld.idx.msk [tilespmem:v37+s12+$0x0], $0xffff  }
0xec: {  	v43 =	vld.idx.msk [tilespmem:v6+s11+$0x0], $0xffff;
	v2 =	vadd.f32 v3, v2;
	v3 =	vmul.f32 v5, v38  }
0xed: {  	v5 =	vld.idx.msk [tilespmem:v6+s12+$0x0], $0xffff;
	v6 =	vor.u32 $0x60, v1  }
0xee: {  	v44 =	vld.idx.msk [tilespmem:v40+s11+$0x0], $0xffff;
	v2 =	vadd.f32 v3, v2;
	v3 =	vmul.f32 v7, v39  }
0xef: {  	v45 =	vor.u32 $0x61, v1;
	v7 =	vld.idx.msk [tilespmem:v40+s12+$0x0], $0xffff  }
0xf0: {  	v46 =	vld.idx.msk [tilespmem:v42+s11+$0x0], $0xffff;
	v2 =	vadd.f32 v3, v2;
	v3 =	vmul.f32 v4, v41  }
0xf1: {  	v47 =	vor.u32 $0x62, v1;
	v4 =	vld.idx.msk [tilespmem:v42+s12+$0x0], $0xffff  }
0xf2: {  	v48 =	vld.idx.msk [tilespmem:v6+s11+$0x0], $0xffff;
	v2 =	vadd.f32 v3, v2;
	v3 =	vmul.f32 v5, v43  }
0xf3: {  	v5 =	vld.idx.msk [tilespmem:v6+s12+$0x0], $0xffff;
	v6 =	vor.u32 $0x63, v1  }
0xf4: {  	v49 =	vld.idx.msk [tilespmem:v45+s11+$0x0], $0xffff;
	v2 =	vadd.f32 v3, v2;
	v3 =	vmul.f32 v7, v44  }
0xf5: {  	v50 =	vor.u32 $0x64, v1;
	v7 =	vld.idx.msk [tilespmem:v45+s12+$0x0], $0xffff  }
0xf6: {  	v51 =	vld.idx.msk [tilespmem:v47+s11+$0x0], $0xffff;
	v2 =	vadd.f32 v3, v2;
	v3 =	vmul.f32 v4, v46  }
0xf7: {  	v52 =	vor.u32 $0x65, v1;
	v4 =	vld.idx.msk [tilespmem:v47+s12+$0x0], $0xffff  }
0xf8: {  	v53 =	vld.idx.msk [tilespmem:v6+s11+$0x0], $0xffff;
	v2 =	vadd.f32 v3, v2;
	v3 =	vmul.f32 v5, v48  }
0xf9: {  	v5 =	vld.idx.msk [tilespmem:v6+s12+$0x0], $0xffff;
	v6 =	vor.u32 $0x66, v1  }
0xfa: {  	v54 =	vld.idx.msk [tilespmem:v50+s11+$0x0], $0xffff;
	v2 =	vadd.f32 v3, v2;
	v3 =	vmul.f32 v7, v49  }
0xfb: {  	v55 =	vor.u32 $0x67, v1;
	v7 =	vld.idx.msk [tilespmem:v50+s12+$0x0], $0xffff  }
0xfc: {  	v56 =	vld.idx.msk [tilespmem:v52+s11+$0x0], $0xffff;
	v2 =	vadd.f32 v3, v2;
	v3 =	vmul.f32 v4, v51  }
0xfd: {  	v57 =	vor.u32 $0x68, v1;
	v4 =	vld.idx.msk [tilespmem:v52+s12+$0x0], $0xffff  }
0xfe: {  	v58 =	vld.idx.msk [tilespmem:v6+s11+$0x0], $0xffff;
	v2 =	vadd.f32 v3, v2;
	v3 =	vmul.f32 v5, v53  }
0xff: {  	v5 =	vld.idx.msk [tilespmem:v6+s12+$0x0], $0xffff;
	v6 =	vor.u32 $0x69, v1  }
0x100: {  	v59 =	vld.idx.msk [tilespmem:v55+s11+$0x0], $0xffff;
	v2 =	vadd.f32 v3, v2;
	v3 =	vmul.f32 v7, v54  }
0x101: {  	v60 =	vor.u32 $0x6A, v1;
	v7 =	vld.idx.msk [tilespmem:v55+s12+$0x0], $0xffff  }
0x102: {  	v61 =	vld.idx.msk [tilespmem:v57+s11+$0x0], $0xffff;
	v2 =	vadd.f32 v3, v2;
	v3 =	vmul.f32 v4, v56  }
0x103: {  	v62 =	vor.u32 $0x6B, v1;
	v4 =	vld.idx.msk [tilespmem:v57+s12+$0x0], $0xffff  }
0x104: {  	v63 =	vld.idx.msk [tilespmem:v6+s11+$0x0], $0xffff;
	v2 =	vadd.f32 v3, v2;
	v3 =	vmul.f32 v5, v58  }
0x105: {  	v5 =	vld.idx.msk [tilespmem:v6+s12+$0x0], $0xffff;
	v6 =	vor.u32 $0x6C, v1  }
0x106: {  	v16 =	vld.idx.msk [tilespmem:v60+s11+$0x0], $0xffff;
	v2 =	vadd.f32 v3, v2;
	v3 =	vmul.f32 v7, v59  }
0x107: {  	v17 =	vor.u32 $0x6D, v1;
	v7 =	vld.idx.msk [tilespmem:v60+s12+$0x0], $0xffff  }
0x108: {  	v18 =	vld.idx.msk [tilespmem:v62+s11+$0x0], $0xffff;
	v2 =	vadd.f32 v3, v2;
	v3 =	vmul.f32 v4, v61  }
0x109: {  	v19 =	vor.u32 $0x6E, v1;
	v4 =	vld.idx.msk [tilespmem:v62+s12+$0x0], $0xffff  }
0x10a: {  	v20 =	vld.idx.msk [tilespmem:v6+s11+$0x0], $0xffff;
	v2 =	vadd.f32 v3, v2;
	v3 =	vmul.f32 v5, v63  }
0x10b: {  	v5 =	vld.idx.msk [tilespmem:v6+s12+$0x0], $0xffff;
	v6 =	vor.u32 $0x6F, v1  }
0x10c: {  	v21 =	vld.idx.msk [tilespmem:v17+s11+$0x0], $0xffff;
	v2 =	vadd.f32 v3, v2;
	v3 =	vmul.f32 v7, v16  }
0x10d: {  	v22 =	vor.u32 $0x70, v1;
	v7 =	vld.idx.msk [tilespmem:v17+s12+$0x0], $0xffff  }
0x10e: {  	v23 =	vld.idx.msk [tilespmem:v19+s11+$0x0], $0xffff;
	v2 =	vadd.f32 v3, v2;
	v3 =	vmul.f32 v4, v18  }
0x10f: {  	v24 =	vor.u32 $0x71, v1;
	v4 =	vld.idx.msk [tilespmem:v19+s12+$0x0], $0xffff  }
0x110: {  	v25 =	vld.idx.msk [tilespmem:v6+s11+$0x0], $0xffff;
	v2 =	vadd.f32 v3, v2;
	v3 =	vmul.f32 v5, v20  }
0x111: {  	v5 =	vld.idx.msk [tilespmem:v6+s12+$0x0], $0xffff;
	v6 =	vor.u32 $0x72, v1  }
0x112: {  	v26 =	vld.idx.msk [tilespmem:v22+s11+$0x0], $0xffff;
	v2 =	vadd.f32 v3, v2;
	v3 =	vmul.f32 v7, v21  }
0x113: {  	v27 =	vor.u32 $0x73, v1;
	v7 =	vld.idx.msk [tilespmem:v22+s12+$0x0], $0xffff  }
0x114: {  	v28 =	vld.idx.msk [tilespmem:v24+s11+$0x0], $0xffff;
	v2 =	vadd.f32 v3, v2;
	v3 =	vmul.f32 v4, v23  }
0x115: {  	v29 =	vor.u32 $0x74, v1;
	v4 =	vld.idx.msk [tilespmem:v24+s12+$0x0], $0xffff  }
0x116: {  	v30 =	vld.idx.msk [tilespmem:v6+s11+$0x0], $0xffff;
	v2 =	vadd.f32 v3, v2;
	v3 =	vmul.f32 v5, v25  }
0x117: {  	v5 =	vld.idx.msk [tilespmem:v6+s12+$0x0], $0xffff;
	v6 =	vor.u32 $0x75, v1  }
0x118: {  	v31 =	vld.idx.msk [tilespmem:v27+s11+$0x0], $0xffff;
	v2 =	vadd.f32 v3, v2;
	v3 =	vmul.f32 v7, v26  }
0x119: {  	v32 =	vor.u32 $0x76, v1;
	v7 =	vld.idx.msk [tilespmem:v27+s12+$0x0], $0xffff  }
0x11a: {  	v33 =	vld.idx.msk [tilespmem:v29+s11+$0x0], $0xffff;
	v2 =	vadd.f32 v3, v2;
	v3 =	vmul.f32 v4, v28  }
0x11b: {  	v34 =	vor.u32 $0x77, v1;
	v4 =	vld.idx.msk [tilespmem:v29+s12+$0x0], $0xffff  }
0x11c: {  	v35 =	vld.idx.msk [tilespmem:v6+s11+$0x0], $0xffff;
	v2 =	vadd.f32 v3, v2;
	v3 =	vmul.f32 v5, v30  }
0x11d: {  	v5 =	vld.idx.msk [tilespmem:v6+s12+$0x0], $0xffff;
	v6 =	vor.u32 $0x78, v1  }
0x11e: {  	v36 =	vld.idx.msk [tilespmem:v32+s11+$0x0], $0xffff;
	v2 =	vadd.f32 v3, v2;
	v3 =	vmul.f32 v7, v31  }
0x11f: {  	v37 =	vor.u32 $0x79, v1;
	v7 =	vld.idx.msk [tilespmem:v32+s12+$0x0], $0xffff  }
0x120: {  	v38 =	vld.idx.msk [tilespmem:v34+s11+$0x0], $0xffff;
	v2 =	vadd.f32 v3, v2;
	v3 =	vmul.f32 v4, v33  }
0x121: {  	v39 =	vor.u32 $0x7A, v1;
	v4 =	vld.idx.msk [tilespmem:v34+s12+$0x0], $0xffff  }
0x122: {  	v40 =	vld.idx.msk [tilespmem:v6+s11+$0x0], $0xffff;
	v2 =	vadd.f32 v3, v2;
	v3 =	vmul.f32 v5, v35  }
0x123: {  	v5 =	vld.idx.msk [tilespmem:v6+s12+$0x0], $0xffff;
	v6 =	vor.u32 $0x7B, v1  }
0x124: {  	v41 =	vld.idx.msk [tilespmem:v37+s11+$0x0], $0xffff;
	v2 =	vadd.f32 v3, v2;
	v3 =	vmul.f32 v7, v36  }
0x125: {  	v42 =	vor.u32 $0x7C, v1;
	v7 =	vld.idx.msk [tilespmem:v37+s12+$0x0], $0xffff  }
0x126: {  	v43 =	vld.idx.msk [tilespmem:v39+s11+$0x0], $0xffff;
	v2 =	vadd.f32 v3, v2;
	v3 =	vmul.f32 v4, v38  }
0x127: {  	v44 =	vor.u32 $0x7D, v1;
	v4 =	vld.idx.msk [tilespmem:v39+s12+$0x0], $0xffff  }
0x128: {  	v45 =	vld.idx.msk [tilespmem:v6+s11+$0x0], $0xffff;
	v2 =	vadd.f32 v3, v2;
	v3 =	vmul.f32 v5, v40  }
0x129: {  	v5 =	vld.idx.msk [tilespmem:v6+s12+$0x0], $0xffff;
	v6 =	vor.u32 $0x7E, v1  }
0x12a: {  	v46 =	vld.idx.msk [tilespmem:v42+s11+$0x0], $0xffff;
	v2 =	vadd.f32 v3, v2;
	v3 =	vmul.f32 v7, v41  }
0x12b: {  	v1 =	vor.u32 $0x7F, v1;
	v7 =	vld.idx.msk [tilespmem:v42+s12+$0x0], $0xffff  }
0x12c: {  	v47 =	vld.idx.msk [tilespmem:v44+s11+$0x0], $0xffff;
	v2 =	vadd.f32 v3, v2;
	v3 =	vmul.f32 v4, v43  }
0x12d: {  	v4 =	vld.idx.msk [tilespmem:v44+s12+$0x0], $0xffff  }
0x12e: {  	v48 =	vld.idx.msk [tilespmem:v6+s11+$0x0], $0xffff;
	v2 =	vadd.f32 v3, v2;
	v3 =	vmul.f32 v5, v45  }
0x12f: {  	v5 =	vld.idx.msk [tilespmem:v6+s12+$0x0], $0xffff  }
0x130: {  	v6 =	vld.idx.msk [tilespmem:v1+s11+$0x0], $0xffff;
	v2 =	vadd.f32 v3, v2;
	v3 =	vmul.f32 v7, v46  }
0x131: {  	v7 =	vld.idx.msk [tilespmem:v1+s12+$0x0], $0xffff  }
0x132: {  	v1 =	vadd.f32 v3, v2;
	v2 =	vmul.f32 v4, v47  }
0x133: {  	s30 =	simm.s32 $0x10  }
0x134: {  	v3 =	vmov s30;
	v4 =	vmul.f32 v5, v48;
	v2 =	vadd.f32 v2, v1  }
0x135: {  	v1 =	vshll.u32 v3, $0x7  }
0x136: {  	v1 =	vor.u32 v0, v1;
	v3 =	vmul.f32 v7, v6;
	v2 =	vadd.f32 v4, v2;
	_ =	sdelay $0x1  }
0x137: {  	v4 =	vor.u32 $0x1, v1;
	v2 =	vadd.f32 v3, v2;
	_ =	sdelay $0x1  }
0x138: {  	v3 =	vor.u32 $0x2, v1;
	[tilespmem:s23+$0x0] =	vst v2  }
0x139: {  	v2 =	vld.idx.msk [tilespmem:v1+s12+$0x0], $0xffff  }
0x13a: {  	v6 =	vor.u32 $0x3, v1;
	v5 =	vld.idx.msk [tilespmem:v1+s11+$0x0], $0xffff  }
0x13b: {  	v7 =	vld.idx.msk [tilespmem:v4+s11+$0x0], $0xffff  }
0x13c: {  	v49 =	vor.u32 $0x4, v1;
	v4 =	vld.idx.msk [tilespmem:v4+s12+$0x0], $0xffff  }
0x13d: {  	v50 =	vld.idx.msk [tilespmem:v3+s11+$0x0], $0xffff  }
0x13e: {  	v51 =	vor.u32 $0x5, v1;
	v3 =	vld.idx.msk [tilespmem:v3+s12+$0x0], $0xffff  }
0x13f: {  	v52 =	vld.idx.msk [tilespmem:v6+s11+$0x0], $0xffff;
	v2 =	vmul.f32 v2, v5  }
0x140: {  	v5 =	vld.idx.msk [tilespmem:v6+s12+$0x0], $0xffff;
	v6 =	vor.u32 $0x6, v1  }
0x141: {  	v53 =	vld.idx.msk [tilespmem:v49+s11+$0x0], $0xffff;
	v4 =	vmul.f32 v4, v7;
	v2 =	vadd.f32 $0.0e+00, v2  }
0x142: {  	v54 =	vor.u32 $0x7, v1;
	v7 =	vld.idx.msk [tilespmem:v49+s12+$0x0], $0xffff  }
0x143: {  	v55 =	vld.idx.msk [tilespmem:v51+s11+$0x0], $0xffff;
	v3 =	vmul.f32 v3, v50;
	v2 =	vadd.f32 v4, v2  }
0x144: {  	v56 =	vor.u32 $0x8, v1;
	v4 =	vld.idx.msk [tilespmem:v51+s12+$0x0], $0xffff  }
0x145: {  	v57 =	vld.idx.msk [tilespmem:v6+s11+$0x0], $0xffff;
	v2 =	vadd.f32 v3, v2;
	v3 =	vmul.f32 v5, v52  }
0x146: {  	v5 =	vld.idx.msk [tilespmem:v6+s12+$0x0], $0xffff;
	v6 =	vor.u32 $0x9, v1  }
0x147: {  	v58 =	vld.idx.msk [tilespmem:v54+s11+$0x0], $0xffff;
	v2 =	vadd.f32 v3, v2;
	v3 =	vmul.f32 v7, v53  }
0x148: {  	v59 =	vor.u32 $0xA, v1;
	v7 =	vld.idx.msk [tilespmem:v54+s12+$0x0], $0xffff  }
0x149: {  	v60 =	vld.idx.msk [tilespmem:v56+s11+$0x0], $0xffff;
	v2 =	vadd.f32 v3, v2;
	v3 =	vmul.f32 v4, v55  }
0x14a: {  	v61 =	vor.u32 $0xB, v1;
	v4 =	vld.idx.msk [tilespmem:v56+s12+$0x0], $0xffff  }
0x14b: {  	v62 =	vld.idx.msk [tilespmem:v6+s11+$0x0], $0xffff;
	v2 =	vadd.f32 v3, v2;
	v3 =	vmul.f32 v5, v57  }
0x14c: {  	v5 =	vld.idx.msk [tilespmem:v6+s12+$0x0], $0xffff;
	v6 =	vor.u32 $0xC, v1  }
0x14d: {  	v63 =	vld.idx.msk [tilespmem:v59+s11+$0x0], $0xffff;
	v2 =	vadd.f32 v3, v2;
	v3 =	vmul.f32 v7, v58  }
0x14e: {  	v16 =	vor.u32 $0xD, v1;
	v7 =	vld.idx.msk [tilespmem:v59+s12+$0x0], $0xffff  }
0x14f: {  	v17 =	vld.idx.msk [tilespmem:v61+s11+$0x0], $0xffff;
	v2 =	vadd.f32 v3, v2;
	v3 =	vmul.f32 v4, v60  }
0x150: {  	v18 =	vor.u32 $0xE, v1;
	v4 =	vld.idx.msk [tilespmem:v61+s12+$0x0], $0xffff  }
0x151: {  	v19 =	vld.idx.msk [tilespmem:v6+s11+$0x0], $0xffff;
	v2 =	vadd.f32 v3, v2;
	v3 =	vmul.f32 v5, v62  }
0x152: {  	v5 =	vld.idx.msk [tilespmem:v6+s12+$0x0], $0xffff;
	v6 =	vor.u32 $0xF, v1  }
0x153: {  	v20 =	vld.idx.msk [tilespmem:v16+s11+$0x0], $0xffff;
	v2 =	vadd.f32 v3, v2;
	v3 =	vmul.f32 v7, v63  }
0x154: {  	v21 =	vor.u32 $0x10, v1;
	v7 =	vld.idx.msk [tilespmem:v16+s12+$0x0], $0xffff  }
0x155: {  	v22 =	vld.idx.msk [tilespmem:v18+s11+$0x0], $0xffff;
	v2 =	vadd.f32 v3, v2;
	v3 =	vmul.f32 v4, v17  }
0x156: {  	v23 =	vor.u32 $0x11, v1;
	v4 =	vld.idx.msk [tilespmem:v18+s12+$0x0], $0xffff  }
0x157: {  	v24 =	vld.idx.msk [tilespmem:v6+s11+$0x0], $0xffff;
	v2 =	vadd.f32 v3, v2;
	v3 =	vmul.f32 v5, v19  }
0x158: {  	v5 =	vld.idx.msk [tilespmem:v6+s12+$0x0], $0xffff;
	v6 =	vor.u32 $0x12, v1  }
0x159: {  	v25 =	vld.idx.msk [tilespmem:v21+s11+$0x0], $0xffff;
	v2 =	vadd.f32 v3, v2;
	v3 =	vmul.f32 v7, v20  }
0x15a: {  	v26 =	vor.u32 $0x13, v1;
	v7 =	vld.idx.msk [tilespmem:v21+s12+$0x0], $0xffff  }
0x15b: {  	v27 =	vld.idx.msk [tilespmem:v23+s11+$0x0], $0xffff;
	v2 =	vadd.f32 v3, v2;
	v3 =	vmul.f32 v4, v22  }
0x15c: {  	v28 =	vor.u32 $0x14, v1;
	v4 =	vld.idx.msk [tilespmem:v23+s12+$0x0], $0xffff  }
0x15d: {  	v29 =	vld.idx.msk [tilespmem:v6+s11+$0x0], $0xffff;
	v2 =	vadd.f32 v3, v2;
	v3 =	vmul.f32 v5, v24  }
0x15e: {  	v5 =	vld.idx.msk [tilespmem:v6+s12+$0x0], $0xffff;
	v6 =	vor.u32 $0x15, v1  }
0x15f: {  	v30 =	vld.idx.msk [tilespmem:v26+s11+$0x0], $0xffff;
	v2 =	vadd.f32 v3, v2;
	v3 =	vmul.f32 v7, v25  }
0x160: {  	v31 =	vor.u32 $0x16, v1;
	v7 =	vld.idx.msk [tilespmem:v26+s12+$0x0], $0xffff  }
0x161: {  	v32 =	vld.idx.msk [tilespmem:v28+s11+$0x0], $0xffff;
	v2 =	vadd.f32 v3, v2;
	v3 =	vmul.f32 v4, v27  }
0x162: {  	v33 =	vor.u32 $0x17, v1;
	v4 =	vld.idx.msk [tilespmem:v28+s12+$0x0], $0xffff  }
0x163: {  	v34 =	vld.idx.msk [tilespmem:v6+s11+$0x0], $0xffff;
	v2 =	vadd.f32 v3, v2;
	v3 =	vmul.f32 v5, v29  }
0x164: {  	v5 =	vld.idx.msk [tilespmem:v6+s12+$0x0], $0xffff;
	v6 =	vor.u32 $0x18, v1  }
0x165: {  	v35 =	vld.idx.msk [tilespmem:v31+s11+$0x0], $0xffff;
	v2 =	vadd.f32 v3, v2;
	v3 =	vmul.f32 v7, v30  }
0x166: {  	v36 =	vor.u32 $0x19, v1;
	v7 =	vld.idx.msk [tilespmem:v31+s12+$0x0], $0xffff  }
0x167: {  	v37 =	vld.idx.msk [tilespmem:v33+s11+$0x0], $0xffff;
	v2 =	vadd.f32 v3, v2;
	v3 =	vmul.f32 v4, v32  }
0x168: {  	v38 =	vor.u32 $0x1A, v1;
	v4 =	vld.idx.msk [tilespmem:v33+s12+$0x0], $0xffff  }
0x169: {  	v39 =	vld.idx.msk [tilespmem:v6+s11+$0x0], $0xffff;
	v2 =	vadd.f32 v3, v2;
	v3 =	vmul.f32 v5, v34  }
0x16a: {  	v5 =	vld.idx.msk [tilespmem:v6+s12+$0x0], $0xffff;
	v6 =	vor.u32 $0x1B, v1  }
0x16b: {  	v40 =	vld.idx.msk [tilespmem:v36+s11+$0x0], $0xffff;
	v2 =	vadd.f32 v3, v2;
	v3 =	vmul.f32 v7, v35  }
0x16c: {  	v41 =	vor.u32 $0x1C, v1;
	v7 =	vld.idx.msk [tilespmem:v36+s12+$0x0], $0xffff  }
0x16d: {  	v42 =	vld.idx.msk [tilespmem:v38+s11+$0x0], $0xffff;
	v2 =	vadd.f32 v3, v2;
	v3 =	vmul.f32 v4, v37  }
0x16e: {  	v43 =	vor.u32 $0x1D, v1;
	v4 =	vld.idx.msk [tilespmem:v38+s12+$0x0], $0xffff  }
0x16f: {  	v44 =	vld.idx.msk [tilespmem:v6+s11+$0x0], $0xffff;
	v2 =	vadd.f32 v3, v2;
	v3 =	vmul.f32 v5, v39  }
0x170: {  	v5 =	vld.idx.msk [tilespmem:v6+s12+$0x0], $0xffff;
	v6 =	vor.u32 $0x1E, v1  }
0x171: {  	v45 =	vld.idx.msk [tilespmem:v41+s11+$0x0], $0xffff;
	v2 =	vadd.f32 v3, v2;
	v3 =	vmul.f32 v7, v40  }
0x172: {  	v46 =	vor.u32 $0x1F, v1;
	v7 =	vld.idx.msk [tilespmem:v41+s12+$0x0], $0xffff  }
0x173: {  	v47 =	vld.idx.msk [tilespmem:v43+s11+$0x0], $0xffff;
	v2 =	vadd.f32 v3, v2;
	v3 =	vmul.f32 v4, v42  }
0x174: {  	v48 =	vor.u32 $0x20, v1;
	v4 =	vld.idx.msk [tilespmem:v43+s12+$0x0], $0xffff  }
0x175: {  	v49 =	vld.idx.msk [tilespmem:v6+s11+$0x0], $0xffff;
	v2 =	vadd.f32 v3, v2;
	v3 =	vmul.f32 v5, v44  }
0x176: {  	v5 =	vld.idx.msk [tilespmem:v6+s12+$0x0], $0xffff;
	v6 =	vor.u32 $0x21, v1  }
0x177: {  	v50 =	vld.idx.msk [tilespmem:v46+s11+$0x0], $0xffff;
	v2 =	vadd.f32 v3, v2;
	v3 =	vmul.f32 v7, v45  }
0x178: {  	v51 =	vor.u32 $0x22, v1;
	v7 =	vld.idx.msk [tilespmem:v46+s12+$0x0], $0xffff  }
0x179: {  	v52 =	vld.idx.msk [tilespmem:v48+s11+$0x0], $0xffff;
	v2 =	vadd.f32 v3, v2;
	v3 =	vmul.f32 v4, v47  }
0x17a: {  	v53 =	vor.u32 $0x23, v1;
	v4 =	vld.idx.msk [tilespmem:v48+s12+$0x0], $0xffff  }
0x17b: {  	v54 =	vld.idx.msk [tilespmem:v6+s11+$0x0], $0xffff;
	v2 =	vadd.f32 v3, v2;
	v3 =	vmul.f32 v5, v49  }
0x17c: {  	v5 =	vld.idx.msk [tilespmem:v6+s12+$0x0], $0xffff;
	v6 =	vor.u32 $0x24, v1  }
0x17d: {  	v55 =	vld.idx.msk [tilespmem:v51+s11+$0x0], $0xffff;
	v2 =	vadd.f32 v3, v2;
	v3 =	vmul.f32 v7, v50  }
0x17e: {  	v56 =	vor.u32 $0x25, v1;
	v7 =	vld.idx.msk [tilespmem:v51+s12+$0x0], $0xffff  }
0x17f: {  	v57 =	vld.idx.msk [tilespmem:v53+s11+$0x0], $0xffff;
	v2 =	vadd.f32 v3, v2;
	v3 =	vmul.f32 v4, v52  }
0x180: {  	v58 =	vor.u32 $0x26, v1;
	v4 =	vld.idx.msk [tilespmem:v53+s12+$0x0], $0xffff  }
0x181: {  	v59 =	vld.idx.msk [tilespmem:v6+s11+$0x0], $0xffff;
	v2 =	vadd.f32 v3, v2;
	v3 =	vmul.f32 v5, v54  }
0x182: {  	v5 =	vld.idx.msk [tilespmem:v6+s12+$0x0], $0xffff;
	v6 =	vor.u32 $0x27, v1  }
0x183: {  	v60 =	vld.idx.msk [tilespmem:v56+s11+$0x0], $0xffff;
	v2 =	vadd.f32 v3, v2;
	v3 =	vmul.f32 v7, v55  }
0x184: {  	v61 =	vor.u32 $0x28, v1;
	v7 =	vld.idx.msk [tilespmem:v56+s12+$0x0], $0xffff  }
0x185: {  	v62 =	vld.idx.msk [tilespmem:v58+s11+$0x0], $0xffff;
	v2 =	vadd.f32 v3, v2;
	v3 =	vmul.f32 v4, v57  }
0x186: {  	v63 =	vor.u32 $0x29, v1;
	v4 =	vld.idx.msk [tilespmem:v58+s12+$0x0], $0xffff  }
0x187: {  	v16 =	vld.idx.msk [tilespmem:v6+s11+$0x0], $0xffff;
	v2 =	vadd.f32 v3, v2;
	v3 =	vmul.f32 v5, v59  }
0x188: {  	v5 =	vld.idx.msk [tilespmem:v6+s12+$0x0], $0xffff;
	v6 =	vor.u32 $0x2A, v1  }
0x189: {  	v17 =	vld.idx.msk [tilespmem:v61+s11+$0x0], $0xffff;
	v2 =	vadd.f32 v3, v2;
	v3 =	vmul.f32 v7, v60  }
0x18a: {  	v18 =	vor.u32 $0x2B, v1;
	v7 =	vld.idx.msk [tilespmem:v61+s12+$0x0], $0xffff  }
0x18b: {  	v19 =	vld.idx.msk [tilespmem:v63+s11+$0x0], $0xffff;
	v2 =	vadd.f32 v3, v2;
	v3 =	vmul.f32 v4, v62  }
0x18c: {  	v20 =	vor.u32 $0x2C, v1;
	v4 =	vld.idx.msk [tilespmem:v63+s12+$0x0], $0xffff  }
0x18d: {  	v21 =	vld.idx.msk [tilespmem:v6+s11+$0x0], $0xffff;
	v2 =	vadd.f32 v3, v2;
	v3 =	vmul.f32 v5, v16  }
0x18e: {  	v5 =	vld.idx.msk [tilespmem:v6+s12+$0x0], $0xffff;
	v6 =	vor.u32 $0x2D, v1  }
0x18f: {  	v22 =	vld.idx.msk [tilespmem:v18+s11+$0x0], $0xffff;
	v2 =	vadd.f32 v3, v2;
	v3 =	vmul.f32 v7, v17  }
0x190: {  	v23 =	vor.u32 $0x2E, v1;
	v7 =	vld.idx.msk [tilespmem:v18+s12+$0x0], $0xffff  }
0x191: {  	v24 =	vld.idx.msk [tilespmem:v20+s11+$0x0], $0xffff;
	v2 =	vadd.f32 v3, v2;
	v3 =	vmul.f32 v4, v19  }
0x192: {  	v25 =	vor.u32 $0x2F, v1;
	v4 =	vld.idx.msk [tilespmem:v20+s12+$0x0], $0xffff  }
0x193: {  	v26 =	vld.idx.msk [tilespmem:v6+s11+$0x0], $0xffff;
	v2 =	vadd.f32 v3, v2;
	v3 =	vmul.f32 v5, v21  }
0x194: {  	v5 =	vld.idx.msk [tilespmem:v6+s12+$0x0], $0xffff;
	v6 =	vor.u32 $0x30, v1  }
0x195: {  	v27 =	vld.idx.msk [tilespmem:v23+s11+$0x0], $0xffff;
	v2 =	vadd.f32 v3, v2;
	v3 =	vmul.f32 v7, v22  }
0x196: {  	v28 =	vor.u32 $0x31, v1;
	v7 =	vld.idx.msk [tilespmem:v23+s12+$0x0], $0xffff  }
0x197: {  	v29 =	vld.idx.msk [tilespmem:v25+s11+$0x0], $0xffff;
	v2 =	vadd.f32 v3, v2;
	v3 =	vmul.f32 v4, v24  }
0x198: {  	v30 =	vor.u32 $0x32, v1;
	v4 =	vld.idx.msk [tilespmem:v25+s12+$0x0], $0xffff  }
0x199: {  	v31 =	vld.idx.msk [tilespmem:v6+s11+$0x0], $0xffff;
	v2 =	vadd.f32 v3, v2;
	v3 =	vmul.f32 v5, v26  }
0x19a: {  	v5 =	vld.idx.msk [tilespmem:v6+s12+$0x0], $0xffff;
	v6 =	vor.u32 $0x33, v1  }
0x19b: {  	v32 =	vld.idx.msk [tilespmem:v28+s11+$0x0], $0xffff;
	v2 =	vadd.f32 v3, v2;
	v3 =	vmul.f32 v7, v27  }
0x19c: {  	v33 =	vor.u32 $0x34, v1;
	v7 =	vld.idx.msk [tilespmem:v28+s12+$0x0], $0xffff  }
0x19d: {  	v34 =	vld.idx.msk [tilespmem:v30+s11+$0x0], $0xffff;
	v2 =	vadd.f32 v3, v2;
	v3 =	vmul.f32 v4, v29  }
0x19e: {  	v35 =	vor.u32 $0x35, v1;
	v4 =	vld.idx.msk [tilespmem:v30+s12+$0x0], $0xffff  }
0x19f: {  	v36 =	vld.idx.msk [tilespmem:v6+s11+$0x0], $0xffff;
	v2 =	vadd.f32 v3, v2;
	v3 =	vmul.f32 v5, v31  }
0x1a0: {  	v5 =	vld.idx.msk [tilespmem:v6+s12+$0x0], $0xffff;
	v6 =	vor.u32 $0x36, v1  }
0x1a1: {  	v37 =	vld.idx.msk [tilespmem:v33+s11+$0x0], $0xffff;
	v2 =	vadd.f32 v3, v2;
	v3 =	vmul.f32 v7, v32  }
0x1a2: {  	v38 =	vor.u32 $0x37, v1;
	v7 =	vld.idx.msk [tilespmem:v33+s12+$0x0], $0xffff  }
0x1a3: {  	v39 =	vld.idx.msk [tilespmem:v35+s11+$0x0], $0xffff;
	v2 =	vadd.f32 v3, v2;
	v3 =	vmul.f32 v4, v34  }
0x1a4: {  	v40 =	vor.u32 $0x38, v1;
	v4 =	vld.idx.msk [tilespmem:v35+s12+$0x0], $0xffff  }
0x1a5: {  	v41 =	vld.idx.msk [tilespmem:v6+s11+$0x0], $0xffff;
	v2 =	vadd.f32 v3, v2;
	v3 =	vmul.f32 v5, v36  }
0x1a6: {  	v5 =	vld.idx.msk [tilespmem:v6+s12+$0x0], $0xffff;
	v6 =	vor.u32 $0x39, v1  }
0x1a7: {  	v42 =	vld.idx.msk [tilespmem:v38+s11+$0x0], $0xffff;
	v2 =	vadd.f32 v3, v2;
	v3 =	vmul.f32 v7, v37  }
0x1a8: {  	v43 =	vor.u32 $0x3A, v1;
	v7 =	vld.idx.msk [tilespmem:v38+s12+$0x0], $0xffff  }
0x1a9: {  	v44 =	vld.idx.msk [tilespmem:v40+s11+$0x0], $0xffff;
	v2 =	vadd.f32 v3, v2;
	v3 =	vmul.f32 v4, v39  }
0x1aa: {  	v45 =	vor.u32 $0x3B, v1;
	v4 =	vld.idx.msk [tilespmem:v40+s12+$0x0], $0xffff  }
0x1ab: {  	v46 =	vld.idx.msk [tilespmem:v6+s11+$0x0], $0xffff;
	v2 =	vadd.f32 v3, v2;
	v3 =	vmul.f32 v5, v41  }
0x1ac: {  	v5 =	vld.idx.msk [tilespmem:v6+s12+$0x0], $0xffff;
	v6 =	vor.u32 $0x3C, v1  }
0x1ad: {  	v47 =	vld.idx.msk [tilespmem:v43+s11+$0x0], $0xffff;
	v2 =	vadd.f32 v3, v2;
	v3 =	vmul.f32 v7, v42  }
0x1ae: {  	v48 =	vor.u32 $0x3D, v1;
	v7 =	vld.idx.msk [tilespmem:v43+s12+$0x0], $0xffff  }
0x1af: {  	v49 =	vld.idx.msk [tilespmem:v45+s11+$0x0], $0xffff;
	v2 =	vadd.f32 v3, v2;
	v3 =	vmul.f32 v4, v44  }
0x1b0: {  	v50 =	vor.u32 $0x3E, v1;
	v4 =	vld.idx.msk [tilespmem:v45+s12+$0x0], $0xffff  }
0x1b1: {  	v51 =	vld.idx.msk [tilespmem:v6+s11+$0x0], $0xffff;
	v2 =	vadd.f32 v3, v2;
	v3 =	vmul.f32 v5, v46  }
0x1b2: {  	v5 =	vld.idx.msk [tilespmem:v6+s12+$0x0], $0xffff;
	v6 =	vor.u32 $0x3F, v1  }
0x1b3: {  	v52 =	vld.idx.msk [tilespmem:v48+s11+$0x0], $0xffff;
	v2 =	vadd.f32 v3, v2;
	v3 =	vmul.f32 v7, v47  }
0x1b4: {  	v53 =	vor.u32 $0x40, v1;
	v7 =	vld.idx.msk [tilespmem:v48+s12+$0x0], $0xffff  }
0x1b5: {  	v54 =	vld.idx.msk [tilespmem:v50+s11+$0x0], $0xffff;
	v2 =	vadd.f32 v3, v2;
	v3 =	vmul.f32 v4, v49  }
0x1b6: {  	v55 =	vor.u32 $0x41, v1;
	v4 =	vld.idx.msk [tilespmem:v50+s12+$0x0], $0xffff  }
0x1b7: {  	v56 =	vld.idx.msk [tilespmem:v6+s11+$0x0], $0xffff;
	v2 =	vadd.f32 v3, v2;
	v3 =	vmul.f32 v5, v51  }
0x1b8: {  	v5 =	vld.idx.msk [tilespmem:v6+s12+$0x0], $0xffff;
	v6 =	vor.u32 $0x42, v1  }
0x1b9: {  	v57 =	vld.idx.msk [tilespmem:v53+s11+$0x0], $0xffff;
	v2 =	vadd.f32 v3, v2;
	v3 =	vmul.f32 v7, v52  }
0x1ba: {  	v58 =	vor.u32 $0x43, v1;
	v7 =	vld.idx.msk [tilespmem:v53+s12+$0x0], $0xffff  }
0x1bb: {  	v59 =	vld.idx.msk [tilespmem:v55+s11+$0x0], $0xffff;
	v2 =	vadd.f32 v3, v2;
	v3 =	vmul.f32 v4, v54  }
0x1bc: {  	v60 =	vor.u32 $0x44, v1;
	v4 =	vld.idx.msk [tilespmem:v55+s12+$0x0], $0xffff  }
0x1bd: {  	v61 =	vld.idx.msk [tilespmem:v6+s11+$0x0], $0xffff;
	v2 =	vadd.f32 v3, v2;
	v3 =	vmul.f32 v5, v56  }
0x1be: {  	v5 =	vld.idx.msk [tilespmem:v6+s12+$0x0], $0xffff;
	v6 =	vor.u32 $0x45, v1  }
0x1bf: {  	v62 =	vld.idx.msk [tilespmem:v58+s11+$0x0], $0xffff;
	v2 =	vadd.f32 v3, v2;
	v3 =	vmul.f32 v7, v57  }
0x1c0: {  	v63 =	vor.u32 $0x46, v1;
	v7 =	vld.idx.msk [tilespmem:v58+s12+$0x0], $0xffff  }
0x1c1: {  	v16 =	vld.idx.msk [tilespmem:v60+s11+$0x0], $0xffff;
	v2 =	vadd.f32 v3, v2;
	v3 =	vmul.f32 v4, v59  }
0x1c2: {  	v17 =	vor.u32 $0x47, v1;
	v4 =	vld.idx.msk [tilespmem:v60+s12+$0x0], $0xffff  }
0x1c3: {  	v18 =	vld.idx.msk [tilespmem:v6+s11+$0x0], $0xffff;
	v2 =	vadd.f32 v3, v2;
	v3 =	vmul.f32 v5, v61  }
0x1c4: {  	v5 =	vld.idx.msk [tilespmem:v6+s12+$0x0], $0xffff;
	v6 =	vor.u32 $0x48, v1  }
0x1c5: {  	v19 =	vld.idx.msk [tilespmem:v63+s11+$0x0], $0xffff;
	v2 =	vadd.f32 v3, v2;
	v3 =	vmul.f32 v7, v62  }
0x1c6: {  	v20 =	vor.u32 $0x49, v1;
	v7 =	vld.idx.msk [tilespmem:v63+s12+$0x0], $0xffff  }
0x1c7: {  	v21 =	vld.idx.msk [tilespmem:v17+s11+$0x0], $0xffff;
	v2 =	vadd.f32 v3, v2;
	v3 =	vmul.f32 v4, v16  }
0x1c8: {  	v22 =	vor.u32 $0x4A, v1;
	v4 =	vld.idx.msk [tilespmem:v17+s12+$0x0], $0xffff  }
0x1c9: {  	v23 =	vld.idx.msk [tilespmem:v6+s11+$0x0], $0xffff;
	v2 =	vadd.f32 v3, v2;
	v3 =	vmul.f32 v5, v18  }
0x1ca: {  	v5 =	vld.idx.msk [tilespmem:v6+s12+$0x0], $0xffff;
	v6 =	vor.u32 $0x4B, v1  }
0x1cb: {  	v24 =	vld.idx.msk [tilespmem:v20+s11+$0x0], $0xffff;
	v2 =	vadd.f32 v3, v2;
	v3 =	vmul.f32 v7, v19  }
0x1cc: {  	v25 =	vor.u32 $0x4C, v1;
	v7 =	vld.idx.msk [tilespmem:v20+s12+$0x0], $0xffff  }
0x1cd: {  	v26 =	vld.idx.msk [tilespmem:v22+s11+$0x0], $0xffff;
	v2 =	vadd.f32 v3, v2;
	v3 =	vmul.f32 v4, v21  }
0x1ce: {  	v27 =	vor.u32 $0x4D, v1;
	v4 =	vld.idx.msk [tilespmem:v22+s12+$0x0], $0xffff  }
0x1cf: {  	v28 =	vld.idx.msk [tilespmem:v6+s11+$0x0], $0xffff;
	v2 =	vadd.f32 v3, v2;
	v3 =	vmul.f32 v5, v23  }
0x1d0: {  	v5 =	vld.idx.msk [tilespmem:v6+s12+$0x0], $0xffff;
	v6 =	vor.u32 $0x4E, v1  }
0x1d1: {  	v29 =	vld.idx.msk [tilespmem:v25+s11+$0x0], $0xffff;
	v2 =	vadd.f32 v3, v2;
	v3 =	vmul.f32 v7, v24  }
0x1d2: {  	v30 =	vor.u32 $0x4F, v1;
	v7 =	vld.idx.msk [tilespmem:v25+s12+$0x0], $0xffff  }
0x1d3: {  	v31 =	vld.idx.msk [tilespmem:v27+s11+$0x0], $0xffff;
	v2 =	vadd.f32 v3, v2;
	v3 =	vmul.f32 v4, v26  }
0x1d4: {  	v32 =	vor.u32 $0x50, v1;
	v4 =	vld.idx.msk [tilespmem:v27+s12+$0x0], $0xffff  }
0x1d5: {  	v33 =	vld.idx.msk [tilespmem:v6+s11+$0x0], $0xffff;
	v2 =	vadd.f32 v3, v2;
	v3 =	vmul.f32 v5, v28  }
0x1d6: {  	v5 =	vld.idx.msk [tilespmem:v6+s12+$0x0], $0xffff;
	v6 =	vor.u32 $0x51, v1  }
0x1d7: {  	v34 =	vld.idx.msk [tilespmem:v30+s11+$0x0], $0xffff;
	v2 =	vadd.f32 v3, v2;
	v3 =	vmul.f32 v7, v29  }
0x1d8: {  	v35 =	vor.u32 $0x52, v1;
	v7 =	vld.idx.msk [tilespmem:v30+s12+$0x0], $0xffff  }
0x1d9: {  	v36 =	vld.idx.msk [tilespmem:v32+s11+$0x0], $0xffff;
	v2 =	vadd.f32 v3, v2;
	v3 =	vmul.f32 v4, v31  }
0x1da: {  	v37 =	vor.u32 $0x53, v1;
	v4 =	vld.idx.msk [tilespmem:v32+s12+$0x0], $0xffff  }
0x1db: {  	v38 =	vld.idx.msk [tilespmem:v6+s11+$0x0], $0xffff;
	v2 =	vadd.f32 v3, v2;
	v3 =	vmul.f32 v5, v33  }
0x1dc: {  	v5 =	vld.idx.msk [tilespmem:v6+s12+$0x0], $0xffff;
	v6 =	vor.u32 $0x54, v1  }
0x1dd: {  	v39 =	vld.idx.msk [tilespmem:v35+s11+$0x0], $0xffff;
	v2 =	vadd.f32 v3, v2;
	v3 =	vmul.f32 v7, v34  }
0x1de: {  	v40 =	vor.u32 $0x55, v1;
	v7 =	vld.idx.msk [tilespmem:v35+s12+$0x0], $0xffff  }
0x1df: {  	v41 =	vld.idx.msk [tilespmem:v37+s11+$0x0], $0xffff;
	v2 =	vadd.f32 v3, v2;
	v3 =	vmul.f32 v4, v36  }
0x1e0: {  	v42 =	vor.u32 $0x56, v1;
	v4 =	vld.idx.msk [tilespmem:v37+s12+$0x0], $0xffff  }
0x1e1: {  	v43 =	vld.idx.msk [tilespmem:v6+s11+$0x0], $0xffff;
	v2 =	vadd.f32 v3, v2;
	v3 =	vmul.f32 v5, v38  }
0x1e2: {  	v5 =	vld.idx.msk [tilespmem:v6+s12+$0x0], $0xffff;
	v6 =	vor.u32 $0x57, v1  }
0x1e3: {  	v44 =	vld.idx.msk [tilespmem:v40+s11+$0x0], $0xffff;
	v2 =	vadd.f32 v3, v2;
	v3 =	vmul.f32 v7, v39  }
0x1e4: {  	v45 =	vor.u32 $0x58, v1;
	v7 =	vld.idx.msk [tilespmem:v40+s12+$0x0], $0xffff  }
0x1e5: {  	v46 =	vld.idx.msk [tilespmem:v42+s11+$0x0], $0xffff;
	v2 =	vadd.f32 v3, v2;
	v3 =	vmul.f32 v4, v41  }
0x1e6: {  	v47 =	vor.u32 $0x59, v1;
	v4 =	vld.idx.msk [tilespmem:v42+s12+$0x0], $0xffff  }
0x1e7: {  	v48 =	vld.idx.msk [tilespmem:v6+s11+$0x0], $0xffff;
	v2 =	vadd.f32 v3, v2;
	v3 =	vmul.f32 v5, v43  }
0x1e8: {  	v5 =	vld.idx.msk [tilespmem:v6+s12+$0x0], $0xffff;
	v6 =	vor.u32 $0x5A, v1  }
0x1e9: {  	v49 =	vld.idx.msk [tilespmem:v45+s11+$0x0], $0xffff;
	v2 =	vadd.f32 v3, v2;
	v3 =	vmul.f32 v7, v44  }
0x1ea: {  	v50 =	vor.u32 $0x5B, v1;
	v7 =	vld.idx.msk [tilespmem:v45+s12+$0x0], $0xffff  }
0x1eb: {  	v51 =	vld.idx.msk [tilespmem:v47+s11+$0x0], $0xffff;
	v2 =	vadd.f32 v3, v2;
	v3 =	vmul.f32 v4, v46  }
0x1ec: {  	v52 =	vor.u32 $0x5C, v1;
	v4 =	vld.idx.msk [tilespmem:v47+s12+$0x0], $0xffff  }
0x1ed: {  	v53 =	vld.idx.msk [tilespmem:v6+s11+$0x0], $0xffff;
	v2 =	vadd.f32 v3, v2;
	v3 =	vmul.f32 v5, v48  }
0x1ee: {  	v5 =	vld.idx.msk [tilespmem:v6+s12+$0x0], $0xffff;
	v6 =	vor.u32 $0x5D, v1  }
0x1ef: {  	v54 =	vld.idx.msk [tilespmem:v50+s11+$0x0], $0xffff;
	v2 =	vadd.f32 v3, v2;
	v3 =	vmul.f32 v7, v49  }
0x1f0: {  	v55 =	vor.u32 $0x5E, v1;
	v7 =	vld.idx.msk [tilespmem:v50+s12+$0x0], $0xffff  }
0x1f1: {  	v56 =	vld.idx.msk [tilespmem:v52+s11+$0x0], $0xffff;
	v2 =	vadd.f32 v3, v2;
	v3 =	vmul.f32 v4, v51  }
0x1f2: {  	v57 =	vor.u32 $0x5F, v1;
	v4 =	vld.idx.msk [tilespmem:v52+s12+$0x0], $0xffff  }
0x1f3: {  	v58 =	vld.idx.msk [tilespmem:v6+s11+$0x0], $0xffff;
	v2 =	vadd.f32 v3, v2;
	v3 =	vmul.f32 v5, v53  }
0x1f4: {  	v5 =	vld.idx.msk [tilespmem:v6+s12+$0x0], $0xffff;
	v6 =	vor.u32 $0x60, v1  }
0x1f5: {  	v59 =	vld.idx.msk [tilespmem:v55+s11+$0x0], $0xffff;
	v2 =	vadd.f32 v3, v2;
	v3 =	vmul.f32 v7, v54  }
0x1f6: {  	v60 =	vor.u32 $0x61, v1;
	v7 =	vld.idx.msk [tilespmem:v55+s12+$0x0], $0xffff  }
0x1f7: {  	v61 =	vld.idx.msk [tilespmem:v57+s11+$0x0], $0xffff;
	v2 =	vadd.f32 v3, v2;
	v3 =	vmul.f32 v4, v56  }
0x1f8: {  	v62 =	vor.u32 $0x62, v1;
	v4 =	vld.idx.msk [tilespmem:v57+s12+$0x0], $0xffff  }
0x1f9: {  	v63 =	vld.idx.msk [tilespmem:v6+s11+$0x0], $0xffff;
	v2 =	vadd.f32 v3, v2;
	v3 =	vmul.f32 v5, v58  }
0x1fa: {  	v5 =	vld.idx.msk [tilespmem:v6+s12+$0x0], $0xffff;
	v6 =	vor.u32 $0x63, v1  }
0x1fb: {  	v16 =	vld.idx.msk [tilespmem:v60+s11+$0x0], $0xffff;
	v2 =	vadd.f32 v3, v2;
	v3 =	vmul.f32 v7, v59  }
0x1fc: {  	v17 =	vor.u32 $0x64, v1;
	v7 =	vld.idx.msk [tilespmem:v60+s12+$0x0], $0xffff  }
0x1fd: {  	v18 =	vld.idx.msk [tilespmem:v62+s11+$0x0], $0xffff;
	v2 =	vadd.f32 v3, v2;
	v3 =	vmul.f32 v4, v61  }
0x1fe: {  	v19 =	vor.u32 $0x65, v1;
	v4 =	vld.idx.msk [tilespmem:v62+s12+$0x0], $0xffff  }
0x1ff: {  	v20 =	vld.idx.msk [tilespmem:v6+s11+$0x0], $0xffff;
	v2 =	vadd.f32 v3, v2;
	v3 =	vmul.f32 v5, v63  }
0x200: {  	v5 =	vld.idx.msk [tilespmem:v6+s12+$0x0], $0xffff;
	v6 =	vor.u32 $0x66, v1  }
0x201: {  	v21 =	vld.idx.msk [tilespmem:v17+s11+$0x0], $0xffff;
	v2 =	vadd.f32 v3, v2;
	v3 =	vmul.f32 v7, v16  }
0x202: {  	v22 =	vor.u32 $0x67, v1;
	v7 =	vld.idx.msk [tilespmem:v17+s12+$0x0], $0xffff  }
0x203: {  	v23 =	vld.idx.msk [tilespmem:v19+s11+$0x0], $0xffff;
	v2 =	vadd.f32 v3, v2;
	v3 =	vmul.f32 v4, v18  }
0x204: {  	v24 =	vor.u32 $0x68, v1;
	v4 =	vld.idx.msk [tilespmem:v19+s12+$0x0], $0xffff  }
0x205: {  	v25 =	vld.idx.msk [tilespmem:v6+s11+$0x0], $0xffff;
	v2 =	vadd.f32 v3, v2;
	v3 =	vmul.f32 v5, v20  }
0x206: {  	v5 =	vld.idx.msk [tilespmem:v6+s12+$0x0], $0xffff;
	v6 =	vor.u32 $0x69, v1  }
0x207: {  	v26 =	vld.idx.msk [tilespmem:v22+s11+$0x0], $0xffff;
	v2 =	vadd.f32 v3, v2;
	v3 =	vmul.f32 v7, v21  }
0x208: {  	v27 =	vor.u32 $0x6A, v1;
	v7 =	vld.idx.msk [tilespmem:v22+s12+$0x0], $0xffff  }
0x209: {  	v28 =	vld.idx.msk [tilespmem:v24+s11+$0x0], $0xffff;
	v2 =	vadd.f32 v3, v2;
	v3 =	vmul.f32 v4, v23  }
0x20a: {  	v29 =	vor.u32 $0x6B, v1;
	v4 =	vld.idx.msk [tilespmem:v24+s12+$0x0], $0xffff  }
0x20b: {  	v30 =	vld.idx.msk [tilespmem:v6+s11+$0x0], $0xffff;
	v2 =	vadd.f32 v3, v2;
	v3 =	vmul.f32 v5, v25  }
0x20c: {  	v5 =	vld.idx.msk [tilespmem:v6+s12+$0x0], $0xffff;
	v6 =	vor.u32 $0x6C, v1  }
0x20d: {  	v31 =	vld.idx.msk [tilespmem:v27+s11+$0x0], $0xffff;
	v2 =	vadd.f32 v3, v2;
	v3 =	vmul.f32 v7, v26  }
0x20e: {  	v32 =	vor.u32 $0x6D, v1;
	v7 =	vld.idx.msk [tilespmem:v27+s12+$0x0], $0xffff  }
0x20f: {  	v33 =	vld.idx.msk [tilespmem:v29+s11+$0x0], $0xffff;
	v2 =	vadd.f32 v3, v2;
	v3 =	vmul.f32 v4, v28  }
0x210: {  	v34 =	vor.u32 $0x6E, v1;
	v4 =	vld.idx.msk [tilespmem:v29+s12+$0x0], $0xffff  }
0x211: {  	v35 =	vld.idx.msk [tilespmem:v6+s11+$0x0], $0xffff;
	v2 =	vadd.f32 v3, v2;
	v3 =	vmul.f32 v5, v30  }
0x212: {  	v5 =	vld.idx.msk [tilespmem:v6+s12+$0x0], $0xffff;
	v6 =	vor.u32 $0x6F, v1  }
0x213: {  	v36 =	vld.idx.msk [tilespmem:v32+s11+$0x0], $0xffff;
	v2 =	vadd.f32 v3, v2;
	v3 =	vmul.f32 v7, v31  }
0x214: {  	v37 =	vor.u32 $0x70, v1;
	v7 =	vld.idx.msk [tilespmem:v32+s12+$0x0], $0xffff  }
0x215: {  	v38 =	vld.idx.msk [tilespmem:v34+s11+$0x0], $0xffff;
	v2 =	vadd.f32 v3, v2;
	v3 =	vmul.f32 v4, v33  }
0x216: {  	v39 =	vor.u32 $0x71, v1;
	v4 =	vld.idx.msk [tilespmem:v34+s12+$0x0], $0xffff  }
0x217: {  	v40 =	vld.idx.msk [tilespmem:v6+s11+$0x0], $0xffff;
	v2 =	vadd.f32 v3, v2;
	v3 =	vmul.f32 v5, v35  }
0x218: {  	v5 =	vld.idx.msk [tilespmem:v6+s12+$0x0], $0xffff;
	v6 =	vor.u32 $0x72, v1  }
0x219: {  	v41 =	vld.idx.msk [tilespmem:v37+s11+$0x0], $0xffff;
	v2 =	vadd.f32 v3, v2;
	v3 =	vmul.f32 v7, v36  }
0x21a: {  	v42 =	vor.u32 $0x73, v1;
	v7 =	vld.idx.msk [tilespmem:v37+s12+$0x0], $0xffff  }
0x21b: {  	v43 =	vld.idx.msk [tilespmem:v39+s11+$0x0], $0xffff;
	v2 =	vadd.f32 v3, v2;
	v3 =	vmul.f32 v4, v38  }
0x21c: {  	v44 =	vor.u32 $0x74, v1;
	v4 =	vld.idx.msk [tilespmem:v39+s12+$0x0], $0xffff  }
0x21d: {  	v45 =	vld.idx.msk [tilespmem:v6+s11+$0x0], $0xffff;
	v2 =	vadd.f32 v3, v2;
	v3 =	vmul.f32 v5, v40  }
0x21e: {  	v5 =	vld.idx.msk [tilespmem:v6+s12+$0x0], $0xffff;
	v6 =	vor.u32 $0x75, v1  }
0x21f: {  	v46 =	vld.idx.msk [tilespmem:v42+s11+$0x0], $0xffff;
	v2 =	vadd.f32 v3, v2;
	v3 =	vmul.f32 v7, v41  }
0x220: {  	v47 =	vor.u32 $0x76, v1;
	v7 =	vld.idx.msk [tilespmem:v42+s12+$0x0], $0xffff  }
0x221: {  	v48 =	vld.idx.msk [tilespmem:v44+s11+$0x0], $0xffff;
	v2 =	vadd.f32 v3, v2;
	v3 =	vmul.f32 v4, v43  }
0x222: {  	v49 =	vor.u32 $0x77, v1;
	v4 =	vld.idx.msk [tilespmem:v44+s12+$0x0], $0xffff  }
0x223: {  	v50 =	vld.idx.msk [tilespmem:v6+s11+$0x0], $0xffff;
	v2 =	vadd.f32 v3, v2;
	v3 =	vmul.f32 v5, v45  }
0x224: {  	v5 =	vld.idx.msk [tilespmem:v6+s12+$0x0], $0xffff;
	v6 =	vor.u32 $0x78, v1  }
0x225: {  	v51 =	vld.idx.msk [tilespmem:v47+s11+$0x0], $0xffff;
	v2 =	vadd.f32 v3, v2;
	v3 =	vmul.f32 v7, v46  }
0x226: {  	v52 =	vor.u32 $0x79, v1;
	v7 =	vld.idx.msk [tilespmem:v47+s12+$0x0], $0xffff  }
0x227: {  	v53 =	vld.idx.msk [tilespmem:v49+s11+$0x0], $0xffff;
	v2 =	vadd.f32 v3, v2;
	v3 =	vmul.f32 v4, v48  }
0x228: {  	v54 =	vor.u32 $0x7A, v1;
	v4 =	vld.idx.msk [tilespmem:v49+s12+$0x0], $0xffff  }
0x229: {  	v55 =	vld.idx.msk [tilespmem:v6+s11+$0x0], $0xffff;
	v2 =	vadd.f32 v3, v2;
	v3 =	vmul.f32 v5, v50  }
0x22a: {  	v5 =	vld.idx.msk [tilespmem:v6+s12+$0x0], $0xffff;
	v6 =	vor.u32 $0x7B, v1  }
0x22b: {  	v56 =	vld.idx.msk [tilespmem:v52+s11+$0x0], $0xffff;
	v2 =	vadd.f32 v3, v2;
	v3 =	vmul.f32 v7, v51  }
0x22c: {  	v57 =	vor.u32 $0x7C, v1;
	v7 =	vld.idx.msk [tilespmem:v52+s12+$0x0], $0xffff  }
0x22d: {  	v58 =	vld.idx.msk [tilespmem:v54+s11+$0x0], $0xffff;
	v2 =	vadd.f32 v3, v2;
	v3 =	vmul.f32 v4, v53  }
0x22e: {  	v4 =	vld.idx.msk [tilespmem:v54+s12+$0x0], $0xffff  }
0x22f: {  	v60 =	vld.idx.msk [tilespmem:v6+s11+$0x0], $0xffff;
	v2 =	vadd.f32 v3, v2;
	v3 =	vmul.f32 v5, v55  }
0x230: {  	v59 =	vor.u32 $0x7D, v1;
	v5 =	vld.idx.msk [tilespmem:v6+s12+$0x0], $0xffff  }
0x231: {  	v61 =	vld.idx.msk [tilespmem:v57+s11+$0x0], $0xffff;
	v2 =	vadd.f32 v3, v2;
	v3 =	vmul.f32 v7, v56  }
0x232: {  	v6 =	vor.u32 $0x7E, v1;
	v7 =	vld.idx.msk [tilespmem:v57+s12+$0x0], $0xffff  }
0x233: {  	v2 =	vadd.f32 v3, v2;
	v3 =	vmul.f32 v4, v58  }
0x234: {  	v1 =	vor.u32 $0x7F, v1  }
0x235: {  	v62 =	vld.idx.msk [tilespmem:v59+s11+$0x0], $0xffff;
	v2 =	vadd.f32 v3, v2;
	v3 =	vmul.f32 v5, v60  }
0x236: {  	v4 =	vld.idx.msk [tilespmem:v59+s12+$0x0], $0xffff  }
0x237: {  	v63 =	vld.idx.msk [tilespmem:v6+s11+$0x0], $0xffff;
	v2 =	vadd.f32 v3, v2;
	v3 =	vmul.f32 v7, v61  }
0x238: {  	v5 =	vld.idx.msk [tilespmem:v6+s12+$0x0], $0xffff  }
0x239: {  	v6 =	vadd.f32 v3, v2;
	v2 =	vld.idx.msk [tilespmem:v1+s11+$0x0], $0xffff  }
0x23a: {  	v3 =	vld.idx.msk [tilespmem:v1+s12+$0x0], $0xffff  }
0x23b: {  	v4 =	vmul.f32 v4, v62  }
0x23c: {  	s31 =	simm.s32 $0x20  }
0x23d: {  	v7 =	vmov s31;
	v5 =	vmul.f32 v5, v63;
	v4 =	vadd.f32 v4, v6  }
0x23e: {  	s26 =	simm.s32 $0x30;
	s25 =	smov.u32 s23;
	v1 =	vshll.u32 v7, $0x7  }
.LBB2_3:
0x23f: {  	p0 =	sne.s32 s26, $0x40;
	v1 =	vor.u32 v0, v1;
	v4 =	vadd.f32 v5, v4;
	v2 =	vmul.f32 v3, v2;
	_ =	sdelay $0x1  }
0x240: {  	v3 =	vor.u32 $0x1, v1;
	v2 =	vadd.f32 v2, v4  }
0x241: {  	s25 =	sadd.s32 $0x10, s25  }
0x242: {  	v4 =	vor.u32 $0x2, v1;
	[tilespmem:s25+$0x0] =	vst v2  }
0x243: {  	v2 =	vld.idx.msk [tilespmem:v1+s12+$0x0], $0xffff  }
0x244: {  	v6 =	vor.u32 $0x3, v1;
	v5 =	vld.idx.msk [tilespmem:v1+s11+$0x0], $0xffff  }
0x245: {  	v7 =	vld.idx.msk [tilespmem:v3+s11+$0x0], $0xffff  }
0x246: {  	v8 =	vor.u32 $0x4, v1;
	v3 =	vld.idx.msk [tilespmem:v3+s12+$0x0], $0xffff  }
0x247: {  	v9 =	vld.idx.msk [tilespmem:v4+s11+$0x0], $0xffff  }
0x248: {  	v10 =	vor.u32 $0x5, v1;
	v4 =	vld.idx.msk [tilespmem:v4+s12+$0x0], $0xffff  }
0x249: {  	v11 =	vld.idx.msk [tilespmem:v6+s11+$0x0], $0xffff  }
0x24a: {  	v2 =	vmul.f32 v2, v5;
	v5 =	vld.idx.msk [tilespmem:v6+s12+$0x0], $0xffff;
	v6 =	vor.u32 $0x6, v1  }
0x24b: {  	v12 =	vld.idx.msk [tilespmem:v8+s11+$0x0], $0xffff  }
0x24c: {  	v2 =	vadd.f32 $0.0e+00, v2;
	v3 =	vmul.f32 v3, v7;
	v7 =	vld.idx.msk [tilespmem:v8+s12+$0x0], $0xffff;
	v8 =	vor.u32 $0x7, v1  }
0x24d: {  	v13 =	vld.idx.msk [tilespmem:v10+s11+$0x0], $0xffff  }
0x24e: {  	v2 =	vadd.f32 v3, v2;
	v3 =	vmul.f32 v4, v9;
	v9 =	vor.u32 $0x8, v1;
	v4 =	vld.idx.msk [tilespmem:v10+s12+$0x0], $0xffff  }
0x24f: {  	v10 =	vld.idx.msk [tilespmem:v6+s11+$0x0], $0xffff  }
0x250: {  	v2 =	vadd.f32 v3, v2;
	v3 =	vmul.f32 v5, v11;
	v5 =	vld.idx.msk [tilespmem:v6+s12+$0x0], $0xffff;
	v6 =	vor.u32 $0x9, v1  }
0x251: {  	v11 =	vld.idx.msk [tilespmem:v8+s11+$0x0], $0xffff  }
0x252: {  	v2 =	vadd.f32 v3, v2;
	v3 =	vmul.f32 v7, v12;
	v7 =	vld.idx.msk [tilespmem:v8+s12+$0x0], $0xffff;
	v8 =	vor.u32 $0xA, v1  }
0x253: {  	v12 =	vld.idx.msk [tilespmem:v9+s11+$0x0], $0xffff  }
0x254: {  	v2 =	vadd.f32 v3, v2;
	v3 =	vmul.f32 v4, v13;
	v4 =	vld.idx.msk [tilespmem:v9+s12+$0x0], $0xffff;
	v9 =	vor.u32 $0xB, v1  }
0x255: {  	v13 =	vld.idx.msk [tilespmem:v6+s11+$0x0], $0xffff  }
0x256: {  	v2 =	vadd.f32 v3, v2;
	v3 =	vmul.f32 v5, v10;
	v5 =	vld.idx.msk [tilespmem:v6+s12+$0x0], $0xffff;
	v6 =	vor.u32 $0xC, v1  }
0x257: {  	v10 =	vld.idx.msk [tilespmem:v8+s11+$0x0], $0xffff  }
0x258: {  	v2 =	vadd.f32 v3, v2;
	v3 =	vmul.f32 v7, v11;
	v7 =	vld.idx.msk [tilespmem:v8+s12+$0x0], $0xffff;
	v8 =	vor.u32 $0xD, v1  }
0x259: {  	v11 =	vld.idx.msk [tilespmem:v9+s11+$0x0], $0xffff  }
0x25a: {  	v2 =	vadd.f32 v3, v2;
	v3 =	vmul.f32 v4, v12;
	v4 =	vld.idx.msk [tilespmem:v9+s12+$0x0], $0xffff;
	v9 =	vor.u32 $0xE, v1  }
0x25b: {  	v12 =	vld.idx.msk [tilespmem:v6+s11+$0x0], $0xffff  }
0x25c: {  	v2 =	vadd.f32 v3, v2;
	v3 =	vmul.f32 v5, v13;
	v5 =	vld.idx.msk [tilespmem:v6+s12+$0x0], $0xffff;
	v6 =	vor.u32 $0xF, v1  }
0x25d: {  	v13 =	vld.idx.msk [tilespmem:v8+s11+$0x0], $0xffff  }
0x25e: {  	v2 =	vadd.f32 v3, v2;
	v3 =	vmul.f32 v7, v10;
	v7 =	vld.idx.msk [tilespmem:v8+s12+$0x0], $0xffff;
	v8 =	vor.u32 $0x10, v1  }
0x25f: {  	v10 =	vld.idx.msk [tilespmem:v9+s11+$0x0], $0xffff  }
0x260: {  	v2 =	vadd.f32 v3, v2;
	v3 =	vmul.f32 v4, v11;
	v4 =	vld.idx.msk [tilespmem:v9+s12+$0x0], $0xffff;
	v9 =	vor.u32 $0x11, v1  }
0x261: {  	v11 =	vld.idx.msk [tilespmem:v6+s11+$0x0], $0xffff  }
0x262: {  	v2 =	vadd.f32 v3, v2;
	v3 =	vmul.f32 v5, v12;
	v5 =	vld.idx.msk [tilespmem:v6+s12+$0x0], $0xffff;
	v6 =	vor.u32 $0x12, v1  }
0x263: {  	v12 =	vld.idx.msk [tilespmem:v8+s11+$0x0], $0xffff  }
0x264: {  	v2 =	vadd.f32 v3, v2;
	v3 =	vmul.f32 v7, v13;
	v7 =	vld.idx.msk [tilespmem:v8+s12+$0x0], $0xffff;
	v8 =	vor.u32 $0x13, v1  }
0x265: {  	v13 =	vld.idx.msk [tilespmem:v9+s11+$0x0], $0xffff  }
0x266: {  	v2 =	vadd.f32 v3, v2;
	v3 =	vmul.f32 v4, v10;
	v4 =	vld.idx.msk [tilespmem:v9+s12+$0x0], $0xffff;
	v9 =	vor.u32 $0x14, v1  }
0x267: {  	v10 =	vld.idx.msk [tilespmem:v6+s11+$0x0], $0xffff  }
0x268: {  	v2 =	vadd.f32 v3, v2;
	v3 =	vmul.f32 v5, v11;
	v5 =	vld.idx.msk [tilespmem:v6+s12+$0x0], $0xffff;
	v6 =	vor.u32 $0x15, v1  }
0x269: {  	v11 =	vld.idx.msk [tilespmem:v8+s11+$0x0], $0xffff  }
0x26a: {  	v2 =	vadd.f32 v3, v2;
	v3 =	vmul.f32 v7, v12;
	v7 =	vld.idx.msk [tilespmem:v8+s12+$0x0], $0xffff;
	v8 =	vor.u32 $0x16, v1  }
0x26b: {  	v12 =	vld.idx.msk [tilespmem:v9+s11+$0x0], $0xffff  }
0x26c: {  	v2 =	vadd.f32 v3, v2;
	v3 =	vmul.f32 v4, v13;
	v4 =	vld.idx.msk [tilespmem:v9+s12+$0x0], $0xffff;
	v9 =	vor.u32 $0x17, v1  }
0x26d: {  	v13 =	vld.idx.msk [tilespmem:v6+s11+$0x0], $0xffff  }
0x26e: {  	v2 =	vadd.f32 v3, v2;
	v3 =	vmul.f32 v5, v10;
	v5 =	vld.idx.msk [tilespmem:v6+s12+$0x0], $0xffff;
	v6 =	vor.u32 $0x18, v1  }
0x26f: {  	v10 =	vld.idx.msk [tilespmem:v8+s11+$0x0], $0xffff  }
0x270: {  	v2 =	vadd.f32 v3, v2;
	v3 =	vmul.f32 v7, v11;
	v7 =	vld.idx.msk [tilespmem:v8+s12+$0x0], $0xffff;
	v8 =	vor.u32 $0x19, v1  }
0x271: {  	v11 =	vld.idx.msk [tilespmem:v9+s11+$0x0], $0xffff  }
0x272: {  	v2 =	vadd.f32 v3, v2;
	v3 =	vmul.f32 v4, v12;
	v4 =	vld.idx.msk [tilespmem:v9+s12+$0x0], $0xffff;
	v9 =	vor.u32 $0x1A, v1  }
0x273: {  	v12 =	vld.idx.msk [tilespmem:v6+s11+$0x0], $0xffff  }
0x274: {  	v2 =	vadd.f32 v3, v2;
	v3 =	vmul.f32 v5, v13;
	v5 =	vld.idx.msk [tilespmem:v6+s12+$0x0], $0xffff;
	v6 =	vor.u32 $0x1B, v1  }
0x275: {  	v13 =	vld.idx.msk [tilespmem:v8+s11+$0x0], $0xffff  }
0x276: {  	v2 =	vadd.f32 v3, v2;
	v3 =	vmul.f32 v7, v10;
	v7 =	vld.idx.msk [tilespmem:v8+s12+$0x0], $0xffff;
	v8 =	vor.u32 $0x1C, v1  }
0x277: {  	v10 =	vld.idx.msk [tilespmem:v9+s11+$0x0], $0xffff  }
0x278: {  	v2 =	vadd.f32 v3, v2;
	v3 =	vmul.f32 v4, v11;
	v4 =	vld.idx.msk [tilespmem:v9+s12+$0x0], $0xffff;
	v9 =	vor.u32 $0x1D, v1  }
0x279: {  	v11 =	vld.idx.msk [tilespmem:v6+s11+$0x0], $0xffff  }
0x27a: {  	v2 =	vadd.f32 v3, v2;
	v3 =	vmul.f32 v5, v12;
	v5 =	vld.idx.msk [tilespmem:v6+s12+$0x0], $0xffff;
	v6 =	vor.u32 $0x1E, v1  }
0x27b: {  	v12 =	vld.idx.msk [tilespmem:v8+s11+$0x0], $0xffff  }
0x27c: {  	v2 =	vadd.f32 v3, v2;
	v3 =	vmul.f32 v7, v13;
	v7 =	vld.idx.msk [tilespmem:v8+s12+$0x0], $0xffff;
	v8 =	vor.u32 $0x1F, v1  }
0x27d: {  	v13 =	vld.idx.msk [tilespmem:v9+s11+$0x0], $0xffff  }
0x27e: {  	v2 =	vadd.f32 v3, v2;
	v3 =	vmul.f32 v4, v10;
	v4 =	vld.idx.msk [tilespmem:v9+s12+$0x0], $0xffff;
	v9 =	vor.u32 $0x20, v1  }
0x27f: {  	v10 =	vld.idx.msk [tilespmem:v6+s11+$0x0], $0xffff  }
0x280: {  	v2 =	vadd.f32 v3, v2;
	v3 =	vmul.f32 v5, v11;
	v5 =	vld.idx.msk [tilespmem:v6+s12+$0x0], $0xffff;
	v6 =	vor.u32 $0x21, v1  }
0x281: {  	v11 =	vld.idx.msk [tilespmem:v8+s11+$0x0], $0xffff  }
0x282: {  	v2 =	vadd.f32 v3, v2;
	v3 =	vmul.f32 v7, v12;
	v7 =	vld.idx.msk [tilespmem:v8+s12+$0x0], $0xffff;
	v8 =	vor.u32 $0x22, v1  }
0x283: {  	v12 =	vld.idx.msk [tilespmem:v9+s11+$0x0], $0xffff  }
0x284: {  	v2 =	vadd.f32 v3, v2;
	v3 =	vmul.f32 v4, v13;
	v4 =	vld.idx.msk [tilespmem:v9+s12+$0x0], $0xffff;
	v9 =	vor.u32 $0x23, v1  }
0x285: {  	v13 =	vld.idx.msk [tilespmem:v6+s11+$0x0], $0xffff  }
0x286: {  	v2 =	vadd.f32 v3, v2;
	v3 =	vmul.f32 v5, v10;
	v5 =	vld.idx.msk [tilespmem:v6+s12+$0x0], $0xffff;
	v6 =	vor.u32 $0x24, v1  }
0x287: {  	v10 =	vld.idx.msk [tilespmem:v8+s11+$0x0], $0xffff  }
0x288: {  	v2 =	vadd.f32 v3, v2;
	v3 =	vmul.f32 v7, v11;
	v7 =	vld.idx.msk [tilespmem:v8+s12+$0x0], $0xffff;
	v8 =	vor.u32 $0x25, v1  }
0x289: {  	v11 =	vld.idx.msk [tilespmem:v9+s11+$0x0], $0xffff  }
0x28a: {  	v2 =	vadd.f32 v3, v2;
	v3 =	vmul.f32 v4, v12;
	v4 =	vld.idx.msk [tilespmem:v9+s12+$0x0], $0xffff;
	v9 =	vor.u32 $0x26, v1  }
0x28b: {  	v12 =	vld.idx.msk [tilespmem:v6+s11+$0x0], $0xffff  }
0x28c: {  	v2 =	vadd.f32 v3, v2;
	v3 =	vmul.f32 v5, v13;
	v5 =	vld.idx.msk [tilespmem:v6+s12+$0x0], $0xffff;
	v6 =	vor.u32 $0x27, v1  }
0x28d: {  	v13 =	vld.idx.msk [tilespmem:v8+s11+$0x0], $0xffff  }
0x28e: {  	v2 =	vadd.f32 v3, v2;
	v3 =	vmul.f32 v7, v10;
	v7 =	vld.idx.msk [tilespmem:v8+s12+$0x0], $0xffff;
	v8 =	vor.u32 $0x28, v1  }
0x28f: {  	v10 =	vld.idx.msk [tilespmem:v9+s11+$0x0], $0xffff  }
0x290: {  	v2 =	vadd.f32 v3, v2;
	v3 =	vmul.f32 v4, v11;
	v4 =	vld.idx.msk [tilespmem:v9+s12+$0x0], $0xffff;
	v9 =	vor.u32 $0x29, v1  }
0x291: {  	v11 =	vld.idx.msk [tilespmem:v6+s11+$0x0], $0xffff  }
0x292: {  	v2 =	vadd.f32 v3, v2;
	v3 =	vmul.f32 v5, v12;
	v5 =	vld.idx.msk [tilespmem:v6+s12+$0x0], $0xffff;
	v6 =	vor.u32 $0x2A, v1  }
0x293: {  	v12 =	vld.idx.msk [tilespmem:v8+s11+$0x0], $0xffff  }
0x294: {  	v2 =	vadd.f32 v3, v2;
	v3 =	vmul.f32 v7, v13;
	v7 =	vld.idx.msk [tilespmem:v8+s12+$0x0], $0xffff;
	v8 =	vor.u32 $0x2B, v1  }
0x295: {  	v13 =	vld.idx.msk [tilespmem:v9+s11+$0x0], $0xffff  }
0x296: {  	v2 =	vadd.f32 v3, v2;
	v3 =	vmul.f32 v4, v10;
	v4 =	vld.idx.msk [tilespmem:v9+s12+$0x0], $0xffff;
	v9 =	vor.u32 $0x2C, v1  }
0x297: {  	v10 =	vld.idx.msk [tilespmem:v6+s11+$0x0], $0xffff  }
0x298: {  	v2 =	vadd.f32 v3, v2;
	v3 =	vmul.f32 v5, v11;
	v5 =	vld.idx.msk [tilespmem:v6+s12+$0x0], $0xffff;
	v6 =	vor.u32 $0x2D, v1  }
0x299: {  	v11 =	vld.idx.msk [tilespmem:v8+s11+$0x0], $0xffff  }
0x29a: {  	v2 =	vadd.f32 v3, v2;
	v3 =	vmul.f32 v7, v12;
	v7 =	vld.idx.msk [tilespmem:v8+s12+$0x0], $0xffff;
	v8 =	vor.u32 $0x2E, v1  }
0x29b: {  	v12 =	vld.idx.msk [tilespmem:v9+s11+$0x0], $0xffff  }
0x29c: {  	v2 =	vadd.f32 v3, v2;
	v3 =	vmul.f32 v4, v13;
	v4 =	vld.idx.msk [tilespmem:v9+s12+$0x0], $0xffff;
	v9 =	vor.u32 $0x2F, v1  }
0x29d: {  	v13 =	vld.idx.msk [tilespmem:v6+s11+$0x0], $0xffff  }
0x29e: {  	v2 =	vadd.f32 v3, v2;
	v3 =	vmul.f32 v5, v10;
	v5 =	vld.idx.msk [tilespmem:v6+s12+$0x0], $0xffff;
	v6 =	vor.u32 $0x30, v1  }
0x29f: {  	v10 =	vld.idx.msk [tilespmem:v8+s11+$0x0], $0xffff  }
0x2a0: {  	v2 =	vadd.f32 v3, v2;
	v3 =	vmul.f32 v7, v11;
	v7 =	vld.idx.msk [tilespmem:v8+s12+$0x0], $0xffff;
	v8 =	vor.u32 $0x31, v1  }
0x2a1: {  	v11 =	vld.idx.msk [tilespmem:v9+s11+$0x0], $0xffff  }
0x2a2: {  	v2 =	vadd.f32 v3, v2;
	v3 =	vmul.f32 v4, v12;
	v4 =	vld.idx.msk [tilespmem:v9+s12+$0x0], $0xffff;
	v9 =	vor.u32 $0x32, v1  }
0x2a3: {  	v12 =	vld.idx.msk [tilespmem:v6+s11+$0x0], $0xffff  }
0x2a4: {  	v2 =	vadd.f32 v3, v2;
	v3 =	vmul.f32 v5, v13;
	v5 =	vld.idx.msk [tilespmem:v6+s12+$0x0], $0xffff;
	v6 =	vor.u32 $0x33, v1  }
0x2a5: {  	v13 =	vld.idx.msk [tilespmem:v8+s11+$0x0], $0xffff  }
0x2a6: {  	v2 =	vadd.f32 v3, v2;
	v3 =	vmul.f32 v7, v10;
	v7 =	vld.idx.msk [tilespmem:v8+s12+$0x0], $0xffff;
	v8 =	vor.u32 $0x34, v1  }
0x2a7: {  	v10 =	vld.idx.msk [tilespmem:v9+s11+$0x0], $0xffff  }
0x2a8: {  	v2 =	vadd.f32 v3, v2;
	v3 =	vmul.f32 v4, v11;
	v4 =	vld.idx.msk [tilespmem:v9+s12+$0x0], $0xffff;
	v9 =	vor.u32 $0x35, v1  }
0x2a9: {  	v11 =	vld.idx.msk [tilespmem:v6+s11+$0x0], $0xffff  }
0x2aa: {  	v2 =	vadd.f32 v3, v2;
	v3 =	vmul.f32 v5, v12;
	v5 =	vld.idx.msk [tilespmem:v6+s12+$0x0], $0xffff;
	v6 =	vor.u32 $0x36, v1  }
0x2ab: {  	v12 =	vld.idx.msk [tilespmem:v8+s11+$0x0], $0xffff  }
0x2ac: {  	v2 =	vadd.f32 v3, v2;
	v3 =	vmul.f32 v7, v13;
	v7 =	vld.idx.msk [tilespmem:v8+s12+$0x0], $0xffff;
	v8 =	vor.u32 $0x37, v1  }
0x2ad: {  	v13 =	vld.idx.msk [tilespmem:v9+s11+$0x0], $0xffff  }
0x2ae: {  	v2 =	vadd.f32 v3, v2;
	v3 =	vmul.f32 v4, v10;
	v4 =	vld.idx.msk [tilespmem:v9+s12+$0x0], $0xffff;
	v9 =	vor.u32 $0x38, v1  }
0x2af: {  	v10 =	vld.idx.msk [tilespmem:v6+s11+$0x0], $0xffff  }
0x2b0: {  	v2 =	vadd.f32 v3, v2;
	v3 =	vmul.f32 v5, v11;
	v5 =	vld.idx.msk [tilespmem:v6+s12+$0x0], $0xffff;
	v6 =	vor.u32 $0x39, v1  }
0x2b1: {  	v11 =	vld.idx.msk [tilespmem:v8+s11+$0x0], $0xffff  }
0x2b2: {  	v2 =	vadd.f32 v3, v2;
	v3 =	vmul.f32 v7, v12;
	v7 =	vld.idx.msk [tilespmem:v8+s12+$0x0], $0xffff;
	v8 =	vor.u32 $0x3A, v1  }
0x2b3: {  	v12 =	vld.idx.msk [tilespmem:v9+s11+$0x0], $0xffff  }
0x2b4: {  	v2 =	vadd.f32 v3, v2;
	v3 =	vmul.f32 v4, v13;
	v4 =	vld.idx.msk [tilespmem:v9+s12+$0x0], $0xffff;
	v9 =	vor.u32 $0x3B, v1  }
0x2b5: {  	v13 =	vld.idx.msk [tilespmem:v6+s11+$0x0], $0xffff  }
0x2b6: {  	v2 =	vadd.f32 v3, v2;
	v3 =	vmul.f32 v5, v10;
	v5 =	vld.idx.msk [tilespmem:v6+s12+$0x0], $0xffff;
	v6 =	vor.u32 $0x3C, v1  }
0x2b7: {  	v10 =	vld.idx.msk [tilespmem:v8+s11+$0x0], $0xffff  }
0x2b8: {  	v2 =	vadd.f32 v3, v2;
	v3 =	vmul.f32 v7, v11;
	v7 =	vld.idx.msk [tilespmem:v8+s12+$0x0], $0xffff;
	v8 =	vor.u32 $0x3D, v1  }
0x2b9: {  	v11 =	vld.idx.msk [tilespmem:v9+s11+$0x0], $0xffff  }
0x2ba: {  	v2 =	vadd.f32 v3, v2;
	v3 =	vmul.f32 v4, v12;
	v4 =	vld.idx.msk [tilespmem:v9+s12+$0x0], $0xffff;
	v9 =	vor.u32 $0x3E, v1  }
0x2bb: {  	v12 =	vld.idx.msk [tilespmem:v6+s11+$0x0], $0xffff  }
0x2bc: {  	v2 =	vadd.f32 v3, v2;
	v3 =	vmul.f32 v5, v13;
	v5 =	vld.idx.msk [tilespmem:v6+s12+$0x0], $0xffff;
	v6 =	vor.u32 $0x3F, v1  }
0x2bd: {  	v13 =	vld.idx.msk [tilespmem:v8+s11+$0x0], $0xffff  }
0x2be: {  	v2 =	vadd.f32 v3, v2;
	v3 =	vmul.f32 v7, v10;
	v7 =	vld.idx.msk [tilespmem:v8+s12+$0x0], $0xffff;
	v8 =	vor.u32 $0x40, v1  }
0x2bf: {  	v10 =	vld.idx.msk [tilespmem:v9+s11+$0x0], $0xffff  }
0x2c0: {  	v2 =	vadd.f32 v3, v2;
	v3 =	vmul.f32 v4, v11;
	v4 =	vld.idx.msk [tilespmem:v9+s12+$0x0], $0xffff;
	v9 =	vor.u32 $0x41, v1  }
0x2c1: {  	v11 =	vld.idx.msk [tilespmem:v6+s11+$0x0], $0xffff  }
0x2c2: {  	v2 =	vadd.f32 v3, v2;
	v3 =	vmul.f32 v5, v12;
	v5 =	vld.idx.msk [tilespmem:v6+s12+$0x0], $0xffff;
	v6 =	vor.u32 $0x42, v1  }
0x2c3: {  	v12 =	vld.idx.msk [tilespmem:v8+s11+$0x0], $0xffff  }
0x2c4: {  	v2 =	vadd.f32 v3, v2;
	v3 =	vmul.f32 v7, v13;
	v7 =	vld.idx.msk [tilespmem:v8+s12+$0x0], $0xffff;
	v8 =	vor.u32 $0x43, v1  }
0x2c5: {  	v13 =	vld.idx.msk [tilespmem:v9+s11+$0x0], $0xffff  }
0x2c6: {  	v2 =	vadd.f32 v3, v2;
	v3 =	vmul.f32 v4, v10;
	v4 =	vld.idx.msk [tilespmem:v9+s12+$0x0], $0xffff;
	v9 =	vor.u32 $0x44, v1  }
0x2c7: {  	v10 =	vld.idx.msk [tilespmem:v6+s11+$0x0], $0xffff  }
0x2c8: {  	v2 =	vadd.f32 v3, v2;
	v3 =	vmul.f32 v5, v11;
	v5 =	vld.idx.msk [tilespmem:v6+s12+$0x0], $0xffff;
	v6 =	vor.u32 $0x45, v1  }
0x2c9: {  	v11 =	vld.idx.msk [tilespmem:v8+s11+$0x0], $0xffff  }
0x2ca: {  	v2 =	vadd.f32 v3, v2;
	v3 =	vmul.f32 v7, v12;
	v7 =	vld.idx.msk [tilespmem:v8+s12+$0x0], $0xffff;
	v8 =	vor.u32 $0x46, v1  }
0x2cb: {  	v12 =	vld.idx.msk [tilespmem:v9+s11+$0x0], $0xffff  }
0x2cc: {  	v2 =	vadd.f32 v3, v2;
	v3 =	vmul.f32 v4, v13;
	v4 =	vld.idx.msk [tilespmem:v9+s12+$0x0], $0xffff;
	v9 =	vor.u32 $0x47, v1  }
0x2cd: {  	v13 =	vld.idx.msk [tilespmem:v6+s11+$0x0], $0xffff  }
0x2ce: {  	v2 =	vadd.f32 v3, v2;
	v3 =	vmul.f32 v5, v10;
	v5 =	vld.idx.msk [tilespmem:v6+s12+$0x0], $0xffff;
	v6 =	vor.u32 $0x48, v1  }
0x2cf: {  	v10 =	vld.idx.msk [tilespmem:v8+s11+$0x0], $0xffff  }
0x2d0: {  	v2 =	vadd.f32 v3, v2;
	v3 =	vmul.f32 v7, v11;
	v7 =	vld.idx.msk [tilespmem:v8+s12+$0x0], $0xffff;
	v8 =	vor.u32 $0x49, v1  }
0x2d1: {  	v11 =	vld.idx.msk [tilespmem:v9+s11+$0x0], $0xffff  }
0x2d2: {  	v2 =	vadd.f32 v3, v2;
	v3 =	vmul.f32 v4, v12;
	v4 =	vld.idx.msk [tilespmem:v9+s12+$0x0], $0xffff;
	v9 =	vor.u32 $0x4A, v1  }
0x2d3: {  	v12 =	vld.idx.msk [tilespmem:v6+s11+$0x0], $0xffff  }
0x2d4: {  	v2 =	vadd.f32 v3, v2;
	v3 =	vmul.f32 v5, v13;
	v5 =	vld.idx.msk [tilespmem:v6+s12+$0x0], $0xffff;
	v6 =	vor.u32 $0x4B, v1  }
0x2d5: {  	v13 =	vld.idx.msk [tilespmem:v8+s11+$0x0], $0xffff  }
0x2d6: {  	v2 =	vadd.f32 v3, v2;
	v3 =	vmul.f32 v7, v10;
	v7 =	vld.idx.msk [tilespmem:v8+s12+$0x0], $0xffff;
	v8 =	vor.u32 $0x4C, v1  }
0x2d7: {  	v10 =	vld.idx.msk [tilespmem:v9+s11+$0x0], $0xffff  }
0x2d8: {  	v2 =	vadd.f32 v3, v2;
	v3 =	vmul.f32 v4, v11;
	v4 =	vld.idx.msk [tilespmem:v9+s12+$0x0], $0xffff;
	v9 =	vor.u32 $0x4D, v1  }
0x2d9: {  	v11 =	vld.idx.msk [tilespmem:v6+s11+$0x0], $0xffff  }
0x2da: {  	v2 =	vadd.f32 v3, v2;
	v3 =	vmul.f32 v5, v12;
	v5 =	vld.idx.msk [tilespmem:v6+s12+$0x0], $0xffff;
	v6 =	vor.u32 $0x4E, v1  }
0x2db: {  	v12 =	vld.idx.msk [tilespmem:v8+s11+$0x0], $0xffff  }
0x2dc: {  	v2 =	vadd.f32 v3, v2;
	v3 =	vmul.f32 v7, v13;
	v7 =	vld.idx.msk [tilespmem:v8+s12+$0x0], $0xffff;
	v8 =	vor.u32 $0x4F, v1  }
0x2dd: {  	v13 =	vld.idx.msk [tilespmem:v9+s11+$0x0], $0xffff  }
0x2de: {  	v2 =	vadd.f32 v3, v2;
	v3 =	vmul.f32 v4, v10;
	v4 =	vld.idx.msk [tilespmem:v9+s12+$0x0], $0xffff;
	v9 =	vor.u32 $0x50, v1  }
0x2df: {  	v10 =	vld.idx.msk [tilespmem:v6+s11+$0x0], $0xffff  }
0x2e0: {  	v2 =	vadd.f32 v3, v2;
	v3 =	vmul.f32 v5, v11;
	v5 =	vld.idx.msk [tilespmem:v6+s12+$0x0], $0xffff;
	v6 =	vor.u32 $0x51, v1  }
0x2e1: {  	v11 =	vld.idx.msk [tilespmem:v8+s11+$0x0], $0xffff  }
0x2e2: {  	v2 =	vadd.f32 v3, v2;
	v3 =	vmul.f32 v7, v12;
	v7 =	vld.idx.msk [tilespmem:v8+s12+$0x0], $0xffff;
	v8 =	vor.u32 $0x52, v1  }
0x2e3: {  	v12 =	vld.idx.msk [tilespmem:v9+s11+$0x0], $0xffff  }
0x2e4: {  	v2 =	vadd.f32 v3, v2;
	v3 =	vmul.f32 v4, v13;
	v4 =	vld.idx.msk [tilespmem:v9+s12+$0x0], $0xffff;
	v9 =	vor.u32 $0x53, v1  }
0x2e5: {  	v13 =	vld.idx.msk [tilespmem:v6+s11+$0x0], $0xffff  }
0x2e6: {  	v2 =	vadd.f32 v3, v2;
	v3 =	vmul.f32 v5, v10;
	v5 =	vld.idx.msk [tilespmem:v6+s12+$0x0], $0xffff;
	v6 =	vor.u32 $0x54, v1  }
0x2e7: {  	v10 =	vld.idx.msk [tilespmem:v8+s11+$0x0], $0xffff  }
0x2e8: {  	v2 =	vadd.f32 v3, v2;
	v3 =	vmul.f32 v7, v11;
	v7 =	vld.idx.msk [tilespmem:v8+s12+$0x0], $0xffff;
	v8 =	vor.u32 $0x55, v1  }
0x2e9: {  	v11 =	vld.idx.msk [tilespmem:v9+s11+$0x0], $0xffff  }
0x2ea: {  	v2 =	vadd.f32 v3, v2;
	v3 =	vmul.f32 v4, v12;
	v4 =	vld.idx.msk [tilespmem:v9+s12+$0x0], $0xffff;
	v9 =	vor.u32 $0x56, v1  }
0x2eb: {  	v12 =	vld.idx.msk [tilespmem:v6+s11+$0x0], $0xffff  }
0x2ec: {  	v2 =	vadd.f32 v3, v2;
	v3 =	vmul.f32 v5, v13;
	v5 =	vld.idx.msk [tilespmem:v6+s12+$0x0], $0xffff;
	v6 =	vor.u32 $0x57, v1  }
0x2ed: {  	v13 =	vld.idx.msk [tilespmem:v8+s11+$0x0], $0xffff  }
0x2ee: {  	v2 =	vadd.f32 v3, v2;
	v3 =	vmul.f32 v7, v10;
	v7 =	vld.idx.msk [tilespmem:v8+s12+$0x0], $0xffff;
	v8 =	vor.u32 $0x58, v1  }
0x2ef: {  	v10 =	vld.idx.msk [tilespmem:v9+s11+$0x0], $0xffff  }
0x2f0: {  	v2 =	vadd.f32 v3, v2;
	v3 =	vmul.f32 v4, v11;
	v4 =	vld.idx.msk [tilespmem:v9+s12+$0x0], $0xffff;
	v9 =	vor.u32 $0x59, v1  }
0x2f1: {  	v11 =	vld.idx.msk [tilespmem:v6+s11+$0x0], $0xffff  }
0x2f2: {  	v2 =	vadd.f32 v3, v2;
	v3 =	vmul.f32 v5, v12;
	v5 =	vld.idx.msk [tilespmem:v6+s12+$0x0], $0xffff;
	v6 =	vor.u32 $0x5A, v1  }
0x2f3: {  	v12 =	vld.idx.msk [tilespmem:v8+s11+$0x0], $0xffff  }
0x2f4: {  	v2 =	vadd.f32 v3, v2;
	v3 =	vmul.f32 v7, v13;
	v7 =	vld.idx.msk [tilespmem:v8+s12+$0x0], $0xffff;
	v8 =	vor.u32 $0x5B, v1  }
0x2f5: {  	v13 =	vld.idx.msk [tilespmem:v9+s11+$0x0], $0xffff  }
0x2f6: {  	v2 =	vadd.f32 v3, v2;
	v3 =	vmul.f32 v4, v10;
	v4 =	vld.idx.msk [tilespmem:v9+s12+$0x0], $0xffff;
	v9 =	vor.u32 $0x5C, v1  }
0x2f7: {  	v10 =	vld.idx.msk [tilespmem:v6+s11+$0x0], $0xffff  }
0x2f8: {  	v2 =	vadd.f32 v3, v2;
	v3 =	vmul.f32 v5, v11;
	v5 =	vld.idx.msk [tilespmem:v6+s12+$0x0], $0xffff;
	v6 =	vor.u32 $0x5D, v1  }
0x2f9: {  	v11 =	vld.idx.msk [tilespmem:v8+s11+$0x0], $0xffff  }
0x2fa: {  	v2 =	vadd.f32 v3, v2;
	v3 =	vmul.f32 v7, v12;
	v7 =	vld.idx.msk [tilespmem:v8+s12+$0x0], $0xffff;
	v8 =	vor.u32 $0x5E, v1  }
0x2fb: {  	v12 =	vld.idx.msk [tilespmem:v9+s11+$0x0], $0xffff  }
0x2fc: {  	v2 =	vadd.f32 v3, v2;
	v3 =	vmul.f32 v4, v13;
	v4 =	vld.idx.msk [tilespmem:v9+s12+$0x0], $0xffff;
	v9 =	vor.u32 $0x5F, v1  }
0x2fd: {  	v13 =	vld.idx.msk [tilespmem:v6+s11+$0x0], $0xffff  }
0x2fe: {  	v2 =	vadd.f32 v3, v2;
	v3 =	vmul.f32 v5, v10;
	v5 =	vld.idx.msk [tilespmem:v6+s12+$0x0], $0xffff;
	v6 =	vor.u32 $0x60, v1  }
0x2ff: {  	v10 =	vld.idx.msk [tilespmem:v8+s11+$0x0], $0xffff  }
0x300: {  	v2 =	vadd.f32 v3, v2;
	v3 =	vmul.f32 v7, v11;
	v7 =	vld.idx.msk [tilespmem:v8+s12+$0x0], $0xffff;
	v8 =	vor.u32 $0x61, v1  }
0x301: {  	v11 =	vld.idx.msk [tilespmem:v9+s11+$0x0], $0xffff  }
0x302: {  	v2 =	vadd.f32 v3, v2;
	v3 =	vmul.f32 v4, v12;
	v4 =	vld.idx.msk [tilespmem:v9+s12+$0x0], $0xffff;
	v9 =	vor.u32 $0x62, v1  }
0x303: {  	v12 =	vld.idx.msk [tilespmem:v6+s11+$0x0], $0xffff  }
0x304: {  	v2 =	vadd.f32 v3, v2;
	v3 =	vmul.f32 v5, v13;
	v5 =	vld.idx.msk [tilespmem:v6+s12+$0x0], $0xffff;
	v6 =	vor.u32 $0x63, v1  }
0x305: {  	v13 =	vld.idx.msk [tilespmem:v8+s11+$0x0], $0xffff  }
0x306: {  	v2 =	vadd.f32 v3, v2;
	v3 =	vmul.f32 v7, v10;
	v7 =	vld.idx.msk [tilespmem:v8+s12+$0x0], $0xffff;
	v8 =	vor.u32 $0x64, v1  }
0x307: {  	v10 =	vld.idx.msk [tilespmem:v9+s11+$0x0], $0xffff  }
0x308: {  	v2 =	vadd.f32 v3, v2;
	v3 =	vmul.f32 v4, v11;
	v4 =	vld.idx.msk [tilespmem:v9+s12+$0x0], $0xffff;
	v9 =	vor.u32 $0x65, v1  }
0x309: {  	v11 =	vld.idx.msk [tilespmem:v6+s11+$0x0], $0xffff  }
0x30a: {  	v2 =	vadd.f32 v3, v2;
	v3 =	vmul.f32 v5, v12;
	v5 =	vld.idx.msk [tilespmem:v6+s12+$0x0], $0xffff;
	v6 =	vor.u32 $0x66, v1  }
0x30b: {  	v12 =	vld.idx.msk [tilespmem:v8+s11+$0x0], $0xffff  }
0x30c: {  	v2 =	vadd.f32 v3, v2;
	v3 =	vmul.f32 v7, v13;
	v7 =	vld.idx.msk [tilespmem:v8+s12+$0x0], $0xffff;
	v8 =	vor.u32 $0x67, v1  }
0x30d: {  	v13 =	vld.idx.msk [tilespmem:v9+s11+$0x0], $0xffff  }
0x30e: {  	v2 =	vadd.f32 v3, v2;
	v3 =	vmul.f32 v4, v10;
	v4 =	vld.idx.msk [tilespmem:v9+s12+$0x0], $0xffff;
	v9 =	vor.u32 $0x68, v1  }
0x30f: {  	v10 =	vld.idx.msk [tilespmem:v6+s11+$0x0], $0xffff  }
0x310: {  	v2 =	vadd.f32 v3, v2;
	v3 =	vmul.f32 v5, v11;
	v5 =	vld.idx.msk [tilespmem:v6+s12+$0x0], $0xffff;
	v6 =	vor.u32 $0x69, v1  }
0x311: {  	v11 =	vld.idx.msk [tilespmem:v8+s11+$0x0], $0xffff  }
0x312: {  	v2 =	vadd.f32 v3, v2;
	v3 =	vmul.f32 v7, v12;
	v7 =	vld.idx.msk [tilespmem:v8+s12+$0x0], $0xffff;
	v8 =	vor.u32 $0x6A, v1  }
0x313: {  	v12 =	vld.idx.msk [tilespmem:v9+s11+$0x0], $0xffff  }
0x314: {  	v2 =	vadd.f32 v3, v2;
	v3 =	vmul.f32 v4, v13;
	v4 =	vld.idx.msk [tilespmem:v9+s12+$0x0], $0xffff;
	v9 =	vor.u32 $0x6B, v1  }
0x315: {  	v13 =	vld.idx.msk [tilespmem:v6+s11+$0x0], $0xffff  }
0x316: {  	v2 =	vadd.f32 v3, v2;
	v3 =	vmul.f32 v5, v10;
	v5 =	vld.idx.msk [tilespmem:v6+s12+$0x0], $0xffff;
	v6 =	vor.u32 $0x6C, v1  }
0x317: {  	v10 =	vld.idx.msk [tilespmem:v8+s11+$0x0], $0xffff  }
0x318: {  	v2 =	vadd.f32 v3, v2;
	v3 =	vmul.f32 v7, v11;
	v7 =	vld.idx.msk [tilespmem:v8+s12+$0x0], $0xffff;
	v8 =	vor.u32 $0x6D, v1  }
0x319: {  	v11 =	vld.idx.msk [tilespmem:v9+s11+$0x0], $0xffff  }
0x31a: {  	v2 =	vadd.f32 v3, v2;
	v3 =	vmul.f32 v4, v12;
	v4 =	vld.idx.msk [tilespmem:v9+s12+$0x0], $0xffff;
	v9 =	vor.u32 $0x6E, v1  }
0x31b: {  	v12 =	vld.idx.msk [tilespmem:v6+s11+$0x0], $0xffff  }
0x31c: {  	v2 =	vadd.f32 v3, v2;
	v3 =	vmul.f32 v5, v13;
	v5 =	vld.idx.msk [tilespmem:v6+s12+$0x0], $0xffff;
	v6 =	vor.u32 $0x6F, v1  }
0x31d: {  	v13 =	vld.idx.msk [tilespmem:v8+s11+$0x0], $0xffff  }
0x31e: {  	v2 =	vadd.f32 v3, v2;
	v3 =	vmul.f32 v7, v10;
	v7 =	vld.idx.msk [tilespmem:v8+s12+$0x0], $0xffff;
	v8 =	vor.u32 $0x70, v1  }
0x31f: {  	v10 =	vld.idx.msk [tilespmem:v9+s11+$0x0], $0xffff  }
0x320: {  	v2 =	vadd.f32 v3, v2;
	v3 =	vmul.f32 v4, v11;
	v4 =	vld.idx.msk [tilespmem:v9+s12+$0x0], $0xffff;
	v9 =	vor.u32 $0x71, v1  }
0x321: {  	v11 =	vld.idx.msk [tilespmem:v6+s11+$0x0], $0xffff  }
0x322: {  	v2 =	vadd.f32 v3, v2;
	v3 =	vmul.f32 v5, v12;
	v5 =	vld.idx.msk [tilespmem:v6+s12+$0x0], $0xffff;
	v6 =	vor.u32 $0x72, v1  }
0x323: {  	v12 =	vld.idx.msk [tilespmem:v8+s11+$0x0], $0xffff  }
0x324: {  	v2 =	vadd.f32 v3, v2;
	v3 =	vmul.f32 v7, v13;
	v7 =	vld.idx.msk [tilespmem:v8+s12+$0x0], $0xffff;
	v8 =	vor.u32 $0x73, v1  }
0x325: {  	v13 =	vld.idx.msk [tilespmem:v9+s11+$0x0], $0xffff  }
0x326: {  	v2 =	vadd.f32 v3, v2;
	v3 =	vmul.f32 v4, v10;
	v4 =	vld.idx.msk [tilespmem:v9+s12+$0x0], $0xffff;
	v9 =	vor.u32 $0x74, v1  }
0x327: {  	v10 =	vld.idx.msk [tilespmem:v6+s11+$0x0], $0xffff  }
0x328: {  	v2 =	vadd.f32 v3, v2;
	v3 =	vmul.f32 v5, v11;
	v5 =	vld.idx.msk [tilespmem:v6+s12+$0x0], $0xffff;
	v6 =	vor.u32 $0x75, v1  }
0x329: {  	v11 =	vld.idx.msk [tilespmem:v8+s11+$0x0], $0xffff  }
0x32a: {  	v2 =	vadd.f32 v3, v2;
	v3 =	vmul.f32 v7, v12;
	v7 =	vld.idx.msk [tilespmem:v8+s12+$0x0], $0xffff;
	v8 =	vor.u32 $0x76, v1  }
0x32b: {  	v12 =	vld.idx.msk [tilespmem:v9+s11+$0x0], $0xffff  }
0x32c: {  	v2 =	vadd.f32 v3, v2;
	v3 =	vmul.f32 v4, v13;
	v4 =	vld.idx.msk [tilespmem:v9+s12+$0x0], $0xffff;
	v9 =	vor.u32 $0x77, v1  }
0x32d: {  	v13 =	vld.idx.msk [tilespmem:v6+s11+$0x0], $0xffff  }
0x32e: {  	v2 =	vadd.f32 v3, v2;
	v3 =	vmul.f32 v5, v10;
	v5 =	vld.idx.msk [tilespmem:v6+s12+$0x0], $0xffff;
	v6 =	vor.u32 $0x78, v1  }
0x32f: {  	v10 =	vld.idx.msk [tilespmem:v8+s11+$0x0], $0xffff  }
0x330: {  	v2 =	vadd.f32 v3, v2;
	v3 =	vmul.f32 v7, v11;
	v7 =	vld.idx.msk [tilespmem:v8+s12+$0x0], $0xffff;
	v8 =	vor.u32 $0x79, v1  }
0x331: {  	v11 =	vld.idx.msk [tilespmem:v9+s11+$0x0], $0xffff  }
0x332: {  	v2 =	vadd.f32 v3, v2;
	v3 =	vmul.f32 v4, v12;
	v4 =	vld.idx.msk [tilespmem:v9+s12+$0x0], $0xffff;
	v9 =	vor.u32 $0x7A, v1  }
0x333: {  	v12 =	vld.idx.msk [tilespmem:v6+s11+$0x0], $0xffff  }
0x334: {  	v2 =	vadd.f32 v3, v2;
	v3 =	vmul.f32 v5, v13;
	v5 =	vld.idx.msk [tilespmem:v6+s12+$0x0], $0xffff;
	v6 =	vor.u32 $0x7B, v1  }
0x335: {  	v13 =	vld.idx.msk [tilespmem:v8+s11+$0x0], $0xffff  }
0x336: {  	v2 =	vadd.f32 v3, v2;
	v3 =	vmul.f32 v7, v10;
	v7 =	vld.idx.msk [tilespmem:v8+s12+$0x0], $0xffff;
	v8 =	vor.u32 $0x7C, v1  }
0x337: {  	v10 =	vld.idx.msk [tilespmem:v9+s11+$0x0], $0xffff  }
0x338: {  	v2 =	vadd.f32 v3, v2;
	v3 =	vmul.f32 v4, v11;
	v4 =	vld.idx.msk [tilespmem:v9+s12+$0x0], $0xffff;
	v9 =	vor.u32 $0x7D, v1  }
0x339: {  	v11 =	vld.idx.msk [tilespmem:v6+s11+$0x0], $0xffff  }
0x33a: {  	v2 =	vadd.f32 v3, v2;
	v3 =	vmul.f32 v5, v12;
	v5 =	vld.idx.msk [tilespmem:v6+s12+$0x0], $0xffff;
	v6 =	vor.u32 $0x7E, v1  }
0x33b: {  	v12 =	vld.idx.msk [tilespmem:v8+s11+$0x0], $0xffff  }
0x33c: {  	v1 =	vor.u32 $0x7F, v1;
	v2 =	vadd.f32 v3, v2;
	v3 =	vmul.f32 v7, v13;
	v7 =	vld.idx.msk [tilespmem:v8+s12+$0x0], $0xffff  }
0x33d: {  	v8 =	vld.idx.msk [tilespmem:v9+s11+$0x0], $0xffff  }
0x33e: {  	v2 =	vadd.f32 v3, v2;
	v3 =	vmul.f32 v4, v10;
	v4 =	vld.idx.msk [tilespmem:v9+s12+$0x0], $0xffff  }
0x33f: {  	v9 =	vld.idx.msk [tilespmem:v6+s11+$0x0], $0xffff  }
0x340: {  	v3 =	vadd.f32 v3, v2;
	v5 =	vmul.f32 v5, v11;
	v6 =	vld.idx.msk [tilespmem:v6+s12+$0x0], $0xffff  }
0x341: {  	v2 =	vld.idx.msk [tilespmem:v1+s11+$0x0], $0xffff  }
0x342: {  	v5 =	vadd.f32 v5, v3;
	v7 =	vmul.f32 v7, v12;
	v3 =	vld.idx.msk [tilespmem:v1+s12+$0x0], $0xffff  }
.Ltmp4:
0x343: {  	(pc) =	sbr.rel @p0 .LBB2_3-.Ltmp4, $3  }
0x344: {  	v1 =	vadd.f32 v7, v5;
	v4 =	vmul.f32 v4, v8;
	_ =	sdelay $0x1  }
0x345: {  	v7 =	vmov s26;
	v4 =	vadd.f32 v4, v1;
	v5 =	vmul.f32 v6, v9  }
0x346: {  	s26 =	sadd.s32 $0x10, s26;
	v1 =	vshll.u32 v7, $0x7  }
0x347: {  	v1 =	vor.u32 v0, v1;
	v4 =	vadd.f32 v5, v4;
	v2 =	vmul.f32 v3, v2;
	_ =	sdelay $0x1  }
0x348: {  	v3 =	vor.u32 $0x1, v1;
	v2 =	vadd.f32 v2, v4  }
0x349: {  	s25 =	sadd.s32 $0x10, s25  }
0x34a: {  	v31 =	vor.u32 $0x2, v1;
	[tilespmem:s25+$0x0] =	vst v2  }
0x34b: {  	v2 =	vld.idx.msk [tilespmem:v1+s12+$0x0], $0xffff  }
0x34c: {  	v6 =	vor.u32 $0x3, v1;
	v32 =	vld.idx.msk [tilespmem:v1+s11+$0x0], $0xffff  }
0x34d: {  	v7 =	vld.idx.msk [tilespmem:v3+s11+$0x0], $0xffff  }
0x34e: {  	v8 =	vor.u32 $0x4, v1;
	v3 =	vld.idx.msk [tilespmem:v3+s12+$0x0], $0xffff  }
0x34f: {  	v9 =	vld.idx.msk [tilespmem:v31+s11+$0x0], $0xffff  }
0x350: {  	v10 =	vor.u32 $0x5, v1;
	v4 =	vld.idx.msk [tilespmem:v31+s12+$0x0], $0xffff  }
0x351: {  	v11 =	vld.idx.msk [tilespmem:v6+s11+$0x0], $0xffff;
	v2 =	vmul.f32 v2, v32  }
0x352: {  	v34 =	vor.u32 $0x6, v1;
	v33 =	vld.idx.msk [tilespmem:v6+s12+$0x0], $0xffff  }
0x353: {  	v12 =	vld.idx.msk [tilespmem:v8+s11+$0x0], $0xffff;
	v3 =	vmul.f32 v3, v7;
	v2 =	vadd.f32 $0.0e+00, v2  }
0x354: {  	v36 =	vor.u32 $0x7, v1;
	v35 =	vld.idx.msk [tilespmem:v8+s12+$0x0], $0xffff  }
0x355: {  	v13 =	vld.idx.msk [tilespmem:v10+s11+$0x0], $0xffff;
	v2 =	vadd.f32 v3, v2;
	v3 =	vmul.f32 v4, v9  }
0x356: {  	v38 =	vor.u32 $0x8, v1;
	v37 =	vld.idx.msk [tilespmem:v10+s12+$0x0], $0xffff  }
0x357: {  	v39 =	vld.idx.msk [tilespmem:v34+s11+$0x0], $0xffff;
	v2 =	vadd.f32 v3, v2;
	v3 =	vmul.f32 v33, v11  }
0x358: {  	v41 =	vor.u32 $0x9, v1;
	v40 =	vld.idx.msk [tilespmem:v34+s12+$0x0], $0xffff  }
0x359: {  	v42 =	vld.idx.msk [tilespmem:v36+s11+$0x0], $0xffff;
	v2 =	vadd.f32 v3, v2;
	v3 =	vmul.f32 v35, v12  }
0x35a: {  	v44 =	vor.u32 $0xA, v1;
	v43 =	vld.idx.msk [tilespmem:v36+s12+$0x0], $0xffff  }
0x35b: {  	v45 =	vld.idx.msk [tilespmem:v38+s11+$0x0], $0xffff;
	v2 =	vadd.f32 v3, v2;
	v3 =	vmul.f32 v37, v13  }
0x35c: {  	v47 =	vor.u32 $0xB, v1;
	v46 =	vld.idx.msk [tilespmem:v38+s12+$0x0], $0xffff  }
0x35d: {  	v48 =	vld.idx.msk [tilespmem:v41+s11+$0x0], $0xffff;
	v2 =	vadd.f32 v3, v2;
	v3 =	vmul.f32 v40, v39  }
0x35e: {  	v50 =	vor.u32 $0xC, v1;
	v49 =	vld.idx.msk [tilespmem:v41+s12+$0x0], $0xffff  }
0x35f: {  	v51 =	vld.idx.msk [tilespmem:v44+s11+$0x0], $0xffff;
	v2 =	vadd.f32 v3, v2;
	v3 =	vmul.f32 v43, v42  }
0x360: {  	v53 =	vor.u32 $0xD, v1;
	v52 =	vld.idx.msk [tilespmem:v44+s12+$0x0], $0xffff  }
0x361: {  	v54 =	vld.idx.msk [tilespmem:v47+s11+$0x0], $0xffff;
	v2 =	vadd.f32 v3, v2;
	v3 =	vmul.f32 v46, v45  }
0x362: {  	v56 =	vor.u32 $0xE, v1;
	v55 =	vld.idx.msk [tilespmem:v47+s12+$0x0], $0xffff  }
0x363: {  	v57 =	vld.idx.msk [tilespmem:v50+s11+$0x0], $0xffff;
	v2 =	vadd.f32 v3, v2;
	v3 =	vmul.f32 v49, v48  }
0x364: {  	v59 =	vor.u32 $0xF, v1;
	v58 =	vld.idx.msk [tilespmem:v50+s12+$0x0], $0xffff  }
0x365: {  	v60 =	vld.idx.msk [tilespmem:v53+s11+$0x0], $0xffff;
	v2 =	vadd.f32 v3, v2;
	v3 =	vmul.f32 v52, v51  }
0x366: {  	v62 =	vor.u32 $0x10, v1;
	v61 =	vld.idx.msk [tilespmem:v53+s12+$0x0], $0xffff  }
0x367: {  	v63 =	vld.idx.msk [tilespmem:v56+s11+$0x0], $0xffff;
	v2 =	vadd.f32 v3, v2;
	v3 =	vmul.f32 v55, v54  }
0x368: {  	v17 =	vor.u32 $0x11, v1;
	v16 =	vld.idx.msk [tilespmem:v56+s12+$0x0], $0xffff  }
0x369: {  	v18 =	vld.idx.msk [tilespmem:v59+s11+$0x0], $0xffff;
	v2 =	vadd.f32 v3, v2;
	v3 =	vmul.f32 v58, v57  }
0x36a: {  	v20 =	vor.u32 $0x12, v1;
	v19 =	vld.idx.msk [tilespmem:v59+s12+$0x0], $0xffff  }
0x36b: {  	v21 =	vld.idx.msk [tilespmem:v62+s11+$0x0], $0xffff;
	v2 =	vadd.f32 v3, v2;
	v3 =	vmul.f32 v61, v60  }
0x36c: {  	v23 =	vor.u32 $0x13, v1;
	v22 =	vld.idx.msk [tilespmem:v62+s12+$0x0], $0xffff  }
0x36d: {  	v24 =	vld.idx.msk [tilespmem:v17+s11+$0x0], $0xffff;
	v2 =	vadd.f32 v3, v2;
	v3 =	vmul.f32 v16, v63  }
0x36e: {  	v26 =	vor.u32 $0x14, v1;
	v25 =	vld.idx.msk [tilespmem:v17+s12+$0x0], $0xffff  }
0x36f: {  	v27 =	vld.idx.msk [tilespmem:v20+s11+$0x0], $0xffff;
	v2 =	vadd.f32 v3, v2;
	v3 =	vmul.f32 v19, v18  }
0x370: {  	v29 =	vor.u32 $0x15, v1;
	v28 =	vld.idx.msk [tilespmem:v20+s12+$0x0], $0xffff  }
0x371: {  	v30 =	vld.idx.msk [tilespmem:v23+s11+$0x0], $0xffff;
	v2 =	vadd.f32 v3, v2;
	v3 =	vmul.f32 v22, v21  }
0x372: {  	v31 =	vld.idx.msk [tilespmem:v23+s12+$0x0], $0xffff;
	v32 =	vor.u32 $0x16, v1  }
0x373: {  	v34 =	vld.idx.msk [tilespmem:v26+s12+$0x0], $0xffff;
	v2 =	vadd.f32 v3, v2;
	v3 =	vmul.f32 v25, v24  }
0x374: {  	v33 =	vld.idx.msk [tilespmem:v26+s11+$0x0], $0xffff;
	v35 =	vor.u32 $0x17, v1  }
0x375: {  	v36 =	vld.idx.msk [tilespmem:v29+s11+$0x0], $0xffff;
	v2 =	vadd.f32 v3, v2;
	v3 =	vmul.f32 v28, v27  }
0x376: {  	v38 =	vor.u32 $0x18, v1;
	v37 =	vld.idx.msk [tilespmem:v29+s12+$0x0], $0xffff  }
0x377: {  	v39 =	vld.idx.msk [tilespmem:v32+s11+$0x0], $0xffff;
	v2 =	vadd.f32 v3, v2;
	v3 =	vmul.f32 v31, v30  }
0x378: {  	v41 =	vor.u32 $0x19, v1;
	v40 =	vld.idx.msk [tilespmem:v32+s12+$0x0], $0xffff  }
0x379: {  	v42 =	vld.idx.msk [tilespmem:v35+s11+$0x0], $0xffff;
	v2 =	vadd.f32 v3, v2;
	v3 =	vmul.f32 v34, v33  }
0x37a: {  	v44 =	vor.u32 $0x1A, v1;
	v43 =	vld.idx.msk [tilespmem:v35+s12+$0x0], $0xffff  }
0x37b: {  	v45 =	vld.idx.msk [tilespmem:v38+s11+$0x0], $0xffff;
	v2 =	vadd.f32 v3, v2;
	v3 =	vmul.f32 v37, v36  }
0x37c: {  	v47 =	vor.u32 $0x1B, v1;
	v46 =	vld.idx.msk [tilespmem:v38+s12+$0x0], $0xffff  }
0x37d: {  	v48 =	vld.idx.msk [tilespmem:v41+s11+$0x0], $0xffff;
	v2 =	vadd.f32 v3, v2;
	v3 =	vmul.f32 v40, v39  }
0x37e: {  	v50 =	vor.u32 $0x1C, v1;
	v49 =	vld.idx.msk [tilespmem:v41+s12+$0x0], $0xffff  }
0x37f: {  	v51 =	vld.idx.msk [tilespmem:v44+s11+$0x0], $0xffff;
	v2 =	vadd.f32 v3, v2;
	v3 =	vmul.f32 v43, v42  }
0x380: {  	v53 =	vor.u32 $0x1D, v1;
	v52 =	vld.idx.msk [tilespmem:v44+s12+$0x0], $0xffff  }
0x381: {  	v54 =	vld.idx.msk [tilespmem:v47+s11+$0x0], $0xffff;
	v2 =	vadd.f32 v3, v2;
	v3 =	vmul.f32 v46, v45  }
0x382: {  	v56 =	vor.u32 $0x1E, v1;
	v55 =	vld.idx.msk [tilespmem:v47+s12+$0x0], $0xffff  }
0x383: {  	v57 =	vld.idx.msk [tilespmem:v50+s11+$0x0], $0xffff;
	v2 =	vadd.f32 v3, v2;
	v3 =	vmul.f32 v49, v48  }
0x384: {  	v59 =	vor.u32 $0x1F, v1;
	v58 =	vld.idx.msk [tilespmem:v50+s12+$0x0], $0xffff  }
0x385: {  	v60 =	vld.idx.msk [tilespmem:v53+s11+$0x0], $0xffff;
	v2 =	vadd.f32 v3, v2;
	v3 =	vmul.f32 v52, v51  }
0x386: {  	v62 =	vor.u32 $0x20, v1;
	v61 =	vld.idx.msk [tilespmem:v53+s12+$0x0], $0xffff  }
0x387: {  	v63 =	vld.idx.msk [tilespmem:v56+s11+$0x0], $0xffff;
	v2 =	vadd.f32 v3, v2;
	v3 =	vmul.f32 v55, v54  }
0x388: {  	v17 =	vor.u32 $0x21, v1;
	v16 =	vld.idx.msk [tilespmem:v56+s12+$0x0], $0xffff  }
0x389: {  	v18 =	vld.idx.msk [tilespmem:v59+s11+$0x0], $0xffff;
	v2 =	vadd.f32 v3, v2;
	v3 =	vmul.f32 v58, v57  }
0x38a: {  	v20 =	vor.u32 $0x22, v1;
	v19 =	vld.idx.msk [tilespmem:v59+s12+$0x0], $0xffff  }
0x38b: {  	v21 =	vld.idx.msk [tilespmem:v62+s11+$0x0], $0xffff;
	v2 =	vadd.f32 v3, v2;
	v3 =	vmul.f32 v61, v60  }
0x38c: {  	v23 =	vor.u32 $0x23, v1;
	v22 =	vld.idx.msk [tilespmem:v62+s12+$0x0], $0xffff  }
0x38d: {  	v24 =	vld.idx.msk [tilespmem:v17+s11+$0x0], $0xffff;
	v2 =	vadd.f32 v3, v2;
	v3 =	vmul.f32 v16, v63  }
0x38e: {  	v26 =	vor.u32 $0x24, v1;
	v25 =	vld.idx.msk [tilespmem:v17+s12+$0x0], $0xffff  }
0x38f: {  	v27 =	vld.idx.msk [tilespmem:v20+s11+$0x0], $0xffff;
	v2 =	vadd.f32 v3, v2;
	v3 =	vmul.f32 v19, v18  }
0x390: {  	v29 =	vor.u32 $0x25, v1;
	v28 =	vld.idx.msk [tilespmem:v20+s12+$0x0], $0xffff  }
0x391: {  	v30 =	vld.idx.msk [tilespmem:v23+s11+$0x0], $0xffff;
	v2 =	vadd.f32 v3, v2;
	v3 =	vmul.f32 v22, v21  }
0x392: {  	v32 =	vor.u32 $0x26, v1;
	v31 =	vld.idx.msk [tilespmem:v23+s12+$0x0], $0xffff  }
0x393: {  	v33 =	vld.idx.msk [tilespmem:v26+s11+$0x0], $0xffff;
	v2 =	vadd.f32 v3, v2;
	v3 =	vmul.f32 v25, v24  }
0x394: {  	v35 =	vor.u32 $0x27, v1;
	v34 =	vld.idx.msk [tilespmem:v26+s12+$0x0], $0xffff  }
0x395: {  	v36 =	vld.idx.msk [tilespmem:v29+s11+$0x0], $0xffff;
	v2 =	vadd.f32 v3, v2;
	v3 =	vmul.f32 v28, v27  }
0x396: {  	v38 =	vor.u32 $0x28, v1;
	v37 =	vld.idx.msk [tilespmem:v29+s12+$0x0], $0xffff  }
0x397: {  	v39 =	vld.idx.msk [tilespmem:v32+s11+$0x0], $0xffff;
	v2 =	vadd.f32 v3, v2;
	v3 =	vmul.f32 v31, v30  }
0x398: {  	v41 =	vor.u32 $0x29, v1;
	v40 =	vld.idx.msk [tilespmem:v32+s12+$0x0], $0xffff  }
0x399: {  	v42 =	vld.idx.msk [tilespmem:v35+s11+$0x0], $0xffff;
	v2 =	vadd.f32 v3, v2;
	v3 =	vmul.f32 v34, v33  }
0x39a: {  	v44 =	vor.u32 $0x2A, v1;
	v43 =	vld.idx.msk [tilespmem:v35+s12+$0x0], $0xffff  }
0x39b: {  	v45 =	vld.idx.msk [tilespmem:v38+s11+$0x0], $0xffff;
	v2 =	vadd.f32 v3, v2;
	v3 =	vmul.f32 v37, v36  }
0x39c: {  	v47 =	vor.u32 $0x2B, v1;
	v46 =	vld.idx.msk [tilespmem:v38+s12+$0x0], $0xffff  }
0x39d: {  	v48 =	vld.idx.msk [tilespmem:v41+s11+$0x0], $0xffff;
	v2 =	vadd.f32 v3, v2;
	v3 =	vmul.f32 v40, v39  }
0x39e: {  	v50 =	vor.u32 $0x2C, v1;
	v49 =	vld.idx.msk [tilespmem:v41+s12+$0x0], $0xffff  }
0x39f: {  	v51 =	vld.idx.msk [tilespmem:v44+s11+$0x0], $0xffff;
	v2 =	vadd.f32 v3, v2;
	v3 =	vmul.f32 v43, v42  }
0x3a0: {  	v53 =	vor.u32 $0x2D, v1;
	v52 =	vld.idx.msk [tilespmem:v44+s12+$0x0], $0xffff  }
0x3a1: {  	v54 =	vld.idx.msk [tilespmem:v47+s11+$0x0], $0xffff;
	v2 =	vadd.f32 v3, v2;
	v3 =	vmul.f32 v46, v45  }
0x3a2: {  	v56 =	vor.u32 $0x2E, v1;
	v55 =	vld.idx.msk [tilespmem:v47+s12+$0x0], $0xffff  }
0x3a3: {  	v57 =	vld.idx.msk [tilespmem:v50+s11+$0x0], $0xffff;
	v2 =	vadd.f32 v3, v2;
	v3 =	vmul.f32 v49, v48  }
0x3a4: {  	v59 =	vor.u32 $0x2F, v1;
	v58 =	vld.idx.msk [tilespmem:v50+s12+$0x0], $0xffff  }
0x3a5: {  	v60 =	vld.idx.msk [tilespmem:v53+s11+$0x0], $0xffff;
	v2 =	vadd.f32 v3, v2;
	v3 =	vmul.f32 v52, v51  }
0x3a6: {  	v62 =	vor.u32 $0x30, v1;
	v61 =	vld.idx.msk [tilespmem:v53+s12+$0x0], $0xffff  }
0x3a7: {  	v63 =	vld.idx.msk [tilespmem:v56+s11+$0x0], $0xffff;
	v2 =	vadd.f32 v3, v2;
	v3 =	vmul.f32 v55, v54  }
0x3a8: {  	v17 =	vor.u32 $0x31, v1;
	v16 =	vld.idx.msk [tilespmem:v56+s12+$0x0], $0xffff  }
0x3a9: {  	v18 =	vld.idx.msk [tilespmem:v59+s11+$0x0], $0xffff;
	v2 =	vadd.f32 v3, v2;
	v3 =	vmul.f32 v58, v57  }
0x3aa: {  	v20 =	vor.u32 $0x32, v1;
	v19 =	vld.idx.msk [tilespmem:v59+s12+$0x0], $0xffff  }
0x3ab: {  	v21 =	vld.idx.msk [tilespmem:v62+s11+$0x0], $0xffff;
	v2 =	vadd.f32 v3, v2;
	v3 =	vmul.f32 v61, v60  }
0x3ac: {  	v23 =	vor.u32 $0x33, v1;
	v22 =	vld.idx.msk [tilespmem:v62+s12+$0x0], $0xffff  }
0x3ad: {  	v24 =	vld.idx.msk [tilespmem:v17+s11+$0x0], $0xffff;
	v2 =	vadd.f32 v3, v2;
	v3 =	vmul.f32 v16, v63  }
0x3ae: {  	v26 =	vor.u32 $0x34, v1;
	v25 =	vld.idx.msk [tilespmem:v17+s12+$0x0], $0xffff  }
0x3af: {  	v27 =	vld.idx.msk [tilespmem:v20+s11+$0x0], $0xffff;
	v2 =	vadd.f32 v3, v2;
	v3 =	vmul.f32 v19, v18  }
0x3b0: {  	v29 =	vor.u32 $0x35, v1;
	v28 =	vld.idx.msk [tilespmem:v20+s12+$0x0], $0xffff  }
0x3b1: {  	v30 =	vld.idx.msk [tilespmem:v23+s11+$0x0], $0xffff;
	v2 =	vadd.f32 v3, v2;
	v3 =	vmul.f32 v22, v21  }
0x3b2: {  	v32 =	vor.u32 $0x36, v1;
	v31 =	vld.idx.msk [tilespmem:v23+s12+$0x0], $0xffff  }
0x3b3: {  	v33 =	vld.idx.msk [tilespmem:v26+s11+$0x0], $0xffff;
	v2 =	vadd.f32 v3, v2;
	v3 =	vmul.f32 v25, v24  }
0x3b4: {  	v35 =	vor.u32 $0x37, v1;
	v34 =	vld.idx.msk [tilespmem:v26+s12+$0x0], $0xffff  }
0x3b5: {  	v36 =	vld.idx.msk [tilespmem:v29+s11+$0x0], $0xffff;
	v2 =	vadd.f32 v3, v2;
	v3 =	vmul.f32 v28, v27  }
0x3b6: {  	v38 =	vor.u32 $0x38, v1;
	v37 =	vld.idx.msk [tilespmem:v29+s12+$0x0], $0xffff  }
0x3b7: {  	v39 =	vld.idx.msk [tilespmem:v32+s11+$0x0], $0xffff;
	v2 =	vadd.f32 v3, v2;
	v3 =	vmul.f32 v31, v30  }
0x3b8: {  	v41 =	vor.u32 $0x39, v1;
	v40 =	vld.idx.msk [tilespmem:v32+s12+$0x0], $0xffff  }
0x3b9: {  	v42 =	vld.idx.msk [tilespmem:v35+s11+$0x0], $0xffff;
	v2 =	vadd.f32 v3, v2;
	v3 =	vmul.f32 v34, v33  }
0x3ba: {  	v44 =	vor.u32 $0x3A, v1;
	v43 =	vld.idx.msk [tilespmem:v35+s12+$0x0], $0xffff  }
0x3bb: {  	v45 =	vld.idx.msk [tilespmem:v38+s11+$0x0], $0xffff;
	v2 =	vadd.f32 v3, v2;
	v3 =	vmul.f32 v37, v36  }
0x3bc: {  	v47 =	vor.u32 $0x3B, v1;
	v46 =	vld.idx.msk [tilespmem:v38+s12+$0x0], $0xffff  }
0x3bd: {  	v48 =	vld.idx.msk [tilespmem:v41+s11+$0x0], $0xffff;
	v2 =	vadd.f32 v3, v2;
	v3 =	vmul.f32 v40, v39  }
0x3be: {  	v50 =	vor.u32 $0x3C, v1;
	v49 =	vld.idx.msk [tilespmem:v41+s12+$0x0], $0xffff  }
0x3bf: {  	v51 =	vld.idx.msk [tilespmem:v44+s11+$0x0], $0xffff;
	v2 =	vadd.f32 v3, v2;
	v3 =	vmul.f32 v43, v42  }
0x3c0: {  	v53 =	vor.u32 $0x3D, v1;
	v52 =	vld.idx.msk [tilespmem:v44+s12+$0x0], $0xffff  }
0x3c1: {  	v54 =	vld.idx.msk [tilespmem:v47+s11+$0x0], $0xffff;
	v2 =	vadd.f32 v3, v2;
	v3 =	vmul.f32 v46, v45  }
0x3c2: {  	v56 =	vor.u32 $0x3E, v1;
	v55 =	vld.idx.msk [tilespmem:v47+s12+$0x0], $0xffff  }
0x3c3: {  	v57 =	vld.idx.msk [tilespmem:v50+s11+$0x0], $0xffff;
	v2 =	vadd.f32 v3, v2;
	v3 =	vmul.f32 v49, v48  }
0x3c4: {  	v59 =	vor.u32 $0x3F, v1;
	v58 =	vld.idx.msk [tilespmem:v50+s12+$0x0], $0xffff  }
0x3c5: {  	v60 =	vld.idx.msk [tilespmem:v53+s11+$0x0], $0xffff;
	v2 =	vadd.f32 v3, v2;
	v3 =	vmul.f32 v52, v51  }
0x3c6: {  	v62 =	vor.u32 $0x40, v1;
	v61 =	vld.idx.msk [tilespmem:v53+s12+$0x0], $0xffff  }
0x3c7: {  	v63 =	vld.idx.msk [tilespmem:v56+s11+$0x0], $0xffff;
	v2 =	vadd.f32 v3, v2;
	v3 =	vmul.f32 v55, v54  }
0x3c8: {  	v17 =	vor.u32 $0x41, v1;
	v16 =	vld.idx.msk [tilespmem:v56+s12+$0x0], $0xffff  }
0x3c9: {  	v18 =	vld.idx.msk [tilespmem:v59+s11+$0x0], $0xffff;
	v2 =	vadd.f32 v3, v2;
	v3 =	vmul.f32 v58, v57  }
0x3ca: {  	v20 =	vor.u32 $0x42, v1;
	v19 =	vld.idx.msk [tilespmem:v59+s12+$0x0], $0xffff  }
0x3cb: {  	v21 =	vld.idx.msk [tilespmem:v62+s11+$0x0], $0xffff;
	v2 =	vadd.f32 v3, v2;
	v3 =	vmul.f32 v61, v60  }
0x3cc: {  	v23 =	vor.u32 $0x43, v1;
	v22 =	vld.idx.msk [tilespmem:v62+s12+$0x0], $0xffff  }
0x3cd: {  	v24 =	vld.idx.msk [tilespmem:v17+s11+$0x0], $0xffff;
	v2 =	vadd.f32 v3, v2;
	v3 =	vmul.f32 v16, v63  }
0x3ce: {  	v26 =	vor.u32 $0x44, v1;
	v25 =	vld.idx.msk [tilespmem:v17+s12+$0x0], $0xffff  }
0x3cf: {  	v27 =	vld.idx.msk [tilespmem:v20+s11+$0x0], $0xffff;
	v2 =	vadd.f32 v3, v2;
	v3 =	vmul.f32 v19, v18  }
0x3d0: {  	v29 =	vor.u32 $0x45, v1;
	v28 =	vld.idx.msk [tilespmem:v20+s12+$0x0], $0xffff  }
0x3d1: {  	v30 =	vld.idx.msk [tilespmem:v23+s11+$0x0], $0xffff;
	v2 =	vadd.f32 v3, v2;
	v3 =	vmul.f32 v22, v21  }
0x3d2: {  	v32 =	vor.u32 $0x46, v1;
	v31 =	vld.idx.msk [tilespmem:v23+s12+$0x0], $0xffff  }
0x3d3: {  	v33 =	vld.idx.msk [tilespmem:v26+s11+$0x0], $0xffff;
	v2 =	vadd.f32 v3, v2;
	v3 =	vmul.f32 v25, v24  }
0x3d4: {  	v35 =	vor.u32 $0x47, v1;
	v34 =	vld.idx.msk [tilespmem:v26+s12+$0x0], $0xffff  }
0x3d5: {  	v36 =	vld.idx.msk [tilespmem:v29+s11+$0x0], $0xffff;
	v2 =	vadd.f32 v3, v2;
	v3 =	vmul.f32 v28, v27  }
0x3d6: {  	v38 =	vor.u32 $0x48, v1;
	v37 =	vld.idx.msk [tilespmem:v29+s12+$0x0], $0xffff  }
0x3d7: {  	v39 =	vld.idx.msk [tilespmem:v32+s11+$0x0], $0xffff;
	v2 =	vadd.f32 v3, v2;
	v3 =	vmul.f32 v31, v30  }
0x3d8: {  	v41 =	vor.u32 $0x49, v1;
	v40 =	vld.idx.msk [tilespmem:v32+s12+$0x0], $0xffff  }
0x3d9: {  	v42 =	vld.idx.msk [tilespmem:v35+s11+$0x0], $0xffff;
	v2 =	vadd.f32 v3, v2;
	v3 =	vmul.f32 v34, v33  }
0x3da: {  	v44 =	vor.u32 $0x4A, v1;
	v43 =	vld.idx.msk [tilespmem:v35+s12+$0x0], $0xffff  }
0x3db: {  	v45 =	vld.idx.msk [tilespmem:v38+s11+$0x0], $0xffff;
	v2 =	vadd.f32 v3, v2;
	v3 =	vmul.f32 v37, v36  }
0x3dc: {  	v47 =	vor.u32 $0x4B, v1;
	v46 =	vld.idx.msk [tilespmem:v38+s12+$0x0], $0xffff  }
0x3dd: {  	v48 =	vld.idx.msk [tilespmem:v41+s11+$0x0], $0xffff;
	v2 =	vadd.f32 v3, v2;
	v3 =	vmul.f32 v40, v39  }
0x3de: {  	v50 =	vor.u32 $0x4C, v1;
	v49 =	vld.idx.msk [tilespmem:v41+s12+$0x0], $0xffff  }
0x3df: {  	v51 =	vld.idx.msk [tilespmem:v44+s11+$0x0], $0xffff;
	v2 =	vadd.f32 v3, v2;
	v3 =	vmul.f32 v43, v42  }
0x3e0: {  	v53 =	vor.u32 $0x4D, v1;
	v52 =	vld.idx.msk [tilespmem:v44+s12+$0x0], $0xffff  }
0x3e1: {  	v54 =	vld.idx.msk [tilespmem:v47+s11+$0x0], $0xffff;
	v2 =	vadd.f32 v3, v2;
	v3 =	vmul.f32 v46, v45  }
0x3e2: {  	v56 =	vor.u32 $0x4E, v1;
	v55 =	vld.idx.msk [tilespmem:v47+s12+$0x0], $0xffff  }
0x3e3: {  	v57 =	vld.idx.msk [tilespmem:v50+s11+$0x0], $0xffff;
	v2 =	vadd.f32 v3, v2;
	v3 =	vmul.f32 v49, v48  }
0x3e4: {  	v59 =	vor.u32 $0x4F, v1;
	v58 =	vld.idx.msk [tilespmem:v50+s12+$0x0], $0xffff  }
0x3e5: {  	v60 =	vld.idx.msk [tilespmem:v53+s11+$0x0], $0xffff;
	v2 =	vadd.f32 v3, v2;
	v3 =	vmul.f32 v52, v51  }
0x3e6: {  	v62 =	vor.u32 $0x50, v1;
	v61 =	vld.idx.msk [tilespmem:v53+s12+$0x0], $0xffff  }
0x3e7: {  	v63 =	vld.idx.msk [tilespmem:v56+s11+$0x0], $0xffff;
	v2 =	vadd.f32 v3, v2;
	v3 =	vmul.f32 v55, v54  }
0x3e8: {  	v17 =	vor.u32 $0x51, v1;
	v16 =	vld.idx.msk [tilespmem:v56+s12+$0x0], $0xffff  }
0x3e9: {  	v18 =	vld.idx.msk [tilespmem:v59+s11+$0x0], $0xffff;
	v2 =	vadd.f32 v3, v2;
	v3 =	vmul.f32 v58, v57  }
0x3ea: {  	v20 =	vor.u32 $0x52, v1;
	v19 =	vld.idx.msk [tilespmem:v59+s12+$0x0], $0xffff  }
0x3eb: {  	v21 =	vld.idx.msk [tilespmem:v62+s11+$0x0], $0xffff;
	v2 =	vadd.f32 v3, v2;
	v3 =	vmul.f32 v61, v60  }
0x3ec: {  	v23 =	vor.u32 $0x53, v1;
	v22 =	vld.idx.msk [tilespmem:v62+s12+$0x0], $0xffff  }
0x3ed: {  	v24 =	vld.idx.msk [tilespmem:v17+s11+$0x0], $0xffff;
	v2 =	vadd.f32 v3, v2;
	v3 =	vmul.f32 v16, v63  }
0x3ee: {  	v26 =	vor.u32 $0x54, v1;
	v25 =	vld.idx.msk [tilespmem:v17+s12+$0x0], $0xffff  }
0x3ef: {  	v27 =	vld.idx.msk [tilespmem:v20+s11+$0x0], $0xffff;
	v2 =	vadd.f32 v3, v2;
	v3 =	vmul.f32 v19, v18  }
0x3f0: {  	v29 =	vor.u32 $0x55, v1;
	v28 =	vld.idx.msk [tilespmem:v20+s12+$0x0], $0xffff  }
0x3f1: {  	v30 =	vld.idx.msk [tilespmem:v23+s11+$0x0], $0xffff;
	v2 =	vadd.f32 v3, v2;
	v3 =	vmul.f32 v22, v21  }
0x3f2: {  	v32 =	vor.u32 $0x56, v1;
	v31 =	vld.idx.msk [tilespmem:v23+s12+$0x0], $0xffff  }
0x3f3: {  	v33 =	vld.idx.msk [tilespmem:v26+s11+$0x0], $0xffff;
	v2 =	vadd.f32 v3, v2;
	v3 =	vmul.f32 v25, v24  }
0x3f4: {  	v35 =	vor.u32 $0x57, v1;
	v34 =	vld.idx.msk [tilespmem:v26+s12+$0x0], $0xffff  }
0x3f5: {  	v36 =	vld.idx.msk [tilespmem:v29+s11+$0x0], $0xffff;
	v2 =	vadd.f32 v3, v2;
	v3 =	vmul.f32 v28, v27  }
0x3f6: {  	v38 =	vor.u32 $0x58, v1;
	v37 =	vld.idx.msk [tilespmem:v29+s12+$0x0], $0xffff  }
0x3f7: {  	v39 =	vld.idx.msk [tilespmem:v32+s11+$0x0], $0xffff;
	v2 =	vadd.f32 v3, v2;
	v3 =	vmul.f32 v31, v30  }
0x3f8: {  	v41 =	vor.u32 $0x59, v1;
	v40 =	vld.idx.msk [tilespmem:v32+s12+$0x0], $0xffff  }
0x3f9: {  	v42 =	vld.idx.msk [tilespmem:v35+s11+$0x0], $0xffff;
	v2 =	vadd.f32 v3, v2;
	v3 =	vmul.f32 v34, v33  }
0x3fa: {  	v44 =	vor.u32 $0x5A, v1;
	v43 =	vld.idx.msk [tilespmem:v35+s12+$0x0], $0xffff  }
0x3fb: {  	v45 =	vld.idx.msk [tilespmem:v38+s11+$0x0], $0xffff;
	v2 =	vadd.f32 v3, v2;
	v3 =	vmul.f32 v37, v36  }
0x3fc: {  	v47 =	vor.u32 $0x5B, v1;
	v46 =	vld.idx.msk [tilespmem:v38+s12+$0x0], $0xffff  }
0x3fd: {  	v48 =	vld.idx.msk [tilespmem:v41+s11+$0x0], $0xffff;
	v2 =	vadd.f32 v3, v2;
	v3 =	vmul.f32 v40, v39  }
0x3fe: {  	v50 =	vor.u32 $0x5C, v1;
	v49 =	vld.idx.msk [tilespmem:v41+s12+$0x0], $0xffff  }
0x3ff: {  	v51 =	vld.idx.msk [tilespmem:v44+s11+$0x0], $0xffff;
	v2 =	vadd.f32 v3, v2;
	v3 =	vmul.f32 v43, v42  }
0x400: {  	v53 =	vor.u32 $0x5D, v1;
	v52 =	vld.idx.msk [tilespmem:v44+s12+$0x0], $0xffff  }
0x401: {  	v54 =	vld.idx.msk [tilespmem:v47+s11+$0x0], $0xffff;
	v2 =	vadd.f32 v3, v2;
	v3 =	vmul.f32 v46, v45  }
0x402: {  	v56 =	vor.u32 $0x5E, v1;
	v55 =	vld.idx.msk [tilespmem:v47+s12+$0x0], $0xffff  }
0x403: {  	v57 =	vld.idx.msk [tilespmem:v50+s11+$0x0], $0xffff;
	v2 =	vadd.f32 v3, v2;
	v3 =	vmul.f32 v49, v48  }
0x404: {  	v59 =	vor.u32 $0x5F, v1;
	v58 =	vld.idx.msk [tilespmem:v50+s12+$0x0], $0xffff  }
0x405: {  	v60 =	vld.idx.msk [tilespmem:v53+s11+$0x0], $0xffff;
	v2 =	vadd.f32 v3, v2;
	v3 =	vmul.f32 v52, v51  }
0x406: {  	v62 =	vor.u32 $0x60, v1;
	v61 =	vld.idx.msk [tilespmem:v53+s12+$0x0], $0xffff  }
0x407: {  	v63 =	vld.idx.msk [tilespmem:v56+s11+$0x0], $0xffff;
	v2 =	vadd.f32 v3, v2;
	v3 =	vmul.f32 v55, v54  }
0x408: {  	v17 =	vor.u32 $0x61, v1;
	v16 =	vld.idx.msk [tilespmem:v56+s12+$0x0], $0xffff  }
0x409: {  	v18 =	vld.idx.msk [tilespmem:v59+s11+$0x0], $0xffff;
	v2 =	vadd.f32 v3, v2;
	v3 =	vmul.f32 v58, v57  }
0x40a: {  	v20 =	vor.u32 $0x62, v1;
	v19 =	vld.idx.msk [tilespmem:v59+s12+$0x0], $0xffff  }
0x40b: {  	v21 =	vld.idx.msk [tilespmem:v62+s11+$0x0], $0xffff;
	v2 =	vadd.f32 v3, v2;
	v3 =	vmul.f32 v61, v60  }
0x40c: {  	v23 =	vor.u32 $0x63, v1;
	v22 =	vld.idx.msk [tilespmem:v62+s12+$0x0], $0xffff  }
0x40d: {  	v24 =	vld.idx.msk [tilespmem:v17+s11+$0x0], $0xffff;
	v2 =	vadd.f32 v3, v2;
	v3 =	vmul.f32 v16, v63  }
0x40e: {  	v26 =	vor.u32 $0x64, v1;
	v25 =	vld.idx.msk [tilespmem:v17+s12+$0x0], $0xffff  }
0x40f: {  	v27 =	vld.idx.msk [tilespmem:v20+s11+$0x0], $0xffff;
	v2 =	vadd.f32 v3, v2;
	v3 =	vmul.f32 v19, v18  }
0x410: {  	v29 =	vor.u32 $0x65, v1;
	v28 =	vld.idx.msk [tilespmem:v20+s12+$0x0], $0xffff  }
0x411: {  	v30 =	vld.idx.msk [tilespmem:v23+s11+$0x0], $0xffff;
	v2 =	vadd.f32 v3, v2;
	v3 =	vmul.f32 v22, v21  }
0x412: {  	v32 =	vor.u32 $0x66, v1;
	v31 =	vld.idx.msk [tilespmem:v23+s12+$0x0], $0xffff  }
0x413: {  	v33 =	vld.idx.msk [tilespmem:v26+s11+$0x0], $0xffff;
	v2 =	vadd.f32 v3, v2;
	v3 =	vmul.f32 v25, v24  }
0x414: {  	v35 =	vor.u32 $0x67, v1;
	v34 =	vld.idx.msk [tilespmem:v26+s12+$0x0], $0xffff  }
0x415: {  	v36 =	vld.idx.msk [tilespmem:v29+s11+$0x0], $0xffff;
	v2 =	vadd.f32 v3, v2;
	v3 =	vmul.f32 v28, v27  }
0x416: {  	v38 =	vor.u32 $0x68, v1;
	v37 =	vld.idx.msk [tilespmem:v29+s12+$0x0], $0xffff  }
0x417: {  	v39 =	vld.idx.msk [tilespmem:v32+s11+$0x0], $0xffff;
	v2 =	vadd.f32 v3, v2;
	v3 =	vmul.f32 v31, v30  }
0x418: {  	v41 =	vor.u32 $0x69, v1;
	v40 =	vld.idx.msk [tilespmem:v32+s12+$0x0], $0xffff  }
0x419: {  	v42 =	vld.idx.msk [tilespmem:v35+s11+$0x0], $0xffff;
	v2 =	vadd.f32 v3, v2;
	v3 =	vmul.f32 v34, v33  }
0x41a: {  	v44 =	vor.u32 $0x6A, v1;
	v43 =	vld.idx.msk [tilespmem:v35+s12+$0x0], $0xffff  }
0x41b: {  	v45 =	vld.idx.msk [tilespmem:v38+s11+$0x0], $0xffff;
	v2 =	vadd.f32 v3, v2;
	v3 =	vmul.f32 v37, v36  }
0x41c: {  	v47 =	vor.u32 $0x6B, v1;
	v46 =	vld.idx.msk [tilespmem:v38+s12+$0x0], $0xffff  }
0x41d: {  	v48 =	vld.idx.msk [tilespmem:v41+s11+$0x0], $0xffff;
	v2 =	vadd.f32 v3, v2;
	v3 =	vmul.f32 v40, v39  }
0x41e: {  	v50 =	vor.u32 $0x6C, v1;
	v49 =	vld.idx.msk [tilespmem:v41+s12+$0x0], $0xffff  }
0x41f: {  	v51 =	vld.idx.msk [tilespmem:v44+s11+$0x0], $0xffff;
	v2 =	vadd.f32 v3, v2;
	v3 =	vmul.f32 v43, v42  }
0x420: {  	v53 =	vor.u32 $0x6D, v1;
	v52 =	vld.idx.msk [tilespmem:v44+s12+$0x0], $0xffff  }
0x421: {  	v54 =	vld.idx.msk [tilespmem:v47+s11+$0x0], $0xffff;
	v2 =	vadd.f32 v3, v2;
	v3 =	vmul.f32 v46, v45  }
0x422: {  	v56 =	vor.u32 $0x6E, v1;
	v55 =	vld.idx.msk [tilespmem:v47+s12+$0x0], $0xffff  }
0x423: {  	v57 =	vld.idx.msk [tilespmem:v50+s11+$0x0], $0xffff;
	v2 =	vadd.f32 v3, v2;
	v3 =	vmul.f32 v49, v48  }
0x424: {  	v59 =	vor.u32 $0x6F, v1;
	v58 =	vld.idx.msk [tilespmem:v50+s12+$0x0], $0xffff  }
0x425: {  	v60 =	vld.idx.msk [tilespmem:v53+s11+$0x0], $0xffff;
	v2 =	vadd.f32 v3, v2;
	v3 =	vmul.f32 v52, v51  }
0x426: {  	v62 =	vor.u32 $0x70, v1;
	v61 =	vld.idx.msk [tilespmem:v53+s12+$0x0], $0xffff  }
0x427: {  	v63 =	vld.idx.msk [tilespmem:v56+s11+$0x0], $0xffff;
	v2 =	vadd.f32 v3, v2;
	v3 =	vmul.f32 v55, v54  }
0x428: {  	v17 =	vor.u32 $0x71, v1;
	v16 =	vld.idx.msk [tilespmem:v56+s12+$0x0], $0xffff  }
0x429: {  	v18 =	vld.idx.msk [tilespmem:v59+s11+$0x0], $0xffff;
	v2 =	vadd.f32 v3, v2;
	v3 =	vmul.f32 v58, v57  }
0x42a: {  	v20 =	vor.u32 $0x72, v1;
	v19 =	vld.idx.msk [tilespmem:v59+s12+$0x0], $0xffff  }
0x42b: {  	v21 =	vld.idx.msk [tilespmem:v62+s11+$0x0], $0xffff;
	v2 =	vadd.f32 v3, v2;
	v3 =	vmul.f32 v61, v60  }
0x42c: {  	v23 =	vor.u32 $0x73, v1;
	v22 =	vld.idx.msk [tilespmem:v62+s12+$0x0], $0xffff  }
0x42d: {  	v24 =	vld.idx.msk [tilespmem:v17+s11+$0x0], $0xffff;
	v2 =	vadd.f32 v3, v2;
	v3 =	vmul.f32 v16, v63  }
0x42e: {  	v26 =	vor.u32 $0x74, v1;
	v25 =	vld.idx.msk [tilespmem:v17+s12+$0x0], $0xffff  }
0x42f: {  	v27 =	vld.idx.msk [tilespmem:v20+s11+$0x0], $0xffff;
	v2 =	vadd.f32 v3, v2;
	v3 =	vmul.f32 v19, v18  }
0x430: {  	v29 =	vor.u32 $0x75, v1;
	v28 =	vld.idx.msk [tilespmem:v20+s12+$0x0], $0xffff  }
0x431: {  	v30 =	vld.idx.msk [tilespmem:v23+s11+$0x0], $0xffff;
	v2 =	vadd.f32 v3, v2;
	v3 =	vmul.f32 v22, v21  }
0x432: {  	v32 =	vor.u32 $0x76, v1;
	v31 =	vld.idx.msk [tilespmem:v23+s12+$0x0], $0xffff  }
0x433: {  	v33 =	vld.idx.msk [tilespmem:v26+s11+$0x0], $0xffff;
	v2 =	vadd.f32 v3, v2;
	v3 =	vmul.f32 v25, v24  }
0x434: {  	v35 =	vor.u32 $0x77, v1;
	v34 =	vld.idx.msk [tilespmem:v26+s12+$0x0], $0xffff  }
0x435: {  	v36 =	vld.idx.msk [tilespmem:v29+s11+$0x0], $0xffff;
	v2 =	vadd.f32 v3, v2;
	v3 =	vmul.f32 v28, v27  }
0x436: {  	v38 =	vor.u32 $0x78, v1;
	v37 =	vld.idx.msk [tilespmem:v29+s12+$0x0], $0xffff  }
0x437: {  	v39 =	vld.idx.msk [tilespmem:v32+s11+$0x0], $0xffff;
	v2 =	vadd.f32 v3, v2;
	v3 =	vmul.f32 v31, v30  }
0x438: {  	v41 =	vor.u32 $0x79, v1;
	v40 =	vld.idx.msk [tilespmem:v32+s12+$0x0], $0xffff  }
0x439: {  	v42 =	vld.idx.msk [tilespmem:v35+s11+$0x0], $0xffff;
	v2 =	vadd.f32 v3, v2;
	v3 =	vmul.f32 v34, v33  }
0x43a: {  	v44 =	vor.u32 $0x7A, v1;
	v43 =	vld.idx.msk [tilespmem:v35+s12+$0x0], $0xffff  }
0x43b: {  	v45 =	vld.idx.msk [tilespmem:v38+s11+$0x0], $0xffff;
	v2 =	vadd.f32 v3, v2;
	v3 =	vmul.f32 v37, v36  }
0x43c: {  	v47 =	vor.u32 $0x7B, v1;
	v46 =	vld.idx.msk [tilespmem:v38+s12+$0x0], $0xffff  }
0x43d: {  	v48 =	vld.idx.msk [tilespmem:v41+s11+$0x0], $0xffff;
	v2 =	vadd.f32 v3, v2;
	v3 =	vmul.f32 v40, v39  }
0x43e: {  	v50 =	vor.u32 $0x7C, v1;
	v49 =	vld.idx.msk [tilespmem:v41+s12+$0x0], $0xffff  }
0x43f: {  	v51 =	vld.idx.msk [tilespmem:v44+s11+$0x0], $0xffff;
	v2 =	vadd.f32 v3, v2;
	v3 =	vmul.f32 v43, v42  }
0x440: {  	v53 =	vor.u32 $0x7D, v1;
	v52 =	vld.idx.msk [tilespmem:v44+s12+$0x0], $0xffff  }
0x441: {  	v54 =	vld.idx.msk [tilespmem:v47+s11+$0x0], $0xffff;
	v2 =	vadd.f32 v3, v2;
	v3 =	vmul.f32 v46, v45  }
0x442: {  	v56 =	vor.u32 $0x7E, v1;
	v55 =	vld.idx.msk [tilespmem:v47+s12+$0x0], $0xffff  }
0x443: {  	v57 =	vld.idx.msk [tilespmem:v50+s11+$0x0], $0xffff;
	v2 =	vadd.f32 v3, v2;
	v3 =	vmul.f32 v49, v48  }
0x444: {  	v1 =	vor.u32 $0x7F, v1;
	v58 =	vld.idx.msk [tilespmem:v50+s12+$0x0], $0xffff  }
0x445: {  	v59 =	vld.idx.msk [tilespmem:v53+s11+$0x0], $0xffff;
	v2 =	vadd.f32 v3, v2;
	v3 =	vmul.f32 v52, v51  }
0x446: {  	v60 =	vld.idx.msk [tilespmem:v53+s12+$0x0], $0xffff  }
0x447: {  	v62 =	vld.idx.msk [tilespmem:v56+s12+$0x0], $0xffff;
	v2 =	vadd.f32 v3, v2;
	v3 =	vmul.f32 v55, v54  }
0x448: {  	v61 =	vld.idx.msk [tilespmem:v56+s11+$0x0], $0xffff  }
0x449: {  	v63 =	vld.idx.msk [tilespmem:v1+s11+$0x0], $0xffff;
	v2 =	vadd.f32 v3, v2;
	v3 =	vmul.f32 v58, v57  }
0x44a: {  	v1 =	vld.idx.msk [tilespmem:v1+s12+$0x0], $0xffff  }
0x44b: {  	v2 =	vadd.f32 v3, v2;
	v3 =	vmul.f32 v60, v59;
	_ =	sdelay $0x1  }
0x44c: {  	v2 =	vadd.f32 v3, v2;
	v3 =	vmul.f32 v62, v61  }
0x44d: {  	p0 =	seq.s32 s24, $0x3E  }
.Ltmp5:
0x44e: {  	v1 =	vmul.f32 v1, v63;
	v2 =	vadd.f32 v3, v2;
	(pc) =	sbr.rel @p0 .LBB2_10-.Ltmp5, $4  }
0x44f: {  	_ = 	snop  }
0x450: {  	v1 =	vadd.f32 v1, v2  }
0x451: {  	s25 =	sadd.s32 $0x10, s25  }
0x452: {  	[tilespmem:s25+$0x0] =	vst v1  }
0x453: {  	s31 =	sshllo.u32 s24, $0x1  }
0x454: {  	s25 =	smul.u32 $0xA0, s24;
	p0 =	sgt.u32 s31, $0x7C  }
.Ltmp6:
0x455: {  	_ = 	snop;
	(pc) =	sbr.rel @p0 .LBB2_9-.Ltmp6, $4  }
0x456: {  	s26 =	sadd.s32 $0xA0, s25  }
0x457: {  	[tilespmem:s11], [sflag:$0x1] =	stream.indirect.gather [hbm4b:s1+s10], $0x80, s26, s10, $0xb8;
	[tilespmem:$0x11680] =	vst v63  }
0x458: {  	s30 =	sadd.s32 $0x2820, s25  }
0x459: {  	[tilespmem:s12], [sflag:$0x3] =	stream.indirect.gather [hbm4b:s1+s10], $0x80, s30, s10, $0xb8;
	[tilespmem:$0x11680] =	vst v63  }
0x45a: {  	s26 =	simm.s32 $0x0  }
0x45b: {  	v1 =	vmov s26  }
0x45c: {  	_ =	swait.ge [sflag:s19], $0x2800;
	v1 =	vshll.u32 v1, $0x7  }
0x45d: {  	[sflag:s19] =	ssyncset.done $0x0;
	v1 =	vor.u32 v0, v1  }
0x45e: {  	[sflag:s19] =	ssyncadd.s32 $0xFFFFD800  }
0x45f: {  	_ =	swait.ge [sflag:s20], $0x2800;
	v2 =	vor.u32 $0x1, v1  }
0x460: {  	[sflag:s20] =	ssyncset.done $0x0  }
0x461: {  	v3 =	vor.u32 $0x2, v1;
	[sflag:s20] =	ssyncadd.s32 $0xFFFFD800  }
0x462: {  	v4 =	vld.idx.msk [tilespmem:v1+s15+$0x0], $0xffff  }
0x463: {  	v6 =	vor.u32 $0x3, v1;
	v5 =	vld.idx.msk [tilespmem:v1+s13+$0x0], $0xffff  }
0x464: {  	v7 =	vld.idx.msk [tilespmem:v2+s13+$0x0], $0xffff  }
0x465: {  	v8 =	vor.u32 $0x4, v1;
	v2 =	vld.idx.msk [tilespmem:v2+s15+$0x0], $0xffff  }
0x466: {  	v9 =	vld.idx.msk [tilespmem:v3+s13+$0x0], $0xffff  }
0x467: {  	v10 =	vor.u32 $0x5, v1;
	v3 =	vld.idx.msk [tilespmem:v3+s15+$0x0], $0xffff  }
0x468: {  	v11 =	vld.idx.msk [tilespmem:v6+s13+$0x0], $0xffff;
	v4 =	vmul.f32 v4, v5  }
0x469: {  	v5 =	vld.idx.msk [tilespmem:v6+s15+$0x0], $0xffff;
	v6 =	vor.u32 $0x6, v1  }
0x46a: {  	v12 =	vld.idx.msk [tilespmem:v8+s13+$0x0], $0xffff;
	v2 =	vmul.f32 v2, v7;
	v4 =	vadd.f32 $0.0e+00, v4  }
0x46b: {  	v40 =	vor.u32 $0x7, v1;
	v7 =	vld.idx.msk [tilespmem:v8+s15+$0x0], $0xffff  }
0x46c: {  	v13 =	vld.idx.msk [tilespmem:v10+s13+$0x0], $0xffff;
	v3 =	vmul.f32 v3, v9;
	v2 =	vadd.f32 v2, v4  }
0x46d: {  	v41 =	vor.u32 $0x8, v1;
	v4 =	vld.idx.msk [tilespmem:v10+s15+$0x0], $0xffff  }
0x46e: {  	v42 =	vld.idx.msk [tilespmem:v6+s13+$0x0], $0xffff;
	v2 =	vadd.f32 v3, v2;
	v3 =	vmul.f32 v5, v11  }
0x46f: {  	v5 =	vld.idx.msk [tilespmem:v6+s15+$0x0], $0xffff;
	v6 =	vor.u32 $0x9, v1  }
0x470: {  	v43 =	vld.idx.msk [tilespmem:v40+s13+$0x0], $0xffff;
	v2 =	vadd.f32 v3, v2;
	v3 =	vmul.f32 v7, v12  }
0x471: {  	v44 =	vor.u32 $0xA, v1;
	v7 =	vld.idx.msk [tilespmem:v40+s15+$0x0], $0xffff  }
0x472: {  	v45 =	vld.idx.msk [tilespmem:v41+s13+$0x0], $0xffff;
	v2 =	vadd.f32 v3, v2;
	v3 =	vmul.f32 v4, v13  }
0x473: {  	v46 =	vor.u32 $0xB, v1;
	v4 =	vld.idx.msk [tilespmem:v41+s15+$0x0], $0xffff  }
0x474: {  	v47 =	vld.idx.msk [tilespmem:v6+s13+$0x0], $0xffff;
	v2 =	vadd.f32 v3, v2;
	v3 =	vmul.f32 v5, v42  }
0x475: {  	v5 =	vld.idx.msk [tilespmem:v6+s15+$0x0], $0xffff;
	v6 =	vor.u32 $0xC, v1  }
0x476: {  	v48 =	vld.idx.msk [tilespmem:v44+s13+$0x0], $0xffff;
	v2 =	vadd.f32 v3, v2;
	v3 =	vmul.f32 v7, v43  }
0x477: {  	v49 =	vor.u32 $0xD, v1;
	v7 =	vld.idx.msk [tilespmem:v44+s15+$0x0], $0xffff  }
0x478: {  	v50 =	vld.idx.msk [tilespmem:v46+s13+$0x0], $0xffff;
	v2 =	vadd.f32 v3, v2;
	v3 =	vmul.f32 v4, v45  }
0x479: {  	v51 =	vor.u32 $0xE, v1;
	v4 =	vld.idx.msk [tilespmem:v46+s15+$0x0], $0xffff  }
0x47a: {  	v52 =	vld.idx.msk [tilespmem:v6+s13+$0x0], $0xffff;
	v2 =	vadd.f32 v3, v2;
	v3 =	vmul.f32 v5, v47  }
0x47b: {  	v5 =	vld.idx.msk [tilespmem:v6+s15+$0x0], $0xffff;
	v6 =	vor.u32 $0xF, v1  }
0x47c: {  	v53 =	vld.idx.msk [tilespmem:v49+s13+$0x0], $0xffff;
	v2 =	vadd.f32 v3, v2;
	v3 =	vmul.f32 v7, v48  }
0x47d: {  	v54 =	vor.u32 $0x10, v1;
	v7 =	vld.idx.msk [tilespmem:v49+s15+$0x0], $0xffff  }
0x47e: {  	v55 =	vld.idx.msk [tilespmem:v51+s13+$0x0], $0xffff;
	v2 =	vadd.f32 v3, v2;
	v3 =	vmul.f32 v4, v50  }
0x47f: {  	v56 =	vor.u32 $0x11, v1;
	v4 =	vld.idx.msk [tilespmem:v51+s15+$0x0], $0xffff  }
0x480: {  	v57 =	vld.idx.msk [tilespmem:v6+s13+$0x0], $0xffff;
	v2 =	vadd.f32 v3, v2;
	v3 =	vmul.f32 v5, v52  }
0x481: {  	v5 =	vld.idx.msk [tilespmem:v6+s15+$0x0], $0xffff;
	v6 =	vor.u32 $0x12, v1  }
0x482: {  	v58 =	vld.idx.msk [tilespmem:v54+s13+$0x0], $0xffff;
	v2 =	vadd.f32 v3, v2;
	v3 =	vmul.f32 v7, v53  }
0x483: {  	v59 =	vor.u32 $0x13, v1;
	v7 =	vld.idx.msk [tilespmem:v54+s15+$0x0], $0xffff  }
0x484: {  	v60 =	vld.idx.msk [tilespmem:v56+s13+$0x0], $0xffff;
	v2 =	vadd.f32 v3, v2;
	v3 =	vmul.f32 v4, v55  }
0x485: {  	v61 =	vor.u32 $0x14, v1;
	v4 =	vld.idx.msk [tilespmem:v56+s15+$0x0], $0xffff  }
0x486: {  	v62 =	vld.idx.msk [tilespmem:v6+s13+$0x0], $0xffff;
	v2 =	vadd.f32 v3, v2;
	v3 =	vmul.f32 v5, v57  }
0x487: {  	v5 =	vld.idx.msk [tilespmem:v6+s15+$0x0], $0xffff;
	v6 =	vor.u32 $0x15, v1  }
0x488: {  	v63 =	vld.idx.msk [tilespmem:v59+s13+$0x0], $0xffff;
	v2 =	vadd.f32 v3, v2;
	v3 =	vmul.f32 v7, v58  }
0x489: {  	v16 =	vor.u32 $0x16, v1;
	v7 =	vld.idx.msk [tilespmem:v59+s15+$0x0], $0xffff  }
0x48a: {  	v17 =	vld.idx.msk [tilespmem:v61+s13+$0x0], $0xffff;
	v2 =	vadd.f32 v3, v2;
	v3 =	vmul.f32 v4, v60  }
0x48b: {  	v18 =	vor.u32 $0x17, v1;
	v4 =	vld.idx.msk [tilespmem:v61+s15+$0x0], $0xffff  }
0x48c: {  	v19 =	vld.idx.msk [tilespmem:v6+s13+$0x0], $0xffff;
	v2 =	vadd.f32 v3, v2;
	v3 =	vmul.f32 v5, v62  }
0x48d: {  	v5 =	vld.idx.msk [tilespmem:v6+s15+$0x0], $0xffff;
	v6 =	vor.u32 $0x18, v1  }
0x48e: {  	v20 =	vld.idx.msk [tilespmem:v16+s13+$0x0], $0xffff;
	v2 =	vadd.f32 v3, v2;
	v3 =	vmul.f32 v7, v63  }
0x48f: {  	v21 =	vor.u32 $0x19, v1;
	v7 =	vld.idx.msk [tilespmem:v16+s15+$0x0], $0xffff  }
0x490: {  	v22 =	vld.idx.msk [tilespmem:v18+s13+$0x0], $0xffff;
	v2 =	vadd.f32 v3, v2;
	v3 =	vmul.f32 v4, v17  }
0x491: {  	v23 =	vor.u32 $0x1A, v1;
	v4 =	vld.idx.msk [tilespmem:v18+s15+$0x0], $0xffff  }
0x492: {  	v24 =	vld.idx.msk [tilespmem:v6+s13+$0x0], $0xffff;
	v2 =	vadd.f32 v3, v2;
	v3 =	vmul.f32 v5, v19  }
0x493: {  	v5 =	vld.idx.msk [tilespmem:v6+s15+$0x0], $0xffff;
	v6 =	vor.u32 $0x1B, v1  }
0x494: {  	v25 =	vld.idx.msk [tilespmem:v21+s13+$0x0], $0xffff;
	v2 =	vadd.f32 v3, v2;
	v3 =	vmul.f32 v7, v20  }
0x495: {  	v26 =	vor.u32 $0x1C, v1;
	v7 =	vld.idx.msk [tilespmem:v21+s15+$0x0], $0xffff  }
0x496: {  	v27 =	vld.idx.msk [tilespmem:v23+s13+$0x0], $0xffff;
	v2 =	vadd.f32 v3, v2;
	v3 =	vmul.f32 v4, v22  }
0x497: {  	v28 =	vor.u32 $0x1D, v1;
	v4 =	vld.idx.msk [tilespmem:v23+s15+$0x0], $0xffff  }
0x498: {  	v29 =	vld.idx.msk [tilespmem:v6+s13+$0x0], $0xffff;
	v2 =	vadd.f32 v3, v2;
	v3 =	vmul.f32 v5, v24  }
0x499: {  	v5 =	vld.idx.msk [tilespmem:v6+s15+$0x0], $0xffff;
	v6 =	vor.u32 $0x1E, v1  }
0x49a: {  	v30 =	vld.idx.msk [tilespmem:v26+s13+$0x0], $0xffff;
	v2 =	vadd.f32 v3, v2;
	v3 =	vmul.f32 v7, v25  }
0x49b: {  	v31 =	vor.u32 $0x1F, v1;
	v7 =	vld.idx.msk [tilespmem:v26+s15+$0x0], $0xffff  }
0x49c: {  	v32 =	vld.idx.msk [tilespmem:v28+s13+$0x0], $0xffff;
	v2 =	vadd.f32 v3, v2;
	v3 =	vmul.f32 v4, v27  }
0x49d: {  	v33 =	vor.u32 $0x20, v1;
	v4 =	vld.idx.msk [tilespmem:v28+s15+$0x0], $0xffff  }
0x49e: {  	v34 =	vld.idx.msk [tilespmem:v6+s13+$0x0], $0xffff;
	v2 =	vadd.f32 v3, v2;
	v3 =	vmul.f32 v5, v29  }
0x49f: {  	v5 =	vld.idx.msk [tilespmem:v6+s15+$0x0], $0xffff;
	v6 =	vor.u32 $0x21, v1  }
0x4a0: {  	v35 =	vld.idx.msk [tilespmem:v31+s13+$0x0], $0xffff;
	v2 =	vadd.f32 v3, v2;
	v3 =	vmul.f32 v7, v30  }
0x4a1: {  	v36 =	vor.u32 $0x22, v1;
	v7 =	vld.idx.msk [tilespmem:v31+s15+$0x0], $0xffff  }
0x4a2: {  	v37 =	vld.idx.msk [tilespmem:v33+s13+$0x0], $0xffff;
	v2 =	vadd.f32 v3, v2;
	v3 =	vmul.f32 v4, v32  }
0x4a3: {  	v38 =	vor.u32 $0x23, v1;
	v4 =	vld.idx.msk [tilespmem:v33+s15+$0x0], $0xffff  }
0x4a4: {  	v39 =	vld.idx.msk [tilespmem:v6+s13+$0x0], $0xffff;
	v2 =	vadd.f32 v3, v2;
	v3 =	vmul.f32 v5, v34  }
0x4a5: {  	v5 =	vld.idx.msk [tilespmem:v6+s15+$0x0], $0xffff;
	v6 =	vor.u32 $0x24, v1  }
0x4a6: {  	v40 =	vld.idx.msk [tilespmem:v36+s13+$0x0], $0xffff;
	v2 =	vadd.f32 v3, v2;
	v3 =	vmul.f32 v7, v35  }
0x4a7: {  	v41 =	vor.u32 $0x25, v1;
	v7 =	vld.idx.msk [tilespmem:v36+s15+$0x0], $0xffff  }
0x4a8: {  	v42 =	vld.idx.msk [tilespmem:v38+s13+$0x0], $0xffff;
	v2 =	vadd.f32 v3, v2;
	v3 =	vmul.f32 v4, v37  }
0x4a9: {  	v43 =	vor.u32 $0x26, v1;
	v4 =	vld.idx.msk [tilespmem:v38+s15+$0x0], $0xffff  }
0x4aa: {  	v44 =	vld.idx.msk [tilespmem:v6+s13+$0x0], $0xffff;
	v2 =	vadd.f32 v3, v2;
	v3 =	vmul.f32 v5, v39  }
0x4ab: {  	v5 =	vld.idx.msk [tilespmem:v6+s15+$0x0], $0xffff;
	v6 =	vor.u32 $0x27, v1  }
0x4ac: {  	v45 =	vld.idx.msk [tilespmem:v41+s13+$0x0], $0xffff;
	v2 =	vadd.f32 v3, v2;
	v3 =	vmul.f32 v7, v40  }
0x4ad: {  	v46 =	vor.u32 $0x28, v1;
	v7 =	vld.idx.msk [tilespmem:v41+s15+$0x0], $0xffff  }
0x4ae: {  	v47 =	vld.idx.msk [tilespmem:v43+s13+$0x0], $0xffff;
	v2 =	vadd.f32 v3, v2;
	v3 =	vmul.f32 v4, v42  }
0x4af: {  	v48 =	vor.u32 $0x29, v1;
	v4 =	vld.idx.msk [tilespmem:v43+s15+$0x0], $0xffff  }
0x4b0: {  	v49 =	vld.idx.msk [tilespmem:v6+s13+$0x0], $0xffff;
	v2 =	vadd.f32 v3, v2;
	v3 =	vmul.f32 v5, v44  }
0x4b1: {  	v5 =	vld.idx.msk [tilespmem:v6+s15+$0x0], $0xffff;
	v6 =	vor.u32 $0x2A, v1  }
0x4b2: {  	v50 =	vld.idx.msk [tilespmem:v46+s13+$0x0], $0xffff;
	v2 =	vadd.f32 v3, v2;
	v3 =	vmul.f32 v7, v45  }
0x4b3: {  	v51 =	vor.u32 $0x2B, v1;
	v7 =	vld.idx.msk [tilespmem:v46+s15+$0x0], $0xffff  }
0x4b4: {  	v52 =	vld.idx.msk [tilespmem:v48+s13+$0x0], $0xffff;
	v2 =	vadd.f32 v3, v2;
	v3 =	vmul.f32 v4, v47  }
0x4b5: {  	v53 =	vor.u32 $0x2C, v1;
	v4 =	vld.idx.msk [tilespmem:v48+s15+$0x0], $0xffff  }
0x4b6: {  	v54 =	vld.idx.msk [tilespmem:v6+s13+$0x0], $0xffff;
	v2 =	vadd.f32 v3, v2;
	v3 =	vmul.f32 v5, v49  }
0x4b7: {  	v5 =	vld.idx.msk [tilespmem:v6+s15+$0x0], $0xffff;
	v6 =	vor.u32 $0x2D, v1  }
0x4b8: {  	v55 =	vld.idx.msk [tilespmem:v51+s13+$0x0], $0xffff;
	v2 =	vadd.f32 v3, v2;
	v3 =	vmul.f32 v7, v50  }
0x4b9: {  	v56 =	vor.u32 $0x2E, v1;
	v7 =	vld.idx.msk [tilespmem:v51+s15+$0x0], $0xffff  }
0x4ba: {  	v57 =	vld.idx.msk [tilespmem:v53+s13+$0x0], $0xffff;
	v2 =	vadd.f32 v3, v2;
	v3 =	vmul.f32 v4, v52  }
0x4bb: {  	v58 =	vor.u32 $0x2F, v1;
	v4 =	vld.idx.msk [tilespmem:v53+s15+$0x0], $0xffff  }
0x4bc: {  	v59 =	vld.idx.msk [tilespmem:v6+s13+$0x0], $0xffff;
	v2 =	vadd.f32 v3, v2;
	v3 =	vmul.f32 v5, v54  }
0x4bd: {  	v5 =	vld.idx.msk [tilespmem:v6+s15+$0x0], $0xffff;
	v6 =	vor.u32 $0x30, v1  }
0x4be: {  	v60 =	vld.idx.msk [tilespmem:v56+s13+$0x0], $0xffff;
	v2 =	vadd.f32 v3, v2;
	v3 =	vmul.f32 v7, v55  }
0x4bf: {  	v61 =	vor.u32 $0x31, v1;
	v7 =	vld.idx.msk [tilespmem:v56+s15+$0x0], $0xffff  }
0x4c0: {  	v62 =	vld.idx.msk [tilespmem:v58+s13+$0x0], $0xffff;
	v2 =	vadd.f32 v3, v2;
	v3 =	vmul.f32 v4, v57  }
0x4c1: {  	v63 =	vor.u32 $0x32, v1;
	v4 =	vld.idx.msk [tilespmem:v58+s15+$0x0], $0xffff  }
0x4c2: {  	v16 =	vld.idx.msk [tilespmem:v6+s13+$0x0], $0xffff;
	v2 =	vadd.f32 v3, v2;
	v3 =	vmul.f32 v5, v59  }
0x4c3: {  	v5 =	vld.idx.msk [tilespmem:v6+s15+$0x0], $0xffff;
	v6 =	vor.u32 $0x33, v1  }
0x4c4: {  	v17 =	vld.idx.msk [tilespmem:v61+s13+$0x0], $0xffff;
	v2 =	vadd.f32 v3, v2;
	v3 =	vmul.f32 v7, v60  }
0x4c5: {  	v18 =	vor.u32 $0x34, v1;
	v7 =	vld.idx.msk [tilespmem:v61+s15+$0x0], $0xffff  }
0x4c6: {  	v19 =	vld.idx.msk [tilespmem:v63+s13+$0x0], $0xffff;
	v2 =	vadd.f32 v3, v2;
	v3 =	vmul.f32 v4, v62  }
0x4c7: {  	v20 =	vor.u32 $0x35, v1;
	v4 =	vld.idx.msk [tilespmem:v63+s15+$0x0], $0xffff  }
0x4c8: {  	v21 =	vld.idx.msk [tilespmem:v6+s13+$0x0], $0xffff;
	v2 =	vadd.f32 v3, v2;
	v3 =	vmul.f32 v5, v16  }
0x4c9: {  	v5 =	vld.idx.msk [tilespmem:v6+s15+$0x0], $0xffff;
	v6 =	vor.u32 $0x36, v1  }
0x4ca: {  	v22 =	vld.idx.msk [tilespmem:v18+s13+$0x0], $0xffff;
	v2 =	vadd.f32 v3, v2;
	v3 =	vmul.f32 v7, v17  }
0x4cb: {  	v23 =	vor.u32 $0x37, v1;
	v7 =	vld.idx.msk [tilespmem:v18+s15+$0x0], $0xffff  }
0x4cc: {  	v24 =	vld.idx.msk [tilespmem:v20+s13+$0x0], $0xffff;
	v2 =	vadd.f32 v3, v2;
	v3 =	vmul.f32 v4, v19  }
0x4cd: {  	v25 =	vor.u32 $0x38, v1;
	v4 =	vld.idx.msk [tilespmem:v20+s15+$0x0], $0xffff  }
0x4ce: {  	v26 =	vld.idx.msk [tilespmem:v6+s13+$0x0], $0xffff;
	v2 =	vadd.f32 v3, v2;
	v3 =	vmul.f32 v5, v21  }
0x4cf: {  	v5 =	vld.idx.msk [tilespmem:v6+s15+$0x0], $0xffff;
	v6 =	vor.u32 $0x39, v1  }
0x4d0: {  	v27 =	vld.idx.msk [tilespmem:v23+s13+$0x0], $0xffff;
	v2 =	vadd.f32 v3, v2;
	v3 =	vmul.f32 v7, v22  }
0x4d1: {  	v28 =	vor.u32 $0x3A, v1;
	v7 =	vld.idx.msk [tilespmem:v23+s15+$0x0], $0xffff  }
0x4d2: {  	v29 =	vld.idx.msk [tilespmem:v25+s13+$0x0], $0xffff;
	v2 =	vadd.f32 v3, v2;
	v3 =	vmul.f32 v4, v24  }
0x4d3: {  	v30 =	vor.u32 $0x3B, v1;
	v4 =	vld.idx.msk [tilespmem:v25+s15+$0x0], $0xffff  }
0x4d4: {  	v31 =	vld.idx.msk [tilespmem:v6+s13+$0x0], $0xffff;
	v2 =	vadd.f32 v3, v2;
	v3 =	vmul.f32 v5, v26  }
0x4d5: {  	v5 =	vld.idx.msk [tilespmem:v6+s15+$0x0], $0xffff;
	v6 =	vor.u32 $0x3C, v1  }
0x4d6: {  	v32 =	vld.idx.msk [tilespmem:v28+s13+$0x0], $0xffff;
	v2 =	vadd.f32 v3, v2;
	v3 =	vmul.f32 v7, v27  }
0x4d7: {  	v33 =	vor.u32 $0x3D, v1;
	v7 =	vld.idx.msk [tilespmem:v28+s15+$0x0], $0xffff  }
0x4d8: {  	v34 =	vld.idx.msk [tilespmem:v30+s13+$0x0], $0xffff;
	v2 =	vadd.f32 v3, v2;
	v3 =	vmul.f32 v4, v29  }
0x4d9: {  	v35 =	vor.u32 $0x3E, v1;
	v4 =	vld.idx.msk [tilespmem:v30+s15+$0x0], $0xffff  }
0x4da: {  	v36 =	vld.idx.msk [tilespmem:v6+s13+$0x0], $0xffff;
	v2 =	vadd.f32 v3, v2;
	v3 =	vmul.f32 v5, v31  }
0x4db: {  	v5 =	vld.idx.msk [tilespmem:v6+s15+$0x0], $0xffff;
	v6 =	vor.u32 $0x3F, v1  }
0x4dc: {  	v37 =	vld.idx.msk [tilespmem:v33+s13+$0x0], $0xffff;
	v2 =	vadd.f32 v3, v2;
	v3 =	vmul.f32 v7, v32  }
0x4dd: {  	v38 =	vor.u32 $0x40, v1;
	v7 =	vld.idx.msk [tilespmem:v33+s15+$0x0], $0xffff  }
0x4de: {  	v39 =	vld.idx.msk [tilespmem:v35+s13+$0x0], $0xffff;
	v2 =	vadd.f32 v3, v2;
	v3 =	vmul.f32 v4, v34  }
0x4df: {  	v40 =	vor.u32 $0x41, v1;
	v4 =	vld.idx.msk [tilespmem:v35+s15+$0x0], $0xffff  }
0x4e0: {  	v41 =	vld.idx.msk [tilespmem:v6+s13+$0x0], $0xffff;
	v2 =	vadd.f32 v3, v2;
	v3 =	vmul.f32 v5, v36  }
0x4e1: {  	v5 =	vld.idx.msk [tilespmem:v6+s15+$0x0], $0xffff;
	v6 =	vor.u32 $0x42, v1  }
0x4e2: {  	v42 =	vld.idx.msk [tilespmem:v38+s13+$0x0], $0xffff;
	v2 =	vadd.f32 v3, v2;
	v3 =	vmul.f32 v7, v37  }
0x4e3: {  	v43 =	vor.u32 $0x43, v1;
	v7 =	vld.idx.msk [tilespmem:v38+s15+$0x0], $0xffff  }
0x4e4: {  	v44 =	vld.idx.msk [tilespmem:v40+s13+$0x0], $0xffff;
	v2 =	vadd.f32 v3, v2;
	v3 =	vmul.f32 v4, v39  }
0x4e5: {  	v45 =	vor.u32 $0x44, v1;
	v4 =	vld.idx.msk [tilespmem:v40+s15+$0x0], $0xffff  }
0x4e6: {  	v46 =	vld.idx.msk [tilespmem:v6+s13+$0x0], $0xffff;
	v2 =	vadd.f32 v3, v2;
	v3 =	vmul.f32 v5, v41  }
0x4e7: {  	v5 =	vld.idx.msk [tilespmem:v6+s15+$0x0], $0xffff;
	v6 =	vor.u32 $0x45, v1  }
0x4e8: {  	v47 =	vld.idx.msk [tilespmem:v43+s13+$0x0], $0xffff;
	v2 =	vadd.f32 v3, v2;
	v3 =	vmul.f32 v7, v42  }
0x4e9: {  	v48 =	vor.u32 $0x46, v1;
	v7 =	vld.idx.msk [tilespmem:v43+s15+$0x0], $0xffff  }
0x4ea: {  	v49 =	vld.idx.msk [tilespmem:v45+s13+$0x0], $0xffff;
	v2 =	vadd.f32 v3, v2;
	v3 =	vmul.f32 v4, v44  }
0x4eb: {  	v50 =	vor.u32 $0x47, v1;
	v4 =	vld.idx.msk [tilespmem:v45+s15+$0x0], $0xffff  }
0x4ec: {  	v51 =	vld.idx.msk [tilespmem:v6+s13+$0x0], $0xffff;
	v2 =	vadd.f32 v3, v2;
	v3 =	vmul.f32 v5, v46  }
0x4ed: {  	v5 =	vld.idx.msk [tilespmem:v6+s15+$0x0], $0xffff;
	v6 =	vor.u32 $0x48, v1  }
0x4ee: {  	v52 =	vld.idx.msk [tilespmem:v48+s13+$0x0], $0xffff;
	v2 =	vadd.f32 v3, v2;
	v3 =	vmul.f32 v7, v47  }
0x4ef: {  	v53 =	vor.u32 $0x49, v1;
	v7 =	vld.idx.msk [tilespmem:v48+s15+$0x0], $0xffff  }
0x4f0: {  	v54 =	vld.idx.msk [tilespmem:v50+s13+$0x0], $0xffff;
	v2 =	vadd.f32 v3, v2;
	v3 =	vmul.f32 v4, v49  }
0x4f1: {  	v55 =	vor.u32 $0x4A, v1;
	v4 =	vld.idx.msk [tilespmem:v50+s15+$0x0], $0xffff  }
0x4f2: {  	v56 =	vld.idx.msk [tilespmem:v6+s13+$0x0], $0xffff;
	v2 =	vadd.f32 v3, v2;
	v3 =	vmul.f32 v5, v51  }
0x4f3: {  	v5 =	vld.idx.msk [tilespmem:v6+s15+$0x0], $0xffff;
	v6 =	vor.u32 $0x4B, v1  }
0x4f4: {  	v57 =	vld.idx.msk [tilespmem:v53+s13+$0x0], $0xffff;
	v2 =	vadd.f32 v3, v2;
	v3 =	vmul.f32 v7, v52  }
0x4f5: {  	v58 =	vor.u32 $0x4C, v1;
	v7 =	vld.idx.msk [tilespmem:v53+s15+$0x0], $0xffff  }
0x4f6: {  	v59 =	vld.idx.msk [tilespmem:v55+s13+$0x0], $0xffff;
	v2 =	vadd.f32 v3, v2;
	v3 =	vmul.f32 v4, v54  }
0x4f7: {  	v60 =	vor.u32 $0x4D, v1;
	v4 =	vld.idx.msk [tilespmem:v55+s15+$0x0], $0xffff  }
0x4f8: {  	v61 =	vld.idx.msk [tilespmem:v6+s13+$0x0], $0xffff;
	v2 =	vadd.f32 v3, v2;
	v3 =	vmul.f32 v5, v56  }
0x4f9: {  	v5 =	vld.idx.msk [tilespmem:v6+s15+$0x0], $0xffff;
	v6 =	vor.u32 $0x4E, v1  }
0x4fa: {  	v62 =	vld.idx.msk [tilespmem:v58+s13+$0x0], $0xffff;
	v2 =	vadd.f32 v3, v2;
	v3 =	vmul.f32 v7, v57  }
0x4fb: {  	v63 =	vor.u32 $0x4F, v1;
	v7 =	vld.idx.msk [tilespmem:v58+s15+$0x0], $0xffff  }
0x4fc: {  	v16 =	vld.idx.msk [tilespmem:v60+s13+$0x0], $0xffff;
	v2 =	vadd.f32 v3, v2;
	v3 =	vmul.f32 v4, v59  }
0x4fd: {  	v17 =	vor.u32 $0x50, v1;
	v4 =	vld.idx.msk [tilespmem:v60+s15+$0x0], $0xffff  }
0x4fe: {  	v18 =	vld.idx.msk [tilespmem:v6+s13+$0x0], $0xffff;
	v2 =	vadd.f32 v3, v2;
	v3 =	vmul.f32 v5, v61  }
0x4ff: {  	v5 =	vld.idx.msk [tilespmem:v6+s15+$0x0], $0xffff;
	v6 =	vor.u32 $0x51, v1  }
0x500: {  	v19 =	vld.idx.msk [tilespmem:v63+s13+$0x0], $0xffff;
	v2 =	vadd.f32 v3, v2;
	v3 =	vmul.f32 v7, v62  }
0x501: {  	v20 =	vor.u32 $0x52, v1;
	v7 =	vld.idx.msk [tilespmem:v63+s15+$0x0], $0xffff  }
0x502: {  	v21 =	vld.idx.msk [tilespmem:v17+s13+$0x0], $0xffff;
	v2 =	vadd.f32 v3, v2;
	v3 =	vmul.f32 v4, v16  }
0x503: {  	v22 =	vor.u32 $0x53, v1;
	v4 =	vld.idx.msk [tilespmem:v17+s15+$0x0], $0xffff  }
0x504: {  	v23 =	vld.idx.msk [tilespmem:v6+s13+$0x0], $0xffff;
	v2 =	vadd.f32 v3, v2;
	v3 =	vmul.f32 v5, v18  }
0x505: {  	v5 =	vld.idx.msk [tilespmem:v6+s15+$0x0], $0xffff;
	v6 =	vor.u32 $0x54, v1  }
0x506: {  	v24 =	vld.idx.msk [tilespmem:v20+s13+$0x0], $0xffff;
	v2 =	vadd.f32 v3, v2;
	v3 =	vmul.f32 v7, v19  }
0x507: {  	v25 =	vor.u32 $0x55, v1;
	v7 =	vld.idx.msk [tilespmem:v20+s15+$0x0], $0xffff  }
0x508: {  	v26 =	vld.idx.msk [tilespmem:v22+s13+$0x0], $0xffff;
	v2 =	vadd.f32 v3, v2;
	v3 =	vmul.f32 v4, v21  }
0x509: {  	v27 =	vor.u32 $0x56, v1;
	v4 =	vld.idx.msk [tilespmem:v22+s15+$0x0], $0xffff  }
0x50a: {  	v28 =	vld.idx.msk [tilespmem:v6+s13+$0x0], $0xffff;
	v2 =	vadd.f32 v3, v2;
	v3 =	vmul.f32 v5, v23  }
0x50b: {  	v5 =	vld.idx.msk [tilespmem:v6+s15+$0x0], $0xffff;
	v6 =	vor.u32 $0x57, v1  }
0x50c: {  	v29 =	vld.idx.msk [tilespmem:v25+s13+$0x0], $0xffff;
	v2 =	vadd.f32 v3, v2;
	v3 =	vmul.f32 v7, v24  }
0x50d: {  	v30 =	vor.u32 $0x58, v1;
	v7 =	vld.idx.msk [tilespmem:v25+s15+$0x0], $0xffff  }
0x50e: {  	v31 =	vld.idx.msk [tilespmem:v27+s13+$0x0], $0xffff;
	v2 =	vadd.f32 v3, v2;
	v3 =	vmul.f32 v4, v26  }
0x50f: {  	v32 =	vor.u32 $0x59, v1;
	v4 =	vld.idx.msk [tilespmem:v27+s15+$0x0], $0xffff  }
0x510: {  	v33 =	vld.idx.msk [tilespmem:v6+s13+$0x0], $0xffff;
	v2 =	vadd.f32 v3, v2;
	v3 =	vmul.f32 v5, v28  }
0x511: {  	v5 =	vld.idx.msk [tilespmem:v6+s15+$0x0], $0xffff;
	v6 =	vor.u32 $0x5A, v1  }
0x512: {  	v34 =	vld.idx.msk [tilespmem:v30+s13+$0x0], $0xffff;
	v2 =	vadd.f32 v3, v2;
	v3 =	vmul.f32 v7, v29  }
0x513: {  	v35 =	vor.u32 $0x5B, v1;
	v7 =	vld.idx.msk [tilespmem:v30+s15+$0x0], $0xffff  }
0x514: {  	v36 =	vld.idx.msk [tilespmem:v32+s13+$0x0], $0xffff;
	v2 =	vadd.f32 v3, v2;
	v3 =	vmul.f32 v4, v31  }
0x515: {  	v37 =	vor.u32 $0x5C, v1;
	v4 =	vld.idx.msk [tilespmem:v32+s15+$0x0], $0xffff  }
0x516: {  	v38 =	vld.idx.msk [tilespmem:v6+s13+$0x0], $0xffff;
	v2 =	vadd.f32 v3, v2;
	v3 =	vmul.f32 v5, v33  }
0x517: {  	v5 =	vld.idx.msk [tilespmem:v6+s15+$0x0], $0xffff;
	v6 =	vor.u32 $0x5D, v1  }
0x518: {  	v39 =	vld.idx.msk [tilespmem:v35+s13+$0x0], $0xffff;
	v2 =	vadd.f32 v3, v2;
	v3 =	vmul.f32 v7, v34  }
0x519: {  	v40 =	vor.u32 $0x5E, v1;
	v7 =	vld.idx.msk [tilespmem:v35+s15+$0x0], $0xffff  }
0x51a: {  	v41 =	vld.idx.msk [tilespmem:v37+s13+$0x0], $0xffff;
	v2 =	vadd.f32 v3, v2;
	v3 =	vmul.f32 v4, v36  }
0x51b: {  	v42 =	vor.u32 $0x5F, v1;
	v4 =	vld.idx.msk [tilespmem:v37+s15+$0x0], $0xffff  }
0x51c: {  	v43 =	vld.idx.msk [tilespmem:v6+s13+$0x0], $0xffff;
	v2 =	vadd.f32 v3, v2;
	v3 =	vmul.f32 v5, v38  }
0x51d: {  	v5 =	vld.idx.msk [tilespmem:v6+s15+$0x0], $0xffff;
	v6 =	vor.u32 $0x60, v1  }
0x51e: {  	v44 =	vld.idx.msk [tilespmem:v40+s13+$0x0], $0xffff;
	v2 =	vadd.f32 v3, v2;
	v3 =	vmul.f32 v7, v39  }
0x51f: {  	v45 =	vor.u32 $0x61, v1;
	v7 =	vld.idx.msk [tilespmem:v40+s15+$0x0], $0xffff  }
0x520: {  	v46 =	vld.idx.msk [tilespmem:v42+s13+$0x0], $0xffff;
	v2 =	vadd.f32 v3, v2;
	v3 =	vmul.f32 v4, v41  }
0x521: {  	v47 =	vor.u32 $0x62, v1;
	v4 =	vld.idx.msk [tilespmem:v42+s15+$0x0], $0xffff  }
0x522: {  	v48 =	vld.idx.msk [tilespmem:v6+s13+$0x0], $0xffff;
	v2 =	vadd.f32 v3, v2;
	v3 =	vmul.f32 v5, v43  }
0x523: {  	v5 =	vld.idx.msk [tilespmem:v6+s15+$0x0], $0xffff;
	v6 =	vor.u32 $0x63, v1  }
0x524: {  	v49 =	vld.idx.msk [tilespmem:v45+s13+$0x0], $0xffff;
	v2 =	vadd.f32 v3, v2;
	v3 =	vmul.f32 v7, v44  }
0x525: {  	v50 =	vor.u32 $0x64, v1;
	v7 =	vld.idx.msk [tilespmem:v45+s15+$0x0], $0xffff  }
0x526: {  	v51 =	vld.idx.msk [tilespmem:v47+s13+$0x0], $0xffff;
	v2 =	vadd.f32 v3, v2;
	v3 =	vmul.f32 v4, v46  }
0x527: {  	v52 =	vor.u32 $0x65, v1;
	v4 =	vld.idx.msk [tilespmem:v47+s15+$0x0], $0xffff  }
0x528: {  	v53 =	vld.idx.msk [tilespmem:v6+s13+$0x0], $0xffff;
	v2 =	vadd.f32 v3, v2;
	v3 =	vmul.f32 v5, v48  }
0x529: {  	v5 =	vld.idx.msk [tilespmem:v6+s15+$0x0], $0xffff;
	v6 =	vor.u32 $0x66, v1  }
0x52a: {  	v54 =	vld.idx.msk [tilespmem:v50+s13+$0x0], $0xffff;
	v2 =	vadd.f32 v3, v2;
	v3 =	vmul.f32 v7, v49  }
0x52b: {  	v55 =	vor.u32 $0x67, v1;
	v7 =	vld.idx.msk [tilespmem:v50+s15+$0x0], $0xffff  }
0x52c: {  	v56 =	vld.idx.msk [tilespmem:v52+s13+$0x0], $0xffff;
	v2 =	vadd.f32 v3, v2;
	v3 =	vmul.f32 v4, v51  }
0x52d: {  	v57 =	vor.u32 $0x68, v1;
	v4 =	vld.idx.msk [tilespmem:v52+s15+$0x0], $0xffff  }
0x52e: {  	v58 =	vld.idx.msk [tilespmem:v6+s13+$0x0], $0xffff;
	v2 =	vadd.f32 v3, v2;
	v3 =	vmul.f32 v5, v53  }
0x52f: {  	v5 =	vld.idx.msk [tilespmem:v6+s15+$0x0], $0xffff;
	v6 =	vor.u32 $0x69, v1  }
0x530: {  	v59 =	vld.idx.msk [tilespmem:v55+s13+$0x0], $0xffff;
	v2 =	vadd.f32 v3, v2;
	v3 =	vmul.f32 v7, v54  }
0x531: {  	v60 =	vor.u32 $0x6A, v1;
	v7 =	vld.idx.msk [tilespmem:v55+s15+$0x0], $0xffff  }
0x532: {  	v61 =	vld.idx.msk [tilespmem:v57+s13+$0x0], $0xffff;
	v2 =	vadd.f32 v3, v2;
	v3 =	vmul.f32 v4, v56  }
0x533: {  	v62 =	vor.u32 $0x6B, v1;
	v4 =	vld.idx.msk [tilespmem:v57+s15+$0x0], $0xffff  }
0x534: {  	v63 =	vld.idx.msk [tilespmem:v6+s13+$0x0], $0xffff;
	v2 =	vadd.f32 v3, v2;
	v3 =	vmul.f32 v5, v58  }
0x535: {  	v5 =	vld.idx.msk [tilespmem:v6+s15+$0x0], $0xffff;
	v6 =	vor.u32 $0x6C, v1  }
0x536: {  	v16 =	vld.idx.msk [tilespmem:v60+s13+$0x0], $0xffff;
	v2 =	vadd.f32 v3, v2;
	v3 =	vmul.f32 v7, v59  }
0x537: {  	v17 =	vor.u32 $0x6D, v1;
	v7 =	vld.idx.msk [tilespmem:v60+s15+$0x0], $0xffff  }
0x538: {  	v18 =	vld.idx.msk [tilespmem:v62+s13+$0x0], $0xffff;
	v2 =	vadd.f32 v3, v2;
	v3 =	vmul.f32 v4, v61  }
0x539: {  	v19 =	vor.u32 $0x6E, v1;
	v4 =	vld.idx.msk [tilespmem:v62+s15+$0x0], $0xffff  }
0x53a: {  	v20 =	vld.idx.msk [tilespmem:v6+s13+$0x0], $0xffff;
	v2 =	vadd.f32 v3, v2;
	v3 =	vmul.f32 v5, v63  }
0x53b: {  	v5 =	vld.idx.msk [tilespmem:v6+s15+$0x0], $0xffff;
	v6 =	vor.u32 $0x6F, v1  }
0x53c: {  	v21 =	vld.idx.msk [tilespmem:v17+s13+$0x0], $0xffff;
	v2 =	vadd.f32 v3, v2;
	v3 =	vmul.f32 v7, v16  }
0x53d: {  	v22 =	vor.u32 $0x70, v1;
	v7 =	vld.idx.msk [tilespmem:v17+s15+$0x0], $0xffff  }
0x53e: {  	v23 =	vld.idx.msk [tilespmem:v19+s13+$0x0], $0xffff;
	v2 =	vadd.f32 v3, v2;
	v3 =	vmul.f32 v4, v18  }
0x53f: {  	v24 =	vor.u32 $0x71, v1;
	v4 =	vld.idx.msk [tilespmem:v19+s15+$0x0], $0xffff  }
0x540: {  	v25 =	vld.idx.msk [tilespmem:v6+s13+$0x0], $0xffff;
	v2 =	vadd.f32 v3, v2;
	v3 =	vmul.f32 v5, v20  }
0x541: {  	v5 =	vld.idx.msk [tilespmem:v6+s15+$0x0], $0xffff;
	v6 =	vor.u32 $0x72, v1  }
0x542: {  	v26 =	vld.idx.msk [tilespmem:v22+s13+$0x0], $0xffff;
	v2 =	vadd.f32 v3, v2;
	v3 =	vmul.f32 v7, v21  }
0x543: {  	v27 =	vor.u32 $0x73, v1;
	v7 =	vld.idx.msk [tilespmem:v22+s15+$0x0], $0xffff  }
0x544: {  	v28 =	vld.idx.msk [tilespmem:v24+s13+$0x0], $0xffff;
	v2 =	vadd.f32 v3, v2;
	v3 =	vmul.f32 v4, v23  }
0x545: {  	v29 =	vor.u32 $0x74, v1;
	v4 =	vld.idx.msk [tilespmem:v24+s15+$0x0], $0xffff  }
0x546: {  	v30 =	vld.idx.msk [tilespmem:v6+s13+$0x0], $0xffff;
	v2 =	vadd.f32 v3, v2;
	v3 =	vmul.f32 v5, v25  }
0x547: {  	v5 =	vld.idx.msk [tilespmem:v6+s15+$0x0], $0xffff;
	v6 =	vor.u32 $0x75, v1  }
0x548: {  	v31 =	vld.idx.msk [tilespmem:v27+s13+$0x0], $0xffff;
	v2 =	vadd.f32 v3, v2;
	v3 =	vmul.f32 v7, v26  }
0x549: {  	v32 =	vor.u32 $0x76, v1;
	v7 =	vld.idx.msk [tilespmem:v27+s15+$0x0], $0xffff  }
0x54a: {  	v33 =	vld.idx.msk [tilespmem:v29+s13+$0x0], $0xffff;
	v2 =	vadd.f32 v3, v2;
	v3 =	vmul.f32 v4, v28  }
0x54b: {  	v34 =	vor.u32 $0x77, v1;
	v4 =	vld.idx.msk [tilespmem:v29+s15+$0x0], $0xffff  }
0x54c: {  	v35 =	vld.idx.msk [tilespmem:v6+s13+$0x0], $0xffff;
	v2 =	vadd.f32 v3, v2;
	v3 =	vmul.f32 v5, v30  }
0x54d: {  	v5 =	vld.idx.msk [tilespmem:v6+s15+$0x0], $0xffff;
	v6 =	vor.u32 $0x78, v1  }
0x54e: {  	v36 =	vld.idx.msk [tilespmem:v32+s13+$0x0], $0xffff;
	v2 =	vadd.f32 v3, v2;
	v3 =	vmul.f32 v7, v31  }
0x54f: {  	v37 =	vor.u32 $0x79, v1;
	v7 =	vld.idx.msk [tilespmem:v32+s15+$0x0], $0xffff  }
0x550: {  	v38 =	vld.idx.msk [tilespmem:v34+s13+$0x0], $0xffff;
	v2 =	vadd.f32 v3, v2;
	v3 =	vmul.f32 v4, v33  }
0x551: {  	v39 =	vor.u32 $0x7A, v1;
	v4 =	vld.idx.msk [tilespmem:v34+s15+$0x0], $0xffff  }
0x552: {  	v40 =	vld.idx.msk [tilespmem:v6+s13+$0x0], $0xffff;
	v2 =	vadd.f32 v3, v2;
	v3 =	vmul.f32 v5, v35  }
0x553: {  	v5 =	vld.idx.msk [tilespmem:v6+s15+$0x0], $0xffff;
	v6 =	vor.u32 $0x7B, v1  }
0x554: {  	v41 =	vld.idx.msk [tilespmem:v37+s13+$0x0], $0xffff;
	v2 =	vadd.f32 v3, v2;
	v3 =	vmul.f32 v7, v36  }
0x555: {  	v42 =	vor.u32 $0x7C, v1;
	v7 =	vld.idx.msk [tilespmem:v37+s15+$0x0], $0xffff  }
0x556: {  	v43 =	vld.idx.msk [tilespmem:v39+s13+$0x0], $0xffff;
	v2 =	vadd.f32 v3, v2;
	v3 =	vmul.f32 v4, v38  }
0x557: {  	v44 =	vor.u32 $0x7D, v1;
	v4 =	vld.idx.msk [tilespmem:v39+s15+$0x0], $0xffff  }
0x558: {  	v45 =	vld.idx.msk [tilespmem:v6+s13+$0x0], $0xffff;
	v2 =	vadd.f32 v3, v2;
	v3 =	vmul.f32 v5, v40  }
0x559: {  	v5 =	vld.idx.msk [tilespmem:v6+s15+$0x0], $0xffff;
	v6 =	vor.u32 $0x7E, v1  }
0x55a: {  	v46 =	vld.idx.msk [tilespmem:v42+s13+$0x0], $0xffff;
	v2 =	vadd.f32 v3, v2;
	v3 =	vmul.f32 v7, v41  }
0x55b: {  	v1 =	vor.u32 $0x7F, v1;
	v7 =	vld.idx.msk [tilespmem:v42+s15+$0x0], $0xffff  }
0x55c: {  	v47 =	vld.idx.msk [tilespmem:v44+s13+$0x0], $0xffff;
	v2 =	vadd.f32 v3, v2;
	v3 =	vmul.f32 v4, v43  }
0x55d: {  	v4 =	vld.idx.msk [tilespmem:v44+s15+$0x0], $0xffff  }
0x55e: {  	v48 =	vld.idx.msk [tilespmem:v6+s13+$0x0], $0xffff;
	v2 =	vadd.f32 v3, v2;
	v3 =	vmul.f32 v5, v45  }
0x55f: {  	v5 =	vld.idx.msk [tilespmem:v6+s15+$0x0], $0xffff  }
0x560: {  	v6 =	vld.idx.msk [tilespmem:v1+s13+$0x0], $0xffff;
	v2 =	vadd.f32 v3, v2;
	v3 =	vmul.f32 v7, v46  }
0x561: {  	v7 =	vld.idx.msk [tilespmem:v1+s15+$0x0], $0xffff  }
0x562: {  	v1 =	vadd.f32 v3, v2;
	v2 =	vmul.f32 v4, v47  }
0x563: {  	s30 =	simm.s32 $0x10  }
0x564: {  	v3 =	vmov s30;
	v4 =	vmul.f32 v5, v48;
	v2 =	vadd.f32 v2, v1  }
0x565: {  	v1 =	vshll.u32 v3, $0x7  }
0x566: {  	v1 =	vor.u32 v0, v1;
	v3 =	vmul.f32 v7, v6;
	v2 =	vadd.f32 v4, v2;
	_ =	sdelay $0x1  }
0x567: {  	v4 =	vor.u32 $0x1, v1;
	v2 =	vadd.f32 v3, v2;
	_ =	sdelay $0x1  }
0x568: {  	v3 =	vor.u32 $0x2, v1;
	[tilespmem:s22+$0x0] =	vst v2  }
0x569: {  	v2 =	vld.idx.msk [tilespmem:v1+s15+$0x0], $0xffff  }
0x56a: {  	v6 =	vor.u32 $0x3, v1;
	v5 =	vld.idx.msk [tilespmem:v1+s13+$0x0], $0xffff  }
0x56b: {  	v7 =	vld.idx.msk [tilespmem:v4+s13+$0x0], $0xffff  }
0x56c: {  	v49 =	vor.u32 $0x4, v1;
	v4 =	vld.idx.msk [tilespmem:v4+s15+$0x0], $0xffff  }
0x56d: {  	v50 =	vld.idx.msk [tilespmem:v3+s13+$0x0], $0xffff  }
0x56e: {  	v51 =	vor.u32 $0x5, v1;
	v3 =	vld.idx.msk [tilespmem:v3+s15+$0x0], $0xffff  }
0x56f: {  	v52 =	vld.idx.msk [tilespmem:v6+s13+$0x0], $0xffff;
	v2 =	vmul.f32 v2, v5  }
0x570: {  	v5 =	vld.idx.msk [tilespmem:v6+s15+$0x0], $0xffff;
	v6 =	vor.u32 $0x6, v1  }
0x571: {  	v53 =	vld.idx.msk [tilespmem:v49+s13+$0x0], $0xffff;
	v4 =	vmul.f32 v4, v7;
	v2 =	vadd.f32 $0.0e+00, v2  }
0x572: {  	v54 =	vor.u32 $0x7, v1;
	v7 =	vld.idx.msk [tilespmem:v49+s15+$0x0], $0xffff  }
0x573: {  	v55 =	vld.idx.msk [tilespmem:v51+s13+$0x0], $0xffff;
	v3 =	vmul.f32 v3, v50;
	v2 =	vadd.f32 v4, v2  }
0x574: {  	v56 =	vor.u32 $0x8, v1;
	v4 =	vld.idx.msk [tilespmem:v51+s15+$0x0], $0xffff  }
0x575: {  	v57 =	vld.idx.msk [tilespmem:v6+s13+$0x0], $0xffff;
	v2 =	vadd.f32 v3, v2;
	v3 =	vmul.f32 v5, v52  }
0x576: {  	v5 =	vld.idx.msk [tilespmem:v6+s15+$0x0], $0xffff;
	v6 =	vor.u32 $0x9, v1  }
0x577: {  	v58 =	vld.idx.msk [tilespmem:v54+s13+$0x0], $0xffff;
	v2 =	vadd.f32 v3, v2;
	v3 =	vmul.f32 v7, v53  }
0x578: {  	v59 =	vor.u32 $0xA, v1;
	v7 =	vld.idx.msk [tilespmem:v54+s15+$0x0], $0xffff  }
0x579: {  	v60 =	vld.idx.msk [tilespmem:v56+s13+$0x0], $0xffff;
	v2 =	vadd.f32 v3, v2;
	v3 =	vmul.f32 v4, v55  }
0x57a: {  	v61 =	vor.u32 $0xB, v1;
	v4 =	vld.idx.msk [tilespmem:v56+s15+$0x0], $0xffff  }
0x57b: {  	v62 =	vld.idx.msk [tilespmem:v6+s13+$0x0], $0xffff;
	v2 =	vadd.f32 v3, v2;
	v3 =	vmul.f32 v5, v57  }
0x57c: {  	v5 =	vld.idx.msk [tilespmem:v6+s15+$0x0], $0xffff;
	v6 =	vor.u32 $0xC, v1  }
0x57d: {  	v63 =	vld.idx.msk [tilespmem:v59+s13+$0x0], $0xffff;
	v2 =	vadd.f32 v3, v2;
	v3 =	vmul.f32 v7, v58  }
0x57e: {  	v16 =	vor.u32 $0xD, v1;
	v7 =	vld.idx.msk [tilespmem:v59+s15+$0x0], $0xffff  }
0x57f: {  	v17 =	vld.idx.msk [tilespmem:v61+s13+$0x0], $0xffff;
	v2 =	vadd.f32 v3, v2;
	v3 =	vmul.f32 v4, v60  }
0x580: {  	v18 =	vor.u32 $0xE, v1;
	v4 =	vld.idx.msk [tilespmem:v61+s15+$0x0], $0xffff  }
0x581: {  	v19 =	vld.idx.msk [tilespmem:v6+s13+$0x0], $0xffff;
	v2 =	vadd.f32 v3, v2;
	v3 =	vmul.f32 v5, v62  }
0x582: {  	v5 =	vld.idx.msk [tilespmem:v6+s15+$0x0], $0xffff;
	v6 =	vor.u32 $0xF, v1  }
0x583: {  	v20 =	vld.idx.msk [tilespmem:v16+s13+$0x0], $0xffff;
	v2 =	vadd.f32 v3, v2;
	v3 =	vmul.f32 v7, v63  }
0x584: {  	v21 =	vor.u32 $0x10, v1;
	v7 =	vld.idx.msk [tilespmem:v16+s15+$0x0], $0xffff  }
0x585: {  	v22 =	vld.idx.msk [tilespmem:v18+s13+$0x0], $0xffff;
	v2 =	vadd.f32 v3, v2;
	v3 =	vmul.f32 v4, v17  }
0x586: {  	v23 =	vor.u32 $0x11, v1;
	v4 =	vld.idx.msk [tilespmem:v18+s15+$0x0], $0xffff  }
0x587: {  	v24 =	vld.idx.msk [tilespmem:v6+s13+$0x0], $0xffff;
	v2 =	vadd.f32 v3, v2;
	v3 =	vmul.f32 v5, v19  }
0x588: {  	v5 =	vld.idx.msk [tilespmem:v6+s15+$0x0], $0xffff;
	v6 =	vor.u32 $0x12, v1  }
0x589: {  	v25 =	vld.idx.msk [tilespmem:v21+s13+$0x0], $0xffff;
	v2 =	vadd.f32 v3, v2;
	v3 =	vmul.f32 v7, v20  }
0x58a: {  	v26 =	vor.u32 $0x13, v1;
	v7 =	vld.idx.msk [tilespmem:v21+s15+$0x0], $0xffff  }
0x58b: {  	v27 =	vld.idx.msk [tilespmem:v23+s13+$0x0], $0xffff;
	v2 =	vadd.f32 v3, v2;
	v3 =	vmul.f32 v4, v22  }
0x58c: {  	v28 =	vor.u32 $0x14, v1;
	v4 =	vld.idx.msk [tilespmem:v23+s15+$0x0], $0xffff  }
0x58d: {  	v29 =	vld.idx.msk [tilespmem:v6+s13+$0x0], $0xffff;
	v2 =	vadd.f32 v3, v2;
	v3 =	vmul.f32 v5, v24  }
0x58e: {  	v5 =	vld.idx.msk [tilespmem:v6+s15+$0x0], $0xffff;
	v6 =	vor.u32 $0x15, v1  }
0x58f: {  	v30 =	vld.idx.msk [tilespmem:v26+s13+$0x0], $0xffff;
	v2 =	vadd.f32 v3, v2;
	v3 =	vmul.f32 v7, v25  }
0x590: {  	v31 =	vor.u32 $0x16, v1;
	v7 =	vld.idx.msk [tilespmem:v26+s15+$0x0], $0xffff  }
0x591: {  	v32 =	vld.idx.msk [tilespmem:v28+s13+$0x0], $0xffff;
	v2 =	vadd.f32 v3, v2;
	v3 =	vmul.f32 v4, v27  }
0x592: {  	v33 =	vor.u32 $0x17, v1;
	v4 =	vld.idx.msk [tilespmem:v28+s15+$0x0], $0xffff  }
0x593: {  	v34 =	vld.idx.msk [tilespmem:v6+s13+$0x0], $0xffff;
	v2 =	vadd.f32 v3, v2;
	v3 =	vmul.f32 v5, v29  }
0x594: {  	v5 =	vld.idx.msk [tilespmem:v6+s15+$0x0], $0xffff;
	v6 =	vor.u32 $0x18, v1  }
0x595: {  	v35 =	vld.idx.msk [tilespmem:v31+s13+$0x0], $0xffff;
	v2 =	vadd.f32 v3, v2;
	v3 =	vmul.f32 v7, v30  }
0x596: {  	v36 =	vor.u32 $0x19, v1;
	v7 =	vld.idx.msk [tilespmem:v31+s15+$0x0], $0xffff  }
0x597: {  	v37 =	vld.idx.msk [tilespmem:v33+s13+$0x0], $0xffff;
	v2 =	vadd.f32 v3, v2;
	v3 =	vmul.f32 v4, v32  }
0x598: {  	v38 =	vor.u32 $0x1A, v1;
	v4 =	vld.idx.msk [tilespmem:v33+s15+$0x0], $0xffff  }
0x599: {  	v39 =	vld.idx.msk [tilespmem:v6+s13+$0x0], $0xffff;
	v2 =	vadd.f32 v3, v2;
	v3 =	vmul.f32 v5, v34  }
0x59a: {  	v5 =	vld.idx.msk [tilespmem:v6+s15+$0x0], $0xffff;
	v6 =	vor.u32 $0x1B, v1  }
0x59b: {  	v40 =	vld.idx.msk [tilespmem:v36+s13+$0x0], $0xffff;
	v2 =	vadd.f32 v3, v2;
	v3 =	vmul.f32 v7, v35  }
0x59c: {  	v41 =	vor.u32 $0x1C, v1;
	v7 =	vld.idx.msk [tilespmem:v36+s15+$0x0], $0xffff  }
0x59d: {  	v42 =	vld.idx.msk [tilespmem:v38+s13+$0x0], $0xffff;
	v2 =	vadd.f32 v3, v2;
	v3 =	vmul.f32 v4, v37  }
0x59e: {  	v43 =	vor.u32 $0x1D, v1;
	v4 =	vld.idx.msk [tilespmem:v38+s15+$0x0], $0xffff  }
0x59f: {  	v44 =	vld.idx.msk [tilespmem:v6+s13+$0x0], $0xffff;
	v2 =	vadd.f32 v3, v2;
	v3 =	vmul.f32 v5, v39  }
0x5a0: {  	v5 =	vld.idx.msk [tilespmem:v6+s15+$0x0], $0xffff;
	v6 =	vor.u32 $0x1E, v1  }
0x5a1: {  	v45 =	vld.idx.msk [tilespmem:v41+s13+$0x0], $0xffff;
	v2 =	vadd.f32 v3, v2;
	v3 =	vmul.f32 v7, v40  }
0x5a2: {  	v46 =	vor.u32 $0x1F, v1;
	v7 =	vld.idx.msk [tilespmem:v41+s15+$0x0], $0xffff  }
0x5a3: {  	v47 =	vld.idx.msk [tilespmem:v43+s13+$0x0], $0xffff;
	v2 =	vadd.f32 v3, v2;
	v3 =	vmul.f32 v4, v42  }
0x5a4: {  	v48 =	vor.u32 $0x20, v1;
	v4 =	vld.idx.msk [tilespmem:v43+s15+$0x0], $0xffff  }
0x5a5: {  	v49 =	vld.idx.msk [tilespmem:v6+s13+$0x0], $0xffff;
	v2 =	vadd.f32 v3, v2;
	v3 =	vmul.f32 v5, v44  }
0x5a6: {  	v5 =	vld.idx.msk [tilespmem:v6+s15+$0x0], $0xffff;
	v6 =	vor.u32 $0x21, v1  }
0x5a7: {  	v50 =	vld.idx.msk [tilespmem:v46+s13+$0x0], $0xffff;
	v2 =	vadd.f32 v3, v2;
	v3 =	vmul.f32 v7, v45  }
0x5a8: {  	v51 =	vor.u32 $0x22, v1;
	v7 =	vld.idx.msk [tilespmem:v46+s15+$0x0], $0xffff  }
0x5a9: {  	v52 =	vld.idx.msk [tilespmem:v48+s13+$0x0], $0xffff;
	v2 =	vadd.f32 v3, v2;
	v3 =	vmul.f32 v4, v47  }
0x5aa: {  	v53 =	vor.u32 $0x23, v1;
	v4 =	vld.idx.msk [tilespmem:v48+s15+$0x0], $0xffff  }
0x5ab: {  	v54 =	vld.idx.msk [tilespmem:v6+s13+$0x0], $0xffff;
	v2 =	vadd.f32 v3, v2;
	v3 =	vmul.f32 v5, v49  }
0x5ac: {  	v5 =	vld.idx.msk [tilespmem:v6+s15+$0x0], $0xffff;
	v6 =	vor.u32 $0x24, v1  }
0x5ad: {  	v55 =	vld.idx.msk [tilespmem:v51+s13+$0x0], $0xffff;
	v2 =	vadd.f32 v3, v2;
	v3 =	vmul.f32 v7, v50  }
0x5ae: {  	v56 =	vor.u32 $0x25, v1;
	v7 =	vld.idx.msk [tilespmem:v51+s15+$0x0], $0xffff  }
0x5af: {  	v57 =	vld.idx.msk [tilespmem:v53+s13+$0x0], $0xffff;
	v2 =	vadd.f32 v3, v2;
	v3 =	vmul.f32 v4, v52  }
0x5b0: {  	v58 =	vor.u32 $0x26, v1;
	v4 =	vld.idx.msk [tilespmem:v53+s15+$0x0], $0xffff  }
0x5b1: {  	v59 =	vld.idx.msk [tilespmem:v6+s13+$0x0], $0xffff;
	v2 =	vadd.f32 v3, v2;
	v3 =	vmul.f32 v5, v54  }
0x5b2: {  	v5 =	vld.idx.msk [tilespmem:v6+s15+$0x0], $0xffff;
	v6 =	vor.u32 $0x27, v1  }
0x5b3: {  	v60 =	vld.idx.msk [tilespmem:v56+s13+$0x0], $0xffff;
	v2 =	vadd.f32 v3, v2;
	v3 =	vmul.f32 v7, v55  }
0x5b4: {  	v61 =	vor.u32 $0x28, v1;
	v7 =	vld.idx.msk [tilespmem:v56+s15+$0x0], $0xffff  }
0x5b5: {  	v62 =	vld.idx.msk [tilespmem:v58+s13+$0x0], $0xffff;
	v2 =	vadd.f32 v3, v2;
	v3 =	vmul.f32 v4, v57  }
0x5b6: {  	v63 =	vor.u32 $0x29, v1;
	v4 =	vld.idx.msk [tilespmem:v58+s15+$0x0], $0xffff  }
0x5b7: {  	v16 =	vld.idx.msk [tilespmem:v6+s13+$0x0], $0xffff;
	v2 =	vadd.f32 v3, v2;
	v3 =	vmul.f32 v5, v59  }
0x5b8: {  	v5 =	vld.idx.msk [tilespmem:v6+s15+$0x0], $0xffff;
	v6 =	vor.u32 $0x2A, v1  }
0x5b9: {  	v17 =	vld.idx.msk [tilespmem:v61+s13+$0x0], $0xffff;
	v2 =	vadd.f32 v3, v2;
	v3 =	vmul.f32 v7, v60  }
0x5ba: {  	v18 =	vor.u32 $0x2B, v1;
	v7 =	vld.idx.msk [tilespmem:v61+s15+$0x0], $0xffff  }
0x5bb: {  	v19 =	vld.idx.msk [tilespmem:v63+s13+$0x0], $0xffff;
	v2 =	vadd.f32 v3, v2;
	v3 =	vmul.f32 v4, v62  }
0x5bc: {  	v20 =	vor.u32 $0x2C, v1;
	v4 =	vld.idx.msk [tilespmem:v63+s15+$0x0], $0xffff  }
0x5bd: {  	v21 =	vld.idx.msk [tilespmem:v6+s13+$0x0], $0xffff;
	v2 =	vadd.f32 v3, v2;
	v3 =	vmul.f32 v5, v16  }
0x5be: {  	v5 =	vld.idx.msk [tilespmem:v6+s15+$0x0], $0xffff;
	v6 =	vor.u32 $0x2D, v1  }
0x5bf: {  	v22 =	vld.idx.msk [tilespmem:v18+s13+$0x0], $0xffff;
	v2 =	vadd.f32 v3, v2;
	v3 =	vmul.f32 v7, v17  }
0x5c0: {  	v23 =	vor.u32 $0x2E, v1;
	v7 =	vld.idx.msk [tilespmem:v18+s15+$0x0], $0xffff  }
0x5c1: {  	v24 =	vld.idx.msk [tilespmem:v20+s13+$0x0], $0xffff;
	v2 =	vadd.f32 v3, v2;
	v3 =	vmul.f32 v4, v19  }
0x5c2: {  	v25 =	vor.u32 $0x2F, v1;
	v4 =	vld.idx.msk [tilespmem:v20+s15+$0x0], $0xffff  }
0x5c3: {  	v26 =	vld.idx.msk [tilespmem:v6+s13+$0x0], $0xffff;
	v2 =	vadd.f32 v3, v2;
	v3 =	vmul.f32 v5, v21  }
0x5c4: {  	v5 =	vld.idx.msk [tilespmem:v6+s15+$0x0], $0xffff;
	v6 =	vor.u32 $0x30, v1  }
0x5c5: {  	v27 =	vld.idx.msk [tilespmem:v23+s13+$0x0], $0xffff;
	v2 =	vadd.f32 v3, v2;
	v3 =	vmul.f32 v7, v22  }
0x5c6: {  	v28 =	vor.u32 $0x31, v1;
	v7 =	vld.idx.msk [tilespmem:v23+s15+$0x0], $0xffff  }
0x5c7: {  	v29 =	vld.idx.msk [tilespmem:v25+s13+$0x0], $0xffff;
	v2 =	vadd.f32 v3, v2;
	v3 =	vmul.f32 v4, v24  }
0x5c8: {  	v30 =	vor.u32 $0x32, v1;
	v4 =	vld.idx.msk [tilespmem:v25+s15+$0x0], $0xffff  }
0x5c9: {  	v31 =	vld.idx.msk [tilespmem:v6+s13+$0x0], $0xffff;
	v2 =	vadd.f32 v3, v2;
	v3 =	vmul.f32 v5, v26  }
0x5ca: {  	v5 =	vld.idx.msk [tilespmem:v6+s15+$0x0], $0xffff;
	v6 =	vor.u32 $0x33, v1  }
0x5cb: {  	v32 =	vld.idx.msk [tilespmem:v28+s13+$0x0], $0xffff;
	v2 =	vadd.f32 v3, v2;
	v3 =	vmul.f32 v7, v27  }
0x5cc: {  	v33 =	vor.u32 $0x34, v1;
	v7 =	vld.idx.msk [tilespmem:v28+s15+$0x0], $0xffff  }
0x5cd: {  	v34 =	vld.idx.msk [tilespmem:v30+s13+$0x0], $0xffff;
	v2 =	vadd.f32 v3, v2;
	v3 =	vmul.f32 v4, v29  }
0x5ce: {  	v35 =	vor.u32 $0x35, v1;
	v4 =	vld.idx.msk [tilespmem:v30+s15+$0x0], $0xffff  }
0x5cf: {  	v36 =	vld.idx.msk [tilespmem:v6+s13+$0x0], $0xffff;
	v2 =	vadd.f32 v3, v2;
	v3 =	vmul.f32 v5, v31  }
0x5d0: {  	v5 =	vld.idx.msk [tilespmem:v6+s15+$0x0], $0xffff;
	v6 =	vor.u32 $0x36, v1  }
0x5d1: {  	v37 =	vld.idx.msk [tilespmem:v33+s13+$0x0], $0xffff;
	v2 =	vadd.f32 v3, v2;
	v3 =	vmul.f32 v7, v32  }
0x5d2: {  	v38 =	vor.u32 $0x37, v1;
	v7 =	vld.idx.msk [tilespmem:v33+s15+$0x0], $0xffff  }
0x5d3: {  	v39 =	vld.idx.msk [tilespmem:v35+s13+$0x0], $0xffff;
	v2 =	vadd.f32 v3, v2;
	v3 =	vmul.f32 v4, v34  }
0x5d4: {  	v40 =	vor.u32 $0x38, v1;
	v4 =	vld.idx.msk [tilespmem:v35+s15+$0x0], $0xffff  }
0x5d5: {  	v41 =	vld.idx.msk [tilespmem:v6+s13+$0x0], $0xffff;
	v2 =	vadd.f32 v3, v2;
	v3 =	vmul.f32 v5, v36  }
0x5d6: {  	v5 =	vld.idx.msk [tilespmem:v6+s15+$0x0], $0xffff;
	v6 =	vor.u32 $0x39, v1  }
0x5d7: {  	v42 =	vld.idx.msk [tilespmem:v38+s13+$0x0], $0xffff;
	v2 =	vadd.f32 v3, v2;
	v3 =	vmul.f32 v7, v37  }
0x5d8: {  	v43 =	vor.u32 $0x3A, v1;
	v7 =	vld.idx.msk [tilespmem:v38+s15+$0x0], $0xffff  }
0x5d9: {  	v44 =	vld.idx.msk [tilespmem:v40+s13+$0x0], $0xffff;
	v2 =	vadd.f32 v3, v2;
	v3 =	vmul.f32 v4, v39  }
0x5da: {  	v45 =	vor.u32 $0x3B, v1;
	v4 =	vld.idx.msk [tilespmem:v40+s15+$0x0], $0xffff  }
0x5db: {  	v46 =	vld.idx.msk [tilespmem:v6+s13+$0x0], $0xffff;
	v2 =	vadd.f32 v3, v2;
	v3 =	vmul.f32 v5, v41  }
0x5dc: {  	v5 =	vld.idx.msk [tilespmem:v6+s15+$0x0], $0xffff;
	v6 =	vor.u32 $0x3C, v1  }
0x5dd: {  	v47 =	vld.idx.msk [tilespmem:v43+s13+$0x0], $0xffff;
	v2 =	vadd.f32 v3, v2;
	v3 =	vmul.f32 v7, v42  }
0x5de: {  	v48 =	vor.u32 $0x3D, v1;
	v7 =	vld.idx.msk [tilespmem:v43+s15+$0x0], $0xffff  }
0x5df: {  	v49 =	vld.idx.msk [tilespmem:v45+s13+$0x0], $0xffff;
	v2 =	vadd.f32 v3, v2;
	v3 =	vmul.f32 v4, v44  }
0x5e0: {  	v50 =	vor.u32 $0x3E, v1;
	v4 =	vld.idx.msk [tilespmem:v45+s15+$0x0], $0xffff  }
0x5e1: {  	v51 =	vld.idx.msk [tilespmem:v6+s13+$0x0], $0xffff;
	v2 =	vadd.f32 v3, v2;
	v3 =	vmul.f32 v5, v46  }
0x5e2: {  	v5 =	vld.idx.msk [tilespmem:v6+s15+$0x0], $0xffff;
	v6 =	vor.u32 $0x3F, v1  }
0x5e3: {  	v52 =	vld.idx.msk [tilespmem:v48+s13+$0x0], $0xffff;
	v2 =	vadd.f32 v3, v2;
	v3 =	vmul.f32 v7, v47  }
0x5e4: {  	v53 =	vor.u32 $0x40, v1;
	v7 =	vld.idx.msk [tilespmem:v48+s15+$0x0], $0xffff  }
0x5e5: {  	v54 =	vld.idx.msk [tilespmem:v50+s13+$0x0], $0xffff;
	v2 =	vadd.f32 v3, v2;
	v3 =	vmul.f32 v4, v49  }
0x5e6: {  	v55 =	vor.u32 $0x41, v1;
	v4 =	vld.idx.msk [tilespmem:v50+s15+$0x0], $0xffff  }
0x5e7: {  	v56 =	vld.idx.msk [tilespmem:v6+s13+$0x0], $0xffff;
	v2 =	vadd.f32 v3, v2;
	v3 =	vmul.f32 v5, v51  }
0x5e8: {  	v5 =	vld.idx.msk [tilespmem:v6+s15+$0x0], $0xffff;
	v6 =	vor.u32 $0x42, v1  }
0x5e9: {  	v57 =	vld.idx.msk [tilespmem:v53+s13+$0x0], $0xffff;
	v2 =	vadd.f32 v3, v2;
	v3 =	vmul.f32 v7, v52  }
0x5ea: {  	v58 =	vor.u32 $0x43, v1;
	v7 =	vld.idx.msk [tilespmem:v53+s15+$0x0], $0xffff  }
0x5eb: {  	v59 =	vld.idx.msk [tilespmem:v55+s13+$0x0], $0xffff;
	v2 =	vadd.f32 v3, v2;
	v3 =	vmul.f32 v4, v54  }
0x5ec: {  	v60 =	vor.u32 $0x44, v1;
	v4 =	vld.idx.msk [tilespmem:v55+s15+$0x0], $0xffff  }
0x5ed: {  	v61 =	vld.idx.msk [tilespmem:v6+s13+$0x0], $0xffff;
	v2 =	vadd.f32 v3, v2;
	v3 =	vmul.f32 v5, v56  }
0x5ee: {  	v5 =	vld.idx.msk [tilespmem:v6+s15+$0x0], $0xffff;
	v6 =	vor.u32 $0x45, v1  }
0x5ef: {  	v62 =	vld.idx.msk [tilespmem:v58+s13+$0x0], $0xffff;
	v2 =	vadd.f32 v3, v2;
	v3 =	vmul.f32 v7, v57  }
0x5f0: {  	v63 =	vor.u32 $0x46, v1;
	v7 =	vld.idx.msk [tilespmem:v58+s15+$0x0], $0xffff  }
0x5f1: {  	v16 =	vld.idx.msk [tilespmem:v60+s13+$0x0], $0xffff;
	v2 =	vadd.f32 v3, v2;
	v3 =	vmul.f32 v4, v59  }
0x5f2: {  	v17 =	vor.u32 $0x47, v1;
	v4 =	vld.idx.msk [tilespmem:v60+s15+$0x0], $0xffff  }
0x5f3: {  	v18 =	vld.idx.msk [tilespmem:v6+s13+$0x0], $0xffff;
	v2 =	vadd.f32 v3, v2;
	v3 =	vmul.f32 v5, v61  }
0x5f4: {  	v5 =	vld.idx.msk [tilespmem:v6+s15+$0x0], $0xffff;
	v6 =	vor.u32 $0x48, v1  }
0x5f5: {  	v19 =	vld.idx.msk [tilespmem:v63+s13+$0x0], $0xffff;
	v2 =	vadd.f32 v3, v2;
	v3 =	vmul.f32 v7, v62  }
0x5f6: {  	v20 =	vor.u32 $0x49, v1;
	v7 =	vld.idx.msk [tilespmem:v63+s15+$0x0], $0xffff  }
0x5f7: {  	v21 =	vld.idx.msk [tilespmem:v17+s13+$0x0], $0xffff;
	v2 =	vadd.f32 v3, v2;
	v3 =	vmul.f32 v4, v16  }
0x5f8: {  	v22 =	vor.u32 $0x4A, v1;
	v4 =	vld.idx.msk [tilespmem:v17+s15+$0x0], $0xffff  }
0x5f9: {  	v23 =	vld.idx.msk [tilespmem:v6+s13+$0x0], $0xffff;
	v2 =	vadd.f32 v3, v2;
	v3 =	vmul.f32 v5, v18  }
0x5fa: {  	v5 =	vld.idx.msk [tilespmem:v6+s15+$0x0], $0xffff;
	v6 =	vor.u32 $0x4B, v1  }
0x5fb: {  	v24 =	vld.idx.msk [tilespmem:v20+s13+$0x0], $0xffff;
	v2 =	vadd.f32 v3, v2;
	v3 =	vmul.f32 v7, v19  }
0x5fc: {  	v25 =	vor.u32 $0x4C, v1;
	v7 =	vld.idx.msk [tilespmem:v20+s15+$0x0], $0xffff  }
0x5fd: {  	v26 =	vld.idx.msk [tilespmem:v22+s13+$0x0], $0xffff;
	v2 =	vadd.f32 v3, v2;
	v3 =	vmul.f32 v4, v21  }
0x5fe: {  	v27 =	vor.u32 $0x4D, v1;
	v4 =	vld.idx.msk [tilespmem:v22+s15+$0x0], $0xffff  }
0x5ff: {  	v28 =	vld.idx.msk [tilespmem:v6+s13+$0x0], $0xffff;
	v2 =	vadd.f32 v3, v2;
	v3 =	vmul.f32 v5, v23  }
0x600: {  	v5 =	vld.idx.msk [tilespmem:v6+s15+$0x0], $0xffff;
	v6 =	vor.u32 $0x4E, v1  }
0x601: {  	v29 =	vld.idx.msk [tilespmem:v25+s13+$0x0], $0xffff;
	v2 =	vadd.f32 v3, v2;
	v3 =	vmul.f32 v7, v24  }
0x602: {  	v30 =	vor.u32 $0x4F, v1;
	v7 =	vld.idx.msk [tilespmem:v25+s15+$0x0], $0xffff  }
0x603: {  	v31 =	vld.idx.msk [tilespmem:v27+s13+$0x0], $0xffff;
	v2 =	vadd.f32 v3, v2;
	v3 =	vmul.f32 v4, v26  }
0x604: {  	v32 =	vor.u32 $0x50, v1;
	v4 =	vld.idx.msk [tilespmem:v27+s15+$0x0], $0xffff  }
0x605: {  	v33 =	vld.idx.msk [tilespmem:v6+s13+$0x0], $0xffff;
	v2 =	vadd.f32 v3, v2;
	v3 =	vmul.f32 v5, v28  }
0x606: {  	v5 =	vld.idx.msk [tilespmem:v6+s15+$0x0], $0xffff;
	v6 =	vor.u32 $0x51, v1  }
0x607: {  	v34 =	vld.idx.msk [tilespmem:v30+s13+$0x0], $0xffff;
	v2 =	vadd.f32 v3, v2;
	v3 =	vmul.f32 v7, v29  }
0x608: {  	v35 =	vor.u32 $0x52, v1;
	v7 =	vld.idx.msk [tilespmem:v30+s15+$0x0], $0xffff  }
0x609: {  	v36 =	vld.idx.msk [tilespmem:v32+s13+$0x0], $0xffff;
	v2 =	vadd.f32 v3, v2;
	v3 =	vmul.f32 v4, v31  }
0x60a: {  	v37 =	vor.u32 $0x53, v1;
	v4 =	vld.idx.msk [tilespmem:v32+s15+$0x0], $0xffff  }
0x60b: {  	v38 =	vld.idx.msk [tilespmem:v6+s13+$0x0], $0xffff;
	v2 =	vadd.f32 v3, v2;
	v3 =	vmul.f32 v5, v33  }
0x60c: {  	v5 =	vld.idx.msk [tilespmem:v6+s15+$0x0], $0xffff;
	v6 =	vor.u32 $0x54, v1  }
0x60d: {  	v39 =	vld.idx.msk [tilespmem:v35+s13+$0x0], $0xffff;
	v2 =	vadd.f32 v3, v2;
	v3 =	vmul.f32 v7, v34  }
0x60e: {  	v40 =	vor.u32 $0x55, v1;
	v7 =	vld.idx.msk [tilespmem:v35+s15+$0x0], $0xffff  }
0x60f: {  	v41 =	vld.idx.msk [tilespmem:v37+s13+$0x0], $0xffff;
	v2 =	vadd.f32 v3, v2;
	v3 =	vmul.f32 v4, v36  }
0x610: {  	v42 =	vor.u32 $0x56, v1;
	v4 =	vld.idx.msk [tilespmem:v37+s15+$0x0], $0xffff  }
0x611: {  	v43 =	vld.idx.msk [tilespmem:v6+s13+$0x0], $0xffff;
	v2 =	vadd.f32 v3, v2;
	v3 =	vmul.f32 v5, v38  }
0x612: {  	v5 =	vld.idx.msk [tilespmem:v6+s15+$0x0], $0xffff;
	v6 =	vor.u32 $0x57, v1  }
0x613: {  	v44 =	vld.idx.msk [tilespmem:v40+s13+$0x0], $0xffff;
	v2 =	vadd.f32 v3, v2;
	v3 =	vmul.f32 v7, v39  }
0x614: {  	v45 =	vor.u32 $0x58, v1;
	v7 =	vld.idx.msk [tilespmem:v40+s15+$0x0], $0xffff  }
0x615: {  	v46 =	vld.idx.msk [tilespmem:v42+s13+$0x0], $0xffff;
	v2 =	vadd.f32 v3, v2;
	v3 =	vmul.f32 v4, v41  }
0x616: {  	v47 =	vor.u32 $0x59, v1;
	v4 =	vld.idx.msk [tilespmem:v42+s15+$0x0], $0xffff  }
0x617: {  	v48 =	vld.idx.msk [tilespmem:v6+s13+$0x0], $0xffff;
	v2 =	vadd.f32 v3, v2;
	v3 =	vmul.f32 v5, v43  }
0x618: {  	v5 =	vld.idx.msk [tilespmem:v6+s15+$0x0], $0xffff;
	v6 =	vor.u32 $0x5A, v1  }
0x619: {  	v49 =	vld.idx.msk [tilespmem:v45+s13+$0x0], $0xffff;
	v2 =	vadd.f32 v3, v2;
	v3 =	vmul.f32 v7, v44  }
0x61a: {  	v50 =	vor.u32 $0x5B, v1;
	v7 =	vld.idx.msk [tilespmem:v45+s15+$0x0], $0xffff  }
0x61b: {  	v51 =	vld.idx.msk [tilespmem:v47+s13+$0x0], $0xffff;
	v2 =	vadd.f32 v3, v2;
	v3 =	vmul.f32 v4, v46  }
0x61c: {  	v52 =	vor.u32 $0x5C, v1;
	v4 =	vld.idx.msk [tilespmem:v47+s15+$0x0], $0xffff  }
0x61d: {  	v53 =	vld.idx.msk [tilespmem:v6+s13+$0x0], $0xffff;
	v2 =	vadd.f32 v3, v2;
	v3 =	vmul.f32 v5, v48  }
0x61e: {  	v5 =	vld.idx.msk [tilespmem:v6+s15+$0x0], $0xffff;
	v6 =	vor.u32 $0x5D, v1  }
0x61f: {  	v54 =	vld.idx.msk [tilespmem:v50+s13+$0x0], $0xffff;
	v2 =	vadd.f32 v3, v2;
	v3 =	vmul.f32 v7, v49  }
0x620: {  	v55 =	vor.u32 $0x5E, v1;
	v7 =	vld.idx.msk [tilespmem:v50+s15+$0x0], $0xffff  }
0x621: {  	v56 =	vld.idx.msk [tilespmem:v52+s13+$0x0], $0xffff;
	v2 =	vadd.f32 v3, v2;
	v3 =	vmul.f32 v4, v51  }
0x622: {  	v57 =	vor.u32 $0x5F, v1;
	v4 =	vld.idx.msk [tilespmem:v52+s15+$0x0], $0xffff  }
0x623: {  	v58 =	vld.idx.msk [tilespmem:v6+s13+$0x0], $0xffff;
	v2 =	vadd.f32 v3, v2;
	v3 =	vmul.f32 v5, v53  }
0x624: {  	v5 =	vld.idx.msk [tilespmem:v6+s15+$0x0], $0xffff;
	v6 =	vor.u32 $0x60, v1  }
0x625: {  	v59 =	vld.idx.msk [tilespmem:v55+s13+$0x0], $0xffff;
	v2 =	vadd.f32 v3, v2;
	v3 =	vmul.f32 v7, v54  }
0x626: {  	v60 =	vor.u32 $0x61, v1;
	v7 =	vld.idx.msk [tilespmem:v55+s15+$0x0], $0xffff  }
0x627: {  	v61 =	vld.idx.msk [tilespmem:v57+s13+$0x0], $0xffff;
	v2 =	vadd.f32 v3, v2;
	v3 =	vmul.f32 v4, v56  }
0x628: {  	v62 =	vor.u32 $0x62, v1;
	v4 =	vld.idx.msk [tilespmem:v57+s15+$0x0], $0xffff  }
0x629: {  	v63 =	vld.idx.msk [tilespmem:v6+s13+$0x0], $0xffff;
	v2 =	vadd.f32 v3, v2;
	v3 =	vmul.f32 v5, v58  }
0x62a: {  	v5 =	vld.idx.msk [tilespmem:v6+s15+$0x0], $0xffff;
	v6 =	vor.u32 $0x63, v1  }
0x62b: {  	v16 =	vld.idx.msk [tilespmem:v60+s13+$0x0], $0xffff;
	v2 =	vadd.f32 v3, v2;
	v3 =	vmul.f32 v7, v59  }
0x62c: {  	v17 =	vor.u32 $0x64, v1;
	v7 =	vld.idx.msk [tilespmem:v60+s15+$0x0], $0xffff  }
0x62d: {  	v18 =	vld.idx.msk [tilespmem:v62+s13+$0x0], $0xffff;
	v2 =	vadd.f32 v3, v2;
	v3 =	vmul.f32 v4, v61  }
0x62e: {  	v19 =	vor.u32 $0x65, v1;
	v4 =	vld.idx.msk [tilespmem:v62+s15+$0x0], $0xffff  }
0x62f: {  	v20 =	vld.idx.msk [tilespmem:v6+s13+$0x0], $0xffff;
	v2 =	vadd.f32 v3, v2;
	v3 =	vmul.f32 v5, v63  }
0x630: {  	v5 =	vld.idx.msk [tilespmem:v6+s15+$0x0], $0xffff;
	v6 =	vor.u32 $0x66, v1  }
0x631: {  	v21 =	vld.idx.msk [tilespmem:v17+s13+$0x0], $0xffff;
	v2 =	vadd.f32 v3, v2;
	v3 =	vmul.f32 v7, v16  }
0x632: {  	v22 =	vor.u32 $0x67, v1;
	v7 =	vld.idx.msk [tilespmem:v17+s15+$0x0], $0xffff  }
0x633: {  	v23 =	vld.idx.msk [tilespmem:v19+s13+$0x0], $0xffff;
	v2 =	vadd.f32 v3, v2;
	v3 =	vmul.f32 v4, v18  }
0x634: {  	v24 =	vor.u32 $0x68, v1;
	v4 =	vld.idx.msk [tilespmem:v19+s15+$0x0], $0xffff  }
0x635: {  	v25 =	vld.idx.msk [tilespmem:v6+s13+$0x0], $0xffff;
	v2 =	vadd.f32 v3, v2;
	v3 =	vmul.f32 v5, v20  }
0x636: {  	v5 =	vld.idx.msk [tilespmem:v6+s15+$0x0], $0xffff;
	v6 =	vor.u32 $0x69, v1  }
0x637: {  	v26 =	vld.idx.msk [tilespmem:v22+s13+$0x0], $0xffff;
	v2 =	vadd.f32 v3, v2;
	v3 =	vmul.f32 v7, v21  }
0x638: {  	v27 =	vor.u32 $0x6A, v1;
	v7 =	vld.idx.msk [tilespmem:v22+s15+$0x0], $0xffff  }
0x639: {  	v28 =	vld.idx.msk [tilespmem:v24+s13+$0x0], $0xffff;
	v2 =	vadd.f32 v3, v2;
	v3 =	vmul.f32 v4, v23  }
0x63a: {  	v29 =	vor.u32 $0x6B, v1;
	v4 =	vld.idx.msk [tilespmem:v24+s15+$0x0], $0xffff  }
0x63b: {  	v30 =	vld.idx.msk [tilespmem:v6+s13+$0x0], $0xffff;
	v2 =	vadd.f32 v3, v2;
	v3 =	vmul.f32 v5, v25  }
0x63c: {  	v5 =	vld.idx.msk [tilespmem:v6+s15+$0x0], $0xffff;
	v6 =	vor.u32 $0x6C, v1  }
0x63d: {  	v31 =	vld.idx.msk [tilespmem:v27+s13+$0x0], $0xffff;
	v2 =	vadd.f32 v3, v2;
	v3 =	vmul.f32 v7, v26  }
0x63e: {  	v32 =	vor.u32 $0x6D, v1;
	v7 =	vld.idx.msk [tilespmem:v27+s15+$0x0], $0xffff  }
0x63f: {  	v33 =	vld.idx.msk [tilespmem:v29+s13+$0x0], $0xffff;
	v2 =	vadd.f32 v3, v2;
	v3 =	vmul.f32 v4, v28  }
0x640: {  	v34 =	vor.u32 $0x6E, v1;
	v4 =	vld.idx.msk [tilespmem:v29+s15+$0x0], $0xffff  }
0x641: {  	v35 =	vld.idx.msk [tilespmem:v6+s13+$0x0], $0xffff;
	v2 =	vadd.f32 v3, v2;
	v3 =	vmul.f32 v5, v30  }
0x642: {  	v5 =	vld.idx.msk [tilespmem:v6+s15+$0x0], $0xffff;
	v6 =	vor.u32 $0x6F, v1  }
0x643: {  	v36 =	vld.idx.msk [tilespmem:v32+s13+$0x0], $0xffff;
	v2 =	vadd.f32 v3, v2;
	v3 =	vmul.f32 v7, v31  }
0x644: {  	v37 =	vor.u32 $0x70, v1;
	v7 =	vld.idx.msk [tilespmem:v32+s15+$0x0], $0xffff  }
0x645: {  	v38 =	vld.idx.msk [tilespmem:v34+s13+$0x0], $0xffff;
	v2 =	vadd.f32 v3, v2;
	v3 =	vmul.f32 v4, v33  }
0x646: {  	v39 =	vor.u32 $0x71, v1;
	v4 =	vld.idx.msk [tilespmem:v34+s15+$0x0], $0xffff  }
0x647: {  	v40 =	vld.idx.msk [tilespmem:v6+s13+$0x0], $0xffff;
	v2 =	vadd.f32 v3, v2;
	v3 =	vmul.f32 v5, v35  }
0x648: {  	v5 =	vld.idx.msk [tilespmem:v6+s15+$0x0], $0xffff;
	v6 =	vor.u32 $0x72, v1  }
0x649: {  	v41 =	vld.idx.msk [tilespmem:v37+s13+$0x0], $0xffff;
	v2 =	vadd.f32 v3, v2;
	v3 =	vmul.f32 v7, v36  }
0x64a: {  	v42 =	vor.u32 $0x73, v1;
	v7 =	vld.idx.msk [tilespmem:v37+s15+$0x0], $0xffff  }
0x64b: {  	v43 =	vld.idx.msk [tilespmem:v39+s13+$0x0], $0xffff;
	v2 =	vadd.f32 v3, v2;
	v3 =	vmul.f32 v4, v38  }
0x64c: {  	v44 =	vor.u32 $0x74, v1;
	v4 =	vld.idx.msk [tilespmem:v39+s15+$0x0], $0xffff  }
0x64d: {  	v45 =	vld.idx.msk [tilespmem:v6+s13+$0x0], $0xffff;
	v2 =	vadd.f32 v3, v2;
	v3 =	vmul.f32 v5, v40  }
0x64e: {  	v5 =	vld.idx.msk [tilespmem:v6+s15+$0x0], $0xffff;
	v6 =	vor.u32 $0x75, v1  }
0x64f: {  	v46 =	vld.idx.msk [tilespmem:v42+s13+$0x0], $0xffff;
	v2 =	vadd.f32 v3, v2;
	v3 =	vmul.f32 v7, v41  }
0x650: {  	v47 =	vor.u32 $0x76, v1;
	v7 =	vld.idx.msk [tilespmem:v42+s15+$0x0], $0xffff  }
0x651: {  	v48 =	vld.idx.msk [tilespmem:v44+s13+$0x0], $0xffff;
	v2 =	vadd.f32 v3, v2;
	v3 =	vmul.f32 v4, v43  }
0x652: {  	v49 =	vor.u32 $0x77, v1;
	v4 =	vld.idx.msk [tilespmem:v44+s15+$0x0], $0xffff  }
0x653: {  	v50 =	vld.idx.msk [tilespmem:v6+s13+$0x0], $0xffff;
	v2 =	vadd.f32 v3, v2;
	v3 =	vmul.f32 v5, v45  }
0x654: {  	v5 =	vld.idx.msk [tilespmem:v6+s15+$0x0], $0xffff;
	v6 =	vor.u32 $0x78, v1  }
0x655: {  	v51 =	vld.idx.msk [tilespmem:v47+s13+$0x0], $0xffff;
	v2 =	vadd.f32 v3, v2;
	v3 =	vmul.f32 v7, v46  }
0x656: {  	v52 =	vor.u32 $0x79, v1;
	v7 =	vld.idx.msk [tilespmem:v47+s15+$0x0], $0xffff  }
0x657: {  	v53 =	vld.idx.msk [tilespmem:v49+s13+$0x0], $0xffff;
	v2 =	vadd.f32 v3, v2;
	v3 =	vmul.f32 v4, v48  }
0x658: {  	v54 =	vor.u32 $0x7A, v1;
	v4 =	vld.idx.msk [tilespmem:v49+s15+$0x0], $0xffff  }
0x659: {  	v55 =	vld.idx.msk [tilespmem:v6+s13+$0x0], $0xffff;
	v2 =	vadd.f32 v3, v2;
	v3 =	vmul.f32 v5, v50  }
0x65a: {  	v5 =	vld.idx.msk [tilespmem:v6+s15+$0x0], $0xffff;
	v6 =	vor.u32 $0x7B, v1  }
0x65b: {  	v56 =	vld.idx.msk [tilespmem:v52+s13+$0x0], $0xffff;
	v2 =	vadd.f32 v3, v2;
	v3 =	vmul.f32 v7, v51  }
0x65c: {  	v57 =	vor.u32 $0x7C, v1;
	v7 =	vld.idx.msk [tilespmem:v52+s15+$0x0], $0xffff  }
0x65d: {  	v58 =	vld.idx.msk [tilespmem:v54+s13+$0x0], $0xffff;
	v2 =	vadd.f32 v3, v2;
	v3 =	vmul.f32 v4, v53  }
0x65e: {  	v4 =	vld.idx.msk [tilespmem:v54+s15+$0x0], $0xffff  }
0x65f: {  	v60 =	vld.idx.msk [tilespmem:v6+s13+$0x0], $0xffff;
	v2 =	vadd.f32 v3, v2;
	v3 =	vmul.f32 v5, v55  }
0x660: {  	v59 =	vor.u32 $0x7D, v1;
	v5 =	vld.idx.msk [tilespmem:v6+s15+$0x0], $0xffff  }
0x661: {  	v61 =	vld.idx.msk [tilespmem:v57+s13+$0x0], $0xffff;
	v2 =	vadd.f32 v3, v2;
	v3 =	vmul.f32 v7, v56  }
0x662: {  	v6 =	vor.u32 $0x7E, v1;
	v7 =	vld.idx.msk [tilespmem:v57+s15+$0x0], $0xffff  }
0x663: {  	v2 =	vadd.f32 v3, v2;
	v3 =	vmul.f32 v4, v58  }
0x664: {  	v1 =	vor.u32 $0x7F, v1  }
0x665: {  	v62 =	vld.idx.msk [tilespmem:v59+s13+$0x0], $0xffff;
	v2 =	vadd.f32 v3, v2;
	v3 =	vmul.f32 v5, v60  }
0x666: {  	v4 =	vld.idx.msk [tilespmem:v59+s15+$0x0], $0xffff  }
0x667: {  	v63 =	vld.idx.msk [tilespmem:v6+s13+$0x0], $0xffff;
	v2 =	vadd.f32 v3, v2;
	v3 =	vmul.f32 v7, v61  }
0x668: {  	v5 =	vld.idx.msk [tilespmem:v6+s15+$0x0], $0xffff  }
0x669: {  	v6 =	vadd.f32 v3, v2;
	v2 =	vld.idx.msk [tilespmem:v1+s13+$0x0], $0xffff  }
0x66a: {  	v3 =	vld.idx.msk [tilespmem:v1+s15+$0x0], $0xffff  }
0x66b: {  	v4 =	vmul.f32 v4, v62  }
0x66c: {  	s31 =	simm.s32 $0x20  }
0x66d: {  	v7 =	vmov s31;
	v5 =	vmul.f32 v5, v63;
	v4 =	vadd.f32 v4, v6  }
0x66e: {  	s28 =	simm.s32 $0x30;
	s26 =	smov.u32 s22;
	v1 =	vshll.u32 v7, $0x7  }
.LBB2_7:
0x66f: {  	p0 =	sne.s32 s28, $0x40;
	v1 =	vor.u32 v0, v1;
	v4 =	vadd.f32 v5, v4;
	v2 =	vmul.f32 v3, v2;
	_ =	sdelay $0x1  }
0x670: {  	v3 =	vor.u32 $0x1, v1;
	v2 =	vadd.f32 v2, v4  }
0x671: {  	s26 =	sadd.s32 $0x10, s26  }
0x672: {  	v4 =	vor.u32 $0x2, v1;
	[tilespmem:s26+$0x0] =	vst v2  }
0x673: {  	v2 =	vld.idx.msk [tilespmem:v1+s15+$0x0], $0xffff  }
0x674: {  	v6 =	vor.u32 $0x3, v1;
	v5 =	vld.idx.msk [tilespmem:v1+s13+$0x0], $0xffff  }
0x675: {  	v7 =	vld.idx.msk [tilespmem:v3+s13+$0x0], $0xffff  }
0x676: {  	v8 =	vor.u32 $0x4, v1;
	v3 =	vld.idx.msk [tilespmem:v3+s15+$0x0], $0xffff  }
0x677: {  	v9 =	vld.idx.msk [tilespmem:v4+s13+$0x0], $0xffff  }
0x678: {  	v10 =	vor.u32 $0x5, v1;
	v4 =	vld.idx.msk [tilespmem:v4+s15+$0x0], $0xffff  }
0x679: {  	v11 =	vld.idx.msk [tilespmem:v6+s13+$0x0], $0xffff  }
0x67a: {  	v2 =	vmul.f32 v2, v5;
	v5 =	vld.idx.msk [tilespmem:v6+s15+$0x0], $0xffff;
	v6 =	vor.u32 $0x6, v1  }
0x67b: {  	v12 =	vld.idx.msk [tilespmem:v8+s13+$0x0], $0xffff  }
0x67c: {  	v2 =	vadd.f32 $0.0e+00, v2;
	v3 =	vmul.f32 v3, v7;
	v7 =	vld.idx.msk [tilespmem:v8+s15+$0x0], $0xffff;
	v8 =	vor.u32 $0x7, v1  }
0x67d: {  	v13 =	vld.idx.msk [tilespmem:v10+s13+$0x0], $0xffff  }
0x67e: {  	v2 =	vadd.f32 v3, v2;
	v3 =	vmul.f32 v4, v9;
	v9 =	vor.u32 $0x8, v1;
	v4 =	vld.idx.msk [tilespmem:v10+s15+$0x0], $0xffff  }
0x67f: {  	v10 =	vld.idx.msk [tilespmem:v6+s13+$0x0], $0xffff  }
0x680: {  	v2 =	vadd.f32 v3, v2;
	v3 =	vmul.f32 v5, v11;
	v5 =	vld.idx.msk [tilespmem:v6+s15+$0x0], $0xffff;
	v6 =	vor.u32 $0x9, v1  }
0x681: {  	v11 =	vld.idx.msk [tilespmem:v8+s13+$0x0], $0xffff  }
0x682: {  	v2 =	vadd.f32 v3, v2;
	v3 =	vmul.f32 v7, v12;
	v7 =	vld.idx.msk [tilespmem:v8+s15+$0x0], $0xffff;
	v8 =	vor.u32 $0xA, v1  }
0x683: {  	v12 =	vld.idx.msk [tilespmem:v9+s13+$0x0], $0xffff  }
0x684: {  	v2 =	vadd.f32 v3, v2;
	v3 =	vmul.f32 v4, v13;
	v4 =	vld.idx.msk [tilespmem:v9+s15+$0x0], $0xffff;
	v9 =	vor.u32 $0xB, v1  }
0x685: {  	v13 =	vld.idx.msk [tilespmem:v6+s13+$0x0], $0xffff  }
0x686: {  	v2 =	vadd.f32 v3, v2;
	v3 =	vmul.f32 v5, v10;
	v5 =	vld.idx.msk [tilespmem:v6+s15+$0x0], $0xffff;
	v6 =	vor.u32 $0xC, v1  }
0x687: {  	v10 =	vld.idx.msk [tilespmem:v8+s13+$0x0], $0xffff  }
0x688: {  	v2 =	vadd.f32 v3, v2;
	v3 =	vmul.f32 v7, v11;
	v7 =	vld.idx.msk [tilespmem:v8+s15+$0x0], $0xffff;
	v8 =	vor.u32 $0xD, v1  }
0x689: {  	v11 =	vld.idx.msk [tilespmem:v9+s13+$0x0], $0xffff  }
0x68a: {  	v2 =	vadd.f32 v3, v2;
	v3 =	vmul.f32 v4, v12;
	v4 =	vld.idx.msk [tilespmem:v9+s15+$0x0], $0xffff;
	v9 =	vor.u32 $0xE, v1  }
0x68b: {  	v12 =	vld.idx.msk [tilespmem:v6+s13+$0x0], $0xffff  }
0x68c: {  	v2 =	vadd.f32 v3, v2;
	v3 =	vmul.f32 v5, v13;
	v5 =	vld.idx.msk [tilespmem:v6+s15+$0x0], $0xffff;
	v6 =	vor.u32 $0xF, v1  }
0x68d: {  	v13 =	vld.idx.msk [tilespmem:v8+s13+$0x0], $0xffff  }
0x68e: {  	v2 =	vadd.f32 v3, v2;
	v3 =	vmul.f32 v7, v10;
	v7 =	vld.idx.msk [tilespmem:v8+s15+$0x0], $0xffff;
	v8 =	vor.u32 $0x10, v1  }
0x68f: {  	v10 =	vld.idx.msk [tilespmem:v9+s13+$0x0], $0xffff  }
0x690: {  	v2 =	vadd.f32 v3, v2;
	v3 =	vmul.f32 v4, v11;
	v4 =	vld.idx.msk [tilespmem:v9+s15+$0x0], $0xffff;
	v9 =	vor.u32 $0x11, v1  }
0x691: {  	v11 =	vld.idx.msk [tilespmem:v6+s13+$0x0], $0xffff  }
0x692: {  	v2 =	vadd.f32 v3, v2;
	v3 =	vmul.f32 v5, v12;
	v5 =	vld.idx.msk [tilespmem:v6+s15+$0x0], $0xffff;
	v6 =	vor.u32 $0x12, v1  }
0x693: {  	v12 =	vld.idx.msk [tilespmem:v8+s13+$0x0], $0xffff  }
0x694: {  	v2 =	vadd.f32 v3, v2;
	v3 =	vmul.f32 v7, v13;
	v7 =	vld.idx.msk [tilespmem:v8+s15+$0x0], $0xffff;
	v8 =	vor.u32 $0x13, v1  }
0x695: {  	v13 =	vld.idx.msk [tilespmem:v9+s13+$0x0], $0xffff  }
0x696: {  	v2 =	vadd.f32 v3, v2;
	v3 =	vmul.f32 v4, v10;
	v4 =	vld.idx.msk [tilespmem:v9+s15+$0x0], $0xffff;
	v9 =	vor.u32 $0x14, v1  }
0x697: {  	v10 =	vld.idx.msk [tilespmem:v6+s13+$0x0], $0xffff  }
0x698: {  	v2 =	vadd.f32 v3, v2;
	v3 =	vmul.f32 v5, v11;
	v5 =	vld.idx.msk [tilespmem:v6+s15+$0x0], $0xffff;
	v6 =	vor.u32 $0x15, v1  }
0x699: {  	v11 =	vld.idx.msk [tilespmem:v8+s13+$0x0], $0xffff  }
0x69a: {  	v2 =	vadd.f32 v3, v2;
	v3 =	vmul.f32 v7, v12;
	v7 =	vld.idx.msk [tilespmem:v8+s15+$0x0], $0xffff;
	v8 =	vor.u32 $0x16, v1  }
0x69b: {  	v12 =	vld.idx.msk [tilespmem:v9+s13+$0x0], $0xffff  }
0x69c: {  	v2 =	vadd.f32 v3, v2;
	v3 =	vmul.f32 v4, v13;
	v4 =	vld.idx.msk [tilespmem:v9+s15+$0x0], $0xffff;
	v9 =	vor.u32 $0x17, v1  }
0x69d: {  	v13 =	vld.idx.msk [tilespmem:v6+s13+$0x0], $0xffff  }
0x69e: {  	v2 =	vadd.f32 v3, v2;
	v3 =	vmul.f32 v5, v10;
	v5 =	vld.idx.msk [tilespmem:v6+s15+$0x0], $0xffff;
	v6 =	vor.u32 $0x18, v1  }
0x69f: {  	v10 =	vld.idx.msk [tilespmem:v8+s13+$0x0], $0xffff  }
0x6a0: {  	v2 =	vadd.f32 v3, v2;
	v3 =	vmul.f32 v7, v11;
	v7 =	vld.idx.msk [tilespmem:v8+s15+$0x0], $0xffff;
	v8 =	vor.u32 $0x19, v1  }
0x6a1: {  	v11 =	vld.idx.msk [tilespmem:v9+s13+$0x0], $0xffff  }
0x6a2: {  	v2 =	vadd.f32 v3, v2;
	v3 =	vmul.f32 v4, v12;
	v4 =	vld.idx.msk [tilespmem:v9+s15+$0x0], $0xffff;
	v9 =	vor.u32 $0x1A, v1  }
0x6a3: {  	v12 =	vld.idx.msk [tilespmem:v6+s13+$0x0], $0xffff  }
0x6a4: {  	v2 =	vadd.f32 v3, v2;
	v3 =	vmul.f32 v5, v13;
	v5 =	vld.idx.msk [tilespmem:v6+s15+$0x0], $0xffff;
	v6 =	vor.u32 $0x1B, v1  }
0x6a5: {  	v13 =	vld.idx.msk [tilespmem:v8+s13+$0x0], $0xffff  }
0x6a6: {  	v2 =	vadd.f32 v3, v2;
	v3 =	vmul.f32 v7, v10;
	v7 =	vld.idx.msk [tilespmem:v8+s15+$0x0], $0xffff;
	v8 =	vor.u32 $0x1C, v1  }
0x6a7: {  	v10 =	vld.idx.msk [tilespmem:v9+s13+$0x0], $0xffff  }
0x6a8: {  	v2 =	vadd.f32 v3, v2;
	v3 =	vmul.f32 v4, v11;
	v4 =	vld.idx.msk [tilespmem:v9+s15+$0x0], $0xffff;
	v9 =	vor.u32 $0x1D, v1  }
0x6a9: {  	v11 =	vld.idx.msk [tilespmem:v6+s13+$0x0], $0xffff  }
0x6aa: {  	v2 =	vadd.f32 v3, v2;
	v3 =	vmul.f32 v5, v12;
	v5 =	vld.idx.msk [tilespmem:v6+s15+$0x0], $0xffff;
	v6 =	vor.u32 $0x1E, v1  }
0x6ab: {  	v12 =	vld.idx.msk [tilespmem:v8+s13+$0x0], $0xffff  }
0x6ac: {  	v2 =	vadd.f32 v3, v2;
	v3 =	vmul.f32 v7, v13;
	v7 =	vld.idx.msk [tilespmem:v8+s15+$0x0], $0xffff;
	v8 =	vor.u32 $0x1F, v1  }
0x6ad: {  	v13 =	vld.idx.msk [tilespmem:v9+s13+$0x0], $0xffff  }
0x6ae: {  	v2 =	vadd.f32 v3, v2;
	v3 =	vmul.f32 v4, v10;
	v4 =	vld.idx.msk [tilespmem:v9+s15+$0x0], $0xffff;
	v9 =	vor.u32 $0x20, v1  }
0x6af: {  	v10 =	vld.idx.msk [tilespmem:v6+s13+$0x0], $0xffff  }
0x6b0: {  	v2 =	vadd.f32 v3, v2;
	v3 =	vmul.f32 v5, v11;
	v5 =	vld.idx.msk [tilespmem:v6+s15+$0x0], $0xffff;
	v6 =	vor.u32 $0x21, v1  }
0x6b1: {  	v11 =	vld.idx.msk [tilespmem:v8+s13+$0x0], $0xffff  }
0x6b2: {  	v2 =	vadd.f32 v3, v2;
	v3 =	vmul.f32 v7, v12;
	v7 =	vld.idx.msk [tilespmem:v8+s15+$0x0], $0xffff;
	v8 =	vor.u32 $0x22, v1  }
0x6b3: {  	v12 =	vld.idx.msk [tilespmem:v9+s13+$0x0], $0xffff  }
0x6b4: {  	v2 =	vadd.f32 v3, v2;
	v3 =	vmul.f32 v4, v13;
	v4 =	vld.idx.msk [tilespmem:v9+s15+$0x0], $0xffff;
	v9 =	vor.u32 $0x23, v1  }
0x6b5: {  	v13 =	vld.idx.msk [tilespmem:v6+s13+$0x0], $0xffff  }
0x6b6: {  	v2 =	vadd.f32 v3, v2;
	v3 =	vmul.f32 v5, v10;
	v5 =	vld.idx.msk [tilespmem:v6+s15+$0x0], $0xffff;
	v6 =	vor.u32 $0x24, v1  }
0x6b7: {  	v10 =	vld.idx.msk [tilespmem:v8+s13+$0x0], $0xffff  }
0x6b8: {  	v2 =	vadd.f32 v3, v2;
	v3 =	vmul.f32 v7, v11;
	v7 =	vld.idx.msk [tilespmem:v8+s15+$0x0], $0xffff;
	v8 =	vor.u32 $0x25, v1  }
0x6b9: {  	v11 =	vld.idx.msk [tilespmem:v9+s13+$0x0], $0xffff  }
0x6ba: {  	v2 =	vadd.f32 v3, v2;
	v3 =	vmul.f32 v4, v12;
	v4 =	vld.idx.msk [tilespmem:v9+s15+$0x0], $0xffff;
	v9 =	vor.u32 $0x26, v1  }
0x6bb: {  	v12 =	vld.idx.msk [tilespmem:v6+s13+$0x0], $0xffff  }
0x6bc: {  	v2 =	vadd.f32 v3, v2;
	v3 =	vmul.f32 v5, v13;
	v5 =	vld.idx.msk [tilespmem:v6+s15+$0x0], $0xffff;
	v6 =	vor.u32 $0x27, v1  }
0x6bd: {  	v13 =	vld.idx.msk [tilespmem:v8+s13+$0x0], $0xffff  }
0x6be: {  	v2 =	vadd.f32 v3, v2;
	v3 =	vmul.f32 v7, v10;
	v7 =	vld.idx.msk [tilespmem:v8+s15+$0x0], $0xffff;
	v8 =	vor.u32 $0x28, v1  }
0x6bf: {  	v10 =	vld.idx.msk [tilespmem:v9+s13+$0x0], $0xffff  }
0x6c0: {  	v2 =	vadd.f32 v3, v2;
	v3 =	vmul.f32 v4, v11;
	v4 =	vld.idx.msk [tilespmem:v9+s15+$0x0], $0xffff;
	v9 =	vor.u32 $0x29, v1  }
0x6c1: {  	v11 =	vld.idx.msk [tilespmem:v6+s13+$0x0], $0xffff  }
0x6c2: {  	v2 =	vadd.f32 v3, v2;
	v3 =	vmul.f32 v5, v12;
	v5 =	vld.idx.msk [tilespmem:v6+s15+$0x0], $0xffff;
	v6 =	vor.u32 $0x2A, v1  }
0x6c3: {  	v12 =	vld.idx.msk [tilespmem:v8+s13+$0x0], $0xffff  }
0x6c4: {  	v2 =	vadd.f32 v3, v2;
	v3 =	vmul.f32 v7, v13;
	v7 =	vld.idx.msk [tilespmem:v8+s15+$0x0], $0xffff;
	v8 =	vor.u32 $0x2B, v1  }
0x6c5: {  	v13 =	vld.idx.msk [tilespmem:v9+s13+$0x0], $0xffff  }
0x6c6: {  	v2 =	vadd.f32 v3, v2;
	v3 =	vmul.f32 v4, v10;
	v4 =	vld.idx.msk [tilespmem:v9+s15+$0x0], $0xffff;
	v9 =	vor.u32 $0x2C, v1  }
0x6c7: {  	v10 =	vld.idx.msk [tilespmem:v6+s13+$0x0], $0xffff  }
0x6c8: {  	v2 =	vadd.f32 v3, v2;
	v3 =	vmul.f32 v5, v11;
	v5 =	vld.idx.msk [tilespmem:v6+s15+$0x0], $0xffff;
	v6 =	vor.u32 $0x2D, v1  }
0x6c9: {  	v11 =	vld.idx.msk [tilespmem:v8+s13+$0x0], $0xffff  }
0x6ca: {  	v2 =	vadd.f32 v3, v2;
	v3 =	vmul.f32 v7, v12;
	v7 =	vld.idx.msk [tilespmem:v8+s15+$0x0], $0xffff;
	v8 =	vor.u32 $0x2E, v1  }
0x6cb: {  	v12 =	vld.idx.msk [tilespmem:v9+s13+$0x0], $0xffff  }
0x6cc: {  	v2 =	vadd.f32 v3, v2;
	v3 =	vmul.f32 v4, v13;
	v4 =	vld.idx.msk [tilespmem:v9+s15+$0x0], $0xffff;
	v9 =	vor.u32 $0x2F, v1  }
0x6cd: {  	v13 =	vld.idx.msk [tilespmem:v6+s13+$0x0], $0xffff  }
0x6ce: {  	v2 =	vadd.f32 v3, v2;
	v3 =	vmul.f32 v5, v10;
	v5 =	vld.idx.msk [tilespmem:v6+s15+$0x0], $0xffff;
	v6 =	vor.u32 $0x30, v1  }
0x6cf: {  	v10 =	vld.idx.msk [tilespmem:v8+s13+$0x0], $0xffff  }
0x6d0: {  	v2 =	vadd.f32 v3, v2;
	v3 =	vmul.f32 v7, v11;
	v7 =	vld.idx.msk [tilespmem:v8+s15+$0x0], $0xffff;
	v8 =	vor.u32 $0x31, v1  }
0x6d1: {  	v11 =	vld.idx.msk [tilespmem:v9+s13+$0x0], $0xffff  }
0x6d2: {  	v2 =	vadd.f32 v3, v2;
	v3 =	vmul.f32 v4, v12;
	v4 =	vld.idx.msk [tilespmem:v9+s15+$0x0], $0xffff;
	v9 =	vor.u32 $0x32, v1  }
0x6d3: {  	v12 =	vld.idx.msk [tilespmem:v6+s13+$0x0], $0xffff  }
0x6d4: {  	v2 =	vadd.f32 v3, v2;
	v3 =	vmul.f32 v5, v13;
	v5 =	vld.idx.msk [tilespmem:v6+s15+$0x0], $0xffff;
	v6 =	vor.u32 $0x33, v1  }
0x6d5: {  	v13 =	vld.idx.msk [tilespmem:v8+s13+$0x0], $0xffff  }
0x6d6: {  	v2 =	vadd.f32 v3, v2;
	v3 =	vmul.f32 v7, v10;
	v7 =	vld.idx.msk [tilespmem:v8+s15+$0x0], $0xffff;
	v8 =	vor.u32 $0x34, v1  }
0x6d7: {  	v10 =	vld.idx.msk [tilespmem:v9+s13+$0x0], $0xffff  }
0x6d8: {  	v2 =	vadd.f32 v3, v2;
	v3 =	vmul.f32 v4, v11;
	v4 =	vld.idx.msk [tilespmem:v9+s15+$0x0], $0xffff;
	v9 =	vor.u32 $0x35, v1  }
0x6d9: {  	v11 =	vld.idx.msk [tilespmem:v6+s13+$0x0], $0xffff  }
0x6da: {  	v2 =	vadd.f32 v3, v2;
	v3 =	vmul.f32 v5, v12;
	v5 =	vld.idx.msk [tilespmem:v6+s15+$0x0], $0xffff;
	v6 =	vor.u32 $0x36, v1  }
0x6db: {  	v12 =	vld.idx.msk [tilespmem:v8+s13+$0x0], $0xffff  }
0x6dc: {  	v2 =	vadd.f32 v3, v2;
	v3 =	vmul.f32 v7, v13;
	v7 =	vld.idx.msk [tilespmem:v8+s15+$0x0], $0xffff;
	v8 =	vor.u32 $0x37, v1  }
0x6dd: {  	v13 =	vld.idx.msk [tilespmem:v9+s13+$0x0], $0xffff  }
0x6de: {  	v2 =	vadd.f32 v3, v2;
	v3 =	vmul.f32 v4, v10;
	v4 =	vld.idx.msk [tilespmem:v9+s15+$0x0], $0xffff;
	v9 =	vor.u32 $0x38, v1  }
0x6df: {  	v10 =	vld.idx.msk [tilespmem:v6+s13+$0x0], $0xffff  }
0x6e0: {  	v2 =	vadd.f32 v3, v2;
	v3 =	vmul.f32 v5, v11;
	v5 =	vld.idx.msk [tilespmem:v6+s15+$0x0], $0xffff;
	v6 =	vor.u32 $0x39, v1  }
0x6e1: {  	v11 =	vld.idx.msk [tilespmem:v8+s13+$0x0], $0xffff  }
0x6e2: {  	v2 =	vadd.f32 v3, v2;
	v3 =	vmul.f32 v7, v12;
	v7 =	vld.idx.msk [tilespmem:v8+s15+$0x0], $0xffff;
	v8 =	vor.u32 $0x3A, v1  }
0x6e3: {  	v12 =	vld.idx.msk [tilespmem:v9+s13+$0x0], $0xffff  }
0x6e4: {  	v2 =	vadd.f32 v3, v2;
	v3 =	vmul.f32 v4, v13;
	v4 =	vld.idx.msk [tilespmem:v9+s15+$0x0], $0xffff;
	v9 =	vor.u32 $0x3B, v1  }
0x6e5: {  	v13 =	vld.idx.msk [tilespmem:v6+s13+$0x0], $0xffff  }
0x6e6: {  	v2 =	vadd.f32 v3, v2;
	v3 =	vmul.f32 v5, v10;
	v5 =	vld.idx.msk [tilespmem:v6+s15+$0x0], $0xffff;
	v6 =	vor.u32 $0x3C, v1  }
0x6e7: {  	v10 =	vld.idx.msk [tilespmem:v8+s13+$0x0], $0xffff  }
0x6e8: {  	v2 =	vadd.f32 v3, v2;
	v3 =	vmul.f32 v7, v11;
	v7 =	vld.idx.msk [tilespmem:v8+s15+$0x0], $0xffff;
	v8 =	vor.u32 $0x3D, v1  }
0x6e9: {  	v11 =	vld.idx.msk [tilespmem:v9+s13+$0x0], $0xffff  }
0x6ea: {  	v2 =	vadd.f32 v3, v2;
	v3 =	vmul.f32 v4, v12;
	v4 =	vld.idx.msk [tilespmem:v9+s15+$0x0], $0xffff;
	v9 =	vor.u32 $0x3E, v1  }
0x6eb: {  	v12 =	vld.idx.msk [tilespmem:v6+s13+$0x0], $0xffff  }
0x6ec: {  	v2 =	vadd.f32 v3, v2;
	v3 =	vmul.f32 v5, v13;
	v5 =	vld.idx.msk [tilespmem:v6+s15+$0x0], $0xffff;
	v6 =	vor.u32 $0x3F, v1  }
0x6ed: {  	v13 =	vld.idx.msk [tilespmem:v8+s13+$0x0], $0xffff  }
0x6ee: {  	v2 =	vadd.f32 v3, v2;
	v3 =	vmul.f32 v7, v10;
	v7 =	vld.idx.msk [tilespmem:v8+s15+$0x0], $0xffff;
	v8 =	vor.u32 $0x40, v1  }
0x6ef: {  	v10 =	vld.idx.msk [tilespmem:v9+s13+$0x0], $0xffff  }
0x6f0: {  	v2 =	vadd.f32 v3, v2;
	v3 =	vmul.f32 v4, v11;
	v4 =	vld.idx.msk [tilespmem:v9+s15+$0x0], $0xffff;
	v9 =	vor.u32 $0x41, v1  }
0x6f1: {  	v11 =	vld.idx.msk [tilespmem:v6+s13+$0x0], $0xffff  }
0x6f2: {  	v2 =	vadd.f32 v3, v2;
	v3 =	vmul.f32 v5, v12;
	v5 =	vld.idx.msk [tilespmem:v6+s15+$0x0], $0xffff;
	v6 =	vor.u32 $0x42, v1  }
0x6f3: {  	v12 =	vld.idx.msk [tilespmem:v8+s13+$0x0], $0xffff  }
0x6f4: {  	v2 =	vadd.f32 v3, v2;
	v3 =	vmul.f32 v7, v13;
	v7 =	vld.idx.msk [tilespmem:v8+s15+$0x0], $0xffff;
	v8 =	vor.u32 $0x43, v1  }
0x6f5: {  	v13 =	vld.idx.msk [tilespmem:v9+s13+$0x0], $0xffff  }
0x6f6: {  	v2 =	vadd.f32 v3, v2;
	v3 =	vmul.f32 v4, v10;
	v4 =	vld.idx.msk [tilespmem:v9+s15+$0x0], $0xffff;
	v9 =	vor.u32 $0x44, v1  }
0x6f7: {  	v10 =	vld.idx.msk [tilespmem:v6+s13+$0x0], $0xffff  }
0x6f8: {  	v2 =	vadd.f32 v3, v2;
	v3 =	vmul.f32 v5, v11;
	v5 =	vld.idx.msk [tilespmem:v6+s15+$0x0], $0xffff;
	v6 =	vor.u32 $0x45, v1  }
0x6f9: {  	v11 =	vld.idx.msk [tilespmem:v8+s13+$0x0], $0xffff  }
0x6fa: {  	v2 =	vadd.f32 v3, v2;
	v3 =	vmul.f32 v7, v12;
	v7 =	vld.idx.msk [tilespmem:v8+s15+$0x0], $0xffff;
	v8 =	vor.u32 $0x46, v1  }
0x6fb: {  	v12 =	vld.idx.msk [tilespmem:v9+s13+$0x0], $0xffff  }
0x6fc: {  	v2 =	vadd.f32 v3, v2;
	v3 =	vmul.f32 v4, v13;
	v4 =	vld.idx.msk [tilespmem:v9+s15+$0x0], $0xffff;
	v9 =	vor.u32 $0x47, v1  }
0x6fd: {  	v13 =	vld.idx.msk [tilespmem:v6+s13+$0x0], $0xffff  }
0x6fe: {  	v2 =	vadd.f32 v3, v2;
	v3 =	vmul.f32 v5, v10;
	v5 =	vld.idx.msk [tilespmem:v6+s15+$0x0], $0xffff;
	v6 =	vor.u32 $0x48, v1  }
0x6ff: {  	v10 =	vld.idx.msk [tilespmem:v8+s13+$0x0], $0xffff  }
0x700: {  	v2 =	vadd.f32 v3, v2;
	v3 =	vmul.f32 v7, v11;
	v7 =	vld.idx.msk [tilespmem:v8+s15+$0x0], $0xffff;
	v8 =	vor.u32 $0x49, v1  }
0x701: {  	v11 =	vld.idx.msk [tilespmem:v9+s13+$0x0], $0xffff  }
0x702: {  	v2 =	vadd.f32 v3, v2;
	v3 =	vmul.f32 v4, v12;
	v4 =	vld.idx.msk [tilespmem:v9+s15+$0x0], $0xffff;
	v9 =	vor.u32 $0x4A, v1  }
0x703: {  	v12 =	vld.idx.msk [tilespmem:v6+s13+$0x0], $0xffff  }
0x704: {  	v2 =	vadd.f32 v3, v2;
	v3 =	vmul.f32 v5, v13;
	v5 =	vld.idx.msk [tilespmem:v6+s15+$0x0], $0xffff;
	v6 =	vor.u32 $0x4B, v1  }
0x705: {  	v13 =	vld.idx.msk [tilespmem:v8+s13+$0x0], $0xffff  }
0x706: {  	v2 =	vadd.f32 v3, v2;
	v3 =	vmul.f32 v7, v10;
	v7 =	vld.idx.msk [tilespmem:v8+s15+$0x0], $0xffff;
	v8 =	vor.u32 $0x4C, v1  }
0x707: {  	v10 =	vld.idx.msk [tilespmem:v9+s13+$0x0], $0xffff  }
0x708: {  	v2 =	vadd.f32 v3, v2;
	v3 =	vmul.f32 v4, v11;
	v4 =	vld.idx.msk [tilespmem:v9+s15+$0x0], $0xffff;
	v9 =	vor.u32 $0x4D, v1  }
0x709: {  	v11 =	vld.idx.msk [tilespmem:v6+s13+$0x0], $0xffff  }
0x70a: {  	v2 =	vadd.f32 v3, v2;
	v3 =	vmul.f32 v5, v12;
	v5 =	vld.idx.msk [tilespmem:v6+s15+$0x0], $0xffff;
	v6 =	vor.u32 $0x4E, v1  }
0x70b: {  	v12 =	vld.idx.msk [tilespmem:v8+s13+$0x0], $0xffff  }
0x70c: {  	v2 =	vadd.f32 v3, v2;
	v3 =	vmul.f32 v7, v13;
	v7 =	vld.idx.msk [tilespmem:v8+s15+$0x0], $0xffff;
	v8 =	vor.u32 $0x4F, v1  }
0x70d: {  	v13 =	vld.idx.msk [tilespmem:v9+s13+$0x0], $0xffff  }
0x70e: {  	v2 =	vadd.f32 v3, v2;
	v3 =	vmul.f32 v4, v10;
	v4 =	vld.idx.msk [tilespmem:v9+s15+$0x0], $0xffff;
	v9 =	vor.u32 $0x50, v1  }
0x70f: {  	v10 =	vld.idx.msk [tilespmem:v6+s13+$0x0], $0xffff  }
0x710: {  	v2 =	vadd.f32 v3, v2;
	v3 =	vmul.f32 v5, v11;
	v5 =	vld.idx.msk [tilespmem:v6+s15+$0x0], $0xffff;
	v6 =	vor.u32 $0x51, v1  }
0x711: {  	v11 =	vld.idx.msk [tilespmem:v8+s13+$0x0], $0xffff  }
0x712: {  	v2 =	vadd.f32 v3, v2;
	v3 =	vmul.f32 v7, v12;
	v7 =	vld.idx.msk [tilespmem:v8+s15+$0x0], $0xffff;
	v8 =	vor.u32 $0x52, v1  }
0x713: {  	v12 =	vld.idx.msk [tilespmem:v9+s13+$0x0], $0xffff  }
0x714: {  	v2 =	vadd.f32 v3, v2;
	v3 =	vmul.f32 v4, v13;
	v4 =	vld.idx.msk [tilespmem:v9+s15+$0x0], $0xffff;
	v9 =	vor.u32 $0x53, v1  }
0x715: {  	v13 =	vld.idx.msk [tilespmem:v6+s13+$0x0], $0xffff  }
0x716: {  	v2 =	vadd.f32 v3, v2;
	v3 =	vmul.f32 v5, v10;
	v5 =	vld.idx.msk [tilespmem:v6+s15+$0x0], $0xffff;
	v6 =	vor.u32 $0x54, v1  }
0x717: {  	v10 =	vld.idx.msk [tilespmem:v8+s13+$0x0], $0xffff  }
0x718: {  	v2 =	vadd.f32 v3, v2;
	v3 =	vmul.f32 v7, v11;
	v7 =	vld.idx.msk [tilespmem:v8+s15+$0x0], $0xffff;
	v8 =	vor.u32 $0x55, v1  }
0x719: {  	v11 =	vld.idx.msk [tilespmem:v9+s13+$0x0], $0xffff  }
0x71a: {  	v2 =	vadd.f32 v3, v2;
	v3 =	vmul.f32 v4, v12;
	v4 =	vld.idx.msk [tilespmem:v9+s15+$0x0], $0xffff;
	v9 =	vor.u32 $0x56, v1  }
0x71b: {  	v12 =	vld.idx.msk [tilespmem:v6+s13+$0x0], $0xffff  }
0x71c: {  	v2 =	vadd.f32 v3, v2;
	v3 =	vmul.f32 v5, v13;
	v5 =	vld.idx.msk [tilespmem:v6+s15+$0x0], $0xffff;
	v6 =	vor.u32 $0x57, v1  }
0x71d: {  	v13 =	vld.idx.msk [tilespmem:v8+s13+$0x0], $0xffff  }
0x71e: {  	v2 =	vadd.f32 v3, v2;
	v3 =	vmul.f32 v7, v10;
	v7 =	vld.idx.msk [tilespmem:v8+s15+$0x0], $0xffff;
	v8 =	vor.u32 $0x58, v1  }
0x71f: {  	v10 =	vld.idx.msk [tilespmem:v9+s13+$0x0], $0xffff  }
0x720: {  	v2 =	vadd.f32 v3, v2;
	v3 =	vmul.f32 v4, v11;
	v4 =	vld.idx.msk [tilespmem:v9+s15+$0x0], $0xffff;
	v9 =	vor.u32 $0x59, v1  }
0x721: {  	v11 =	vld.idx.msk [tilespmem:v6+s13+$0x0], $0xffff  }
0x722: {  	v2 =	vadd.f32 v3, v2;
	v3 =	vmul.f32 v5, v12;
	v5 =	vld.idx.msk [tilespmem:v6+s15+$0x0], $0xffff;
	v6 =	vor.u32 $0x5A, v1  }
0x723: {  	v12 =	vld.idx.msk [tilespmem:v8+s13+$0x0], $0xffff  }
0x724: {  	v2 =	vadd.f32 v3, v2;
	v3 =	vmul.f32 v7, v13;
	v7 =	vld.idx.msk [tilespmem:v8+s15+$0x0], $0xffff;
	v8 =	vor.u32 $0x5B, v1  }
0x725: {  	v13 =	vld.idx.msk [tilespmem:v9+s13+$0x0], $0xffff  }
0x726: {  	v2 =	vadd.f32 v3, v2;
	v3 =	vmul.f32 v4, v10;
	v4 =	vld.idx.msk [tilespmem:v9+s15+$0x0], $0xffff;
	v9 =	vor.u32 $0x5C, v1  }
0x727: {  	v10 =	vld.idx.msk [tilespmem:v6+s13+$0x0], $0xffff  }
0x728: {  	v2 =	vadd.f32 v3, v2;
	v3 =	vmul.f32 v5, v11;
	v5 =	vld.idx.msk [tilespmem:v6+s15+$0x0], $0xffff;
	v6 =	vor.u32 $0x5D, v1  }
0x729: {  	v11 =	vld.idx.msk [tilespmem:v8+s13+$0x0], $0xffff  }
0x72a: {  	v2 =	vadd.f32 v3, v2;
	v3 =	vmul.f32 v7, v12;
	v7 =	vld.idx.msk [tilespmem:v8+s15+$0x0], $0xffff;
	v8 =	vor.u32 $0x5E, v1  }
0x72b: {  	v12 =	vld.idx.msk [tilespmem:v9+s13+$0x0], $0xffff  }
0x72c: {  	v2 =	vadd.f32 v3, v2;
	v3 =	vmul.f32 v4, v13;
	v4 =	vld.idx.msk [tilespmem:v9+s15+$0x0], $0xffff;
	v9 =	vor.u32 $0x5F, v1  }
0x72d: {  	v13 =	vld.idx.msk [tilespmem:v6+s13+$0x0], $0xffff  }
0x72e: {  	v2 =	vadd.f32 v3, v2;
	v3 =	vmul.f32 v5, v10;
	v5 =	vld.idx.msk [tilespmem:v6+s15+$0x0], $0xffff;
	v6 =	vor.u32 $0x60, v1  }
0x72f: {  	v10 =	vld.idx.msk [tilespmem:v8+s13+$0x0], $0xffff  }
0x730: {  	v2 =	vadd.f32 v3, v2;
	v3 =	vmul.f32 v7, v11;
	v7 =	vld.idx.msk [tilespmem:v8+s15+$0x0], $0xffff;
	v8 =	vor.u32 $0x61, v1  }
0x731: {  	v11 =	vld.idx.msk [tilespmem:v9+s13+$0x0], $0xffff  }
0x732: {  	v2 =	vadd.f32 v3, v2;
	v3 =	vmul.f32 v4, v12;
	v4 =	vld.idx.msk [tilespmem:v9+s15+$0x0], $0xffff;
	v9 =	vor.u32 $0x62, v1  }
0x733: {  	v12 =	vld.idx.msk [tilespmem:v6+s13+$0x0], $0xffff  }
0x734: {  	v2 =	vadd.f32 v3, v2;
	v3 =	vmul.f32 v5, v13;
	v5 =	vld.idx.msk [tilespmem:v6+s15+$0x0], $0xffff;
	v6 =	vor.u32 $0x63, v1  }
0x735: {  	v13 =	vld.idx.msk [tilespmem:v8+s13+$0x0], $0xffff  }
0x736: {  	v2 =	vadd.f32 v3, v2;
	v3 =	vmul.f32 v7, v10;
	v7 =	vld.idx.msk [tilespmem:v8+s15+$0x0], $0xffff;
	v8 =	vor.u32 $0x64, v1  }
0x737: {  	v10 =	vld.idx.msk [tilespmem:v9+s13+$0x0], $0xffff  }
0x738: {  	v2 =	vadd.f32 v3, v2;
	v3 =	vmul.f32 v4, v11;
	v4 =	vld.idx.msk [tilespmem:v9+s15+$0x0], $0xffff;
	v9 =	vor.u32 $0x65, v1  }
0x739: {  	v11 =	vld.idx.msk [tilespmem:v6+s13+$0x0], $0xffff  }
0x73a: {  	v2 =	vadd.f32 v3, v2;
	v3 =	vmul.f32 v5, v12;
	v5 =	vld.idx.msk [tilespmem:v6+s15+$0x0], $0xffff;
	v6 =	vor.u32 $0x66, v1  }
0x73b: {  	v12 =	vld.idx.msk [tilespmem:v8+s13+$0x0], $0xffff  }
0x73c: {  	v2 =	vadd.f32 v3, v2;
	v3 =	vmul.f32 v7, v13;
	v7 =	vld.idx.msk [tilespmem:v8+s15+$0x0], $0xffff;
	v8 =	vor.u32 $0x67, v1  }
0x73d: {  	v13 =	vld.idx.msk [tilespmem:v9+s13+$0x0], $0xffff  }
0x73e: {  	v2 =	vadd.f32 v3, v2;
	v3 =	vmul.f32 v4, v10;
	v4 =	vld.idx.msk [tilespmem:v9+s15+$0x0], $0xffff;
	v9 =	vor.u32 $0x68, v1  }
0x73f: {  	v10 =	vld.idx.msk [tilespmem:v6+s13+$0x0], $0xffff  }
0x740: {  	v2 =	vadd.f32 v3, v2;
	v3 =	vmul.f32 v5, v11;
	v5 =	vld.idx.msk [tilespmem:v6+s15+$0x0], $0xffff;
	v6 =	vor.u32 $0x69, v1  }
0x741: {  	v11 =	vld.idx.msk [tilespmem:v8+s13+$0x0], $0xffff  }
0x742: {  	v2 =	vadd.f32 v3, v2;
	v3 =	vmul.f32 v7, v12;
	v7 =	vld.idx.msk [tilespmem:v8+s15+$0x0], $0xffff;
	v8 =	vor.u32 $0x6A, v1  }
0x743: {  	v12 =	vld.idx.msk [tilespmem:v9+s13+$0x0], $0xffff  }
0x744: {  	v2 =	vadd.f32 v3, v2;
	v3 =	vmul.f32 v4, v13;
	v4 =	vld.idx.msk [tilespmem:v9+s15+$0x0], $0xffff;
	v9 =	vor.u32 $0x6B, v1  }
0x745: {  	v13 =	vld.idx.msk [tilespmem:v6+s13+$0x0], $0xffff  }
0x746: {  	v2 =	vadd.f32 v3, v2;
	v3 =	vmul.f32 v5, v10;
	v5 =	vld.idx.msk [tilespmem:v6+s15+$0x0], $0xffff;
	v6 =	vor.u32 $0x6C, v1  }
0x747: {  	v10 =	vld.idx.msk [tilespmem:v8+s13+$0x0], $0xffff  }
0x748: {  	v2 =	vadd.f32 v3, v2;
	v3 =	vmul.f32 v7, v11;
	v7 =	vld.idx.msk [tilespmem:v8+s15+$0x0], $0xffff;
	v8 =	vor.u32 $0x6D, v1  }
0x749: {  	v11 =	vld.idx.msk [tilespmem:v9+s13+$0x0], $0xffff  }
0x74a: {  	v2 =	vadd.f32 v3, v2;
	v3 =	vmul.f32 v4, v12;
	v4 =	vld.idx.msk [tilespmem:v9+s15+$0x0], $0xffff;
	v9 =	vor.u32 $0x6E, v1  }
0x74b: {  	v12 =	vld.idx.msk [tilespmem:v6+s13+$0x0], $0xffff  }
0x74c: {  	v2 =	vadd.f32 v3, v2;
	v3 =	vmul.f32 v5, v13;
	v5 =	vld.idx.msk [tilespmem:v6+s15+$0x0], $0xffff;
	v6 =	vor.u32 $0x6F, v1  }
0x74d: {  	v13 =	vld.idx.msk [tilespmem:v8+s13+$0x0], $0xffff  }
0x74e: {  	v2 =	vadd.f32 v3, v2;
	v3 =	vmul.f32 v7, v10;
	v7 =	vld.idx.msk [tilespmem:v8+s15+$0x0], $0xffff;
	v8 =	vor.u32 $0x70, v1  }
0x74f: {  	v10 =	vld.idx.msk [tilespmem:v9+s13+$0x0], $0xffff  }
0x750: {  	v2 =	vadd.f32 v3, v2;
	v3 =	vmul.f32 v4, v11;
	v4 =	vld.idx.msk [tilespmem:v9+s15+$0x0], $0xffff;
	v9 =	vor.u32 $0x71, v1  }
0x751: {  	v11 =	vld.idx.msk [tilespmem:v6+s13+$0x0], $0xffff  }
0x752: {  	v2 =	vadd.f32 v3, v2;
	v3 =	vmul.f32 v5, v12;
	v5 =	vld.idx.msk [tilespmem:v6+s15+$0x0], $0xffff;
	v6 =	vor.u32 $0x72, v1  }
0x753: {  	v12 =	vld.idx.msk [tilespmem:v8+s13+$0x0], $0xffff  }
0x754: {  	v2 =	vadd.f32 v3, v2;
	v3 =	vmul.f32 v7, v13;
	v7 =	vld.idx.msk [tilespmem:v8+s15+$0x0], $0xffff;
	v8 =	vor.u32 $0x73, v1  }
0x755: {  	v13 =	vld.idx.msk [tilespmem:v9+s13+$0x0], $0xffff  }
0x756: {  	v2 =	vadd.f32 v3, v2;
	v3 =	vmul.f32 v4, v10;
	v4 =	vld.idx.msk [tilespmem:v9+s15+$0x0], $0xffff;
	v9 =	vor.u32 $0x74, v1  }
0x757: {  	v10 =	vld.idx.msk [tilespmem:v6+s13+$0x0], $0xffff  }
0x758: {  	v2 =	vadd.f32 v3, v2;
	v3 =	vmul.f32 v5, v11;
	v5 =	vld.idx.msk [tilespmem:v6+s15+$0x0], $0xffff;
	v6 =	vor.u32 $0x75, v1  }
0x759: {  	v11 =	vld.idx.msk [tilespmem:v8+s13+$0x0], $0xffff  }
0x75a: {  	v2 =	vadd.f32 v3, v2;
	v3 =	vmul.f32 v7, v12;
	v7 =	vld.idx.msk [tilespmem:v8+s15+$0x0], $0xffff;
	v8 =	vor.u32 $0x76, v1  }
0x75b: {  	v12 =	vld.idx.msk [tilespmem:v9+s13+$0x0], $0xffff  }
0x75c: {  	v2 =	vadd.f32 v3, v2;
	v3 =	vmul.f32 v4, v13;
	v4 =	vld.idx.msk [tilespmem:v9+s15+$0x0], $0xffff;
	v9 =	vor.u32 $0x77, v1  }
0x75d: {  	v13 =	vld.idx.msk [tilespmem:v6+s13+$0x0], $0xffff  }
0x75e: {  	v2 =	vadd.f32 v3, v2;
	v3 =	vmul.f32 v5, v10;
	v5 =	vld.idx.msk [tilespmem:v6+s15+$0x0], $0xffff;
	v6 =	vor.u32 $0x78, v1  }
0x75f: {  	v10 =	vld.idx.msk [tilespmem:v8+s13+$0x0], $0xffff  }
0x760: {  	v2 =	vadd.f32 v3, v2;
	v3 =	vmul.f32 v7, v11;
	v7 =	vld.idx.msk [tilespmem:v8+s15+$0x0], $0xffff;
	v8 =	vor.u32 $0x79, v1  }
0x761: {  	v11 =	vld.idx.msk [tilespmem:v9+s13+$0x0], $0xffff  }
0x762: {  	v2 =	vadd.f32 v3, v2;
	v3 =	vmul.f32 v4, v12;
	v4 =	vld.idx.msk [tilespmem:v9+s15+$0x0], $0xffff;
	v9 =	vor.u32 $0x7A, v1  }
0x763: {  	v12 =	vld.idx.msk [tilespmem:v6+s13+$0x0], $0xffff  }
0x764: {  	v2 =	vadd.f32 v3, v2;
	v3 =	vmul.f32 v5, v13;
	v5 =	vld.idx.msk [tilespmem:v6+s15+$0x0], $0xffff;
	v6 =	vor.u32 $0x7B, v1  }
0x765: {  	v13 =	vld.idx.msk [tilespmem:v8+s13+$0x0], $0xffff  }
0x766: {  	v2 =	vadd.f32 v3, v2;
	v3 =	vmul.f32 v7, v10;
	v7 =	vld.idx.msk [tilespmem:v8+s15+$0x0], $0xffff;
	v8 =	vor.u32 $0x7C, v1  }
0x767: {  	v10 =	vld.idx.msk [tilespmem:v9+s13+$0x0], $0xffff  }
0x768: {  	v2 =	vadd.f32 v3, v2;
	v3 =	vmul.f32 v4, v11;
	v4 =	vld.idx.msk [tilespmem:v9+s15+$0x0], $0xffff;
	v9 =	vor.u32 $0x7D, v1  }
0x769: {  	v11 =	vld.idx.msk [tilespmem:v6+s13+$0x0], $0xffff  }
0x76a: {  	v2 =	vadd.f32 v3, v2;
	v3 =	vmul.f32 v5, v12;
	v5 =	vld.idx.msk [tilespmem:v6+s15+$0x0], $0xffff;
	v6 =	vor.u32 $0x7E, v1  }
0x76b: {  	v12 =	vld.idx.msk [tilespmem:v8+s13+$0x0], $0xffff  }
0x76c: {  	v1 =	vor.u32 $0x7F, v1;
	v2 =	vadd.f32 v3, v2;
	v3 =	vmul.f32 v7, v13;
	v7 =	vld.idx.msk [tilespmem:v8+s15+$0x0], $0xffff  }
0x76d: {  	v8 =	vld.idx.msk [tilespmem:v9+s13+$0x0], $0xffff  }
0x76e: {  	v2 =	vadd.f32 v3, v2;
	v3 =	vmul.f32 v4, v10;
	v4 =	vld.idx.msk [tilespmem:v9+s15+$0x0], $0xffff  }
0x76f: {  	v9 =	vld.idx.msk [tilespmem:v6+s13+$0x0], $0xffff  }
0x770: {  	v3 =	vadd.f32 v3, v2;
	v5 =	vmul.f32 v5, v11;
	v6 =	vld.idx.msk [tilespmem:v6+s15+$0x0], $0xffff  }
0x771: {  	v2 =	vld.idx.msk [tilespmem:v1+s13+$0x0], $0xffff  }
0x772: {  	v5 =	vadd.f32 v5, v3;
	v7 =	vmul.f32 v7, v12;
	v3 =	vld.idx.msk [tilespmem:v1+s15+$0x0], $0xffff  }
.Ltmp7:
0x773: {  	(pc) =	sbr.rel @p0 .LBB2_7-.Ltmp7, $3  }
0x774: {  	v1 =	vadd.f32 v7, v5;
	v4 =	vmul.f32 v4, v8;
	_ =	sdelay $0x1  }
0x775: {  	v7 =	vmov s28;
	v4 =	vadd.f32 v4, v1;
	v5 =	vmul.f32 v6, v9  }
0x776: {  	s28 =	sadd.s32 $0x10, s28;
	v1 =	vshll.u32 v7, $0x7  }
0x777: {  	v1 =	vor.u32 v0, v1;
	v4 =	vadd.f32 v5, v4;
	v2 =	vmul.f32 v3, v2;
	_ =	sdelay $0x1  }
0x778: {  	v3 =	vor.u32 $0x1, v1;
	v2 =	vadd.f32 v2, v4  }
0x779: {  	s26 =	sadd.s32 $0x10, s26  }
0x77a: {  	v31 =	vor.u32 $0x2, v1;
	[tilespmem:s26+$0x0] =	vst v2  }
0x77b: {  	v2 =	vld.idx.msk [tilespmem:v1+s15+$0x0], $0xffff  }
0x77c: {  	v6 =	vor.u32 $0x3, v1;
	v32 =	vld.idx.msk [tilespmem:v1+s13+$0x0], $0xffff  }
0x77d: {  	v7 =	vld.idx.msk [tilespmem:v3+s13+$0x0], $0xffff  }
0x77e: {  	v8 =	vor.u32 $0x4, v1;
	v3 =	vld.idx.msk [tilespmem:v3+s15+$0x0], $0xffff  }
0x77f: {  	v9 =	vld.idx.msk [tilespmem:v31+s13+$0x0], $0xffff  }
0x780: {  	v10 =	vor.u32 $0x5, v1;
	v4 =	vld.idx.msk [tilespmem:v31+s15+$0x0], $0xffff  }
0x781: {  	v11 =	vld.idx.msk [tilespmem:v6+s13+$0x0], $0xffff;
	v2 =	vmul.f32 v2, v32  }
0x782: {  	v34 =	vor.u32 $0x6, v1;
	v33 =	vld.idx.msk [tilespmem:v6+s15+$0x0], $0xffff  }
0x783: {  	v12 =	vld.idx.msk [tilespmem:v8+s13+$0x0], $0xffff;
	v3 =	vmul.f32 v3, v7;
	v2 =	vadd.f32 $0.0e+00, v2  }
0x784: {  	v36 =	vor.u32 $0x7, v1;
	v35 =	vld.idx.msk [tilespmem:v8+s15+$0x0], $0xffff  }
0x785: {  	v13 =	vld.idx.msk [tilespmem:v10+s13+$0x0], $0xffff;
	v2 =	vadd.f32 v3, v2;
	v3 =	vmul.f32 v4, v9  }
0x786: {  	v38 =	vor.u32 $0x8, v1;
	v37 =	vld.idx.msk [tilespmem:v10+s15+$0x0], $0xffff  }
0x787: {  	v39 =	vld.idx.msk [tilespmem:v34+s13+$0x0], $0xffff;
	v2 =	vadd.f32 v3, v2;
	v3 =	vmul.f32 v33, v11  }
0x788: {  	v41 =	vor.u32 $0x9, v1;
	v40 =	vld.idx.msk [tilespmem:v34+s15+$0x0], $0xffff  }
0x789: {  	v42 =	vld.idx.msk [tilespmem:v36+s13+$0x0], $0xffff;
	v2 =	vadd.f32 v3, v2;
	v3 =	vmul.f32 v35, v12  }
0x78a: {  	v44 =	vor.u32 $0xA, v1;
	v43 =	vld.idx.msk [tilespmem:v36+s15+$0x0], $0xffff  }
0x78b: {  	v45 =	vld.idx.msk [tilespmem:v38+s13+$0x0], $0xffff;
	v2 =	vadd.f32 v3, v2;
	v3 =	vmul.f32 v37, v13  }
0x78c: {  	v47 =	vor.u32 $0xB, v1;
	v46 =	vld.idx.msk [tilespmem:v38+s15+$0x0], $0xffff  }
0x78d: {  	v48 =	vld.idx.msk [tilespmem:v41+s13+$0x0], $0xffff;
	v2 =	vadd.f32 v3, v2;
	v3 =	vmul.f32 v40, v39  }
0x78e: {  	v50 =	vor.u32 $0xC, v1;
	v49 =	vld.idx.msk [tilespmem:v41+s15+$0x0], $0xffff  }
0x78f: {  	v51 =	vld.idx.msk [tilespmem:v44+s13+$0x0], $0xffff;
	v2 =	vadd.f32 v3, v2;
	v3 =	vmul.f32 v43, v42  }
0x790: {  	v53 =	vor.u32 $0xD, v1;
	v52 =	vld.idx.msk [tilespmem:v44+s15+$0x0], $0xffff  }
0x791: {  	v54 =	vld.idx.msk [tilespmem:v47+s13+$0x0], $0xffff;
	v2 =	vadd.f32 v3, v2;
	v3 =	vmul.f32 v46, v45  }
0x792: {  	v56 =	vor.u32 $0xE, v1;
	v55 =	vld.idx.msk [tilespmem:v47+s15+$0x0], $0xffff  }
0x793: {  	v57 =	vld.idx.msk [tilespmem:v50+s13+$0x0], $0xffff;
	v2 =	vadd.f32 v3, v2;
	v3 =	vmul.f32 v49, v48  }
0x794: {  	v59 =	vor.u32 $0xF, v1;
	v58 =	vld.idx.msk [tilespmem:v50+s15+$0x0], $0xffff  }
0x795: {  	v60 =	vld.idx.msk [tilespmem:v53+s13+$0x0], $0xffff;
	v2 =	vadd.f32 v3, v2;
	v3 =	vmul.f32 v52, v51  }
0x796: {  	v62 =	vor.u32 $0x10, v1;
	v61 =	vld.idx.msk [tilespmem:v53+s15+$0x0], $0xffff  }
0x797: {  	v63 =	vld.idx.msk [tilespmem:v56+s13+$0x0], $0xffff;
	v2 =	vadd.f32 v3, v2;
	v3 =	vmul.f32 v55, v54  }
0x798: {  	v17 =	vor.u32 $0x11, v1;
	v16 =	vld.idx.msk [tilespmem:v56+s15+$0x0], $0xffff  }
0x799: {  	v18 =	vld.idx.msk [tilespmem:v59+s13+$0x0], $0xffff;
	v2 =	vadd.f32 v3, v2;
	v3 =	vmul.f32 v58, v57  }
0x79a: {  	v20 =	vor.u32 $0x12, v1;
	v19 =	vld.idx.msk [tilespmem:v59+s15+$0x0], $0xffff  }
0x79b: {  	v21 =	vld.idx.msk [tilespmem:v62+s13+$0x0], $0xffff;
	v2 =	vadd.f32 v3, v2;
	v3 =	vmul.f32 v61, v60  }
0x79c: {  	v23 =	vor.u32 $0x13, v1;
	v22 =	vld.idx.msk [tilespmem:v62+s15+$0x0], $0xffff  }
0x79d: {  	v24 =	vld.idx.msk [tilespmem:v17+s13+$0x0], $0xffff;
	v2 =	vadd.f32 v3, v2;
	v3 =	vmul.f32 v16, v63  }
0x79e: {  	v26 =	vor.u32 $0x14, v1;
	v25 =	vld.idx.msk [tilespmem:v17+s15+$0x0], $0xffff  }
0x79f: {  	v27 =	vld.idx.msk [tilespmem:v20+s13+$0x0], $0xffff;
	v2 =	vadd.f32 v3, v2;
	v3 =	vmul.f32 v19, v18  }
0x7a0: {  	v29 =	vor.u32 $0x15, v1;
	v28 =	vld.idx.msk [tilespmem:v20+s15+$0x0], $0xffff  }
0x7a1: {  	v30 =	vld.idx.msk [tilespmem:v23+s13+$0x0], $0xffff;
	v2 =	vadd.f32 v3, v2;
	v3 =	vmul.f32 v22, v21  }
0x7a2: {  	v31 =	vld.idx.msk [tilespmem:v23+s15+$0x0], $0xffff;
	v32 =	vor.u32 $0x16, v1  }
0x7a3: {  	v34 =	vld.idx.msk [tilespmem:v26+s15+$0x0], $0xffff;
	v2 =	vadd.f32 v3, v2;
	v3 =	vmul.f32 v25, v24  }
0x7a4: {  	v33 =	vld.idx.msk [tilespmem:v26+s13+$0x0], $0xffff;
	v35 =	vor.u32 $0x17, v1  }
0x7a5: {  	v36 =	vld.idx.msk [tilespmem:v29+s13+$0x0], $0xffff;
	v2 =	vadd.f32 v3, v2;
	v3 =	vmul.f32 v28, v27  }
0x7a6: {  	v38 =	vor.u32 $0x18, v1;
	v37 =	vld.idx.msk [tilespmem:v29+s15+$0x0], $0xffff  }
0x7a7: {  	v39 =	vld.idx.msk [tilespmem:v32+s13+$0x0], $0xffff;
	v2 =	vadd.f32 v3, v2;
	v3 =	vmul.f32 v31, v30  }
0x7a8: {  	v41 =	vor.u32 $0x19, v1;
	v40 =	vld.idx.msk [tilespmem:v32+s15+$0x0], $0xffff  }
0x7a9: {  	v42 =	vld.idx.msk [tilespmem:v35+s13+$0x0], $0xffff;
	v2 =	vadd.f32 v3, v2;
	v3 =	vmul.f32 v34, v33  }
0x7aa: {  	v44 =	vor.u32 $0x1A, v1;
	v43 =	vld.idx.msk [tilespmem:v35+s15+$0x0], $0xffff  }
0x7ab: {  	v45 =	vld.idx.msk [tilespmem:v38+s13+$0x0], $0xffff;
	v2 =	vadd.f32 v3, v2;
	v3 =	vmul.f32 v37, v36  }
0x7ac: {  	v47 =	vor.u32 $0x1B, v1;
	v46 =	vld.idx.msk [tilespmem:v38+s15+$0x0], $0xffff  }
0x7ad: {  	v48 =	vld.idx.msk [tilespmem:v41+s13+$0x0], $0xffff;
	v2 =	vadd.f32 v3, v2;
	v3 =	vmul.f32 v40, v39  }
0x7ae: {  	v50 =	vor.u32 $0x1C, v1;
	v49 =	vld.idx.msk [tilespmem:v41+s15+$0x0], $0xffff  }
0x7af: {  	v51 =	vld.idx.msk [tilespmem:v44+s13+$0x0], $0xffff;
	v2 =	vadd.f32 v3, v2;
	v3 =	vmul.f32 v43, v42  }
0x7b0: {  	v53 =	vor.u32 $0x1D, v1;
	v52 =	vld.idx.msk [tilespmem:v44+s15+$0x0], $0xffff  }
0x7b1: {  	v54 =	vld.idx.msk [tilespmem:v47+s13+$0x0], $0xffff;
	v2 =	vadd.f32 v3, v2;
	v3 =	vmul.f32 v46, v45  }
0x7b2: {  	v56 =	vor.u32 $0x1E, v1;
	v55 =	vld.idx.msk [tilespmem:v47+s15+$0x0], $0xffff  }
0x7b3: {  	v57 =	vld.idx.msk [tilespmem:v50+s13+$0x0], $0xffff;
	v2 =	vadd.f32 v3, v2;
	v3 =	vmul.f32 v49, v48  }
0x7b4: {  	v59 =	vor.u32 $0x1F, v1;
	v58 =	vld.idx.msk [tilespmem:v50+s15+$0x0], $0xffff  }
0x7b5: {  	v60 =	vld.idx.msk [tilespmem:v53+s13+$0x0], $0xffff;
	v2 =	vadd.f32 v3, v2;
	v3 =	vmul.f32 v52, v51  }
0x7b6: {  	v62 =	vor.u32 $0x20, v1;
	v61 =	vld.idx.msk [tilespmem:v53+s15+$0x0], $0xffff  }
0x7b7: {  	v63 =	vld.idx.msk [tilespmem:v56+s13+$0x0], $0xffff;
	v2 =	vadd.f32 v3, v2;
	v3 =	vmul.f32 v55, v54  }
0x7b8: {  	v17 =	vor.u32 $0x21, v1;
	v16 =	vld.idx.msk [tilespmem:v56+s15+$0x0], $0xffff  }
0x7b9: {  	v18 =	vld.idx.msk [tilespmem:v59+s13+$0x0], $0xffff;
	v2 =	vadd.f32 v3, v2;
	v3 =	vmul.f32 v58, v57  }
0x7ba: {  	v20 =	vor.u32 $0x22, v1;
	v19 =	vld.idx.msk [tilespmem:v59+s15+$0x0], $0xffff  }
0x7bb: {  	v21 =	vld.idx.msk [tilespmem:v62+s13+$0x0], $0xffff;
	v2 =	vadd.f32 v3, v2;
	v3 =	vmul.f32 v61, v60  }
0x7bc: {  	v23 =	vor.u32 $0x23, v1;
	v22 =	vld.idx.msk [tilespmem:v62+s15+$0x0], $0xffff  }
0x7bd: {  	v24 =	vld.idx.msk [tilespmem:v17+s13+$0x0], $0xffff;
	v2 =	vadd.f32 v3, v2;
	v3 =	vmul.f32 v16, v63  }
0x7be: {  	v26 =	vor.u32 $0x24, v1;
	v25 =	vld.idx.msk [tilespmem:v17+s15+$0x0], $0xffff  }
0x7bf: {  	v27 =	vld.idx.msk [tilespmem:v20+s13+$0x0], $0xffff;
	v2 =	vadd.f32 v3, v2;
	v3 =	vmul.f32 v19, v18  }
0x7c0: {  	v29 =	vor.u32 $0x25, v1;
	v28 =	vld.idx.msk [tilespmem:v20+s15+$0x0], $0xffff  }
0x7c1: {  	v30 =	vld.idx.msk [tilespmem:v23+s13+$0x0], $0xffff;
	v2 =	vadd.f32 v3, v2;
	v3 =	vmul.f32 v22, v21  }
0x7c2: {  	v32 =	vor.u32 $0x26, v1;
	v31 =	vld.idx.msk [tilespmem:v23+s15+$0x0], $0xffff  }
0x7c3: {  	v33 =	vld.idx.msk [tilespmem:v26+s13+$0x0], $0xffff;
	v2 =	vadd.f32 v3, v2;
	v3 =	vmul.f32 v25, v24  }
0x7c4: {  	v35 =	vor.u32 $0x27, v1;
	v34 =	vld.idx.msk [tilespmem:v26+s15+$0x0], $0xffff  }
0x7c5: {  	v36 =	vld.idx.msk [tilespmem:v29+s13+$0x0], $0xffff;
	v2 =	vadd.f32 v3, v2;
	v3 =	vmul.f32 v28, v27  }
0x7c6: {  	v38 =	vor.u32 $0x28, v1;
	v37 =	vld.idx.msk [tilespmem:v29+s15+$0x0], $0xffff  }
0x7c7: {  	v39 =	vld.idx.msk [tilespmem:v32+s13+$0x0], $0xffff;
	v2 =	vadd.f32 v3, v2;
	v3 =	vmul.f32 v31, v30  }
0x7c8: {  	v41 =	vor.u32 $0x29, v1;
	v40 =	vld.idx.msk [tilespmem:v32+s15+$0x0], $0xffff  }
0x7c9: {  	v42 =	vld.idx.msk [tilespmem:v35+s13+$0x0], $0xffff;
	v2 =	vadd.f32 v3, v2;
	v3 =	vmul.f32 v34, v33  }
0x7ca: {  	v44 =	vor.u32 $0x2A, v1;
	v43 =	vld.idx.msk [tilespmem:v35+s15+$0x0], $0xffff  }
0x7cb: {  	v45 =	vld.idx.msk [tilespmem:v38+s13+$0x0], $0xffff;
	v2 =	vadd.f32 v3, v2;
	v3 =	vmul.f32 v37, v36  }
0x7cc: {  	v47 =	vor.u32 $0x2B, v1;
	v46 =	vld.idx.msk [tilespmem:v38+s15+$0x0], $0xffff  }
0x7cd: {  	v48 =	vld.idx.msk [tilespmem:v41+s13+$0x0], $0xffff;
	v2 =	vadd.f32 v3, v2;
	v3 =	vmul.f32 v40, v39  }
0x7ce: {  	v50 =	vor.u32 $0x2C, v1;
	v49 =	vld.idx.msk [tilespmem:v41+s15+$0x0], $0xffff  }
0x7cf: {  	v51 =	vld.idx.msk [tilespmem:v44+s13+$0x0], $0xffff;
	v2 =	vadd.f32 v3, v2;
	v3 =	vmul.f32 v43, v42  }
0x7d0: {  	v53 =	vor.u32 $0x2D, v1;
	v52 =	vld.idx.msk [tilespmem:v44+s15+$0x0], $0xffff  }
0x7d1: {  	v54 =	vld.idx.msk [tilespmem:v47+s13+$0x0], $0xffff;
	v2 =	vadd.f32 v3, v2;
	v3 =	vmul.f32 v46, v45  }
0x7d2: {  	v56 =	vor.u32 $0x2E, v1;
	v55 =	vld.idx.msk [tilespmem:v47+s15+$0x0], $0xffff  }
0x7d3: {  	v57 =	vld.idx.msk [tilespmem:v50+s13+$0x0], $0xffff;
	v2 =	vadd.f32 v3, v2;
	v3 =	vmul.f32 v49, v48  }
0x7d4: {  	v59 =	vor.u32 $0x2F, v1;
	v58 =	vld.idx.msk [tilespmem:v50+s15+$0x0], $0xffff  }
0x7d5: {  	v60 =	vld.idx.msk [tilespmem:v53+s13+$0x0], $0xffff;
	v2 =	vadd.f32 v3, v2;
	v3 =	vmul.f32 v52, v51  }
0x7d6: {  	v62 =	vor.u32 $0x30, v1;
	v61 =	vld.idx.msk [tilespmem:v53+s15+$0x0], $0xffff  }
0x7d7: {  	v63 =	vld.idx.msk [tilespmem:v56+s13+$0x0], $0xffff;
	v2 =	vadd.f32 v3, v2;
	v3 =	vmul.f32 v55, v54  }
0x7d8: {  	v17 =	vor.u32 $0x31, v1;
	v16 =	vld.idx.msk [tilespmem:v56+s15+$0x0], $0xffff  }
0x7d9: {  	v18 =	vld.idx.msk [tilespmem:v59+s13+$0x0], $0xffff;
	v2 =	vadd.f32 v3, v2;
	v3 =	vmul.f32 v58, v57  }
0x7da: {  	v20 =	vor.u32 $0x32, v1;
	v19 =	vld.idx.msk [tilespmem:v59+s15+$0x0], $0xffff  }
0x7db: {  	v21 =	vld.idx.msk [tilespmem:v62+s13+$0x0], $0xffff;
	v2 =	vadd.f32 v3, v2;
	v3 =	vmul.f32 v61, v60  }
0x7dc: {  	v23 =	vor.u32 $0x33, v1;
	v22 =	vld.idx.msk [tilespmem:v62+s15+$0x0], $0xffff  }
0x7dd: {  	v24 =	vld.idx.msk [tilespmem:v17+s13+$0x0], $0xffff;
	v2 =	vadd.f32 v3, v2;
	v3 =	vmul.f32 v16, v63  }
0x7de: {  	v26 =	vor.u32 $0x34, v1;
	v25 =	vld.idx.msk [tilespmem:v17+s15+$0x0], $0xffff  }
0x7df: {  	v27 =	vld.idx.msk [tilespmem:v20+s13+$0x0], $0xffff;
	v2 =	vadd.f32 v3, v2;
	v3 =	vmul.f32 v19, v18  }
0x7e0: {  	v29 =	vor.u32 $0x35, v1;
	v28 =	vld.idx.msk [tilespmem:v20+s15+$0x0], $0xffff  }
0x7e1: {  	v30 =	vld.idx.msk [tilespmem:v23+s13+$0x0], $0xffff;
	v2 =	vadd.f32 v3, v2;
	v3 =	vmul.f32 v22, v21  }
0x7e2: {  	v32 =	vor.u32 $0x36, v1;
	v31 =	vld.idx.msk [tilespmem:v23+s15+$0x0], $0xffff  }
0x7e3: {  	v33 =	vld.idx.msk [tilespmem:v26+s13+$0x0], $0xffff;
	v2 =	vadd.f32 v3, v2;
	v3 =	vmul.f32 v25, v24  }
0x7e4: {  	v35 =	vor.u32 $0x37, v1;
	v34 =	vld.idx.msk [tilespmem:v26+s15+$0x0], $0xffff  }
0x7e5: {  	v36 =	vld.idx.msk [tilespmem:v29+s13+$0x0], $0xffff;
	v2 =	vadd.f32 v3, v2;
	v3 =	vmul.f32 v28, v27  }
0x7e6: {  	v38 =	vor.u32 $0x38, v1;
	v37 =	vld.idx.msk [tilespmem:v29+s15+$0x0], $0xffff  }
0x7e7: {  	v39 =	vld.idx.msk [tilespmem:v32+s13+$0x0], $0xffff;
	v2 =	vadd.f32 v3, v2;
	v3 =	vmul.f32 v31, v30  }
0x7e8: {  	v41 =	vor.u32 $0x39, v1;
	v40 =	vld.idx.msk [tilespmem:v32+s15+$0x0], $0xffff  }
0x7e9: {  	v42 =	vld.idx.msk [tilespmem:v35+s13+$0x0], $0xffff;
	v2 =	vadd.f32 v3, v2;
	v3 =	vmul.f32 v34, v33  }
0x7ea: {  	v44 =	vor.u32 $0x3A, v1;
	v43 =	vld.idx.msk [tilespmem:v35+s15+$0x0], $0xffff  }
0x7eb: {  	v45 =	vld.idx.msk [tilespmem:v38+s13+$0x0], $0xffff;
	v2 =	vadd.f32 v3, v2;
	v3 =	vmul.f32 v37, v36  }
0x7ec: {  	v47 =	vor.u32 $0x3B, v1;
	v46 =	vld.idx.msk [tilespmem:v38+s15+$0x0], $0xffff  }
0x7ed: {  	v48 =	vld.idx.msk [tilespmem:v41+s13+$0x0], $0xffff;
	v2 =	vadd.f32 v3, v2;
	v3 =	vmul.f32 v40, v39  }
0x7ee: {  	v50 =	vor.u32 $0x3C, v1;
	v49 =	vld.idx.msk [tilespmem:v41+s15+$0x0], $0xffff  }
0x7ef: {  	v51 =	vld.idx.msk [tilespmem:v44+s13+$0x0], $0xffff;
	v2 =	vadd.f32 v3, v2;
	v3 =	vmul.f32 v43, v42  }
0x7f0: {  	v53 =	vor.u32 $0x3D, v1;
	v52 =	vld.idx.msk [tilespmem:v44+s15+$0x0], $0xffff  }
0x7f1: {  	v54 =	vld.idx.msk [tilespmem:v47+s13+$0x0], $0xffff;
	v2 =	vadd.f32 v3, v2;
	v3 =	vmul.f32 v46, v45  }
0x7f2: {  	v56 =	vor.u32 $0x3E, v1;
	v55 =	vld.idx.msk [tilespmem:v47+s15+$0x0], $0xffff  }
0x7f3: {  	v57 =	vld.idx.msk [tilespmem:v50+s13+$0x0], $0xffff;
	v2 =	vadd.f32 v3, v2;
	v3 =	vmul.f32 v49, v48  }
0x7f4: {  	v59 =	vor.u32 $0x3F, v1;
	v58 =	vld.idx.msk [tilespmem:v50+s15+$0x0], $0xffff  }
0x7f5: {  	v60 =	vld.idx.msk [tilespmem:v53+s13+$0x0], $0xffff;
	v2 =	vadd.f32 v3, v2;
	v3 =	vmul.f32 v52, v51  }
0x7f6: {  	v62 =	vor.u32 $0x40, v1;
	v61 =	vld.idx.msk [tilespmem:v53+s15+$0x0], $0xffff  }
0x7f7: {  	v63 =	vld.idx.msk [tilespmem:v56+s13+$0x0], $0xffff;
	v2 =	vadd.f32 v3, v2;
	v3 =	vmul.f32 v55, v54  }
0x7f8: {  	v17 =	vor.u32 $0x41, v1;
	v16 =	vld.idx.msk [tilespmem:v56+s15+$0x0], $0xffff  }
0x7f9: {  	v18 =	vld.idx.msk [tilespmem:v59+s13+$0x0], $0xffff;
	v2 =	vadd.f32 v3, v2;
	v3 =	vmul.f32 v58, v57  }
0x7fa: {  	v20 =	vor.u32 $0x42, v1;
	v19 =	vld.idx.msk [tilespmem:v59+s15+$0x0], $0xffff  }
0x7fb: {  	v21 =	vld.idx.msk [tilespmem:v62+s13+$0x0], $0xffff;
	v2 =	vadd.f32 v3, v2;
	v3 =	vmul.f32 v61, v60  }
0x7fc: {  	v23 =	vor.u32 $0x43, v1;
	v22 =	vld.idx.msk [tilespmem:v62+s15+$0x0], $0xffff  }
0x7fd: {  	v24 =	vld.idx.msk [tilespmem:v17+s13+$0x0], $0xffff;
	v2 =	vadd.f32 v3, v2;
	v3 =	vmul.f32 v16, v63  }
0x7fe: {  	v26 =	vor.u32 $0x44, v1;
	v25 =	vld.idx.msk [tilespmem:v17+s15+$0x0], $0xffff  }
0x7ff: {  	v27 =	vld.idx.msk [tilespmem:v20+s13+$0x0], $0xffff;
	v2 =	vadd.f32 v3, v2;
	v3 =	vmul.f32 v19, v18  }
0x800: {  	v29 =	vor.u32 $0x45, v1;
	v28 =	vld.idx.msk [tilespmem:v20+s15+$0x0], $0xffff  }
0x801: {  	v30 =	vld.idx.msk [tilespmem:v23+s13+$0x0], $0xffff;
	v2 =	vadd.f32 v3, v2;
	v3 =	vmul.f32 v22, v21  }
0x802: {  	v32 =	vor.u32 $0x46, v1;
	v31 =	vld.idx.msk [tilespmem:v23+s15+$0x0], $0xffff  }
0x803: {  	v33 =	vld.idx.msk [tilespmem:v26+s13+$0x0], $0xffff;
	v2 =	vadd.f32 v3, v2;
	v3 =	vmul.f32 v25, v24  }
0x804: {  	v35 =	vor.u32 $0x47, v1;
	v34 =	vld.idx.msk [tilespmem:v26+s15+$0x0], $0xffff  }
0x805: {  	v36 =	vld.idx.msk [tilespmem:v29+s13+$0x0], $0xffff;
	v2 =	vadd.f32 v3, v2;
	v3 =	vmul.f32 v28, v27  }
0x806: {  	v38 =	vor.u32 $0x48, v1;
	v37 =	vld.idx.msk [tilespmem:v29+s15+$0x0], $0xffff  }
0x807: {  	v39 =	vld.idx.msk [tilespmem:v32+s13+$0x0], $0xffff;
	v2 =	vadd.f32 v3, v2;
	v3 =	vmul.f32 v31, v30  }
0x808: {  	v41 =	vor.u32 $0x49, v1;
	v40 =	vld.idx.msk [tilespmem:v32+s15+$0x0], $0xffff  }
0x809: {  	v42 =	vld.idx.msk [tilespmem:v35+s13+$0x0], $0xffff;
	v2 =	vadd.f32 v3, v2;
	v3 =	vmul.f32 v34, v33  }
0x80a: {  	v44 =	vor.u32 $0x4A, v1;
	v43 =	vld.idx.msk [tilespmem:v35+s15+$0x0], $0xffff  }
0x80b: {  	v45 =	vld.idx.msk [tilespmem:v38+s13+$0x0], $0xffff;
	v2 =	vadd.f32 v3, v2;
	v3 =	vmul.f32 v37, v36  }
0x80c: {  	v47 =	vor.u32 $0x4B, v1;
	v46 =	vld.idx.msk [tilespmem:v38+s15+$0x0], $0xffff  }
0x80d: {  	v48 =	vld.idx.msk [tilespmem:v41+s13+$0x0], $0xffff;
	v2 =	vadd.f32 v3, v2;
	v3 =	vmul.f32 v40, v39  }
0x80e: {  	v50 =	vor.u32 $0x4C, v1;
	v49 =	vld.idx.msk [tilespmem:v41+s15+$0x0], $0xffff  }
0x80f: {  	v51 =	vld.idx.msk [tilespmem:v44+s13+$0x0], $0xffff;
	v2 =	vadd.f32 v3, v2;
	v3 =	vmul.f32 v43, v42  }
0x810: {  	v53 =	vor.u32 $0x4D, v1;
	v52 =	vld.idx.msk [tilespmem:v44+s15+$0x0], $0xffff  }
0x811: {  	v54 =	vld.idx.msk [tilespmem:v47+s13+$0x0], $0xffff;
	v2 =	vadd.f32 v3, v2;
	v3 =	vmul.f32 v46, v45  }
0x812: {  	v56 =	vor.u32 $0x4E, v1;
	v55 =	vld.idx.msk [tilespmem:v47+s15+$0x0], $0xffff  }
0x813: {  	v57 =	vld.idx.msk [tilespmem:v50+s13+$0x0], $0xffff;
	v2 =	vadd.f32 v3, v2;
	v3 =	vmul.f32 v49, v48  }
0x814: {  	v59 =	vor.u32 $0x4F, v1;
	v58 =	vld.idx.msk [tilespmem:v50+s15+$0x0], $0xffff  }
0x815: {  	v60 =	vld.idx.msk [tilespmem:v53+s13+$0x0], $0xffff;
	v2 =	vadd.f32 v3, v2;
	v3 =	vmul.f32 v52, v51  }
0x816: {  	v62 =	vor.u32 $0x50, v1;
	v61 =	vld.idx.msk [tilespmem:v53+s15+$0x0], $0xffff  }
0x817: {  	v63 =	vld.idx.msk [tilespmem:v56+s13+$0x0], $0xffff;
	v2 =	vadd.f32 v3, v2;
	v3 =	vmul.f32 v55, v54  }
0x818: {  	v17 =	vor.u32 $0x51, v1;
	v16 =	vld.idx.msk [tilespmem:v56+s15+$0x0], $0xffff  }
0x819: {  	v18 =	vld.idx.msk [tilespmem:v59+s13+$0x0], $0xffff;
	v2 =	vadd.f32 v3, v2;
	v3 =	vmul.f32 v58, v57  }
0x81a: {  	v20 =	vor.u32 $0x52, v1;
	v19 =	vld.idx.msk [tilespmem:v59+s15+$0x0], $0xffff  }
0x81b: {  	v21 =	vld.idx.msk [tilespmem:v62+s13+$0x0], $0xffff;
	v2 =	vadd.f32 v3, v2;
	v3 =	vmul.f32 v61, v60  }
0x81c: {  	v23 =	vor.u32 $0x53, v1;
	v22 =	vld.idx.msk [tilespmem:v62+s15+$0x0], $0xffff  }
0x81d: {  	v24 =	vld.idx.msk [tilespmem:v17+s13+$0x0], $0xffff;
	v2 =	vadd.f32 v3, v2;
	v3 =	vmul.f32 v16, v63  }
0x81e: {  	v26 =	vor.u32 $0x54, v1;
	v25 =	vld.idx.msk [tilespmem:v17+s15+$0x0], $0xffff  }
0x81f: {  	v27 =	vld.idx.msk [tilespmem:v20+s13+$0x0], $0xffff;
	v2 =	vadd.f32 v3, v2;
	v3 =	vmul.f32 v19, v18  }
0x820: {  	v29 =	vor.u32 $0x55, v1;
	v28 =	vld.idx.msk [tilespmem:v20+s15+$0x0], $0xffff  }
0x821: {  	v30 =	vld.idx.msk [tilespmem:v23+s13+$0x0], $0xffff;
	v2 =	vadd.f32 v3, v2;
	v3 =	vmul.f32 v22, v21  }
0x822: {  	v32 =	vor.u32 $0x56, v1;
	v31 =	vld.idx.msk [tilespmem:v23+s15+$0x0], $0xffff  }
0x823: {  	v33 =	vld.idx.msk [tilespmem:v26+s13+$0x0], $0xffff;
	v2 =	vadd.f32 v3, v2;
	v3 =	vmul.f32 v25, v24  }
0x824: {  	v35 =	vor.u32 $0x57, v1;
	v34 =	vld.idx.msk [tilespmem:v26+s15+$0x0], $0xffff  }
0x825: {  	v36 =	vld.idx.msk [tilespmem:v29+s13+$0x0], $0xffff;
	v2 =	vadd.f32 v3, v2;
	v3 =	vmul.f32 v28, v27  }
0x826: {  	v38 =	vor.u32 $0x58, v1;
	v37 =	vld.idx.msk [tilespmem:v29+s15+$0x0], $0xffff  }
0x827: {  	v39 =	vld.idx.msk [tilespmem:v32+s13+$0x0], $0xffff;
	v2 =	vadd.f32 v3, v2;
	v3 =	vmul.f32 v31, v30  }
0x828: {  	v41 =	vor.u32 $0x59, v1;
	v40 =	vld.idx.msk [tilespmem:v32+s15+$0x0], $0xffff  }
0x829: {  	v42 =	vld.idx.msk [tilespmem:v35+s13+$0x0], $0xffff;
	v2 =	vadd.f32 v3, v2;
	v3 =	vmul.f32 v34, v33  }
0x82a: {  	v44 =	vor.u32 $0x5A, v1;
	v43 =	vld.idx.msk [tilespmem:v35+s15+$0x0], $0xffff  }
0x82b: {  	v45 =	vld.idx.msk [tilespmem:v38+s13+$0x0], $0xffff;
	v2 =	vadd.f32 v3, v2;
	v3 =	vmul.f32 v37, v36  }
0x82c: {  	v47 =	vor.u32 $0x5B, v1;
	v46 =	vld.idx.msk [tilespmem:v38+s15+$0x0], $0xffff  }
0x82d: {  	v48 =	vld.idx.msk [tilespmem:v41+s13+$0x0], $0xffff;
	v2 =	vadd.f32 v3, v2;
	v3 =	vmul.f32 v40, v39  }
0x82e: {  	v50 =	vor.u32 $0x5C, v1;
	v49 =	vld.idx.msk [tilespmem:v41+s15+$0x0], $0xffff  }
0x82f: {  	v51 =	vld.idx.msk [tilespmem:v44+s13+$0x0], $0xffff;
	v2 =	vadd.f32 v3, v2;
	v3 =	vmul.f32 v43, v42  }
0x830: {  	v53 =	vor.u32 $0x5D, v1;
	v52 =	vld.idx.msk [tilespmem:v44+s15+$0x0], $0xffff  }
0x831: {  	v54 =	vld.idx.msk [tilespmem:v47+s13+$0x0], $0xffff;
	v2 =	vadd.f32 v3, v2;
	v3 =	vmul.f32 v46, v45  }
0x832: {  	v56 =	vor.u32 $0x5E, v1;
	v55 =	vld.idx.msk [tilespmem:v47+s15+$0x0], $0xffff  }
0x833: {  	v57 =	vld.idx.msk [tilespmem:v50+s13+$0x0], $0xffff;
	v2 =	vadd.f32 v3, v2;
	v3 =	vmul.f32 v49, v48  }
0x834: {  	v59 =	vor.u32 $0x5F, v1;
	v58 =	vld.idx.msk [tilespmem:v50+s15+$0x0], $0xffff  }
0x835: {  	v60 =	vld.idx.msk [tilespmem:v53+s13+$0x0], $0xffff;
	v2 =	vadd.f32 v3, v2;
	v3 =	vmul.f32 v52, v51  }
0x836: {  	v62 =	vor.u32 $0x60, v1;
	v61 =	vld.idx.msk [tilespmem:v53+s15+$0x0], $0xffff  }
0x837: {  	v63 =	vld.idx.msk [tilespmem:v56+s13+$0x0], $0xffff;
	v2 =	vadd.f32 v3, v2;
	v3 =	vmul.f32 v55, v54  }
0x838: {  	v17 =	vor.u32 $0x61, v1;
	v16 =	vld.idx.msk [tilespmem:v56+s15+$0x0], $0xffff  }
0x839: {  	v18 =	vld.idx.msk [tilespmem:v59+s13+$0x0], $0xffff;
	v2 =	vadd.f32 v3, v2;
	v3 =	vmul.f32 v58, v57  }
0x83a: {  	v20 =	vor.u32 $0x62, v1;
	v19 =	vld.idx.msk [tilespmem:v59+s15+$0x0], $0xffff  }
0x83b: {  	v21 =	vld.idx.msk [tilespmem:v62+s13+$0x0], $0xffff;
	v2 =	vadd.f32 v3, v2;
	v3 =	vmul.f32 v61, v60  }
0x83c: {  	v23 =	vor.u32 $0x63, v1;
	v22 =	vld.idx.msk [tilespmem:v62+s15+$0x0], $0xffff  }
0x83d: {  	v24 =	vld.idx.msk [tilespmem:v17+s13+$0x0], $0xffff;
	v2 =	vadd.f32 v3, v2;
	v3 =	vmul.f32 v16, v63  }
0x83e: {  	v26 =	vor.u32 $0x64, v1;
	v25 =	vld.idx.msk [tilespmem:v17+s15+$0x0], $0xffff  }
0x83f: {  	v27 =	vld.idx.msk [tilespmem:v20+s13+$0x0], $0xffff;
	v2 =	vadd.f32 v3, v2;
	v3 =	vmul.f32 v19, v18  }
0x840: {  	v29 =	vor.u32 $0x65, v1;
	v28 =	vld.idx.msk [tilespmem:v20+s15+$0x0], $0xffff  }
0x841: {  	v30 =	vld.idx.msk [tilespmem:v23+s13+$0x0], $0xffff;
	v2 =	vadd.f32 v3, v2;
	v3 =	vmul.f32 v22, v21  }
0x842: {  	v32 =	vor.u32 $0x66, v1;
	v31 =	vld.idx.msk [tilespmem:v23+s15+$0x0], $0xffff  }
0x843: {  	v33 =	vld.idx.msk [tilespmem:v26+s13+$0x0], $0xffff;
	v2 =	vadd.f32 v3, v2;
	v3 =	vmul.f32 v25, v24  }
0x844: {  	v35 =	vor.u32 $0x67, v1;
	v34 =	vld.idx.msk [tilespmem:v26+s15+$0x0], $0xffff  }
0x845: {  	v36 =	vld.idx.msk [tilespmem:v29+s13+$0x0], $0xffff;
	v2 =	vadd.f32 v3, v2;
	v3 =	vmul.f32 v28, v27  }
0x846: {  	v38 =	vor.u32 $0x68, v1;
	v37 =	vld.idx.msk [tilespmem:v29+s15+$0x0], $0xffff  }
0x847: {  	v39 =	vld.idx.msk [tilespmem:v32+s13+$0x0], $0xffff;
	v2 =	vadd.f32 v3, v2;
	v3 =	vmul.f32 v31, v30  }
0x848: {  	v41 =	vor.u32 $0x69, v1;
	v40 =	vld.idx.msk [tilespmem:v32+s15+$0x0], $0xffff  }
0x849: {  	v42 =	vld.idx.msk [tilespmem:v35+s13+$0x0], $0xffff;
	v2 =	vadd.f32 v3, v2;
	v3 =	vmul.f32 v34, v33  }
0x84a: {  	v44 =	vor.u32 $0x6A, v1;
	v43 =	vld.idx.msk [tilespmem:v35+s15+$0x0], $0xffff  }
0x84b: {  	v45 =	vld.idx.msk [tilespmem:v38+s13+$0x0], $0xffff;
	v2 =	vadd.f32 v3, v2;
	v3 =	vmul.f32 v37, v36  }
0x84c: {  	v47 =	vor.u32 $0x6B, v1;
	v46 =	vld.idx.msk [tilespmem:v38+s15+$0x0], $0xffff  }
0x84d: {  	v48 =	vld.idx.msk [tilespmem:v41+s13+$0x0], $0xffff;
	v2 =	vadd.f32 v3, v2;
	v3 =	vmul.f32 v40, v39  }
0x84e: {  	v50 =	vor.u32 $0x6C, v1;
	v49 =	vld.idx.msk [tilespmem:v41+s15+$0x0], $0xffff  }
0x84f: {  	v51 =	vld.idx.msk [tilespmem:v44+s13+$0x0], $0xffff;
	v2 =	vadd.f32 v3, v2;
	v3 =	vmul.f32 v43, v42  }
0x850: {  	v53 =	vor.u32 $0x6D, v1;
	v52 =	vld.idx.msk [tilespmem:v44+s15+$0x0], $0xffff  }
0x851: {  	v54 =	vld.idx.msk [tilespmem:v47+s13+$0x0], $0xffff;
	v2 =	vadd.f32 v3, v2;
	v3 =	vmul.f32 v46, v45  }
0x852: {  	v56 =	vor.u32 $0x6E, v1;
	v55 =	vld.idx.msk [tilespmem:v47+s15+$0x0], $0xffff  }
0x853: {  	v57 =	vld.idx.msk [tilespmem:v50+s13+$0x0], $0xffff;
	v2 =	vadd.f32 v3, v2;
	v3 =	vmul.f32 v49, v48  }
0x854: {  	v59 =	vor.u32 $0x6F, v1;
	v58 =	vld.idx.msk [tilespmem:v50+s15+$0x0], $0xffff  }
0x855: {  	v60 =	vld.idx.msk [tilespmem:v53+s13+$0x0], $0xffff;
	v2 =	vadd.f32 v3, v2;
	v3 =	vmul.f32 v52, v51  }
0x856: {  	v62 =	vor.u32 $0x70, v1;
	v61 =	vld.idx.msk [tilespmem:v53+s15+$0x0], $0xffff  }
0x857: {  	v63 =	vld.idx.msk [tilespmem:v56+s13+$0x0], $0xffff;
	v2 =	vadd.f32 v3, v2;
	v3 =	vmul.f32 v55, v54  }
0x858: {  	v17 =	vor.u32 $0x71, v1;
	v16 =	vld.idx.msk [tilespmem:v56+s15+$0x0], $0xffff  }
0x859: {  	v18 =	vld.idx.msk [tilespmem:v59+s13+$0x0], $0xffff;
	v2 =	vadd.f32 v3, v2;
	v3 =	vmul.f32 v58, v57  }
0x85a: {  	v20 =	vor.u32 $0x72, v1;
	v19 =	vld.idx.msk [tilespmem:v59+s15+$0x0], $0xffff  }
0x85b: {  	v21 =	vld.idx.msk [tilespmem:v62+s13+$0x0], $0xffff;
	v2 =	vadd.f32 v3, v2;
	v3 =	vmul.f32 v61, v60  }
0x85c: {  	v23 =	vor.u32 $0x73, v1;
	v22 =	vld.idx.msk [tilespmem:v62+s15+$0x0], $0xffff  }
0x85d: {  	v24 =	vld.idx.msk [tilespmem:v17+s13+$0x0], $0xffff;
	v2 =	vadd.f32 v3, v2;
	v3 =	vmul.f32 v16, v63  }
0x85e: {  	v26 =	vor.u32 $0x74, v1;
	v25 =	vld.idx.msk [tilespmem:v17+s15+$0x0], $0xffff  }
0x85f: {  	v27 =	vld.idx.msk [tilespmem:v20+s13+$0x0], $0xffff;
	v2 =	vadd.f32 v3, v2;
	v3 =	vmul.f32 v19, v18  }
0x860: {  	v29 =	vor.u32 $0x75, v1;
	v28 =	vld.idx.msk [tilespmem:v20+s15+$0x0], $0xffff  }
0x861: {  	v30 =	vld.idx.msk [tilespmem:v23+s13+$0x0], $0xffff;
	v2 =	vadd.f32 v3, v2;
	v3 =	vmul.f32 v22, v21  }
0x862: {  	v32 =	vor.u32 $0x76, v1;
	v31 =	vld.idx.msk [tilespmem:v23+s15+$0x0], $0xffff  }
0x863: {  	v33 =	vld.idx.msk [tilespmem:v26+s13+$0x0], $0xffff;
	v2 =	vadd.f32 v3, v2;
	v3 =	vmul.f32 v25, v24  }
0x864: {  	v35 =	vor.u32 $0x77, v1;
	v34 =	vld.idx.msk [tilespmem:v26+s15+$0x0], $0xffff  }
0x865: {  	v36 =	vld.idx.msk [tilespmem:v29+s13+$0x0], $0xffff;
	v2 =	vadd.f32 v3, v2;
	v3 =	vmul.f32 v28, v27  }
0x866: {  	v38 =	vor.u32 $0x78, v1;
	v37 =	vld.idx.msk [tilespmem:v29+s15+$0x0], $0xffff  }
0x867: {  	v39 =	vld.idx.msk [tilespmem:v32+s13+$0x0], $0xffff;
	v2 =	vadd.f32 v3, v2;
	v3 =	vmul.f32 v31, v30  }
0x868: {  	v41 =	vor.u32 $0x79, v1;
	v40 =	vld.idx.msk [tilespmem:v32+s15+$0x0], $0xffff  }
0x869: {  	v42 =	vld.idx.msk [tilespmem:v35+s13+$0x0], $0xffff;
	v2 =	vadd.f32 v3, v2;
	v3 =	vmul.f32 v34, v33  }
0x86a: {  	v44 =	vor.u32 $0x7A, v1;
	v43 =	vld.idx.msk [tilespmem:v35+s15+$0x0], $0xffff  }
0x86b: {  	v45 =	vld.idx.msk [tilespmem:v38+s13+$0x0], $0xffff;
	v2 =	vadd.f32 v3, v2;
	v3 =	vmul.f32 v37, v36  }
0x86c: {  	v47 =	vor.u32 $0x7B, v1;
	v46 =	vld.idx.msk [tilespmem:v38+s15+$0x0], $0xffff  }
0x86d: {  	v48 =	vld.idx.msk [tilespmem:v41+s13+$0x0], $0xffff;
	v2 =	vadd.f32 v3, v2;
	v3 =	vmul.f32 v40, v39  }
0x86e: {  	v50 =	vor.u32 $0x7C, v1;
	v49 =	vld.idx.msk [tilespmem:v41+s15+$0x0], $0xffff  }
0x86f: {  	v51 =	vld.idx.msk [tilespmem:v44+s13+$0x0], $0xffff;
	v2 =	vadd.f32 v3, v2;
	v3 =	vmul.f32 v43, v42  }
0x870: {  	v53 =	vor.u32 $0x7D, v1;
	v52 =	vld.idx.msk [tilespmem:v44+s15+$0x0], $0xffff  }
0x871: {  	v54 =	vld.idx.msk [tilespmem:v47+s13+$0x0], $0xffff;
	v2 =	vadd.f32 v3, v2;
	v3 =	vmul.f32 v46, v45  }
0x872: {  	v56 =	vor.u32 $0x7E, v1;
	v55 =	vld.idx.msk [tilespmem:v47+s15+$0x0], $0xffff  }
0x873: {  	v57 =	vld.idx.msk [tilespmem:v50+s13+$0x0], $0xffff;
	v2 =	vadd.f32 v3, v2;
	v3 =	vmul.f32 v49, v48  }
0x874: {  	v1 =	vor.u32 $0x7F, v1;
	v58 =	vld.idx.msk [tilespmem:v50+s15+$0x0], $0xffff  }
0x875: {  	v59 =	vld.idx.msk [tilespmem:v53+s13+$0x0], $0xffff;
	v2 =	vadd.f32 v3, v2;
	v3 =	vmul.f32 v52, v51  }
0x876: {  	v60 =	vld.idx.msk [tilespmem:v53+s15+$0x0], $0xffff  }
0x877: {  	v62 =	vld.idx.msk [tilespmem:v56+s15+$0x0], $0xffff;
	v2 =	vadd.f32 v3, v2;
	v3 =	vmul.f32 v55, v54  }
0x878: {  	v61 =	vld.idx.msk [tilespmem:v56+s13+$0x0], $0xffff  }
0x879: {  	v63 =	vld.idx.msk [tilespmem:v1+s13+$0x0], $0xffff;
	v2 =	vadd.f32 v3, v2;
	v3 =	vmul.f32 v58, v57  }
0x87a: {  	v1 =	vld.idx.msk [tilespmem:v1+s15+$0x0], $0xffff  }
0x87b: {  	v2 =	vadd.f32 v3, v2;
	v3 =	vmul.f32 v60, v59;
	_ =	sdelay $0x1  }
0x87c: {  	v2 =	vadd.f32 v3, v2;
	v3 =	vmul.f32 v62, v61;
	_ =	sdelay $0x1  }
0x87d: {  	v1 =	vmul.f32 v1, v63;
	v2 =	vadd.f32 v3, v2;
	_ =	sdelay $0x1  }
0x87e: {  	v1 =	vadd.f32 v1, v2  }
.Ltmp8:
0x87f: {  	p0 =	sgt.u32 s24, $0x3C;
	s26 =	sadd.s32 $0x10, s26;
	(pc) =	sbr.rel .LBB2_9-.Ltmp8, $4  }
0x880: {  	s28 =	simm.s32 @!p0 $0x50;
	s29 =	simm.s32 @!p0 $0x7700;
	[tilespmem:s26+$0x0] =	vst v1;
	s26 =	sadd.s32 @!p0 $0xF0, s25  }
0x881: {  	[tilespmem:s29], [sflag:$0x2] =	stream.indirect.gather @!p0 [hbm4b:s1+s28], $0x80, s26, s28, $0xb8;
	[tilespmem:$0x11680] =	vst v63  }
0x882: {  	s25 =	sadd.s32 @!p0 $0x2870, s25;
	s26 =	simm.s32 @!p0 $0xC700  }
0x883: {  	[tilespmem:s26], [sflag:$0x4] =	stream.indirect.gather @!p0 [hbm4b:s1+s28], $0x80, s25, s28, $0xb8;
	[tilespmem:$0x11680] =	vst v63  }
.LBB2_11:
0x884: {  	_ =	sfence.sel $0x180000  }
0x885: {  	[bflag:$0x0] =	sbarrier.arrive $0xFFFF  }
0x886: {  	p0 =	sne.s32 s0, $0x0;
	_ =	strace $0x90000047  }
0x887: {  	s0 =	sadd.s32 @!p0 $0x100000, s2;
	[bflag:$0x2] =	sbarrier.arrive $0xFFFF  }
0x888: {  	[sflag:s0] =	ssyncadd.tile.s32 @!p0 $0x1;
	_ =	shalt  }
.Lfunc_end2:
_tile_overlayer_lowered:
.L_overlay_start_2:
0x889: {  	(tag) =	ssettag $0x2  }
0x88a: {  	s0 =	rddreg [dreg:$0x0];
	s2 =	stileid.u32  }
0x88b: {  	s1 =	rddreg [dreg:$0x1];
	p0 =	sne.s32 s2, $0x0  }
0x88c: {  	s3 =	rddreg [dreg:$0x2];
	[bflag:$0x3] =	sbarrier.arrive $0xFFFF;
	s2 =	simm.s32 @!p0 $0x1C05  }
0x88d: {  	[timem:s3], [sflag:s2] =	dma.local @!p0 [hbm:s0], s1  }
0x88e: {  	s0 =	simm.s32 @!p0 $0x5  }
0x88f: {  	_ =	swait.ge @!p0 [sflag:s0], s1  }
0x890: {  	s1 =	ssub.s32 @!p0 $0x0, s1;
	[sflag:s0] =	ssyncset.done @!p0 $0x0  }
0x891: {  	[sflag:s0] =	ssyncadd.s32 @!p0 s1  }
0x892: {  	[bflag:$0x3] =	sbarrier.arrive $0xFFFF  }
0x893: {  	_ =	shalt  }

</sc_bundles>
